<compile_context>
chip_gen: v7x
topology: tpu7x:2x2x1
jax: 0.10.2.dev20260603
libtpu: 0.0.44.dev20260713+nightly
codegen_flags: <defaults>
</compile_context>

<pallas_src>
import functools

import jax
import jax.numpy as jnp
from jax import lax
from jax.experimental import pallas as pl
from jax.experimental.pallas import tpu as pltpu
from jax.experimental.pallas import tpu_sc as plsc

B, N, C, K = 4, 2048, 128, 16
CE = C + 3
CP = 144
CO = CE + C
TN = 256
NT = N // TN
NW = 32
QW = (B * N) // NW
QC = 8
NCH = QW // QC
ORW = K * CE


def _tc_body(xyz_ref, xyzt_ref, table_ref, idx_ref, mean_ref, ss_ref):
    b = pl.program_id(0)
    t = pl.program_id(1)
    q = xyz_ref[0]
    kt = xyzt_ref[0]
    d = ((q[:, 0:1] - kt[0:1, :]) ** 2
         + (q[:, 1:2] - kt[1:2, :]) ** 2
         + (q[:, 2:3] - kt[2:3, :]) ** 2)
    iot = lax.broadcasted_iota(jnp.int32, (TN, N), 1)
    colio = lax.broadcasted_iota(jnp.int32, (TN, K), 1)
    acc = jnp.zeros((TN, N), jnp.float32)
    idxm = jnp.zeros((TN, K), jnp.int32)
    inf = jnp.float32(jnp.inf)
    for k in range(K):
        m = jnp.min(d, axis=1, keepdims=True)
        ji = jnp.min(jnp.where(d == m, iot, N), axis=1, keepdims=True)
        chosen = iot == ji
        acc = acc + chosen.astype(jnp.float32)
        idxm = idxm + jnp.where(colio == k, ji, 0)
        d = jnp.where(chosen, inf, d)
    idx_ref[0] = idxm + b * N
    tb = table_ref[0]
    msum = jnp.dot(acc, tb, preferred_element_type=jnp.float32)
    mean = msum * (1.0 / K)
    mean_ref[0] = mean
    sg2 = jnp.sum(jnp.dot(acc, tb * tb, preferred_element_type=jnp.float32))
    sm2 = jnp.sum(mean * mean)
    ss_ref[0] = jnp.full((8, 128), sg2 - K * sm2, jnp.float32)


_TC_GRID = (B, NT)
_TC_IN_SPECS = [
    pl.BlockSpec((1, TN, 3), lambda b, t: (b, t, 0)),
    pl.BlockSpec((1, 3, N), lambda b, t: (b, 0, 0)),
    pl.BlockSpec((1, N, CP), lambda b, t: (b, 0, 0)),
]
_TC_OUT_SPECS = [
    pl.BlockSpec((1, TN, K), lambda b, t: (b, t, 0)),
    pl.BlockSpec((1, TN, CP), lambda b, t: (b, t, 0)),
    pl.BlockSpec((1, 8, 128), lambda b, t: (b * NT + t, 0, 0)),
]
_TC_OUT_SHAPE = [
    jax.ShapeDtypeStruct((B, N, K), jnp.int32),
    jax.ShapeDtypeStruct((B, N, CP), jnp.float32),
    jax.ShapeDtypeStruct((B * NT, 8, 128), jnp.float32),
]


def _tc_call(xyz, xyzt, table):
    return pl.pallas_call(
        _tc_body,
        grid=_TC_GRID,
        in_specs=_TC_IN_SPECS,
        out_specs=_TC_OUT_SPECS,
        out_shape=_TC_OUT_SHAPE,
    )(xyz, xyzt, table)


def _sc_body(table, idxf, meanf, svec, ovec, out, idx_all, g_va, g_vb,
             m_va, m_vb, s_v, o_v, obuf_a, obuf_b, sem_g0, sem_g1, sem_m0,
             sem_m1, sem_o0, sem_o1):
    cid = lax.axis_index("c")
    sid = lax.axis_index("s")
    wid = sid * 2 + cid
    qbase = wid * QW
    b = qbase // N
    pltpu.sync_copy(svec.at[pl.ds(b * CP, CP)], s_v)
    pltpu.sync_copy(ovec, o_v)
    s_regs = [s_v[pl.ds(16 * j, 16)] for j in range(9)]
    o_regs = [o_v[pl.ds(16 * j, 16)] for j in range(9)]
    g_vs = (g_va, g_vb)
    m_vs = (m_va, m_vb)
    obufs = (obuf_a, obuf_b)
    sems_g = (sem_g0, sem_g1)
    sems_m = (sem_m0, sem_m1)
    sems_o = (sem_o0, sem_o1)

    def start_in(c, s):
        @pl.when(c < NCH)
        def _():
            qb = qbase + c * QC
            pltpu.sync_copy(idxf.at[pl.ds(qb * K, QC * K)], idx_all)
            pltpu.async_copy(table.at[idx_all], g_vs[s], sems_g[s])
            pltpu.async_copy(meanf.at[pl.ds(qb * CP, QC * CP)], m_vs[s],
                             sems_m[s])

    def wait_in(s):
        pltpu.make_async_copy(table.at[pl.ds(0, QC * K)], g_vs[s],
                              sems_g[s]).wait()
        pltpu.make_async_copy(meanf.at[pl.ds(0, QC * CP)], m_vs[s],
                              sems_m[s]).wait()

    def start_out(c, s):
        qb = qbase + c * QC
        pltpu.async_copy(obufs[s].at[pl.ds(0, QC * ORW)],
                         out.at[pl.ds(qb * ORW, QC * ORW)], sems_o[s])

    def drain_out(s):
        pltpu.make_async_copy(out.at[pl.ds(0, QC * ORW)],
                              obufs[s].at[pl.ds(0, QC * ORW)],
                              sems_o[s]).wait()

    def compute(s):
        g_v = g_vs[s]
        m_v = m_vs[s]
        obuf = obufs[s]

        def q_body(q, qcarry):
            t_regs = [m_v[pl.ds(q * CP + 16 * j, 16)] * s_regs[j]
                      - o_regs[j] for j in range(9)]
            for k in range(K):
                cb = q * ORW + k * CE
                for j in range(9):
                    g = g_v[q * K + k, pl.ds(16 * j, 16)]
                    obuf[pl.ds(cb + 16 * j, 16)] = g * s_regs[j] - t_regs[j]
            return qcarry

        lax.fori_loop(0, QC, q_body, 0)

    def chunk_body(c, carry):
        start_in(c, 0)
        wait_in(0)
        compute(0)
        start_out(c, 0)
        drain_out(0)
        return carry

    lax.fori_loop(0, NCH, chunk_body, 0)


def _sc_call(table2, idx1d, mean1d, s1d, o1):
    f = functools.partial(
        pl.kernel,
        mesh=plsc.VectorSubcoreMesh(core_axis_name="c", subcore_axis_name="s"),
        compiler_params=pltpu.CompilerParams(use_tc_tiling_on_sc=False),
        out_type=jax.ShapeDtypeStruct((B * N * ORW,), jnp.float32),
        scratch_types=[
            pltpu.VMEM((QC * K,), jnp.int32),
            pltpu.VMEM((QC * K, CP), jnp.float32),
            pltpu.VMEM((QC * K, CP), jnp.float32),
            pltpu.VMEM((QC * CP,), jnp.float32),
            pltpu.VMEM((QC * CP,), jnp.float32),
            pltpu.VMEM((CP,), jnp.float32),
            pltpu.VMEM((CP,), jnp.float32),
            pltpu.VMEM((QC * ORW + 16,), jnp.float32),
            pltpu.VMEM((QC * ORW + 16,), jnp.float32),
            pltpu.SemaphoreType.DMA,
            pltpu.SemaphoreType.DMA,
            pltpu.SemaphoreType.DMA,
            pltpu.SemaphoreType.DMA,
            pltpu.SemaphoreType.DMA,
            pltpu.SemaphoreType.DMA,
        ],
    )(_sc_body)
    return f(table2, idx1d, mean1d, s1d, o1)


def kernel(xyz, points, points_res, affine_alpha, affine_beta):
    table = jnp.concatenate([points, xyz], axis=-1)
    table = jnp.pad(table, ((0, 0), (0, 0), (0, CP - CE)))
    xyzt = jnp.transpose(xyz, (0, 2, 1))
    idx, mean, ss = _tc_call(xyz, xyzt, table)
    ssb = jnp.sum(ss[:, 0, 0].reshape(B, NT), axis=1)
    m_total = N * K * CE
    std = jnp.sqrt(ssb / (m_total - 1))
    scale = 1.0 / (std + 1e-5)
    al = jnp.pad(affine_alpha.reshape(CE), (0, CP - CE))
    be = jnp.pad(affine_beta.reshape(CE), (0, CP - CE))
    s2 = al[None, :] * scale[:, None]
    out1 = _sc_call(table.reshape(B * N, CP), idx.reshape(-1),
                    mean.reshape(-1), s2.reshape(-1), be)
    norm = out1.reshape(B, N, K, CE)
    rep = jnp.broadcast_to(points[:, :, None, :], (B, N, K, C))
    return (xyz, jnp.concatenate([norm, rep], axis=-1), points_res)

# --- scband reference (transcript-rebuilt; emitter-appended) ---
"""Pipeline reference for scband-local-grouper-81836306858509 (READ-ONLY COPY).

The authoritative reference and input builder live on the scoring server;
editing this copy changes nothing except your own understanding.
"""

import jax, jax.numpy as jnp
import numpy as np

B, N, C_FEAT, K = 4, 2048, 128, 16

def index_points(points, idx):
    # points: [B, N, C], idx: [B, S] or [B, S, K] -> gather along point axis
    return jax.vmap(lambda p, i: p[i])(points, idx)

def knn_point(k, xyz, new_xyz):
    # squared distances [B, S, N]
    sqrdists = jnp.sum((new_xyz[:, :, None, :] - xyz[:, None, :, :]) ** 2, axis=-1)
    _, idx = jax.lax.top_k(-sqrdists, k)
    return idx

def setup_inputs(seed: int = 0) -> dict:
    key = jax.random.key(seed)
    k1, k2, k3 = jax.random.split(key, 3)
    xyz = jax.random.normal(k1, (B, N, 3), dtype=jnp.float32)
    points = jax.random.normal(k2, (B, N, C_FEAT), dtype=jnp.float32)
    points_res = jax.random.normal(k3, (B, N, C_FEAT), dtype=jnp.float32)
    affine_alpha = jnp.ones((1, 1, 1, C_FEAT + 3), dtype=jnp.float32)
    affine_beta = jnp.zeros((1, 1, 1, C_FEAT + 3), dtype=jnp.float32)
    return {"xyz": xyz, "points": points, "points_res": points_res,
            "affine_alpha": affine_alpha, "affine_beta": affine_beta}

def reference(xyz, points, points_res, affine_alpha, affine_beta):
    # sample_ratio = 1 -> S == N, FPS branch skipped (as in original forward)
    new_xyz = xyz
    new_points = points
    idx = knn_point(K, xyz, new_xyz)          # [B, N, K]
    # k_stride = 1 -> idx[:, :, ::1] is a no-op
    grouped_xyz = index_points(xyz, idx)      # [B, N, K, 3]
    grouped_points = index_points(points, idx)  # [B, N, K, C_FEAT]
    # use_xyz = True
    grouped_points = jnp.concatenate([grouped_points, grouped_xyz], axis=-1)
    # normalize = 'center'
    mean = jnp.mean(grouped_points, axis=2, keepdims=True)
    std = jnp.std((grouped_points - mean).reshape(B, -1), axis=-1, ddof=1).reshape(B, 1, 1, 1)
    grouped_points = (grouped_points - mean) / (std + 1e-05)
    grouped_points = affine_alpha * grouped_points + affine_beta
    rep = jnp.repeat(new_points[:, :, None, :], K, axis=2)  # kneighbors // k_stride = K
    new_points_out = jnp.concatenate([grouped_points, rep], axis=-1)
    return (new_xyz, new_points_out, points_res)

if __name__ == "__main__":
    import jax
    _d = setup_inputs()
    print(jax.jit(kernel)(*tuple(_d.values())))

</pallas_src>

<mosaic_0001>
#map = affine_map<(d0, d1) -> (0, 0)>
#map1 = affine_map<(d0, d1) -> (0)>
module attributes {stable_mosaic.version = 14 : i64} {
  func.func @_sc_body(%arg0: i32, %arg1: i32, %arg2: memref<8192x144xf32, #tpu.memory_space<hbm>>, %arg3: memref<131072xi32, #tpu.memory_space<hbm>>, %arg4: memref<1179648xf32, #tpu.memory_space<hbm>>, %arg5: memref<576xf32, #tpu.memory_space<hbm>>, %arg6: memref<144xf32, #tpu.memory_space<hbm>>, %arg7: memref<17170432xf32, #tpu.memory_space<hbm>>, %arg8: memref<128xi32, #tpu.memory_space<vmem>>, %arg9: memref<128x144xf32, #tpu.memory_space<vmem>>, %arg10: memref<128x144xf32, #tpu.memory_space<vmem>>, %arg11: memref<1152xf32, #tpu.memory_space<vmem>>, %arg12: memref<1152xf32, #tpu.memory_space<vmem>>, %arg13: memref<144xf32, #tpu.memory_space<vmem>>, %arg14: memref<144xf32, #tpu.memory_space<vmem>>, %arg15: memref<16784xf32, #tpu.memory_space<vmem>>, %arg16: memref<16784xf32, #tpu.memory_space<vmem>>, %arg17: memref<!tpu.dma_semaphore, #tpu.memory_space<semaphore_mem>>, %arg18: memref<!tpu.dma_semaphore, #tpu.memory_space<semaphore_mem>>, %arg19: memref<!tpu.dma_semaphore, #tpu.memory_space<semaphore_mem>>, %arg20: memref<!tpu.dma_semaphore, #tpu.memory_space<semaphore_mem>>, %arg21: memref<!tpu.dma_semaphore, #tpu.memory_space<semaphore_mem>>, %arg22: memref<!tpu.dma_semaphore, #tpu.memory_space<semaphore_mem>>) attributes {dimension_semantics = [#tpu.dimension_semantics<core_parallel>, #tpu.dimension_semantics<subcore_parallel>], iteration_bounds = array<i64: 2, 16>, scalar_prefetch = 0 : i64, scratch_operands = 15 : i64, tpu.core_type = #tpu.core_type<sc_vector_subcore>, window_params = [{transform_indices = #map}, {transform_indices = #map1}, {transform_indices = #map1}, {transform_indices = #map1}, {transform_indices = #map1}, {transform_indices = #map1}]} {
    %mul3A = arith.constant 2 : i32
    %mul3A_0 = arith.muli %arg1, %mul3A : i32
    %add3A = arith.addi %mul3A_0, %arg0 : i32
    %mul3A_1 = arith.constant 256 : i32
    %mul3A_2 = arith.muli %add3A, %mul3A_1 : i32
    %jit3A = arith.constant 2048 : i32
    %div3A = arith.divsi %mul3A_2, %jit3A : i32
    %sign3A = arith.constant 0 : i32
    %sign3A_3 = arith.cmpi sgt, %mul3A_2, %sign3A : i32
    %sign3A_4 = arith.extui %sign3A_3 : i1 to i32
    %sign3A_5 = arith.constant 0 : i32
    %sign3A_6 = arith.cmpi slt, %mul3A_2, %sign3A_5 : i32
    %sign3A_7 = arith.extui %sign3A_6 : i1 to i32
    %sign3A_8 = arith.subi %sign3A_4, %sign3A_7 : i32
    %sign3A_9 = arith.constant 0 : i32
    %sign3A_10 = arith.cmpi sgt, %jit3A, %sign3A_9 : i32
    %sign3A_11 = arith.extui %sign3A_10 : i1 to i32
    %sign3A_12 = arith.constant 0 : i32
    %sign3A_13 = arith.cmpi slt, %jit3A, %sign3A_12 : i32
    %sign3A_14 = arith.extui %sign3A_13 : i1 to i32
    %sign3A_15 = arith.subi %sign3A_11, %sign3A_14 : i32
    %ne3A = arith.cmpi ne, %sign3A_8, %sign3A_15 : i32
    %rem3A = arith.remsi %mul3A_2, %jit3A : i32
    %ne3A_16 = arith.constant 0 : i32
    %ne3A_17 = arith.cmpi ne, %rem3A, %ne3A_16 : i32
    %and3A = arith.andi %ne3A, %ne3A_17 : i1
    %sub3A = arith.constant 1 : i32
    %sub3A_18 = arith.subi %div3A, %sub3A : i32
    %select_n3A = arith.select %and3A, %sub3A_18, %div3A : i32
    %mul3A_19 = arith.constant 144 : i32
    %mul3A_20 = arith.muli %select_n3A, %mul3A_19 : i32
    "tpu.region"() ({
      %run_scoped3A = tpu.sem_alloc : memref<!tpu.dma_semaphore, #tpu.memory_space<semaphore_mem>>
      %dma_start3A = tpu.memref_slice %arg5[%mul3A_20] : memref<576xf32, #tpu.memory_space<hbm>> -> memref<144xf32, #tpu.memory_space<hbm>>
      %dma_start3A_79 = tpu.memref_slice %arg5[%mul3A_20] : memref<576xf32, #tpu.memory_space<hbm>> -> memref<144xf32, #tpu.memory_space<hbm>>
      tpu.enqueue_dma source(%dma_start3A_79 : memref<144xf32, #tpu.memory_space<hbm>>) target(%arg13 : memref<144xf32, #tpu.memory_space<vmem>>) target_semaphore(%run_scoped3A : memref<!tpu.dma_semaphore, #tpu.memory_space<semaphore_mem>>)
      %dma_wait3A = tpu.memref_slice %arg5[%mul3A_20] : memref<576xf32, #tpu.memory_space<hbm>> -> memref<144xf32, #tpu.memory_space<hbm>>
      %dma_wait3A_80 = tpu.memref_slice %arg5[%mul3A_20] : memref<576xf32, #tpu.memory_space<hbm>> -> memref<144xf32, #tpu.memory_space<hbm>>
      tpu.wait_dma2 semaphore(%run_scoped3A : memref<!tpu.dma_semaphore, #tpu.memory_space<semaphore_mem>>) src(%dma_wait3A_80 : memref<144xf32, #tpu.memory_space<hbm>>) dst(%arg13 : memref<144xf32, #tpu.memory_space<vmem>>)
      tpu.yield
    }) : () -> ()
    "tpu.region"() ({
      %run_scoped3A = tpu.sem_alloc : memref<!tpu.dma_semaphore, #tpu.memory_space<semaphore_mem>>
      tpu.enqueue_dma source(%arg6 : memref<144xf32, #tpu.memory_space<hbm>>) target(%arg14 : memref<144xf32, #tpu.memory_space<vmem>>) target_semaphore(%run_scoped3A : memref<!tpu.dma_semaphore, #tpu.memory_space<semaphore_mem>>)
      tpu.wait_dma2 semaphore(%run_scoped3A : memref<!tpu.dma_semaphore, #tpu.memory_space<semaphore_mem>>) src(%arg6 : memref<144xf32, #tpu.memory_space<hbm>>) dst(%arg14 : memref<144xf32, #tpu.memory_space<vmem>>)
      tpu.yield
    }) : () -> ()
    %get3A = arith.constant 0 : index
    %get3A_21 = tpu.vector_load %arg13[%get3A] {strides = array<i32>} : memref<144xf32, #tpu.memory_space<vmem>>, vector<16xf32>,
    %get3A_22 = vector.shape_cast %get3A_21 : vector<16xf32> to vector<16xf32>
    %get3A_23 = arith.constant 16 : index
    %get3A_24 = tpu.vector_load %arg13[%get3A_23] {strides = array<i32>} : memref<144xf32, #tpu.memory_space<vmem>>, vector<16xf32>,
    %get3A_25 = vector.shape_cast %get3A_24 : vector<16xf32> to vector<16xf32>
    %get3A_26 = arith.constant 32 : index
    %get3A_27 = tpu.vector_load %arg13[%get3A_26] {strides = array<i32>} : memref<144xf32, #tpu.memory_space<vmem>>, vector<16xf32>,
    %get3A_28 = vector.shape_cast %get3A_27 : vector<16xf32> to vector<16xf32>
    %get3A_29 = arith.constant 48 : index
    %get3A_30 = tpu.vector_load %arg13[%get3A_29] {strides = array<i32>} : memref<144xf32, #tpu.memory_space<vmem>>, vector<16xf32>,
    %get3A_31 = vector.shape_cast %get3A_30 : vector<16xf32> to vector<16xf32>
    %get3A_32 = arith.constant 64 : index
    %get3A_33 = tpu.vector_load %arg13[%get3A_32] {strides = array<i32>} : memref<144xf32, #tpu.memory_space<vmem>>, vector<16xf32>,
    %get3A_34 = vector.shape_cast %get3A_33 : vector<16xf32> to vector<16xf32>
    %get3A_35 = arith.constant 80 : index
    %get3A_36 = tpu.vector_load %arg13[%get3A_35] {strides = array<i32>} : memref<144xf32, #tpu.memory_space<vmem>>, vector<16xf32>,
    %get3A_37 = vector.shape_cast %get3A_36 : vector<16xf32> to vector<16xf32>
    %get3A_38 = arith.constant 96 : index
    %get3A_39 = tpu.vector_load %arg13[%get3A_38] {strides = array<i32>} : memref<144xf32, #tpu.memory_space<vmem>>, vector<16xf32>,
    %get3A_40 = vector.shape_cast %get3A_39 : vector<16xf32> to vector<16xf32>
    %get3A_41 = arith.constant 112 : index
    %get3A_42 = tpu.vector_load %arg13[%get3A_41] {strides = array<i32>} : memref<144xf32, #tpu.memory_space<vmem>>, vector<16xf32>,
    %get3A_43 = vector.shape_cast %get3A_42 : vector<16xf32> to vector<16xf32>
    %get3A_44 = arith.constant 128 : index
    %get3A_45 = tpu.vector_load %arg13[%get3A_44] {strides = array<i32>} : memref<144xf32, #tpu.memory_space<vmem>>, vector<16xf32>,
    %get3A_46 = vector.shape_cast %get3A_45 : vector<16xf32> to vector<16xf32>
    %get3A_47 = arith.constant 0 : index
    %get3A_48 = tpu.vector_load %arg14[%get3A_47] {strides = array<i32>} : memref<144xf32, #tpu.memory_space<vmem>>, vector<16xf32>,
    %get3A_49 = vector.shape_cast %get3A_48 : vector<16xf32> to vector<16xf32>
    %get3A_50 = arith.constant 16 : index
    %get3A_51 = tpu.vector_load %arg14[%get3A_50] {strides = array<i32>} : memref<144xf32, #tpu.memory_space<vmem>>, vector<16xf32>,
    %get3A_52 = vector.shape_cast %get3A_51 : vector<16xf32> to vector<16xf32>
    %get3A_53 = arith.constant 32 : index
    %get3A_54 = tpu.vector_load %arg14[%get3A_53] {strides = array<i32>} : memref<144xf32, #tpu.memory_space<vmem>>, vector<16xf32>,
    %get3A_55 = vector.shape_cast %get3A_54 : vector<16xf32> to vector<16xf32>
    %get3A_56 = arith.constant 48 : index
    %get3A_57 = tpu.vector_load %arg14[%get3A_56] {strides = array<i32>} : memref<144xf32, #tpu.memory_space<vmem>>, vector<16xf32>,
    %get3A_58 = vector.shape_cast %get3A_57 : vector<16xf32> to vector<16xf32>
    %get3A_59 = arith.constant 64 : index
    %get3A_60 = tpu.vector_load %arg14[%get3A_59] {strides = array<i32>} : memref<144xf32, #tpu.memory_space<vmem>>, vector<16xf32>,
    %get3A_61 = vector.shape_cast %get3A_60 : vector<16xf32> to vector<16xf32>
    %get3A_62 = arith.constant 80 : index
    %get3A_63 = tpu.vector_load %arg14[%get3A_62] {strides = array<i32>} : memref<144xf32, #tpu.memory_space<vmem>>, vector<16xf32>,
    %get3A_64 = vector.shape_cast %get3A_63 : vector<16xf32> to vector<16xf32>
    %get3A_65 = arith.constant 96 : index
    %get3A_66 = tpu.vector_load %arg14[%get3A_65] {strides = array<i32>} : memref<144xf32, #tpu.memory_space<vmem>>, vector<16xf32>,
    %get3A_67 = vector.shape_cast %get3A_66 : vector<16xf32> to vector<16xf32>
    %get3A_68 = arith.constant 112 : index
    %get3A_69 = tpu.vector_load %arg14[%get3A_68] {strides = array<i32>} : memref<144xf32, #tpu.memory_space<vmem>>, vector<16xf32>,
    %get3A_70 = vector.shape_cast %get3A_69 : vector<16xf32> to vector<16xf32>
    %get3A_71 = arith.constant 128 : index
    %get3A_72 = tpu.vector_load %arg14[%get3A_71] {strides = array<i32>} : memref<144xf32, #tpu.memory_space<vmem>>, vector<16xf32>,
    %get3A_73 = vector.shape_cast %get3A_72 : vector<16xf32> to vector<16xf32>
    %scan3A = arith.constant 0 : i32
    %scan3A_74 = arith.constant 0 : i32
    %scan3A_75 = arith.constant 32 : i32
    %scan3A_76 = arith.addi %scan3A_74, %scan3A_75 : i32
    %scan3A_77 = arith.constant 1 : i32
    scf.for %scan3A_79 = %scan3A_74 to %scan3A_76 step %scan3A_77  : i32 {
      %lt3A = arith.constant 32 : i32
      %lt3A_80 = arith.cmpi slt, %scan3A_79, %lt3A : i32
      %convert_element_type3A = arith.extui %lt3A_80 : i1 to i32
      %cond3A = arith.constant 0 : i32
      %cond3A_81 = arith.cmpi ne, %convert_element_type3A, %cond3A : i32
      scf.if %cond3A_81 {
        %mul3A_115 = arith.constant 8 : i32
        %mul3A_116 = arith.muli %scan3A_79, %mul3A_115 : i32
        %add3A_117 = arith.addi %mul3A_2, %mul3A_116 : i32
        %mul3A_118 = arith.constant 16 : i32
        %mul3A_119 = arith.muli %add3A_117, %mul3A_118 : i32
        "tpu.region"() ({
          %run_scoped3A = tpu.sem_alloc : memref<!tpu.dma_semaphore, #tpu.memory_space<semaphore_mem>>
          %dma_start3A_127 = tpu.memref_slice %arg3[%mul3A_119] : memref<131072xi32, #tpu.memory_space<hbm>> -> memref<128xi32, #tpu.memory_space<hbm>>
          %dma_start3A_128 = tpu.memref_slice %arg3[%mul3A_119] : memref<131072xi32, #tpu.memory_space<hbm>> -> memref<128xi32, #tpu.memory_space<hbm>>
          tpu.enqueue_dma source(%dma_start3A_128 : memref<128xi32, #tpu.memory_space<hbm>>) target(%arg8 : memref<128xi32, #tpu.memory_space<vmem>>) target_semaphore(%run_scoped3A : memref<!tpu.dma_semaphore, #tpu.memory_space<semaphore_mem>>)
          %dma_wait3A_129 = tpu.memref_slice %arg3[%mul3A_119] : memref<131072xi32, #tpu.memory_space<hbm>> -> memref<128xi32, #tpu.memory_space<hbm>>
          %dma_wait3A_130 = tpu.memref_slice %arg3[%mul3A_119] : memref<131072xi32, #tpu.memory_space<hbm>> -> memref<128xi32, #tpu.memory_space<hbm>>
          tpu.wait_dma2 semaphore(%run_scoped3A : memref<!tpu.dma_semaphore, #tpu.memory_space<semaphore_mem>>) src(%dma_wait3A_130 : memref<128xi32, #tpu.memory_space<hbm>>) dst(%arg8 : memref<128xi32, #tpu.memory_space<vmem>>)
          tpu.yield
        }) : () -> ()
        %dma_start3A_120 = arith.constant 0 : i32
        %dma_start3A_121 = arith.constant 0 : i32
        %dma_start3A_122 = tpu.memref_slice %arg2[%dma_start3A_120, %dma_start3A_121] : memref<8192x144xf32, #tpu.memory_space<hbm>> -> memref<8192x144xf32, #tpu.memory_space<hbm>>
        tpu.enqueue_indirect_dma source(%dma_start3A_122 : memref<8192x144xf32, #tpu.memory_space<hbm>>) target(%arg9 : memref<128x144xf32, #tpu.memory_space<vmem>>) offsets(%arg8 : memref<128xi32, #tpu.memory_space<vmem>>) semaphore(%arg17 : memref<!tpu.dma_semaphore, #tpu.memory_space<semaphore_mem>>)
        %mul3A_123 = arith.constant 144 : i32
        %mul3A_124 = arith.muli %add3A_117, %mul3A_123 : i32
        %dma_start3A_125 = tpu.memref_slice %arg4[%mul3A_124] : memref<1179648xf32, #tpu.memory_space<hbm>> -> memref<1152xf32, #tpu.memory_space<hbm>>
        %dma_start3A_126 = tpu.memref_slice %arg4[%mul3A_124] : memref<1179648xf32, #tpu.memory_space<hbm>> -> memref<1152xf32, #tpu.memory_space<hbm>>
        tpu.enqueue_dma source(%dma_start3A_126 : memref<1152xf32, #tpu.memory_space<hbm>>) target(%arg11 : memref<1152xf32, #tpu.memory_space<vmem>>) target_semaphore(%arg19 : memref<!tpu.dma_semaphore, #tpu.memory_space<semaphore_mem>>)
      } else {
      }
      %dma_wait3A = arith.constant 0 : i32
      %dma_wait3A_82 = arith.constant 0 : i32
      %dma_wait3A_83 = tpu.memref_slice %arg2[%dma_wait3A, %dma_wait3A_82] : memref<8192x144xf32, #tpu.memory_space<hbm>> -> memref<128x144xf32, #tpu.memory_space<hbm>>
      %dma_wait3A_84 = arith.constant 0 : i32
      %dma_wait3A_85 = arith.constant 0 : i32
      %dma_wait3A_86 = tpu.memref_slice %arg2[%dma_wait3A_84, %dma_wait3A_85] : memref<8192x144xf32, #tpu.memory_space<hbm>> -> memref<128x144xf32, #tpu.memory_space<hbm>>
      tpu.wait_dma2 semaphore(%arg17 : memref<!tpu.dma_semaphore, #tpu.memory_space<semaphore_mem>>) src(%dma_wait3A_86 : memref<128x144xf32, #tpu.memory_space<hbm>>) dst(%arg9 : memref<128x144xf32, #tpu.memory_space<vmem>>)
      %dma_wait3A_87 = arith.constant 0 : i32
      %dma_wait3A_88 = tpu.memref_slice %arg4[%dma_wait3A_87] : memref<1179648xf32, #tpu.memory_space<hbm>> -> memref<1152xf32, #tpu.memory_space<hbm>>
      %dma_wait3A_89 = arith.constant 0 : i32
      %dma_wait3A_90 = tpu.memref_slice %arg4[%dma_wait3A_89] : memref<1179648xf32, #tpu.memory_space<hbm>> -> memref<1152xf32, #tpu.memory_space<hbm>>
      tpu.wait_dma2 semaphore(%arg19 : memref<!tpu.dma_semaphore, #tpu.memory_space<semaphore_mem>>) src(%dma_wait3A_90 : memref<1152xf32, #tpu.memory_space<hbm>>) dst(%arg11 : memref<1152xf32, #tpu.memory_space<vmem>>)
      %scan3A_91 = arith.constant 0 : i32
      %scan3A_92 = arith.constant 0 : i32
      %scan3A_93 = arith.constant 8 : i32
      %scan3A_94 = arith.addi %scan3A_92, %scan3A_93 : i32
      %scan3A_95 = arith.constant 1 : i32
      scf.for %scan3A_115 = %scan3A_92 to %scan3A_94 step %scan3A_95  : i32 {
        %mul3A_116 = arith.constant 144 : i32
        %mul3A_117 = arith.muli %scan3A_115, %mul3A_116 : i32
        %add3A_118 = arith.constant 0 : i32
        %add3A_119 = arith.addi %mul3A_117, %add3A_118 : i32
        %get3A_120 = arith.index_cast %add3A_119 : i32 to index
        %get3A_121 = tpu.vector_load %arg11[%get3A_120] {strides = array<i32>} : memref<1152xf32, #tpu.memory_space<vmem>>, vector<16xf32>,
        %get3A_122 = vector.shape_cast %get3A_121 : vector<16xf32> to vector<16xf32>
        %mul3A_123 = arith.mulf %get3A_122, %get3A_22 : vector<16xf32>
        %sub3A_124 = arith.subf %mul3A_123, %get3A_49 : vector<16xf32>
        %mul3A_125 = arith.constant 144 : i32
        %mul3A_126 = arith.muli %scan3A_115, %mul3A_125 : i32
        %add3A_127 = arith.constant 16 : i32
        %add3A_128 = arith.addi %mul3A_126, %add3A_127 : i32
        %get3A_129 = arith.index_cast %add3A_128 : i32 to index
        %get3A_130 = tpu.vector_load %arg11[%get3A_129] {strides = array<i32>} : memref<1152xf32, #tpu.memory_space<vmem>>, vector<16xf32>,
        %get3A_131 = vector.shape_cast %get3A_130 : vector<16xf32> to vector<16xf32>
        %mul3A_132 = arith.mulf %get3A_131, %get3A_25 : vector<16xf32>
        %sub3A_133 = arith.subf %mul3A_132, %get3A_52 : vector<16xf32>
        %mul3A_134 = arith.constant 144 : i32
        %mul3A_135 = arith.muli %scan3A_115, %mul3A_134 : i32
        %add3A_136 = arith.constant 32 : i32
        %add3A_137 = arith.addi %mul3A_135, %add3A_136 : i32
        %get3A_138 = arith.index_cast %add3A_137 : i32 to index
        %get3A_139 = tpu.vector_load %arg11[%get3A_138] {strides = array<i32>} : memref<1152xf32, #tpu.memory_space<vmem>>, vector<16xf32>,
        %get3A_140 = vector.shape_cast %get3A_139 : vector<16xf32> to vector<16xf32>
        %mul3A_141 = arith.mulf %get3A_140, %get3A_28 : vector<16xf32>
        %sub3A_142 = arith.subf %mul3A_141, %get3A_55 : vector<16xf32>
        %mul3A_143 = arith.constant 144 : i32
        %mul3A_144 = arith.muli %scan3A_115, %mul3A_143 : i32
        %add3A_145 = arith.constant 48 : i32
        %add3A_146 = arith.addi %mul3A_144, %add3A_145 : i32
        %get3A_147 = arith.index_cast %add3A_146 : i32 to index
        %get3A_148 = tpu.vector_load %arg11[%get3A_147] {strides = array<i32>} : memref<1152xf32, #tpu.memory_space<vmem>>, vector<16xf32>,
        %get3A_149 = vector.shape_cast %get3A_148 : vector<16xf32> to vector<16xf32>
        %mul3A_150 = arith.mulf %get3A_149, %get3A_31 : vector<16xf32>
        %sub3A_151 = arith.subf %mul3A_150, %get3A_58 : vector<16xf32>
        %mul3A_152 = arith.constant 144 : i32
        %mul3A_153 = arith.muli %scan3A_115, %mul3A_152 : i32
        %add3A_154 = arith.constant 64 : i32
        %add3A_155 = arith.addi %mul3A_153, %add3A_154 : i32
        %get3A_156 = arith.index_cast %add3A_155 : i32 to index
        %get3A_157 = tpu.vector_load %arg11[%get3A_156] {strides = array<i32>} : memref<1152xf32, #tpu.memory_space<vmem>>, vector<16xf32>,
        %get3A_158 = vector.shape_cast %get3A_157 : vector<16xf32> to vector<16xf32>
        %mul3A_159 = arith.mulf %get3A_158, %get3A_34 : vector<16xf32>
        %sub3A_160 = arith.subf %mul3A_159, %get3A_61 : vector<16xf32>
        %mul3A_161 = arith.constant 144 : i32
        %mul3A_162 = arith.muli %scan3A_115, %mul3A_161 : i32
        %add3A_163 = arith.constant 80 : i32
        %add3A_164 = arith.addi %mul3A_162, %add3A_163 : i32
        %get3A_165 = arith.index_cast %add3A_164 : i32 to index
        %get3A_166 = tpu.vector_load %arg11[%get3A_165] {strides = array<i32>} : memref<1152xf32, #tpu.memory_space<vmem>>, vector<16xf32>,
        %get3A_167 = vector.shape_cast %get3A_166 : vector<16xf32> to vector<16xf32>
        %mul3A_168 = arith.mulf %get3A_167, %get3A_37 : vector<16xf32>
        %sub3A_169 = arith.subf %mul3A_168, %get3A_64 : vector<16xf32>
        %mul3A_170 = arith.constant 144 : i32
        %mul3A_171 = arith.muli %scan3A_115, %mul3A_170 : i32
        %add3A_172 = arith.constant 96 : i32
        %add3A_173 = arith.addi %mul3A_171, %add3A_172 : i32
        %get3A_174 = arith.index_cast %add3A_173 : i32 to index
        %get3A_175 = tpu.vector_load %arg11[%get3A_174] {strides = array<i32>} : memref<1152xf32, #tpu.memory_space<vmem>>, vector<16xf32>,
        %get3A_176 = vector.shape_cast %get3A_175 : vector<16xf32> to vector<16xf32>
        %mul3A_177 = arith.mulf %get3A_176, %get3A_40 : vector<16xf32>
        %sub3A_178 = arith.subf %mul3A_177, %get3A_67 : vector<16xf32>
        %mul3A_179 = arith.constant 144 : i32
        %mul3A_180 = arith.muli %scan3A_115, %mul3A_179 : i32
        %add3A_181 = arith.constant 112 : i32
        %add3A_182 = arith.addi %mul3A_180, %add3A_181 : i32
        %get3A_183 = arith.index_cast %add3A_182 : i32 to index
        %get3A_184 = tpu.vector_load %arg11[%get3A_183] {strides = array<i32>} : memref<1152xf32, #tpu.memory_space<vmem>>, vector<16xf32>,
        %get3A_185 = vector.shape_cast %get3A_184 : vector<16xf32> to vector<16xf32>
        %mul3A_186 = arith.mulf %get3A_185, %get3A_43 : vector<16xf32>
        %sub3A_187 = arith.subf %mul3A_186, %get3A_70 : vector<16xf32>
        %mul3A_188 = arith.constant 144 : i32
        %mul3A_189 = arith.muli %scan3A_115, %mul3A_188 : i32
        %add3A_190 = arith.constant 128 : i32
        %add3A_191 = arith.addi %mul3A_189, %add3A_190 : i32
        %get3A_192 = arith.index_cast %add3A_191 : i32 to index
        %get3A_193 = tpu.vector_load %arg11[%get3A_192] {strides = array<i32>} : memref<1152xf32, #tpu.memory_space<vmem>>, vector<16xf32>,
        %get3A_194 = vector.shape_cast %get3A_193 : vector<16xf32> to vector<16xf32>
        %mul3A_195 = arith.mulf %get3A_194, %get3A_46 : vector<16xf32>
        %sub3A_196 = arith.subf %mul3A_195, %get3A_73 : vector<16xf32>
        %mul3A_197 = arith.constant 2096 : i32
        %mul3A_198 = arith.muli %scan3A_115, %mul3A_197 : i32
        %add3A_199 = arith.constant 0 : i32
        %add3A_200 = arith.addi %mul3A_198, %add3A_199 : i32
        %mul3A_201 = arith.constant 16 : i32
        %mul3A_202 = arith.muli %scan3A_115, %mul3A_201 : i32
        %add3A_203 = arith.constant 0 : i32
        %add3A_204 = arith.addi %mul3A_202, %add3A_203 : i32
        %get3A_205 = arith.index_cast %add3A_204 : i32 to index
        %get3A_206 = arith.constant 0 : index
        %get3A_207 = tpu.vector_load %arg9[%get3A_205, %get3A_206] {strides = array<i32>} : memref<128x144xf32, #tpu.memory_space<vmem>>, vector<1x16xf32>,
        %get3A_208 = vector.shape_cast %get3A_207 : vector<1x16xf32> to vector<16xf32>
        %mul3A_209 = arith.mulf %get3A_208, %get3A_22 : vector<16xf32>
        %sub3A_210 = arith.subf %mul3A_209, %sub3A_124 : vector<16xf32>
        %add3A_211 = arith.constant 0 : i32
        %add3A_212 = arith.addi %add3A_200, %add3A_211 : i32
        %swap3A = arith.index_cast %add3A_212 : i32 to index
        %swap3A_213 = tpu.vector_load %arg15[%swap3A] {strides = array<i32>} : memref<16784xf32, #tpu.memory_space<vmem>>, vector<16xf32>,
        %swap3A_214 = vector.shape_cast %swap3A_213 : vector<16xf32> to vector<16xf32>
        %swap3A_215 = vector.shape_cast %sub3A_210 : vector<16xf32> to vector<16xf32>
        tpu.vector_store %arg15[%swap3A], %swap3A_215 {strides = array<i32>} : memref<16784xf32, #tpu.memory_space<vmem>>, vector<16xf32>,
        %mul3A_216 = arith.constant 16 : i32
        %mul3A_217 = arith.muli %scan3A_115, %mul3A_216 : i32
        %add3A_218 = arith.constant 0 : i32
        %add3A_219 = arith.addi %mul3A_217, %add3A_218 : i32
        %get3A_220 = arith.index_cast %add3A_219 : i32 to index
        %get3A_221 = arith.constant 16 : index
        %get3A_222 = tpu.vector_load %arg9[%get3A_220, %get3A_221] {strides = array<i32>} : memref<128x144xf32, #tpu.memory_space<vmem>>, vector<1x16xf32>,
        %get3A_223 = vector.shape_cast %get3A_222 : vector<1x16xf32> to vector<16xf32>
        %mul3A_224 = arith.mulf %get3A_223, %get3A_25 : vector<16xf32>
        %sub3A_225 = arith.subf %mul3A_224, %sub3A_133 : vector<16xf32>
        %add3A_226 = arith.constant 16 : i32
        %add3A_227 = arith.addi %add3A_200, %add3A_226 : i32
        %swap3A_228 = arith.index_cast %add3A_227 : i32 to index
        %swap3A_229 = tpu.vector_load %arg15[%swap3A_228] {strides = array<i32>} : memref<16784xf32, #tpu.memory_space<vmem>>, vector<16xf32>,
        %swap3A_230 = vector.shape_cast %swap3A_229 : vector<16xf32> to vector<16xf32>
        %swap3A_231 = vector.shape_cast %sub3A_225 : vector<16xf32> to vector<16xf32>
        tpu.vector_store %arg15[%swap3A_228], %swap3A_231 {strides = array<i32>} : memref<16784xf32, #tpu.memory_space<vmem>>, vector<16xf32>,
        %mul3A_232 = arith.constant 16 : i32
        %mul3A_233 = arith.muli %scan3A_115, %mul3A_232 : i32
        %add3A_234 = arith.constant 0 : i32
        %add3A_235 = arith.addi %mul3A_233, %add3A_234 : i32
        %get3A_236 = arith.index_cast %add3A_235 : i32 to index
        %get3A_237 = arith.constant 32 : index
        %get3A_238 = tpu.vector_load %arg9[%get3A_236, %get3A_237] {strides = array<i32>} : memref<128x144xf32, #tpu.memory_space<vmem>>, vector<1x16xf32>,
        %get3A_239 = vector.shape_cast %get3A_238 : vector<1x16xf32> to vector<16xf32>
        %mul3A_240 = arith.mulf %get3A_239, %get3A_28 : vector<16xf32>
        %sub3A_241 = arith.subf %mul3A_240, %sub3A_142 : vector<16xf32>
        %add3A_242 = arith.constant 32 : i32
        %add3A_243 = arith.addi %add3A_200, %add3A_242 : i32
        %swap3A_244 = arith.index_cast %add3A_243 : i32 to index
        %swap3A_245 = tpu.vector_load %arg15[%swap3A_244] {strides = array<i32>} : memref<16784xf32, #tpu.memory_space<vmem>>, vector<16xf32>,
        %swap3A_246 = vector.shape_cast %swap3A_245 : vector<16xf32> to vector<16xf32>
        %swap3A_247 = vector.shape_cast %sub3A_241 : vector<16xf32> to vector<16xf32>
        tpu.vector_store %arg15[%swap3A_244], %swap3A_247 {strides = array<i32>} : memref<16784xf32, #tpu.memory_space<vmem>>, vector<16xf32>,
        %mul3A_248 = arith.constant 16 : i32
        %mul3A_249 = arith.muli %scan3A_115, %mul3A_248 : i32
        %add3A_250 = arith.constant 0 : i32
        %add3A_251 = arith.addi %mul3A_249, %add3A_250 : i32
        %get3A_252 = arith.index_cast %add3A_251 : i32 to index
        %get3A_253 = arith.constant 48 : index
        %get3A_254 = tpu.vector_load %arg9[%get3A_252, %get3A_253] {strides = array<i32>} : memref<128x144xf32, #tpu.memory_space<vmem>>, vector<1x16xf32>,
        %get3A_255 = vector.shape_cast %get3A_254 : vector<1x16xf32> to vector<16xf32>
        %mul3A_256 = arith.mulf %get3A_255, %get3A_31 : vector<16xf32>
        %sub3A_257 = arith.subf %mul3A_256, %sub3A_151 : vector<16xf32>
        %add3A_258 = arith.constant 48 : i32
        %add3A_259 = arith.addi %add3A_200, %add3A_258 : i32
        %swap3A_260 = arith.index_cast %add3A_259 : i32 to index
        %swap3A_261 = tpu.vector_load %arg15[%swap3A_260] {strides = array<i32>} : memref<16784xf32, #tpu.memory_space<vmem>>, vector<16xf32>,
        %swap3A_262 = vector.shape_cast %swap3A_261 : vector<16xf32> to vector<16xf32>
        %swap3A_263 = vector.shape_cast %sub3A_257 : vector<16xf32> to vector<16xf32>
        tpu.vector_store %arg15[%swap3A_260], %swap3A_263 {strides = array<i32>} : memref<16784xf32, #tpu.memory_space<vmem>>, vector<16xf32>,
        %mul3A_264 = arith.constant 16 : i32
        %mul3A_265 = arith.muli %scan3A_115, %mul3A_264 : i32
        %add3A_266 = arith.constant 0 : i32
        %add3A_267 = arith.addi %mul3A_265, %add3A_266 : i32
        %get3A_268 = arith.index_cast %add3A_267 : i32 to index
        %get3A_269 = arith.constant 64 : index
        %get3A_270 = tpu.vector_load %arg9[%get3A_268, %get3A_269] {strides = array<i32>} : memref<128x144xf32, #tpu.memory_space<vmem>>, vector<1x16xf32>,
        %get3A_271 = vector.shape_cast %get3A_270 : vector<1x16xf32> to vector<16xf32>
        %mul3A_272 = arith.mulf %get3A_271, %get3A_34 : vector<16xf32>
        %sub3A_273 = arith.subf %mul3A_272, %sub3A_160 : vector<16xf32>
        %add3A_274 = arith.constant 64 : i32
        %add3A_275 = arith.addi %add3A_200, %add3A_274 : i32
        %swap3A_276 = arith.index_cast %add3A_275 : i32 to index
        %swap3A_277 = tpu.vector_load %arg15[%swap3A_276] {strides = array<i32>} : memref<16784xf32, #tpu.memory_space<vmem>>, vector<16xf32>,
        %swap3A_278 = vector.shape_cast %swap3A_277 : vector<16xf32> to vector<16xf32>
        %swap3A_279 = vector.shape_cast %sub3A_273 : vector<16xf32> to vector<16xf32>
        tpu.vector_store %arg15[%swap3A_276], %swap3A_279 {strides = array<i32>} : memref<16784xf32, #tpu.memory_space<vmem>>, vector<16xf32>,
        %mul3A_280 = arith.constant 16 : i32
        %mul3A_281 = arith.muli %scan3A_115, %mul3A_280 : i32
        %add3A_282 = arith.constant 0 : i32
        %add3A_283 = arith.addi %mul3A_281, %add3A_282 : i32
        %get3A_284 = arith.index_cast %add3A_283 : i32 to index
        %get3A_285 = arith.constant 80 : index
        %get3A_286 = tpu.vector_load %arg9[%get3A_284, %get3A_285] {strides = array<i32>} : memref<128x144xf32, #tpu.memory_space<vmem>>, vector<1x16xf32>,
        %get3A_287 = vector.shape_cast %get3A_286 : vector<1x16xf32> to vector<16xf32>
        %mul3A_288 = arith.mulf %get3A_287, %get3A_37 : vector<16xf32>
        %sub3A_289 = arith.subf %mul3A_288, %sub3A_169 : vector<16xf32>
        %add3A_290 = arith.constant 80 : i32
        %add3A_291 = arith.addi %add3A_200, %add3A_290 : i32
        %swap3A_292 = arith.index_cast %add3A_291 : i32 to index
        %swap3A_293 = tpu.vector_load %arg15[%swap3A_292] {strides = array<i32>} : memref<16784xf32, #tpu.memory_space<vmem>>, vector<16xf32>,
        %swap3A_294 = vector.shape_cast %swap3A_293 : vector<16xf32> to vector<16xf32>
        %swap3A_295 = vector.shape_cast %sub3A_289 : vector<16xf32> to vector<16xf32>
        tpu.vector_store %arg15[%swap3A_292], %swap3A_295 {strides = array<i32>} : memref<16784xf32, #tpu.memory_space<vmem>>, vector<16xf32>,
        %mul3A_296 = arith.constant 16 : i32
        %mul3A_297 = arith.muli %scan3A_115, %mul3A_296 : i32
        %add3A_298 = arith.constant 0 : i32
        %add3A_299 = arith.addi %mul3A_297, %add3A_298 : i32
        %get3A_300 = arith.index_cast %add3A_299 : i32 to index
        %get3A_301 = arith.constant 96 : index
        %get3A_302 = tpu.vector_load %arg9[%get3A_300, %get3A_301] {strides = array<i32>} : memref<128x144xf32, #tpu.memory_space<vmem>>, vector<1x16xf32>,
        %get3A_303 = vector.shape_cast %get3A_302 : vector<1x16xf32> to vector<16xf32>
        %mul3A_304 = arith.mulf %get3A_303, %get3A_40 : vector<16xf32>
        %sub3A_305 = arith.subf %mul3A_304, %sub3A_178 : vector<16xf32>
        %add3A_306 = arith.constant 96 : i32
        %add3A_307 = arith.addi %add3A_200, %add3A_306 : i32
        %swap3A_308 = arith.index_cast %add3A_307 : i32 to index
        %swap3A_309 = tpu.vector_load %arg15[%swap3A_308] {strides = array<i32>} : memref<16784xf32, #tpu.memory_space<vmem>>, vector<16xf32>,
        %swap3A_310 = vector.shape_cast %swap3A_309 : vector<16xf32> to vector<16xf32>
        %swap3A_311 = vector.shape_cast %sub3A_305 : vector<16xf32> to vector<16xf32>
        tpu.vector_store %arg15[%swap3A_308], %swap3A_311 {strides = array<i32>} : memref<16784xf32, #tpu.memory_space<vmem>>, vector<16xf32>,
        %mul3A_312 = arith.constant 16 : i32
        %mul3A_313 = arith.muli %scan3A_115, %mul3A_312 : i32
        %add3A_314 = arith.constant 0 : i32
        %add3A_315 = arith.addi %mul3A_313, %add3A_314 : i32
        %get3A_316 = arith.index_cast %add3A_315 : i32 to index
        %get3A_317 = arith.constant 112 : index
        %get3A_318 = tpu.vector_load %arg9[%get3A_316, %get3A_317] {strides = array<i32>} : memref<128x144xf32, #tpu.memory_space<vmem>>, vector<1x16xf32>,
        %get3A_319 = vector.shape_cast %get3A_318 : vector<1x16xf32> to vector<16xf32>
        %mul3A_320 = arith.mulf %get3A_319, %get3A_43 : vector<16xf32>
        %sub3A_321 = arith.subf %mul3A_320, %sub3A_187 : vector<16xf32>
        %add3A_322 = arith.constant 112 : i32
        %add3A_323 = arith.addi %add3A_200, %add3A_322 : i32
        %swap3A_324 = arith.index_cast %add3A_323 : i32 to index
        %swap3A_325 = tpu.vector_load %arg15[%swap3A_324] {strides = array<i32>} : memref<16784xf32, #tpu.memory_space<vmem>>, vector<16xf32>,
        %swap3A_326 = vector.shape_cast %swap3A_325 : vector<16xf32> to vector<16xf32>
        %swap3A_327 = vector.shape_cast %sub3A_321 : vector<16xf32> to vector<16xf32>
        tpu.vector_store %arg15[%swap3A_324], %swap3A_327 {strides = array<i32>} : memref<16784xf32, #tpu.memory_space<vmem>>, vector<16xf32>,
        %mul3A_328 = arith.constant 16 : i32
        %mul3A_329 = arith.muli %scan3A_115, %mul3A_328 : i32
        %add3A_330 = arith.constant 0 : i32
        %add3A_331 = arith.addi %mul3A_329, %add3A_330 : i32
        %get3A_332 = arith.index_cast %add3A_331 : i32 to index
        %get3A_333 = arith.constant 128 : index
        %get3A_334 = tpu.vector_load %arg9[%get3A_332, %get3A_333] {strides = array<i32>} : memref<128x144xf32, #tpu.memory_space<vmem>>, vector<1x16xf32>,
        %get3A_335 = vector.shape_cast %get3A_334 : vector<1x16xf32> to vector<16xf32>
        %mul3A_336 = arith.mulf %get3A_335, %get3A_46 : vector<16xf32>
        %sub3A_337 = arith.subf %mul3A_336, %sub3A_196 : vector<16xf32>
        %add3A_338 = arith.constant 128 : i32
        %add3A_339 = arith.addi %add3A_200, %add3A_338 : i32
        %swap3A_340 = arith.index_cast %add3A_339 : i32 to index
        %swap3A_341 = tpu.vector_load %arg15[%swap3A_340] {strides = array<i32>} : memref<16784xf32, #tpu.memory_space<vmem>>, vector<16xf32>,
        %swap3A_342 = vector.shape_cast %swap3A_341 : vector<16xf32> to vector<16xf32>
        %swap3A_343 = vector.shape_cast %sub3A_337 : vector<16xf32> to vector<16xf32>
        tpu.vector_store %arg15[%swap3A_340], %swap3A_343 {strides = array<i32>} : memref<16784xf32, #tpu.memory_space<vmem>>, vector<16xf32>,
        %mul3A_344 = arith.constant 2096 : i32
        %mul3A_345 = arith.muli %scan3A_115, %mul3A_344 : i32
        %add3A_346 = arith.constant 131 : i32
        %add3A_347 = arith.addi %mul3A_345, %add3A_346 : i32
        %mul3A_348 = arith.constant 16 : i32
        %mul3A_349 = arith.muli %scan3A_115, %mul3A_348 : i32
        %add3A_350 = arith.constant 1 : i32
        %add3A_351 = arith.addi %mul3A_349, %add3A_350 : i32
        %get3A_352 = arith.index_cast %add3A_351 : i32 to index
        %get3A_353 = arith.constant 0 : index
        %get3A_354 = tpu.vector_load %arg9[%get3A_352, %get3A_353] {strides = array<i32>} : memref<128x144xf32, #tpu.memory_space<vmem>>, vector<1x16xf32>,
        %get3A_355 = vector.shape_cast %get3A_354 : vector<1x16xf32> to vector<16xf32>
        %mul3A_356 = arith.mulf %get3A_355, %get3A_22 : vector<16xf32>
        %sub3A_357 = arith.subf %mul3A_356, %sub3A_124 : vector<16xf32>
        %add3A_358 = arith.constant 0 : i32
        %add3A_359 = arith.addi %add3A_347, %add3A_358 : i32
        %swap3A_360 = arith.index_cast %add3A_359 : i32 to index
        %swap3A_361 = tpu.vector_load %arg15[%swap3A_360] {strides = array<i32>} : memref<16784xf32, #tpu.memory_space<vmem>>, vector<16xf32>,
        %swap3A_362 = vector.shape_cast %swap3A_361 : vector<16xf32> to vector<16xf32>
        %swap3A_363 = vector.shape_cast %sub3A_357 : vector<16xf32> to vector<16xf32>
        tpu.vector_store %arg15[%swap3A_360], %swap3A_363 {strides = array<i32>} : memref<16784xf32, #tpu.memory_space<vmem>>, vector<16xf32>,
        %mul3A_364 = arith.constant 16 : i32
        %mul3A_365 = arith.muli %scan3A_115, %mul3A_364 : i32
        %add3A_366 = arith.constant 1 : i32
        %add3A_367 = arith.addi %mul3A_365, %add3A_366 : i32
        %get3A_368 = arith.index_cast %add3A_367 : i32 to index
        %get3A_369 = arith.constant 16 : index
        %get3A_370 = tpu.vector_load %arg9[%get3A_368, %get3A_369] {strides = array<i32>} : memref<128x144xf32, #tpu.memory_space<vmem>>, vector<1x16xf32>,
        %get3A_371 = vector.shape_cast %get3A_370 : vector<1x16xf32> to vector<16xf32>
        %mul3A_372 = arith.mulf %get3A_371, %get3A_25 : vector<16xf32>
        %sub3A_373 = arith.subf %mul3A_372, %sub3A_133 : vector<16xf32>
        %add3A_374 = arith.constant 16 : i32
        %add3A_375 = arith.addi %add3A_347, %add3A_374 : i32
        %swap3A_376 = arith.index_cast %add3A_375 : i32 to index
        %swap3A_377 = tpu.vector_load %arg15[%swap3A_376] {strides = array<i32>} : memref<16784xf32, #tpu.memory_space<vmem>>, vector<16xf32>,
        %swap3A_378 = vector.shape_cast %swap3A_377 : vector<16xf32> to vector<16xf32>
        %swap3A_379 = vector.shape_cast %sub3A_373 : vector<16xf32> to vector<16xf32>
        tpu.vector_store %arg15[%swap3A_376], %swap3A_379 {strides = array<i32>} : memref<16784xf32, #tpu.memory_space<vmem>>, vector<16xf32>,
        %mul3A_380 = arith.constant 16 : i32
        %mul3A_381 = arith.muli %scan3A_115, %mul3A_380 : i32
        %add3A_382 = arith.constant 1 : i32
        %add3A_383 = arith.addi %mul3A_381, %add3A_382 : i32
        %get3A_384 = arith.index_cast %add3A_383 : i32 to index
        %get3A_385 = arith.constant 32 : index
        %get3A_386 = tpu.vector_load %arg9[%get3A_384, %get3A_385] {strides = array<i32>} : memref<128x144xf32, #tpu.memory_space<vmem>>, vector<1x16xf32>,
        %get3A_387 = vector.shape_cast %get3A_386 : vector<1x16xf32> to vector<16xf32>
        %mul3A_388 = arith.mulf %get3A_387, %get3A_28 : vector<16xf32>
        %sub3A_389 = arith.subf %mul3A_388, %sub3A_142 : vector<16xf32>
        %add3A_390 = arith.constant 32 : i32
        %add3A_391 = arith.addi %add3A_347, %add3A_390 : i32
        %swap3A_392 = arith.index_cast %add3A_391 : i32 to index
        %swap3A_393 = tpu.vector_load %arg15[%swap3A_392] {strides = array<i32>} : memref<16784xf32, #tpu.memory_space<vmem>>, vector<16xf32>,
        %swap3A_394 = vector.shape_cast %swap3A_393 : vector<16xf32> to vector<16xf32>
        %swap3A_395 = vector.shape_cast %sub3A_389 : vector<16xf32> to vector<16xf32>
        tpu.vector_store %arg15[%swap3A_392], %swap3A_395 {strides = array<i32>} : memref<16784xf32, #tpu.memory_space<vmem>>, vector<16xf32>,
        %mul3A_396 = arith.constant 16 : i32
        %mul3A_397 = arith.muli %scan3A_115, %mul3A_396 : i32
        %add3A_398 = arith.constant 1 : i32
        %add3A_399 = arith.addi %mul3A_397, %add3A_398 : i32
        %get3A_400 = arith.index_cast %add3A_399 : i32 to index
        %get3A_401 = arith.constant 48 : index
        %get3A_402 = tpu.vector_load %arg9[%get3A_400, %get3A_401] {strides = array<i32>} : memref<128x144xf32, #tpu.memory_space<vmem>>, vector<1x16xf32>,
        %get3A_403 = vector.shape_cast %get3A_402 : vector<1x16xf32> to vector<16xf32>
        %mul3A_404 = arith.mulf %get3A_403, %get3A_31 : vector<16xf32>
        %sub3A_405 = arith.subf %mul3A_404, %sub3A_151 : vector<16xf32>
        %add3A_406 = arith.constant 48 : i32
        %add3A_407 = arith.addi %add3A_347, %add3A_406 : i32
        %swap3A_408 = arith.index_cast %add3A_407 : i32 to index
        %swap3A_409 = tpu.vector_load %arg15[%swap3A_408] {strides = array<i32>} : memref<16784xf32, #tpu.memory_space<vmem>>, vector<16xf32>,
        %swap3A_410 = vector.shape_cast %swap3A_409 : vector<16xf32> to vector<16xf32>
        %swap3A_411 = vector.shape_cast %sub3A_405 : vector<16xf32> to vector<16xf32>
        tpu.vector_store %arg15[%swap3A_408], %swap3A_411 {strides = array<i32>} : memref<16784xf32, #tpu.memory_space<vmem>>, vector<16xf32>,
        %mul3A_412 = arith.constant 16 : i32
        %mul3A_413 = arith.muli %scan3A_115, %mul3A_412 : i32
        %add3A_414 = arith.constant 1 : i32
        %add3A_415 = arith.addi %mul3A_413, %add3A_414 : i32
        %get3A_416 = arith.index_cast %add3A_415 : i32 to index
        %get3A_417 = arith.constant 64 : index
        %get3A_418 = tpu.vector_load %arg9[%get3A_416, %get3A_417] {strides = array<i32>} : memref<128x144xf32, #tpu.memory_space<vmem>>, vector<1x16xf32>,
        %get3A_419 = vector.shape_cast %get3A_418 : vector<1x16xf32> to vector<16xf32>
        %mul3A_420 = arith.mulf %get3A_419, %get3A_34 : vector<16xf32>
        %sub3A_421 = arith.subf %mul3A_420, %sub3A_160 : vector<16xf32>
        %add3A_422 = arith.constant 64 : i32
        %add3A_423 = arith.addi %add3A_347, %add3A_422 : i32
        %swap3A_424 = arith.index_cast %add3A_423 : i32 to index
        %swap3A_425 = tpu.vector_load %arg15[%swap3A_424] {strides = array<i32>} : memref<16784xf32, #tpu.memory_space<vmem>>, vector<16xf32>,
        %swap3A_426 = vector.shape_cast %swap3A_425 : vector<16xf32> to vector<16xf32>
        %swap3A_427 = vector.shape_cast %sub3A_421 : vector<16xf32> to vector<16xf32>
        tpu.vector_store %arg15[%swap3A_424], %swap3A_427 {strides = array<i32>} : memref<16784xf32, #tpu.memory_space<vmem>>, vector<16xf32>,
        %mul3A_428 = arith.constant 16 : i32
        %mul3A_429 = arith.muli %scan3A_115, %mul3A_428 : i32
        %add3A_430 = arith.constant 1 : i32
        %add3A_431 = arith.addi %mul3A_429, %add3A_430 : i32
        %get3A_432 = arith.index_cast %add3A_431 : i32 to index
        %get3A_433 = arith.constant 80 : index
        %get3A_434 = tpu.vector_load %arg9[%get3A_432, %get3A_433] {strides = array<i32>} : memref<128x144xf32, #tpu.memory_space<vmem>>, vector<1x16xf32>,
        %get3A_435 = vector.shape_cast %get3A_434 : vector<1x16xf32> to vector<16xf32>
        %mul3A_436 = arith.mulf %get3A_435, %get3A_37 : vector<16xf32>
        %sub3A_437 = arith.subf %mul3A_436, %sub3A_169 : vector<16xf32>
        %add3A_438 = arith.constant 80 : i32
        %add3A_439 = arith.addi %add3A_347, %add3A_438 : i32
        %swap3A_440 = arith.index_cast %add3A_439 : i32 to index
        %swap3A_441 = tpu.vector_load %arg15[%swap3A_440] {strides = array<i32>} : memref<16784xf32, #tpu.memory_space<vmem>>, vector<16xf32>,
        %swap3A_442 = vector.shape_cast %swap3A_441 : vector<16xf32> to vector<16xf32>
        %swap3A_443 = vector.shape_cast %sub3A_437 : vector<16xf32> to vector<16xf32>
        tpu.vector_store %arg15[%swap3A_440], %swap3A_443 {strides = array<i32>} : memref<16784xf32, #tpu.memory_space<vmem>>, vector<16xf32>,
        %mul3A_444 = arith.constant 16 : i32
        %mul3A_445 = arith.muli %scan3A_115, %mul3A_444 : i32
        %add3A_446 = arith.constant 1 : i32
        %add3A_447 = arith.addi %mul3A_445, %add3A_446 : i32
        %get3A_448 = arith.index_cast %add3A_447 : i32 to index
        %get3A_449 = arith.constant 96 : index
        %get3A_450 = tpu.vector_load %arg9[%get3A_448, %get3A_449] {strides = array<i32>} : memref<128x144xf32, #tpu.memory_space<vmem>>, vector<1x16xf32>,
        %get3A_451 = vector.shape_cast %get3A_450 : vector<1x16xf32> to vector<16xf32>
        %mul3A_452 = arith.mulf %get3A_451, %get3A_40 : vector<16xf32>
        %sub3A_453 = arith.subf %mul3A_452, %sub3A_178 : vector<16xf32>
        %add3A_454 = arith.constant 96 : i32
        %add3A_455 = arith.addi %add3A_347, %add3A_454 : i32
        %swap3A_456 = arith.index_cast %add3A_455 : i32 to index
        %swap3A_457 = tpu.vector_load %arg15[%swap3A_456] {strides = array<i32>} : memref<16784xf32, #tpu.memory_space<vmem>>, vector<16xf32>,
        %swap3A_458 = vector.shape_cast %swap3A_457 : vector<16xf32> to vector<16xf32>
        %swap3A_459 = vector.shape_cast %sub3A_453 : vector<16xf32> to vector<16xf32>
        tpu.vector_store %arg15[%swap3A_456], %swap3A_459 {strides = array<i32>} : memref<16784xf32, #tpu.memory_space<vmem>>, vector<16xf32>,
        %mul3A_460 = arith.constant 16 : i32
        %mul3A_461 = arith.muli %scan3A_115, %mul3A_460 : i32
        %add3A_462 = arith.constant 1 : i32
        %add3A_463 = arith.addi %mul3A_461, %add3A_462 : i32
        %get3A_464 = arith.index_cast %add3A_463 : i32 to index
        %get3A_465 = arith.constant 112 : index
        %get3A_466 = tpu.vector_load %arg9[%get3A_464, %get3A_465] {strides = array<i32>} : memref<128x144xf32, #tpu.memory_space<vmem>>, vector<1x16xf32>,
        %get3A_467 = vector.shape_cast %get3A_466 : vector<1x16xf32> to vector<16xf32>
        %mul3A_468 = arith.mulf %get3A_467, %get3A_43 : vector<16xf32>
        %sub3A_469 = arith.subf %mul3A_468, %sub3A_187 : vector<16xf32>
        %add3A_470 = arith.constant 112 : i32
        %add3A_471 = arith.addi %add3A_347, %add3A_470 : i32
        %swap3A_472 = arith.index_cast %add3A_471 : i32 to index
        %swap3A_473 = tpu.vector_load %arg15[%swap3A_472] {strides = array<i32>} : memref<16784xf32, #tpu.memory_space<vmem>>, vector<16xf32>,
        %swap3A_474 = vector.shape_cast %swap3A_473 : vector<16xf32> to vector<16xf32>
        %swap3A_475 = vector.shape_cast %sub3A_469 : vector<16xf32> to vector<16xf32>
        tpu.vector_store %arg15[%swap3A_472], %swap3A_475 {strides = array<i32>} : memref<16784xf32, #tpu.memory_space<vmem>>, vector<16xf32>,
        %mul3A_476 = arith.constant 16 : i32
        %mul3A_477 = arith.muli %scan3A_115, %mul3A_476 : i32
        %add3A_478 = arith.constant 1 : i32
        %add3A_479 = arith.addi %mul3A_477, %add3A_478 : i32
        %get3A_480 = arith.index_cast %add3A_479 : i32 to index
        %get3A_481 = arith.constant 128 : index
        %get3A_482 = tpu.vector_load %arg9[%get3A_480, %get3A_481] {strides = array<i32>} : memref<128x144xf32, #tpu.memory_space<vmem>>, vector<1x16xf32>,
        %get3A_483 = vector.shape_cast %get3A_482 : vector<1x16xf32> to vector<16xf32>
        %mul3A_484 = arith.mulf %get3A_483, %get3A_46 : vector<16xf32>
        %sub3A_485 = arith.subf %mul3A_484, %sub3A_196 : vector<16xf32>
        %add3A_486 = arith.constant 128 : i32
        %add3A_487 = arith.addi %add3A_347, %add3A_486 : i32
        %swap3A_488 = arith.index_cast %add3A_487 : i32 to index
        %swap3A_489 = tpu.vector_load %arg15[%swap3A_488] {strides = array<i32>} : memref<16784xf32, #tpu.memory_space<vmem>>, vector<16xf32>,
        %swap3A_490 = vector.shape_cast %swap3A_489 : vector<16xf32> to vector<16xf32>
        %swap3A_491 = vector.shape_cast %sub3A_485 : vector<16xf32> to vector<16xf32>
        tpu.vector_store %arg15[%swap3A_488], %swap3A_491 {strides = array<i32>} : memref<16784xf32, #tpu.memory_space<vmem>>, vector<16xf32>,
        %mul3A_492 = arith.constant 2096 : i32
        %mul3A_493 = arith.muli %scan3A_115, %mul3A_492 : i32
        %add3A_494 = arith.constant 262 : i32
        %add3A_495 = arith.addi %mul3A_493, %add3A_494 : i32
        %mul3A_496 = arith.constant 16 : i32
        %mul3A_497 = arith.muli %scan3A_115, %mul3A_496 : i32
        %add3A_498 = arith.constant 2 : i32
        %add3A_499 = arith.addi %mul3A_497, %add3A_498 : i32
        %get3A_500 = arith.index_cast %add3A_499 : i32 to index
        %get3A_501 = arith.constant 0 : index
        %get3A_502 = tpu.vector_load %arg9[%get3A_500, %get3A_501] {strides = array<i32>} : memref<128x144xf32, #tpu.memory_space<vmem>>, vector<1x16xf32>,
        %get3A_503 = vector.shape_cast %get3A_502 : vector<1x16xf32> to vector<16xf32>
        %mul3A_504 = arith.mulf %get3A_503, %get3A_22 : vector<16xf32>
        %sub3A_505 = arith.subf %mul3A_504, %sub3A_124 : vector<16xf32>
        %add3A_506 = arith.constant 0 : i32
        %add3A_507 = arith.addi %add3A_495, %add3A_506 : i32
        %swap3A_508 = arith.index_cast %add3A_507 : i32 to index
        %swap3A_509 = tpu.vector_load %arg15[%swap3A_508] {strides = array<i32>} : memref<16784xf32, #tpu.memory_space<vmem>>, vector<16xf32>,
        %swap3A_510 = vector.shape_cast %swap3A_509 : vector<16xf32> to vector<16xf32>
        %swap3A_511 = vector.shape_cast %sub3A_505 : vector<16xf32> to vector<16xf32>
        tpu.vector_store %arg15[%swap3A_508], %swap3A_511 {strides = array<i32>} : memref<16784xf32, #tpu.memory_space<vmem>>, vector<16xf32>,
        %mul3A_512 = arith.constant 16 : i32
        %mul3A_513 = arith.muli %scan3A_115, %mul3A_512 : i32
        %add3A_514 = arith.constant 2 : i32
        %add3A_515 = arith.addi %mul3A_513, %add3A_514 : i32
        %get3A_516 = arith.index_cast %add3A_515 : i32 to index
        %get3A_517 = arith.constant 16 : index
        %get3A_518 = tpu.vector_load %arg9[%get3A_516, %get3A_517] {strides = array<i32>} : memref<128x144xf32, #tpu.memory_space<vmem>>, vector<1x16xf32>,
        %get3A_519 = vector.shape_cast %get3A_518 : vector<1x16xf32> to vector<16xf32>
        %mul3A_520 = arith.mulf %get3A_519, %get3A_25 : vector<16xf32>
        %sub3A_521 = arith.subf %mul3A_520, %sub3A_133 : vector<16xf32>
        %add3A_522 = arith.constant 16 : i32
        %add3A_523 = arith.addi %add3A_495, %add3A_522 : i32
        %swap3A_524 = arith.index_cast %add3A_523 : i32 to index
        %swap3A_525 = tpu.vector_load %arg15[%swap3A_524] {strides = array<i32>} : memref<16784xf32, #tpu.memory_space<vmem>>, vector<16xf32>,
        %swap3A_526 = vector.shape_cast %swap3A_525 : vector<16xf32> to vector<16xf32>
        %swap3A_527 = vector.shape_cast %sub3A_521 : vector<16xf32> to vector<16xf32>
        tpu.vector_store %arg15[%swap3A_524], %swap3A_527 {strides = array<i32>} : memref<16784xf32, #tpu.memory_space<vmem>>, vector<16xf32>,
        %mul3A_528 = arith.constant 16 : i32
        %mul3A_529 = arith.muli %scan3A_115, %mul3A_528 : i32
        %add3A_530 = arith.constant 2 : i32
        %add3A_531 = arith.addi %mul3A_529, %add3A_530 : i32
        %get3A_532 = arith.index_cast %add3A_531 : i32 to index
        %get3A_533 = arith.constant 32 : index
        %get3A_534 = tpu.vector_load %arg9[%get3A_532, %get3A_533] {strides = array<i32>} : memref<128x144xf32, #tpu.memory_space<vmem>>, vector<1x16xf32>,
        %get3A_535 = vector.shape_cast %get3A_534 : vector<1x16xf32> to vector<16xf32>
        %mul3A_536 = arith.mulf %get3A_535, %get3A_28 : vector<16xf32>
        %sub3A_537 = arith.subf %mul3A_536, %sub3A_142 : vector<16xf32>
        %add3A_538 = arith.constant 32 : i32
        %add3A_539 = arith.addi %add3A_495, %add3A_538 : i32
        %swap3A_540 = arith.index_cast %add3A_539 : i32 to index
        %swap3A_541 = tpu.vector_load %arg15[%swap3A_540] {strides = array<i32>} : memref<16784xf32, #tpu.memory_space<vmem>>, vector<16xf32>,
        %swap3A_542 = vector.shape_cast %swap3A_541 : vector<16xf32> to vector<16xf32>
        %swap3A_543 = vector.shape_cast %sub3A_537 : vector<16xf32> to vector<16xf32>
        tpu.vector_store %arg15[%swap3A_540], %swap3A_543 {strides = array<i32>} : memref<16784xf32, #tpu.memory_space<vmem>>, vector<16xf32>,
        %mul3A_544 = arith.constant 16 : i32
        %mul3A_545 = arith.muli %scan3A_115, %mul3A_544 : i32
        %add3A_546 = arith.constant 2 : i32
        %add3A_547 = arith.addi %mul3A_545, %add3A_546 : i32
        %get3A_548 = arith.index_cast %add3A_547 : i32 to index
        %get3A_549 = arith.constant 48 : index
        %get3A_550 = tpu.vector_load %arg9[%get3A_548, %get3A_549] {strides = array<i32>} : memref<128x144xf32, #tpu.memory_space<vmem>>, vector<1x16xf32>,
        %get3A_551 = vector.shape_cast %get3A_550 : vector<1x16xf32> to vector<16xf32>
        %mul3A_552 = arith.mulf %get3A_551, %get3A_31 : vector<16xf32>
        %sub3A_553 = arith.subf %mul3A_552, %sub3A_151 : vector<16xf32>
        %add3A_554 = arith.constant 48 : i32
        %add3A_555 = arith.addi %add3A_495, %add3A_554 : i32
        %swap3A_556 = arith.index_cast %add3A_555 : i32 to index
        %swap3A_557 = tpu.vector_load %arg15[%swap3A_556] {strides = array<i32>} : memref<16784xf32, #tpu.memory_space<vmem>>, vector<16xf32>,
        %swap3A_558 = vector.shape_cast %swap3A_557 : vector<16xf32> to vector<16xf32>
        %swap3A_559 = vector.shape_cast %sub3A_553 : vector<16xf32> to vector<16xf32>
        tpu.vector_store %arg15[%swap3A_556], %swap3A_559 {strides = array<i32>} : memref<16784xf32, #tpu.memory_space<vmem>>, vector<16xf32>,
        %mul3A_560 = arith.constant 16 : i32
        %mul3A_561 = arith.muli %scan3A_115, %mul3A_560 : i32
        %add3A_562 = arith.constant 2 : i32
        %add3A_563 = arith.addi %mul3A_561, %add3A_562 : i32
        %get3A_564 = arith.index_cast %add3A_563 : i32 to index
        %get3A_565 = arith.constant 64 : index
        %get3A_566 = tpu.vector_load %arg9[%get3A_564, %get3A_565] {strides = array<i32>} : memref<128x144xf32, #tpu.memory_space<vmem>>, vector<1x16xf32>,
        %get3A_567 = vector.shape_cast %get3A_566 : vector<1x16xf32> to vector<16xf32>
        %mul3A_568 = arith.mulf %get3A_567, %get3A_34 : vector<16xf32>
        %sub3A_569 = arith.subf %mul3A_568, %sub3A_160 : vector<16xf32>
        %add3A_570 = arith.constant 64 : i32
        %add3A_571 = arith.addi %add3A_495, %add3A_570 : i32
        %swap3A_572 = arith.index_cast %add3A_571 : i32 to index
        %swap3A_573 = tpu.vector_load %arg15[%swap3A_572] {strides = array<i32>} : memref<16784xf32, #tpu.memory_space<vmem>>, vector<16xf32>,
        %swap3A_574 = vector.shape_cast %swap3A_573 : vector<16xf32> to vector<16xf32>
        %swap3A_575 = vector.shape_cast %sub3A_569 : vector<16xf32> to vector<16xf32>
        tpu.vector_store %arg15[%swap3A_572], %swap3A_575 {strides = array<i32>} : memref<16784xf32, #tpu.memory_space<vmem>>, vector<16xf32>,
        %mul3A_576 = arith.constant 16 : i32
        %mul3A_577 = arith.muli %scan3A_115, %mul3A_576 : i32
        %add3A_578 = arith.constant 2 : i32
        %add3A_579 = arith.addi %mul3A_577, %add3A_578 : i32
        %get3A_580 = arith.index_cast %add3A_579 : i32 to index
        %get3A_581 = arith.constant 80 : index
        %get3A_582 = tpu.vector_load %arg9[%get3A_580, %get3A_581] {strides = array<i32>} : memref<128x144xf32, #tpu.memory_space<vmem>>, vector<1x16xf32>,
        %get3A_583 = vector.shape_cast %get3A_582 : vector<1x16xf32> to vector<16xf32>
        %mul3A_584 = arith.mulf %get3A_583, %get3A_37 : vector<16xf32>
        %sub3A_585 = arith.subf %mul3A_584, %sub3A_169 : vector<16xf32>
        %add3A_586 = arith.constant 80 : i32
        %add3A_587 = arith.addi %add3A_495, %add3A_586 : i32
        %swap3A_588 = arith.index_cast %add3A_587 : i32 to index
        %swap3A_589 = tpu.vector_load %arg15[%swap3A_588] {strides = array<i32>} : memref<16784xf32, #tpu.memory_space<vmem>>, vector<16xf32>,
        %swap3A_590 = vector.shape_cast %swap3A_589 : vector<16xf32> to vector<16xf32>
        %swap3A_591 = vector.shape_cast %sub3A_585 : vector<16xf32> to vector<16xf32>
        tpu.vector_store %arg15[%swap3A_588], %swap3A_591 {strides = array<i32>} : memref<16784xf32, #tpu.memory_space<vmem>>, vector<16xf32>,
        %mul3A_592 = arith.constant 16 : i32
        %mul3A_593 = arith.muli %scan3A_115, %mul3A_592 : i32
        %add3A_594 = arith.constant 2 : i32
        %add3A_595 = arith.addi %mul3A_593, %add3A_594 : i32
        %get3A_596 = arith.index_cast %add3A_595 : i32 to index
        %get3A_597 = arith.constant 96 : index
        %get3A_598 = tpu.vector_load %arg9[%get3A_596, %get3A_597] {strides = array<i32>} : memref<128x144xf32, #tpu.memory_space<vmem>>, vector<1x16xf32>,
        %get3A_599 = vector.shape_cast %get3A_598 : vector<1x16xf32> to vector<16xf32>
        %mul3A_600 = arith.mulf %get3A_599, %get3A_40 : vector<16xf32>
        %sub3A_601 = arith.subf %mul3A_600, %sub3A_178 : vector<16xf32>
        %add3A_602 = arith.constant 96 : i32
        %add3A_603 = arith.addi %add3A_495, %add3A_602 : i32
        %swap3A_604 = arith.index_cast %add3A_603 : i32 to index
        %swap3A_605 = tpu.vector_load %arg15[%swap3A_604] {strides = array<i32>} : memref<16784xf32, #tpu.memory_space<vmem>>, vector<16xf32>,
        %swap3A_606 = vector.shape_cast %swap3A_605 : vector<16xf32> to vector<16xf32>
        %swap3A_607 = vector.shape_cast %sub3A_601 : vector<16xf32> to vector<16xf32>
        tpu.vector_store %arg15[%swap3A_604], %swap3A_607 {strides = array<i32>} : memref<16784xf32, #tpu.memory_space<vmem>>, vector<16xf32>,
        %mul3A_608 = arith.constant 16 : i32
        %mul3A_609 = arith.muli %scan3A_115, %mul3A_608 : i32
        %add3A_610 = arith.constant 2 : i32
        %add3A_611 = arith.addi %mul3A_609, %add3A_610 : i32
        %get3A_612 = arith.index_cast %add3A_611 : i32 to index
        %get3A_613 = arith.constant 112 : index
        %get3A_614 = tpu.vector_load %arg9[%get3A_612, %get3A_613] {strides = array<i32>} : memref<128x144xf32, #tpu.memory_space<vmem>>, vector<1x16xf32>,
        %get3A_615 = vector.shape_cast %get3A_614 : vector<1x16xf32> to vector<16xf32>
        %mul3A_616 = arith.mulf %get3A_615, %get3A_43 : vector<16xf32>
        %sub3A_617 = arith.subf %mul3A_616, %sub3A_187 : vector<16xf32>
        %add3A_618 = arith.constant 112 : i32
        %add3A_619 = arith.addi %add3A_495, %add3A_618 : i32
        %swap3A_620 = arith.index_cast %add3A_619 : i32 to index
        %swap3A_621 = tpu.vector_load %arg15[%swap3A_620] {strides = array<i32>} : memref<16784xf32, #tpu.memory_space<vmem>>, vector<16xf32>,
        %swap3A_622 = vector.shape_cast %swap3A_621 : vector<16xf32> to vector<16xf32>
        %swap3A_623 = vector.shape_cast %sub3A_617 : vector<16xf32> to vector<16xf32>
        tpu.vector_store %arg15[%swap3A_620], %swap3A_623 {strides = array<i32>} : memref<16784xf32, #tpu.memory_space<vmem>>, vector<16xf32>,
        %mul3A_624 = arith.constant 16 : i32
        %mul3A_625 = arith.muli %scan3A_115, %mul3A_624 : i32
        %add3A_626 = arith.constant 2 : i32
        %add3A_627 = arith.addi %mul3A_625, %add3A_626 : i32
        %get3A_628 = arith.index_cast %add3A_627 : i32 to index
        %get3A_629 = arith.constant 128 : index
        %get3A_630 = tpu.vector_load %arg9[%get3A_628, %get3A_629] {strides = array<i32>} : memref<128x144xf32, #tpu.memory_space<vmem>>, vector<1x16xf32>,
        %get3A_631 = vector.shape_cast %get3A_630 : vector<1x16xf32> to vector<16xf32>
        %mul3A_632 = arith.mulf %get3A_631, %get3A_46 : vector<16xf32>
        %sub3A_633 = arith.subf %mul3A_632, %sub3A_196 : vector<16xf32>
        %add3A_634 = arith.constant 128 : i32
        %add3A_635 = arith.addi %add3A_495, %add3A_634 : i32
        %swap3A_636 = arith.index_cast %add3A_635 : i32 to index
        %swap3A_637 = tpu.vector_load %arg15[%swap3A_636] {strides = array<i32>} : memref<16784xf32, #tpu.memory_space<vmem>>, vector<16xf32>,
        %swap3A_638 = vector.shape_cast %swap3A_637 : vector<16xf32> to vector<16xf32>
        %swap3A_639 = vector.shape_cast %sub3A_633 : vector<16xf32> to vector<16xf32>
        tpu.vector_store %arg15[%swap3A_636], %swap3A_639 {strides = array<i32>} : memref<16784xf32, #tpu.memory_space<vmem>>, vector<16xf32>,
        %mul3A_640 = arith.constant 2096 : i32
        %mul3A_641 = arith.muli %scan3A_115, %mul3A_640 : i32
        %add3A_642 = arith.constant 393 : i32
        %add3A_643 = arith.addi %mul3A_641, %add3A_642 : i32
        %mul3A_644 = arith.constant 16 : i32
        %mul3A_645 = arith.muli %scan3A_115, %mul3A_644 : i32
        %add3A_646 = arith.constant 3 : i32
        %add3A_647 = arith.addi %mul3A_645, %add3A_646 : i32
        %get3A_648 = arith.index_cast %add3A_647 : i32 to index
        %get3A_649 = arith.constant 0 : index
        %get3A_650 = tpu.vector_load %arg9[%get3A_648, %get3A_649] {strides = array<i32>} : memref<128x144xf32, #tpu.memory_space<vmem>>, vector<1x16xf32>,
        %get3A_651 = vector.shape_cast %get3A_650 : vector<1x16xf32> to vector<16xf32>
        %mul3A_652 = arith.mulf %get3A_651, %get3A_22 : vector<16xf32>
        %sub3A_653 = arith.subf %mul3A_652, %sub3A_124 : vector<16xf32>
        %add3A_654 = arith.constant 0 : i32
        %add3A_655 = arith.addi %add3A_643, %add3A_654 : i32
        %swap3A_656 = arith.index_cast %add3A_655 : i32 to index
        %swap3A_657 = tpu.vector_load %arg15[%swap3A_656] {strides = array<i32>} : memref<16784xf32, #tpu.memory_space<vmem>>, vector<16xf32>,
        %swap3A_658 = vector.shape_cast %swap3A_657 : vector<16xf32> to vector<16xf32>
        %swap3A_659 = vector.shape_cast %sub3A_653 : vector<16xf32> to vector<16xf32>
        tpu.vector_store %arg15[%swap3A_656], %swap3A_659 {strides = array<i32>} : memref<16784xf32, #tpu.memory_space<vmem>>, vector<16xf32>,
        %mul3A_660 = arith.constant 16 : i32
        %mul3A_661 = arith.muli %scan3A_115, %mul3A_660 : i32
        %add3A_662 = arith.constant 3 : i32
        %add3A_663 = arith.addi %mul3A_661, %add3A_662 : i32
        %get3A_664 = arith.index_cast %add3A_663 : i32 to index
        %get3A_665 = arith.constant 16 : index
        %get3A_666 = tpu.vector_load %arg9[%get3A_664, %get3A_665] {strides = array<i32>} : memref<128x144xf32, #tpu.memory_space<vmem>>, vector<1x16xf32>,
        %get3A_667 = vector.shape_cast %get3A_666 : vector<1x16xf32> to vector<16xf32>
        %mul3A_668 = arith.mulf %get3A_667, %get3A_25 : vector<16xf32>
        %sub3A_669 = arith.subf %mul3A_668, %sub3A_133 : vector<16xf32>
        %add3A_670 = arith.constant 16 : i32
        %add3A_671 = arith.addi %add3A_643, %add3A_670 : i32
        %swap3A_672 = arith.index_cast %add3A_671 : i32 to index
        %swap3A_673 = tpu.vector_load %arg15[%swap3A_672] {strides = array<i32>} : memref<16784xf32, #tpu.memory_space<vmem>>, vector<16xf32>,
        %swap3A_674 = vector.shape_cast %swap3A_673 : vector<16xf32> to vector<16xf32>
        %swap3A_675 = vector.shape_cast %sub3A_669 : vector<16xf32> to vector<16xf32>
        tpu.vector_store %arg15[%swap3A_672], %swap3A_675 {strides = array<i32>} : memref<16784xf32, #tpu.memory_space<vmem>>, vector<16xf32>,
        %mul3A_676 = arith.constant 16 : i32
        %mul3A_677 = arith.muli %scan3A_115, %mul3A_676 : i32
        %add3A_678 = arith.constant 3 : i32
        %add3A_679 = arith.addi %mul3A_677, %add3A_678 : i32
        %get3A_680 = arith.index_cast %add3A_679 : i32 to index
        %get3A_681 = arith.constant 32 : index
        %get3A_682 = tpu.vector_load %arg9[%get3A_680, %get3A_681] {strides = array<i32>} : memref<128x144xf32, #tpu.memory_space<vmem>>, vector<1x16xf32>,
        %get3A_683 = vector.shape_cast %get3A_682 : vector<1x16xf32> to vector<16xf32>
        %mul3A_684 = arith.mulf %get3A_683, %get3A_28 : vector<16xf32>
        %sub3A_685 = arith.subf %mul3A_684, %sub3A_142 : vector<16xf32>
        %add3A_686 = arith.constant 32 : i32
        %add3A_687 = arith.addi %add3A_643, %add3A_686 : i32
        %swap3A_688 = arith.index_cast %add3A_687 : i32 to index
        %swap3A_689 = tpu.vector_load %arg15[%swap3A_688] {strides = array<i32>} : memref<16784xf32, #tpu.memory_space<vmem>>, vector<16xf32>,
        %swap3A_690 = vector.shape_cast %swap3A_689 : vector<16xf32> to vector<16xf32>
        %swap3A_691 = vector.shape_cast %sub3A_685 : vector<16xf32> to vector<16xf32>
        tpu.vector_store %arg15[%swap3A_688], %swap3A_691 {strides = array<i32>} : memref<16784xf32, #tpu.memory_space<vmem>>, vector<16xf32>,
        %mul3A_692 = arith.constant 16 : i32
        %mul3A_693 = arith.muli %scan3A_115, %mul3A_692 : i32
        %add3A_694 = arith.constant 3 : i32
        %add3A_695 = arith.addi %mul3A_693, %add3A_694 : i32
        %get3A_696 = arith.index_cast %add3A_695 : i32 to index
        %get3A_697 = arith.constant 48 : index
        %get3A_698 = tpu.vector_load %arg9[%get3A_696, %get3A_697] {strides = array<i32>} : memref<128x144xf32, #tpu.memory_space<vmem>>, vector<1x16xf32>,
        %get3A_699 = vector.shape_cast %get3A_698 : vector<1x16xf32> to vector<16xf32>
        %mul3A_700 = arith.mulf %get3A_699, %get3A_31 : vector<16xf32>
        %sub3A_701 = arith.subf %mul3A_700, %sub3A_151 : vector<16xf32>
        %add3A_702 = arith.constant 48 : i32
        %add3A_703 = arith.addi %add3A_643, %add3A_702 : i32
        %swap3A_704 = arith.index_cast %add3A_703 : i32 to index
        %swap3A_705 = tpu.vector_load %arg15[%swap3A_704] {strides = array<i32>} : memref<16784xf32, #tpu.memory_space<vmem>>, vector<16xf32>,
        %swap3A_706 = vector.shape_cast %swap3A_705 : vector<16xf32> to vector<16xf32>
        %swap3A_707 = vector.shape_cast %sub3A_701 : vector<16xf32> to vector<16xf32>
        tpu.vector_store %arg15[%swap3A_704], %swap3A_707 {strides = array<i32>} : memref<16784xf32, #tpu.memory_space<vmem>>, vector<16xf32>,
        %mul3A_708 = arith.constant 16 : i32
        %mul3A_709 = arith.muli %scan3A_115, %mul3A_708 : i32
        %add3A_710 = arith.constant 3 : i32
        %add3A_711 = arith.addi %mul3A_709, %add3A_710 : i32
        %get3A_712 = arith.index_cast %add3A_711 : i32 to index
        %get3A_713 = arith.constant 64 : index
        %get3A_714 = tpu.vector_load %arg9[%get3A_712, %get3A_713] {strides = array<i32>} : memref<128x144xf32, #tpu.memory_space<vmem>>, vector<1x16xf32>,
        %get3A_715 = vector.shape_cast %get3A_714 : vector<1x16xf32> to vector<16xf32>
        %mul3A_716 = arith.mulf %get3A_715, %get3A_34 : vector<16xf32>
        %sub3A_717 = arith.subf %mul3A_716, %sub3A_160 : vector<16xf32>
        %add3A_718 = arith.constant 64 : i32
        %add3A_719 = arith.addi %add3A_643, %add3A_718 : i32
        %swap3A_720 = arith.index_cast %add3A_719 : i32 to index
        %swap3A_721 = tpu.vector_load %arg15[%swap3A_720] {strides = array<i32>} : memref<16784xf32, #tpu.memory_space<vmem>>, vector<16xf32>,
        %swap3A_722 = vector.shape_cast %swap3A_721 : vector<16xf32> to vector<16xf32>
        %swap3A_723 = vector.shape_cast %sub3A_717 : vector<16xf32> to vector<16xf32>
        tpu.vector_store %arg15[%swap3A_720], %swap3A_723 {strides = array<i32>} : memref<16784xf32, #tpu.memory_space<vmem>>, vector<16xf32>,
        %mul3A_724 = arith.constant 16 : i32
        %mul3A_725 = arith.muli %scan3A_115, %mul3A_724 : i32
        %add3A_726 = arith.constant 3 : i32
        %add3A_727 = arith.addi %mul3A_725, %add3A_726 : i32
        %get3A_728 = arith.index_cast %add3A_727 : i32 to index
        %get3A_729 = arith.constant 80 : index
        %get3A_730 = tpu.vector_load %arg9[%get3A_728, %get3A_729] {strides = array<i32>} : memref<128x144xf32, #tpu.memory_space<vmem>>, vector<1x16xf32>,
        %get3A_731 = vector.shape_cast %get3A_730 : vector<1x16xf32> to vector<16xf32>
        %mul3A_732 = arith.mulf %get3A_731, %get3A_37 : vector<16xf32>
        %sub3A_733 = arith.subf %mul3A_732, %sub3A_169 : vector<16xf32>
        %add3A_734 = arith.constant 80 : i32
        %add3A_735 = arith.addi %add3A_643, %add3A_734 : i32
        %swap3A_736 = arith.index_cast %add3A_735 : i32 to index
        %swap3A_737 = tpu.vector_load %arg15[%swap3A_736] {strides = array<i32>} : memref<16784xf32, #tpu.memory_space<vmem>>, vector<16xf32>,
        %swap3A_738 = vector.shape_cast %swap3A_737 : vector<16xf32> to vector<16xf32>
        %swap3A_739 = vector.shape_cast %sub3A_733 : vector<16xf32> to vector<16xf32>
        tpu.vector_store %arg15[%swap3A_736], %swap3A_739 {strides = array<i32>} : memref<16784xf32, #tpu.memory_space<vmem>>, vector<16xf32>,
        %mul3A_740 = arith.constant 16 : i32
        %mul3A_741 = arith.muli %scan3A_115, %mul3A_740 : i32
        %add3A_742 = arith.constant 3 : i32
        %add3A_743 = arith.addi %mul3A_741, %add3A_742 : i32
        %get3A_744 = arith.index_cast %add3A_743 : i32 to index
        %get3A_745 = arith.constant 96 : index
        %get3A_746 = tpu.vector_load %arg9[%get3A_744, %get3A_745] {strides = array<i32>} : memref<128x144xf32, #tpu.memory_space<vmem>>, vector<1x16xf32>,
        %get3A_747 = vector.shape_cast %get3A_746 : vector<1x16xf32> to vector<16xf32>
        %mul3A_748 = arith.mulf %get3A_747, %get3A_40 : vector<16xf32>
        %sub3A_749 = arith.subf %mul3A_748, %sub3A_178 : vector<16xf32>
        %add3A_750 = arith.constant 96 : i32
        %add3A_751 = arith.addi %add3A_643, %add3A_750 : i32
        %swap3A_752 = arith.index_cast %add3A_751 : i32 to index
        %swap3A_753 = tpu.vector_load %arg15[%swap3A_752] {strides = array<i32>} : memref<16784xf32, #tpu.memory_space<vmem>>, vector<16xf32>,
        %swap3A_754 = vector.shape_cast %swap3A_753 : vector<16xf32> to vector<16xf32>
        %swap3A_755 = vector.shape_cast %sub3A_749 : vector<16xf32> to vector<16xf32>
        tpu.vector_store %arg15[%swap3A_752], %swap3A_755 {strides = array<i32>} : memref<16784xf32, #tpu.memory_space<vmem>>, vector<16xf32>,
        %mul3A_756 = arith.constant 16 : i32
        %mul3A_757 = arith.muli %scan3A_115, %mul3A_756 : i32
        %add3A_758 = arith.constant 3 : i32
        %add3A_759 = arith.addi %mul3A_757, %add3A_758 : i32
        %get3A_760 = arith.index_cast %add3A_759 : i32 to index
        %get3A_761 = arith.constant 112 : index
        %get3A_762 = tpu.vector_load %arg9[%get3A_760, %get3A_761] {strides = array<i32>} : memref<128x144xf32, #tpu.memory_space<vmem>>, vector<1x16xf32>,
        %get3A_763 = vector.shape_cast %get3A_762 : vector<1x16xf32> to vector<16xf32>
        %mul3A_764 = arith.mulf %get3A_763, %get3A_43 : vector<16xf32>
        %sub3A_765 = arith.subf %mul3A_764, %sub3A_187 : vector<16xf32>
        %add3A_766 = arith.constant 112 : i32
        %add3A_767 = arith.addi %add3A_643, %add3A_766 : i32
        %swap3A_768 = arith.index_cast %add3A_767 : i32 to index
        %swap3A_769 = tpu.vector_load %arg15[%swap3A_768] {strides = array<i32>} : memref<16784xf32, #tpu.memory_space<vmem>>, vector<16xf32>,
        %swap3A_770 = vector.shape_cast %swap3A_769 : vector<16xf32> to vector<16xf32>
        %swap3A_771 = vector.shape_cast %sub3A_765 : vector<16xf32> to vector<16xf32>
        tpu.vector_store %arg15[%swap3A_768], %swap3A_771 {strides = array<i32>} : memref<16784xf32, #tpu.memory_space<vmem>>, vector<16xf32>,
        %mul3A_772 = arith.constant 16 : i32
        %mul3A_773 = arith.muli %scan3A_115, %mul3A_772 : i32
        %add3A_774 = arith.constant 3 : i32
        %add3A_775 = arith.addi %mul3A_773, %add3A_774 : i32
        %get3A_776 = arith.index_cast %add3A_775 : i32 to index
        %get3A_777 = arith.constant 128 : index
        %get3A_778 = tpu.vector_load %arg9[%get3A_776, %get3A_777] {strides = array<i32>} : memref<128x144xf32, #tpu.memory_space<vmem>>, vector<1x16xf32>,
        %get3A_779 = vector.shape_cast %get3A_778 : vector<1x16xf32> to vector<16xf32>
        %mul3A_780 = arith.mulf %get3A_779, %get3A_46 : vector<16xf32>
        %sub3A_781 = arith.subf %mul3A_780, %sub3A_196 : vector<16xf32>
        %add3A_782 = arith.constant 128 : i32
        %add3A_783 = arith.addi %add3A_643, %add3A_782 : i32
        %swap3A_784 = arith.index_cast %add3A_783 : i32 to index
        %swap3A_785 = tpu.vector_load %arg15[%swap3A_784] {strides = array<i32>} : memref<16784xf32, #tpu.memory_space<vmem>>, vector<16xf32>,
        %swap3A_786 = vector.shape_cast %swap3A_785 : vector<16xf32> to vector<16xf32>
        %swap3A_787 = vector.shape_cast %sub3A_781 : vector<16xf32> to vector<16xf32>
        tpu.vector_store %arg15[%swap3A_784], %swap3A_787 {strides = array<i32>} : memref<16784xf32, #tpu.memory_space<vmem>>, vector<16xf32>,
        %mul3A_788 = arith.constant 2096 : i32
        %mul3A_789 = arith.muli %scan3A_115, %mul3A_788 : i32
        %add3A_790 = arith.constant 524 : i32
        %add3A_791 = arith.addi %mul3A_789, %add3A_790 : i32
        %mul3A_792 = arith.constant 16 : i32
        %mul3A_793 = arith.muli %scan3A_115, %mul3A_792 : i32
        %add3A_794 = arith.constant 4 : i32
        %add3A_795 = arith.addi %mul3A_793, %add3A_794 : i32
        %get3A_796 = arith.index_cast %add3A_795 : i32 to index
        %get3A_797 = arith.constant 0 : index
        %get3A_798 = tpu.vector_load %arg9[%get3A_796, %get3A_797] {strides = array<i32>} : memref<128x144xf32, #tpu.memory_space<vmem>>, vector<1x16xf32>,
        %get3A_799 = vector.shape_cast %get3A_798 : vector<1x16xf32> to vector<16xf32>
        %mul3A_800 = arith.mulf %get3A_799, %get3A_22 : vector<16xf32>
        %sub3A_801 = arith.subf %mul3A_800, %sub3A_124 : vector<16xf32>
        %add3A_802 = arith.constant 0 : i32
        %add3A_803 = arith.addi %add3A_791, %add3A_802 : i32
        %swap3A_804 = arith.index_cast %add3A_803 : i32 to index
        %swap3A_805 = tpu.vector_load %arg15[%swap3A_804] {strides = array<i32>} : memref<16784xf32, #tpu.memory_space<vmem>>, vector<16xf32>,
        %swap3A_806 = vector.shape_cast %swap3A_805 : vector<16xf32> to vector<16xf32>
        %swap3A_807 = vector.shape_cast %sub3A_801 : vector<16xf32> to vector<16xf32>
        tpu.vector_store %arg15[%swap3A_804], %swap3A_807 {strides = array<i32>} : memref<16784xf32, #tpu.memory_space<vmem>>, vector<16xf32>,
        %mul3A_808 = arith.constant 16 : i32
        %mul3A_809 = arith.muli %scan3A_115, %mul3A_808 : i32
        %add3A_810 = arith.constant 4 : i32
        %add3A_811 = arith.addi %mul3A_809, %add3A_810 : i32
        %get3A_812 = arith.index_cast %add3A_811 : i32 to index
        %get3A_813 = arith.constant 16 : index
        %get3A_814 = tpu.vector_load %arg9[%get3A_812, %get3A_813] {strides = array<i32>} : memref<128x144xf32, #tpu.memory_space<vmem>>, vector<1x16xf32>,
        %get3A_815 = vector.shape_cast %get3A_814 : vector<1x16xf32> to vector<16xf32>
        %mul3A_816 = arith.mulf %get3A_815, %get3A_25 : vector<16xf32>
        %sub3A_817 = arith.subf %mul3A_816, %sub3A_133 : vector<16xf32>
        %add3A_818 = arith.constant 16 : i32
        %add3A_819 = arith.addi %add3A_791, %add3A_818 : i32
        %swap3A_820 = arith.index_cast %add3A_819 : i32 to index
        %swap3A_821 = tpu.vector_load %arg15[%swap3A_820] {strides = array<i32>} : memref<16784xf32, #tpu.memory_space<vmem>>, vector<16xf32>,
        %swap3A_822 = vector.shape_cast %swap3A_821 : vector<16xf32> to vector<16xf32>
        %swap3A_823 = vector.shape_cast %sub3A_817 : vector<16xf32> to vector<16xf32>
        tpu.vector_store %arg15[%swap3A_820], %swap3A_823 {strides = array<i32>} : memref<16784xf32, #tpu.memory_space<vmem>>, vector<16xf32>,
        %mul3A_824 = arith.constant 16 : i32
        %mul3A_825 = arith.muli %scan3A_115, %mul3A_824 : i32
        %add3A_826 = arith.constant 4 : i32
        %add3A_827 = arith.addi %mul3A_825, %add3A_826 : i32
        %get3A_828 = arith.index_cast %add3A_827 : i32 to index
        %get3A_829 = arith.constant 32 : index
        %get3A_830 = tpu.vector_load %arg9[%get3A_828, %get3A_829] {strides = array<i32>} : memref<128x144xf32, #tpu.memory_space<vmem>>, vector<1x16xf32>,
        %get3A_831 = vector.shape_cast %get3A_830 : vector<1x16xf32> to vector<16xf32>
        %mul3A_832 = arith.mulf %get3A_831, %get3A_28 : vector<16xf32>
        %sub3A_833 = arith.subf %mul3A_832, %sub3A_142 : vector<16xf32>
        %add3A_834 = arith.constant 32 : i32
        %add3A_835 = arith.addi %add3A_791, %add3A_834 : i32
        %swap3A_836 = arith.index_cast %add3A_835 : i32 to index
        %swap3A_837 = tpu.vector_load %arg15[%swap3A_836] {strides = array<i32>} : memref<16784xf32, #tpu.memory_space<vmem>>, vector<16xf32>,
        %swap3A_838 = vector.shape_cast %swap3A_837 : vector<16xf32> to vector<16xf32>
        %swap3A_839 = vector.shape_cast %sub3A_833 : vector<16xf32> to vector<16xf32>
        tpu.vector_store %arg15[%swap3A_836], %swap3A_839 {strides = array<i32>} : memref<16784xf32, #tpu.memory_space<vmem>>, vector<16xf32>,
        %mul3A_840 = arith.constant 16 : i32
        %mul3A_841 = arith.muli %scan3A_115, %mul3A_840 : i32
        %add3A_842 = arith.constant 4 : i32
        %add3A_843 = arith.addi %mul3A_841, %add3A_842 : i32
        %get3A_844 = arith.index_cast %add3A_843 : i32 to index
        %get3A_845 = arith.constant 48 : index
        %get3A_846 = tpu.vector_load %arg9[%get3A_844, %get3A_845] {strides = array<i32>} : memref<128x144xf32, #tpu.memory_space<vmem>>, vector<1x16xf32>,
        %get3A_847 = vector.shape_cast %get3A_846 : vector<1x16xf32> to vector<16xf32>
        %mul3A_848 = arith.mulf %get3A_847, %get3A_31 : vector<16xf32>
        %sub3A_849 = arith.subf %mul3A_848, %sub3A_151 : vector<16xf32>
        %add3A_850 = arith.constant 48 : i32
        %add3A_851 = arith.addi %add3A_791, %add3A_850 : i32
        %swap3A_852 = arith.index_cast %add3A_851 : i32 to index
        %swap3A_853 = tpu.vector_load %arg15[%swap3A_852] {strides = array<i32>} : memref<16784xf32, #tpu.memory_space<vmem>>, vector<16xf32>,
        %swap3A_854 = vector.shape_cast %swap3A_853 : vector<16xf32> to vector<16xf32>
        %swap3A_855 = vector.shape_cast %sub3A_849 : vector<16xf32> to vector<16xf32>
        tpu.vector_store %arg15[%swap3A_852], %swap3A_855 {strides = array<i32>} : memref<16784xf32, #tpu.memory_space<vmem>>, vector<16xf32>,
        %mul3A_856 = arith.constant 16 : i32
        %mul3A_857 = arith.muli %scan3A_115, %mul3A_856 : i32
        %add3A_858 = arith.constant 4 : i32
        %add3A_859 = arith.addi %mul3A_857, %add3A_858 : i32
        %get3A_860 = arith.index_cast %add3A_859 : i32 to index
        %get3A_861 = arith.constant 64 : index
        %get3A_862 = tpu.vector_load %arg9[%get3A_860, %get3A_861] {strides = array<i32>} : memref<128x144xf32, #tpu.memory_space<vmem>>, vector<1x16xf32>,
        %get3A_863 = vector.shape_cast %get3A_862 : vector<1x16xf32> to vector<16xf32>
        %mul3A_864 = arith.mulf %get3A_863, %get3A_34 : vector<16xf32>
        %sub3A_865 = arith.subf %mul3A_864, %sub3A_160 : vector<16xf32>
        %add3A_866 = arith.constant 64 : i32
        %add3A_867 = arith.addi %add3A_791, %add3A_866 : i32
        %swap3A_868 = arith.index_cast %add3A_867 : i32 to index
        %swap3A_869 = tpu.vector_load %arg15[%swap3A_868] {strides = array<i32>} : memref<16784xf32, #tpu.memory_space<vmem>>, vector<16xf32>,
        %swap3A_870 = vector.shape_cast %swap3A_869 : vector<16xf32> to vector<16xf32>
        %swap3A_871 = vector.shape_cast %sub3A_865 : vector<16xf32> to vector<16xf32>
        tpu.vector_store %arg15[%swap3A_868], %swap3A_871 {strides = array<i32>} : memref<16784xf32, #tpu.memory_space<vmem>>, vector<16xf32>,
        %mul3A_872 = arith.constant 16 : i32
        %mul3A_873 = arith.muli %scan3A_115, %mul3A_872 : i32
        %add3A_874 = arith.constant 4 : i32
        %add3A_875 = arith.addi %mul3A_873, %add3A_874 : i32
        %get3A_876 = arith.index_cast %add3A_875 : i32 to index
        %get3A_877 = arith.constant 80 : index
        %get3A_878 = tpu.vector_load %arg9[%get3A_876, %get3A_877] {strides = array<i32>} : memref<128x144xf32, #tpu.memory_space<vmem>>, vector<1x16xf32>,
        %get3A_879 = vector.shape_cast %get3A_878 : vector<1x16xf32> to vector<16xf32>
        %mul3A_880 = arith.mulf %get3A_879, %get3A_37 : vector<16xf32>
        %sub3A_881 = arith.subf %mul3A_880, %sub3A_169 : vector<16xf32>
        %add3A_882 = arith.constant 80 : i32
        %add3A_883 = arith.addi %add3A_791, %add3A_882 : i32
        %swap3A_884 = arith.index_cast %add3A_883 : i32 to index
        %swap3A_885 = tpu.vector_load %arg15[%swap3A_884] {strides = array<i32>} : memref<16784xf32, #tpu.memory_space<vmem>>, vector<16xf32>,
        %swap3A_886 = vector.shape_cast %swap3A_885 : vector<16xf32> to vector<16xf32>
        %swap3A_887 = vector.shape_cast %sub3A_881 : vector<16xf32> to vector<16xf32>
        tpu.vector_store %arg15[%swap3A_884], %swap3A_887 {strides = array<i32>} : memref<16784xf32, #tpu.memory_space<vmem>>, vector<16xf32>,
        %mul3A_888 = arith.constant 16 : i32
        %mul3A_889 = arith.muli %scan3A_115, %mul3A_888 : i32
        %add3A_890 = arith.constant 4 : i32
        %add3A_891 = arith.addi %mul3A_889, %add3A_890 : i32
        %get3A_892 = arith.index_cast %add3A_891 : i32 to index
        %get3A_893 = arith.constant 96 : index
        %get3A_894 = tpu.vector_load %arg9[%get3A_892, %get3A_893] {strides = array<i32>} : memref<128x144xf32, #tpu.memory_space<vmem>>, vector<1x16xf32>,
        %get3A_895 = vector.shape_cast %get3A_894 : vector<1x16xf32> to vector<16xf32>
        %mul3A_896 = arith.mulf %get3A_895, %get3A_40 : vector<16xf32>
        %sub3A_897 = arith.subf %mul3A_896, %sub3A_178 : vector<16xf32>
        %add3A_898 = arith.constant 96 : i32
        %add3A_899 = arith.addi %add3A_791, %add3A_898 : i32
        %swap3A_900 = arith.index_cast %add3A_899 : i32 to index
        %swap3A_901 = tpu.vector_load %arg15[%swap3A_900] {strides = array<i32>} : memref<16784xf32, #tpu.memory_space<vmem>>, vector<16xf32>,
        %swap3A_902 = vector.shape_cast %swap3A_901 : vector<16xf32> to vector<16xf32>
        %swap3A_903 = vector.shape_cast %sub3A_897 : vector<16xf32> to vector<16xf32>
        tpu.vector_store %arg15[%swap3A_900], %swap3A_903 {strides = array<i32>} : memref<16784xf32, #tpu.memory_space<vmem>>, vector<16xf32>,
        %mul3A_904 = arith.constant 16 : i32
        %mul3A_905 = arith.muli %scan3A_115, %mul3A_904 : i32
        %add3A_906 = arith.constant 4 : i32
        %add3A_907 = arith.addi %mul3A_905, %add3A_906 : i32
        %get3A_908 = arith.index_cast %add3A_907 : i32 to index
        %get3A_909 = arith.constant 112 : index
        %get3A_910 = tpu.vector_load %arg9[%get3A_908, %get3A_909] {strides = array<i32>} : memref<128x144xf32, #tpu.memory_space<vmem>>, vector<1x16xf32>,
        %get3A_911 = vector.shape_cast %get3A_910 : vector<1x16xf32> to vector<16xf32>
        %mul3A_912 = arith.mulf %get3A_911, %get3A_43 : vector<16xf32>
        %sub3A_913 = arith.subf %mul3A_912, %sub3A_187 : vector<16xf32>
        %add3A_914 = arith.constant 112 : i32
        %add3A_915 = arith.addi %add3A_791, %add3A_914 : i32
        %swap3A_916 = arith.index_cast %add3A_915 : i32 to index
        %swap3A_917 = tpu.vector_load %arg15[%swap3A_916] {strides = array<i32>} : memref<16784xf32, #tpu.memory_space<vmem>>, vector<16xf32>,
        %swap3A_918 = vector.shape_cast %swap3A_917 : vector<16xf32> to vector<16xf32>
        %swap3A_919 = vector.shape_cast %sub3A_913 : vector<16xf32> to vector<16xf32>
        tpu.vector_store %arg15[%swap3A_916], %swap3A_919 {strides = array<i32>} : memref<16784xf32, #tpu.memory_space<vmem>>, vector<16xf32>,
        %mul3A_920 = arith.constant 16 : i32
        %mul3A_921 = arith.muli %scan3A_115, %mul3A_920 : i32
        %add3A_922 = arith.constant 4 : i32
        %add3A_923 = arith.addi %mul3A_921, %add3A_922 : i32
        %get3A_924 = arith.index_cast %add3A_923 : i32 to index
        %get3A_925 = arith.constant 128 : index
        %get3A_926 = tpu.vector_load %arg9[%get3A_924, %get3A_925] {strides = array<i32>} : memref<128x144xf32, #tpu.memory_space<vmem>>, vector<1x16xf32>,
        %get3A_927 = vector.shape_cast %get3A_926 : vector<1x16xf32> to vector<16xf32>
        %mul3A_928 = arith.mulf %get3A_927, %get3A_46 : vector<16xf32>
        %sub3A_929 = arith.subf %mul3A_928, %sub3A_196 : vector<16xf32>
        %add3A_930 = arith.constant 128 : i32
        %add3A_931 = arith.addi %add3A_791, %add3A_930 : i32
        %swap3A_932 = arith.index_cast %add3A_931 : i32 to index
        %swap3A_933 = tpu.vector_load %arg15[%swap3A_932] {strides = array<i32>} : memref<16784xf32, #tpu.memory_space<vmem>>, vector<16xf32>,
        %swap3A_934 = vector.shape_cast %swap3A_933 : vector<16xf32> to vector<16xf32>
        %swap3A_935 = vector.shape_cast %sub3A_929 : vector<16xf32> to vector<16xf32>
        tpu.vector_store %arg15[%swap3A_932], %swap3A_935 {strides = array<i32>} : memref<16784xf32, #tpu.memory_space<vmem>>, vector<16xf32>,
        %mul3A_936 = arith.constant 2096 : i32
        %mul3A_937 = arith.muli %scan3A_115, %mul3A_936 : i32
        %add3A_938 = arith.constant 655 : i32
        %add3A_939 = arith.addi %mul3A_937, %add3A_938 : i32
        %mul3A_940 = arith.constant 16 : i32
        %mul3A_941 = arith.muli %scan3A_115, %mul3A_940 : i32
        %add3A_942 = arith.constant 5 : i32
        %add3A_943 = arith.addi %mul3A_941, %add3A_942 : i32
        %get3A_944 = arith.index_cast %add3A_943 : i32 to index
        %get3A_945 = arith.constant 0 : index
        %get3A_946 = tpu.vector_load %arg9[%get3A_944, %get3A_945] {strides = array<i32>} : memref<128x144xf32, #tpu.memory_space<vmem>>, vector<1x16xf32>,
        %get3A_947 = vector.shape_cast %get3A_946 : vector<1x16xf32> to vector<16xf32>
        %mul3A_948 = arith.mulf %get3A_947, %get3A_22 : vector<16xf32>
        %sub3A_949 = arith.subf %mul3A_948, %sub3A_124 : vector<16xf32>
        %add3A_950 = arith.constant 0 : i32
        %add3A_951 = arith.addi %add3A_939, %add3A_950 : i32
        %swap3A_952 = arith.index_cast %add3A_951 : i32 to index
        %swap3A_953 = tpu.vector_load %arg15[%swap3A_952] {strides = array<i32>} : memref<16784xf32, #tpu.memory_space<vmem>>, vector<16xf32>,
        %swap3A_954 = vector.shape_cast %swap3A_953 : vector<16xf32> to vector<16xf32>
        %swap3A_955 = vector.shape_cast %sub3A_949 : vector<16xf32> to vector<16xf32>
        tpu.vector_store %arg15[%swap3A_952], %swap3A_955 {strides = array<i32>} : memref<16784xf32, #tpu.memory_space<vmem>>, vector<16xf32>,
        %mul3A_956 = arith.constant 16 : i32
        %mul3A_957 = arith.muli %scan3A_115, %mul3A_956 : i32
        %add3A_958 = arith.constant 5 : i32
        %add3A_959 = arith.addi %mul3A_957, %add3A_958 : i32
        %get3A_960 = arith.index_cast %add3A_959 : i32 to index
        %get3A_961 = arith.constant 16 : index
        %get3A_962 = tpu.vector_load %arg9[%get3A_960, %get3A_961] {strides = array<i32>} : memref<128x144xf32, #tpu.memory_space<vmem>>, vector<1x16xf32>,
        %get3A_963 = vector.shape_cast %get3A_962 : vector<1x16xf32> to vector<16xf32>
        %mul3A_964 = arith.mulf %get3A_963, %get3A_25 : vector<16xf32>
        %sub3A_965 = arith.subf %mul3A_964, %sub3A_133 : vector<16xf32>
        %add3A_966 = arith.constant 16 : i32
        %add3A_967 = arith.addi %add3A_939, %add3A_966 : i32
        %swap3A_968 = arith.index_cast %add3A_967 : i32 to index
        %swap3A_969 = tpu.vector_load %arg15[%swap3A_968] {strides = array<i32>} : memref<16784xf32, #tpu.memory_space<vmem>>, vector<16xf32>,
        %swap3A_970 = vector.shape_cast %swap3A_969 : vector<16xf32> to vector<16xf32>
        %swap3A_971 = vector.shape_cast %sub3A_965 : vector<16xf32> to vector<16xf32>
        tpu.vector_store %arg15[%swap3A_968], %swap3A_971 {strides = array<i32>} : memref<16784xf32, #tpu.memory_space<vmem>>, vector<16xf32>,
        %mul3A_972 = arith.constant 16 : i32
        %mul3A_973 = arith.muli %scan3A_115, %mul3A_972 : i32
        %add3A_974 = arith.constant 5 : i32
        %add3A_975 = arith.addi %mul3A_973, %add3A_974 : i32
        %get3A_976 = arith.index_cast %add3A_975 : i32 to index
        %get3A_977 = arith.constant 32 : index
        %get3A_978 = tpu.vector_load %arg9[%get3A_976, %get3A_977] {strides = array<i32>} : memref<128x144xf32, #tpu.memory_space<vmem>>, vector<1x16xf32>,
        %get3A_979 = vector.shape_cast %get3A_978 : vector<1x16xf32> to vector<16xf32>
        %mul3A_980 = arith.mulf %get3A_979, %get3A_28 : vector<16xf32>
        %sub3A_981 = arith.subf %mul3A_980, %sub3A_142 : vector<16xf32>
        %add3A_982 = arith.constant 32 : i32
        %add3A_983 = arith.addi %add3A_939, %add3A_982 : i32
        %swap3A_984 = arith.index_cast %add3A_983 : i32 to index
        %swap3A_985 = tpu.vector_load %arg15[%swap3A_984] {strides = array<i32>} : memref<16784xf32, #tpu.memory_space<vmem>>, vector<16xf32>,
        %swap3A_986 = vector.shape_cast %swap3A_985 : vector<16xf32> to vector<16xf32>
        %swap3A_987 = vector.shape_cast %sub3A_981 : vector<16xf32> to vector<16xf32>
        tpu.vector_store %arg15[%swap3A_984], %swap3A_987 {strides = array<i32>} : memref<16784xf32, #tpu.memory_space<vmem>>, vector<16xf32>,
        %mul3A_988 = arith.constant 16 : i32
        %mul3A_989 = arith.muli %scan3A_115, %mul3A_988 : i32
        %add3A_990 = arith.constant 5 : i32
        %add3A_991 = arith.addi %mul3A_989, %add3A_990 : i32
        %get3A_992 = arith.index_cast %add3A_991 : i32 to index
        %get3A_993 = arith.constant 48 : index
        %get3A_994 = tpu.vector_load %arg9[%get3A_992, %get3A_993] {strides = array<i32>} : memref<128x144xf32, #tpu.memory_space<vmem>>, vector<1x16xf32>,
        %get3A_995 = vector.shape_cast %get3A_994 : vector<1x16xf32> to vector<16xf32>
        %mul3A_996 = arith.mulf %get3A_995, %get3A_31 : vector<16xf32>
        %sub3A_997 = arith.subf %mul3A_996, %sub3A_151 : vector<16xf32>
        %add3A_998 = arith.constant 48 : i32
        %add3A_999 = arith.addi %add3A_939, %add3A_998 : i32
        %swap3A_1000 = arith.index_cast %add3A_999 : i32 to index
        %swap3A_1001 = tpu.vector_load %arg15[%swap3A_1000] {strides = array<i32>} : memref<16784xf32, #tpu.memory_space<vmem>>, vector<16xf32>,
        %swap3A_1002 = vector.shape_cast %swap3A_1001 : vector<16xf32> to vector<16xf32>
        %swap3A_1003 = vector.shape_cast %sub3A_997 : vector<16xf32> to vector<16xf32>
        tpu.vector_store %arg15[%swap3A_1000], %swap3A_1003 {strides = array<i32>} : memref<16784xf32, #tpu.memory_space<vmem>>, vector<16xf32>,
        %mul3A_1004 = arith.constant 16 : i32
        %mul3A_1005 = arith.muli %scan3A_115, %mul3A_1004 : i32
        %add3A_1006 = arith.constant 5 : i32
        %add3A_1007 = arith.addi %mul3A_1005, %add3A_1006 : i32
        %get3A_1008 = arith.index_cast %add3A_1007 : i32 to index
        %get3A_1009 = arith.constant 64 : index
        %get3A_1010 = tpu.vector_load %arg9[%get3A_1008, %get3A_1009] {strides = array<i32>} : memref<128x144xf32, #tpu.memory_space<vmem>>, vector<1x16xf32>,
        %get3A_1011 = vector.shape_cast %get3A_1010 : vector<1x16xf32> to vector<16xf32>
        %mul3A_1012 = arith.mulf %get3A_1011, %get3A_34 : vector<16xf32>
        %sub3A_1013 = arith.subf %mul3A_1012, %sub3A_160 : vector<16xf32>
        %add3A_1014 = arith.constant 64 : i32
        %add3A_1015 = arith.addi %add3A_939, %add3A_1014 : i32
        %swap3A_1016 = arith.index_cast %add3A_1015 : i32 to index
        %swap3A_1017 = tpu.vector_load %arg15[%swap3A_1016] {strides = array<i32>} : memref<16784xf32, #tpu.memory_space<vmem>>, vector<16xf32>,
        %swap3A_1018 = vector.shape_cast %swap3A_1017 : vector<16xf32> to vector<16xf32>
        %swap3A_1019 = vector.shape_cast %sub3A_1013 : vector<16xf32> to vector<16xf32>
        tpu.vector_store %arg15[%swap3A_1016], %swap3A_1019 {strides = array<i32>} : memref<16784xf32, #tpu.memory_space<vmem>>, vector<16xf32>,
        %mul3A_1020 = arith.constant 16 : i32
        %mul3A_1021 = arith.muli %scan3A_115, %mul3A_1020 : i32
        %add3A_1022 = arith.constant 5 : i32
        %add3A_1023 = arith.addi %mul3A_1021, %add3A_1022 : i32
        %get3A_1024 = arith.index_cast %add3A_1023 : i32 to index
        %get3A_1025 = arith.constant 80 : index
        %get3A_1026 = tpu.vector_load %arg9[%get3A_1024, %get3A_1025] {strides = array<i32>} : memref<128x144xf32, #tpu.memory_space<vmem>>, vector<1x16xf32>,
        %get3A_1027 = vector.shape_cast %get3A_1026 : vector<1x16xf32> to vector<16xf32>
        %mul3A_1028 = arith.mulf %get3A_1027, %get3A_37 : vector<16xf32>
        %sub3A_1029 = arith.subf %mul3A_1028, %sub3A_169 : vector<16xf32>
        %add3A_1030 = arith.constant 80 : i32
        %add3A_1031 = arith.addi %add3A_939, %add3A_1030 : i32
        %swap3A_1032 = arith.index_cast %add3A_1031 : i32 to index
        %swap3A_1033 = tpu.vector_load %arg15[%swap3A_1032] {strides = array<i32>} : memref<16784xf32, #tpu.memory_space<vmem>>, vector<16xf32>,
        %swap3A_1034 = vector.shape_cast %swap3A_1033 : vector<16xf32> to vector<16xf32>
        %swap3A_1035 = vector.shape_cast %sub3A_1029 : vector<16xf32> to vector<16xf32>
        tpu.vector_store %arg15[%swap3A_1032], %swap3A_1035 {strides = array<i32>} : memref<16784xf32, #tpu.memory_space<vmem>>, vector<16xf32>,
        %mul3A_1036 = arith.constant 16 : i32
        %mul3A_1037 = arith.muli %scan3A_115, %mul3A_1036 : i32
        %add3A_1038 = arith.constant 5 : i32
        %add3A_1039 = arith.addi %mul3A_1037, %add3A_1038 : i32
        %get3A_1040 = arith.index_cast %add3A_1039 : i32 to index
        %get3A_1041 = arith.constant 96 : index
        %get3A_1042 = tpu.vector_load %arg9[%get3A_1040, %get3A_1041] {strides = array<i32>} : memref<128x144xf32, #tpu.memory_space<vmem>>, vector<1x16xf32>,
        %get3A_1043 = vector.shape_cast %get3A_1042 : vector<1x16xf32> to vector<16xf32>
        %mul3A_1044 = arith.mulf %get3A_1043, %get3A_40 : vector<16xf32>
        %sub3A_1045 = arith.subf %mul3A_1044, %sub3A_178 : vector<16xf32>
        %add3A_1046 = arith.constant 96 : i32
        %add3A_1047 = arith.addi %add3A_939, %add3A_1046 : i32
        %swap3A_1048 = arith.index_cast %add3A_1047 : i32 to index
        %swap3A_1049 = tpu.vector_load %arg15[%swap3A_1048] {strides = array<i32>} : memref<16784xf32, #tpu.memory_space<vmem>>, vector<16xf32>,
        %swap3A_1050 = vector.shape_cast %swap3A_1049 : vector<16xf32> to vector<16xf32>
        %swap3A_1051 = vector.shape_cast %sub3A_1045 : vector<16xf32> to vector<16xf32>
        tpu.vector_store %arg15[%swap3A_1048], %swap3A_1051 {strides = array<i32>} : memref<16784xf32, #tpu.memory_space<vmem>>, vector<16xf32>,
        %mul3A_1052 = arith.constant 16 : i32
        %mul3A_1053 = arith.muli %scan3A_115, %mul3A_1052 : i32
        %add3A_1054 = arith.constant 5 : i32
        %add3A_1055 = arith.addi %mul3A_1053, %add3A_1054 : i32
        %get3A_1056 = arith.index_cast %add3A_1055 : i32 to index
        %get3A_1057 = arith.constant 112 : index
        %get3A_1058 = tpu.vector_load %arg9[%get3A_1056, %get3A_1057] {strides = array<i32>} : memref<128x144xf32, #tpu.memory_space<vmem>>, vector<1x16xf32>,
        %get3A_1059 = vector.shape_cast %get3A_1058 : vector<1x16xf32> to vector<16xf32>
        %mul3A_1060 = arith.mulf %get3A_1059, %get3A_43 : vector<16xf32>
        %sub3A_1061 = arith.subf %mul3A_1060, %sub3A_187 : vector<16xf32>
        %add3A_1062 = arith.constant 112 : i32
        %add3A_1063 = arith.addi %add3A_939, %add3A_1062 : i32
        %swap3A_1064 = arith.index_cast %add3A_1063 : i32 to index
        %swap3A_1065 = tpu.vector_load %arg15[%swap3A_1064] {strides = array<i32>} : memref<16784xf32, #tpu.memory_space<vmem>>, vector<16xf32>,
        %swap3A_1066 = vector.shape_cast %swap3A_1065 : vector<16xf32> to vector<16xf32>
        %swap3A_1067 = vector.shape_cast %sub3A_1061 : vector<16xf32> to vector<16xf32>
        tpu.vector_store %arg15[%swap3A_1064], %swap3A_1067 {strides = array<i32>} : memref<16784xf32, #tpu.memory_space<vmem>>, vector<16xf32>,
        %mul3A_1068 = arith.constant 16 : i32
        %mul3A_1069 = arith.muli %scan3A_115, %mul3A_1068 : i32
        %add3A_1070 = arith.constant 5 : i32
        %add3A_1071 = arith.addi %mul3A_1069, %add3A_1070 : i32
        %get3A_1072 = arith.index_cast %add3A_1071 : i32 to index
        %get3A_1073 = arith.constant 128 : index
        %get3A_1074 = tpu.vector_load %arg9[%get3A_1072, %get3A_1073] {strides = array<i32>} : memref<128x144xf32, #tpu.memory_space<vmem>>, vector<1x16xf32>,
        %get3A_1075 = vector.shape_cast %get3A_1074 : vector<1x16xf32> to vector<16xf32>
        %mul3A_1076 = arith.mulf %get3A_1075, %get3A_46 : vector<16xf32>
        %sub3A_1077 = arith.subf %mul3A_1076, %sub3A_196 : vector<16xf32>
        %add3A_1078 = arith.constant 128 : i32
        %add3A_1079 = arith.addi %add3A_939, %add3A_1078 : i32
        %swap3A_1080 = arith.index_cast %add3A_1079 : i32 to index
        %swap3A_1081 = tpu.vector_load %arg15[%swap3A_1080] {strides = array<i32>} : memref<16784xf32, #tpu.memory_space<vmem>>, vector<16xf32>,
        %swap3A_1082 = vector.shape_cast %swap3A_1081 : vector<16xf32> to vector<16xf32>
        %swap3A_1083 = vector.shape_cast %sub3A_1077 : vector<16xf32> to vector<16xf32>
        tpu.vector_store %arg15[%swap3A_1080], %swap3A_1083 {strides = array<i32>} : memref<16784xf32, #tpu.memory_space<vmem>>, vector<16xf32>,
        %mul3A_1084 = arith.constant 2096 : i32
        %mul3A_1085 = arith.muli %scan3A_115, %mul3A_1084 : i32
        %add3A_1086 = arith.constant 786 : i32
        %add3A_1087 = arith.addi %mul3A_1085, %add3A_1086 : i32
        %mul3A_1088 = arith.constant 16 : i32
        %mul3A_1089 = arith.muli %scan3A_115, %mul3A_1088 : i32
        %add3A_1090 = arith.constant 6 : i32
        %add3A_1091 = arith.addi %mul3A_1089, %add3A_1090 : i32
        %get3A_1092 = arith.index_cast %add3A_1091 : i32 to index
        %get3A_1093 = arith.constant 0 : index
        %get3A_1094 = tpu.vector_load %arg9[%get3A_1092, %get3A_1093] {strides = array<i32>} : memref<128x144xf32, #tpu.memory_space<vmem>>, vector<1x16xf32>,
        %get3A_1095 = vector.shape_cast %get3A_1094 : vector<1x16xf32> to vector<16xf32>
        %mul3A_1096 = arith.mulf %get3A_1095, %get3A_22 : vector<16xf32>
        %sub3A_1097 = arith.subf %mul3A_1096, %sub3A_124 : vector<16xf32>
        %add3A_1098 = arith.constant 0 : i32
        %add3A_1099 = arith.addi %add3A_1087, %add3A_1098 : i32
        %swap3A_1100 = arith.index_cast %add3A_1099 : i32 to index
        %swap3A_1101 = tpu.vector_load %arg15[%swap3A_1100] {strides = array<i32>} : memref<16784xf32, #tpu.memory_space<vmem>>, vector<16xf32>,
        %swap3A_1102 = vector.shape_cast %swap3A_1101 : vector<16xf32> to vector<16xf32>
        %swap3A_1103 = vector.shape_cast %sub3A_1097 : vector<16xf32> to vector<16xf32>
        tpu.vector_store %arg15[%swap3A_1100], %swap3A_1103 {strides = array<i32>} : memref<16784xf32, #tpu.memory_space<vmem>>, vector<16xf32>,
        %mul3A_1104 = arith.constant 16 : i32
        %mul3A_1105 = arith.muli %scan3A_115, %mul3A_1104 : i32
        %add3A_1106 = arith.constant 6 : i32
        %add3A_1107 = arith.addi %mul3A_1105, %add3A_1106 : i32
        %get3A_1108 = arith.index_cast %add3A_1107 : i32 to index
        %get3A_1109 = arith.constant 16 : index
        %get3A_1110 = tpu.vector_load %arg9[%get3A_1108, %get3A_1109] {strides = array<i32>} : memref<128x144xf32, #tpu.memory_space<vmem>>, vector<1x16xf32>,
        %get3A_1111 = vector.shape_cast %get3A_1110 : vector<1x16xf32> to vector<16xf32>
        %mul3A_1112 = arith.mulf %get3A_1111, %get3A_25 : vector<16xf32>
        %sub3A_1113 = arith.subf %mul3A_1112, %sub3A_133 : vector<16xf32>
        %add3A_1114 = arith.constant 16 : i32
        %add3A_1115 = arith.addi %add3A_1087, %add3A_1114 : i32
        %swap3A_1116 = arith.index_cast %add3A_1115 : i32 to index
        %swap3A_1117 = tpu.vector_load %arg15[%swap3A_1116] {strides = array<i32>} : memref<16784xf32, #tpu.memory_space<vmem>>, vector<16xf32>,
        %swap3A_1118 = vector.shape_cast %swap3A_1117 : vector<16xf32> to vector<16xf32>
        %swap3A_1119 = vector.shape_cast %sub3A_1113 : vector<16xf32> to vector<16xf32>
        tpu.vector_store %arg15[%swap3A_1116], %swap3A_1119 {strides = array<i32>} : memref<16784xf32, #tpu.memory_space<vmem>>, vector<16xf32>,
        %mul3A_1120 = arith.constant 16 : i32
        %mul3A_1121 = arith.muli %scan3A_115, %mul3A_1120 : i32
        %add3A_1122 = arith.constant 6 : i32
        %add3A_1123 = arith.addi %mul3A_1121, %add3A_1122 : i32
        %get3A_1124 = arith.index_cast %add3A_1123 : i32 to index
        %get3A_1125 = arith.constant 32 : index
        %get3A_1126 = tpu.vector_load %arg9[%get3A_1124, %get3A_1125] {strides = array<i32>} : memref<128x144xf32, #tpu.memory_space<vmem>>, vector<1x16xf32>,
        %get3A_1127 = vector.shape_cast %get3A_1126 : vector<1x16xf32> to vector<16xf32>
        %mul3A_1128 = arith.mulf %get3A_1127, %get3A_28 : vector<16xf32>
        %sub3A_1129 = arith.subf %mul3A_1128, %sub3A_142 : vector<16xf32>
        %add3A_1130 = arith.constant 32 : i32
        %add3A_1131 = arith.addi %add3A_1087, %add3A_1130 : i32
        %swap3A_1132 = arith.index_cast %add3A_1131 : i32 to index
        %swap3A_1133 = tpu.vector_load %arg15[%swap3A_1132] {strides = array<i32>} : memref<16784xf32, #tpu.memory_space<vmem>>, vector<16xf32>,
        %swap3A_1134 = vector.shape_cast %swap3A_1133 : vector<16xf32> to vector<16xf32>
        %swap3A_1135 = vector.shape_cast %sub3A_1129 : vector<16xf32> to vector<16xf32>
        tpu.vector_store %arg15[%swap3A_1132], %swap3A_1135 {strides = array<i32>} : memref<16784xf32, #tpu.memory_space<vmem>>, vector<16xf32>,
        %mul3A_1136 = arith.constant 16 : i32
        %mul3A_1137 = arith.muli %scan3A_115, %mul3A_1136 : i32
        %add3A_1138 = arith.constant 6 : i32
        %add3A_1139 = arith.addi %mul3A_1137, %add3A_1138 : i32
        %get3A_1140 = arith.index_cast %add3A_1139 : i32 to index
        %get3A_1141 = arith.constant 48 : index
        %get3A_1142 = tpu.vector_load %arg9[%get3A_1140, %get3A_1141] {strides = array<i32>} : memref<128x144xf32, #tpu.memory_space<vmem>>, vector<1x16xf32>,
        %get3A_1143 = vector.shape_cast %get3A_1142 : vector<1x16xf32> to vector<16xf32>
        %mul3A_1144 = arith.mulf %get3A_1143, %get3A_31 : vector<16xf32>
        %sub3A_1145 = arith.subf %mul3A_1144, %sub3A_151 : vector<16xf32>
        %add3A_1146 = arith.constant 48 : i32
        %add3A_1147 = arith.addi %add3A_1087, %add3A_1146 : i32
        %swap3A_1148 = arith.index_cast %add3A_1147 : i32 to index
        %swap3A_1149 = tpu.vector_load %arg15[%swap3A_1148] {strides = array<i32>} : memref<16784xf32, #tpu.memory_space<vmem>>, vector<16xf32>,
        %swap3A_1150 = vector.shape_cast %swap3A_1149 : vector<16xf32> to vector<16xf32>
        %swap3A_1151 = vector.shape_cast %sub3A_1145 : vector<16xf32> to vector<16xf32>
        tpu.vector_store %arg15[%swap3A_1148], %swap3A_1151 {strides = array<i32>} : memref<16784xf32, #tpu.memory_space<vmem>>, vector<16xf32>,
        %mul3A_1152 = arith.constant 16 : i32
        %mul3A_1153 = arith.muli %scan3A_115, %mul3A_1152 : i32
        %add3A_1154 = arith.constant 6 : i32
        %add3A_1155 = arith.addi %mul3A_1153, %add3A_1154 : i32
        %get3A_1156 = arith.index_cast %add3A_1155 : i32 to index
        %get3A_1157 = arith.constant 64 : index
        %get3A_1158 = tpu.vector_load %arg9[%get3A_1156, %get3A_1157] {strides = array<i32>} : memref<128x144xf32, #tpu.memory_space<vmem>>, vector<1x16xf32>,
        %get3A_1159 = vector.shape_cast %get3A_1158 : vector<1x16xf32> to vector<16xf32>
        %mul3A_1160 = arith.mulf %get3A_1159, %get3A_34 : vector<16xf32>
        %sub3A_1161 = arith.subf %mul3A_1160, %sub3A_160 : vector<16xf32>
        %add3A_1162 = arith.constant 64 : i32
        %add3A_1163 = arith.addi %add3A_1087, %add3A_1162 : i32
        %swap3A_1164 = arith.index_cast %add3A_1163 : i32 to index
        %swap3A_1165 = tpu.vector_load %arg15[%swap3A_1164] {strides = array<i32>} : memref<16784xf32, #tpu.memory_space<vmem>>, vector<16xf32>,
        %swap3A_1166 = vector.shape_cast %swap3A_1165 : vector<16xf32> to vector<16xf32>
        %swap3A_1167 = vector.shape_cast %sub3A_1161 : vector<16xf32> to vector<16xf32>
        tpu.vector_store %arg15[%swap3A_1164], %swap3A_1167 {strides = array<i32>} : memref<16784xf32, #tpu.memory_space<vmem>>, vector<16xf32>,
        %mul3A_1168 = arith.constant 16 : i32
        %mul3A_1169 = arith.muli %scan3A_115, %mul3A_1168 : i32
        %add3A_1170 = arith.constant 6 : i32
        %add3A_1171 = arith.addi %mul3A_1169, %add3A_1170 : i32
        %get3A_1172 = arith.index_cast %add3A_1171 : i32 to index
        %get3A_1173 = arith.constant 80 : index
        %get3A_1174 = tpu.vector_load %arg9[%get3A_1172, %get3A_1173] {strides = array<i32>} : memref<128x144xf32, #tpu.memory_space<vmem>>, vector<1x16xf32>,
        %get3A_1175 = vector.shape_cast %get3A_1174 : vector<1x16xf32> to vector<16xf32>
        %mul3A_1176 = arith.mulf %get3A_1175, %get3A_37 : vector<16xf32>
        %sub3A_1177 = arith.subf %mul3A_1176, %sub3A_169 : vector<16xf32>
        %add3A_1178 = arith.constant 80 : i32
        %add3A_1179 = arith.addi %add3A_1087, %add3A_1178 : i32
        %swap3A_1180 = arith.index_cast %add3A_1179 : i32 to index
        %swap3A_1181 = tpu.vector_load %arg15[%swap3A_1180] {strides = array<i32>} : memref<16784xf32, #tpu.memory_space<vmem>>, vector<16xf32>,
        %swap3A_1182 = vector.shape_cast %swap3A_1181 : vector<16xf32> to vector<16xf32>
        %swap3A_1183 = vector.shape_cast %sub3A_1177 : vector<16xf32> to vector<16xf32>
        tpu.vector_store %arg15[%swap3A_1180], %swap3A_1183 {strides = array<i32>} : memref<16784xf32, #tpu.memory_space<vmem>>, vector<16xf32>,
        %mul3A_1184 = arith.constant 16 : i32
        %mul3A_1185 = arith.muli %scan3A_115, %mul3A_1184 : i32
        %add3A_1186 = arith.constant 6 : i32
        %add3A_1187 = arith.addi %mul3A_1185, %add3A_1186 : i32
        %get3A_1188 = arith.index_cast %add3A_1187 : i32 to index
        %get3A_1189 = arith.constant 96 : index
        %get3A_1190 = tpu.vector_load %arg9[%get3A_1188, %get3A_1189] {strides = array<i32>} : memref<128x144xf32, #tpu.memory_space<vmem>>, vector<1x16xf32>,
        %get3A_1191 = vector.shape_cast %get3A_1190 : vector<1x16xf32> to vector<16xf32>
        %mul3A_1192 = arith.mulf %get3A_1191, %get3A_40 : vector<16xf32>
        %sub3A_1193 = arith.subf %mul3A_1192, %sub3A_178 : vector<16xf32>
        %add3A_1194 = arith.constant 96 : i32
        %add3A_1195 = arith.addi %add3A_1087, %add3A_1194 : i32
        %swap3A_1196 = arith.index_cast %add3A_1195 : i32 to index
        %swap3A_1197 = tpu.vector_load %arg15[%swap3A_1196] {strides = array<i32>} : memref<16784xf32, #tpu.memory_space<vmem>>, vector<16xf32>,
        %swap3A_1198 = vector.shape_cast %swap3A_1197 : vector<16xf32> to vector<16xf32>
        %swap3A_1199 = vector.shape_cast %sub3A_1193 : vector<16xf32> to vector<16xf32>
        tpu.vector_store %arg15[%swap3A_1196], %swap3A_1199 {strides = array<i32>} : memref<16784xf32, #tpu.memory_space<vmem>>, vector<16xf32>,
        %mul3A_1200 = arith.constant 16 : i32
        %mul3A_1201 = arith.muli %scan3A_115, %mul3A_1200 : i32
        %add3A_1202 = arith.constant 6 : i32
        %add3A_1203 = arith.addi %mul3A_1201, %add3A_1202 : i32
        %get3A_1204 = arith.index_cast %add3A_1203 : i32 to index
        %get3A_1205 = arith.constant 112 : index
        %get3A_1206 = tpu.vector_load %arg9[%get3A_1204, %get3A_1205] {strides = array<i32>} : memref<128x144xf32, #tpu.memory_space<vmem>>, vector<1x16xf32>,
        %get3A_1207 = vector.shape_cast %get3A_1206 : vector<1x16xf32> to vector<16xf32>
        %mul3A_1208 = arith.mulf %get3A_1207, %get3A_43 : vector<16xf32>
        %sub3A_1209 = arith.subf %mul3A_1208, %sub3A_187 : vector<16xf32>
        %add3A_1210 = arith.constant 112 : i32
        %add3A_1211 = arith.addi %add3A_1087, %add3A_1210 : i32
        %swap3A_1212 = arith.index_cast %add3A_1211 : i32 to index
        %swap3A_1213 = tpu.vector_load %arg15[%swap3A_1212] {strides = array<i32>} : memref<16784xf32, #tpu.memory_space<vmem>>, vector<16xf32>,
        %swap3A_1214 = vector.shape_cast %swap3A_1213 : vector<16xf32> to vector<16xf32>
        %swap3A_1215 = vector.shape_cast %sub3A_1209 : vector<16xf32> to vector<16xf32>
        tpu.vector_store %arg15[%swap3A_1212], %swap3A_1215 {strides = array<i32>} : memref<16784xf32, #tpu.memory_space<vmem>>, vector<16xf32>,
        %mul3A_1216 = arith.constant 16 : i32
        %mul3A_1217 = arith.muli %scan3A_115, %mul3A_1216 : i32
        %add3A_1218 = arith.constant 6 : i32
        %add3A_1219 = arith.addi %mul3A_1217, %add3A_1218 : i32
        %get3A_1220 = arith.index_cast %add3A_1219 : i32 to index
        %get3A_1221 = arith.constant 128 : index
        %get3A_1222 = tpu.vector_load %arg9[%get3A_1220, %get3A_1221] {strides = array<i32>} : memref<128x144xf32, #tpu.memory_space<vmem>>, vector<1x16xf32>,
        %get3A_1223 = vector.shape_cast %get3A_1222 : vector<1x16xf32> to vector<16xf32>
        %mul3A_1224 = arith.mulf %get3A_1223, %get3A_46 : vector<16xf32>
        %sub3A_1225 = arith.subf %mul3A_1224, %sub3A_196 : vector<16xf32>
        %add3A_1226 = arith.constant 128 : i32
        %add3A_1227 = arith.addi %add3A_1087, %add3A_1226 : i32
        %swap3A_1228 = arith.index_cast %add3A_1227 : i32 to index
        %swap3A_1229 = tpu.vector_load %arg15[%swap3A_1228] {strides = array<i32>} : memref<16784xf32, #tpu.memory_space<vmem>>, vector<16xf32>,
        %swap3A_1230 = vector.shape_cast %swap3A_1229 : vector<16xf32> to vector<16xf32>
        %swap3A_1231 = vector.shape_cast %sub3A_1225 : vector<16xf32> to vector<16xf32>
        tpu.vector_store %arg15[%swap3A_1228], %swap3A_1231 {strides = array<i32>} : memref<16784xf32, #tpu.memory_space<vmem>>, vector<16xf32>,
        %mul3A_1232 = arith.constant 2096 : i32
        %mul3A_1233 = arith.muli %scan3A_115, %mul3A_1232 : i32
        %add3A_1234 = arith.constant 917 : i32
        %add3A_1235 = arith.addi %mul3A_1233, %add3A_1234 : i32
        %mul3A_1236 = arith.constant 16 : i32
        %mul3A_1237 = arith.muli %scan3A_115, %mul3A_1236 : i32
        %add3A_1238 = arith.constant 7 : i32
        %add3A_1239 = arith.addi %mul3A_1237, %add3A_1238 : i32
        %get3A_1240 = arith.index_cast %add3A_1239 : i32 to index
        %get3A_1241 = arith.constant 0 : index
        %get3A_1242 = tpu.vector_load %arg9[%get3A_1240, %get3A_1241] {strides = array<i32>} : memref<128x144xf32, #tpu.memory_space<vmem>>, vector<1x16xf32>,
        %get3A_1243 = vector.shape_cast %get3A_1242 : vector<1x16xf32> to vector<16xf32>
        %mul3A_1244 = arith.mulf %get3A_1243, %get3A_22 : vector<16xf32>
        %sub3A_1245 = arith.subf %mul3A_1244, %sub3A_124 : vector<16xf32>
        %add3A_1246 = arith.constant 0 : i32
        %add3A_1247 = arith.addi %add3A_1235, %add3A_1246 : i32
        %swap3A_1248 = arith.index_cast %add3A_1247 : i32 to index
        %swap3A_1249 = tpu.vector_load %arg15[%swap3A_1248] {strides = array<i32>} : memref<16784xf32, #tpu.memory_space<vmem>>, vector<16xf32>,
        %swap3A_1250 = vector.shape_cast %swap3A_1249 : vector<16xf32> to vector<16xf32>
        %swap3A_1251 = vector.shape_cast %sub3A_1245 : vector<16xf32> to vector<16xf32>
        tpu.vector_store %arg15[%swap3A_1248], %swap3A_1251 {strides = array<i32>} : memref<16784xf32, #tpu.memory_space<vmem>>, vector<16xf32>,
        %mul3A_1252 = arith.constant 16 : i32
        %mul3A_1253 = arith.muli %scan3A_115, %mul3A_1252 : i32
        %add3A_1254 = arith.constant 7 : i32
        %add3A_1255 = arith.addi %mul3A_1253, %add3A_1254 : i32
        %get3A_1256 = arith.index_cast %add3A_1255 : i32 to index
        %get3A_1257 = arith.constant 16 : index
        %get3A_1258 = tpu.vector_load %arg9[%get3A_1256, %get3A_1257] {strides = array<i32>} : memref<128x144xf32, #tpu.memory_space<vmem>>, vector<1x16xf32>,
        %get3A_1259 = vector.shape_cast %get3A_1258 : vector<1x16xf32> to vector<16xf32>
        %mul3A_1260 = arith.mulf %get3A_1259, %get3A_25 : vector<16xf32>
        %sub3A_1261 = arith.subf %mul3A_1260, %sub3A_133 : vector<16xf32>
        %add3A_1262 = arith.constant 16 : i32
        %add3A_1263 = arith.addi %add3A_1235, %add3A_1262 : i32
        %swap3A_1264 = arith.index_cast %add3A_1263 : i32 to index
        %swap3A_1265 = tpu.vector_load %arg15[%swap3A_1264] {strides = array<i32>} : memref<16784xf32, #tpu.memory_space<vmem>>, vector<16xf32>,
        %swap3A_1266 = vector.shape_cast %swap3A_1265 : vector<16xf32> to vector<16xf32>
        %swap3A_1267 = vector.shape_cast %sub3A_1261 : vector<16xf32> to vector<16xf32>
        tpu.vector_store %arg15[%swap3A_1264], %swap3A_1267 {strides = array<i32>} : memref<16784xf32, #tpu.memory_space<vmem>>, vector<16xf32>,
        %mul3A_1268 = arith.constant 16 : i32
        %mul3A_1269 = arith.muli %scan3A_115, %mul3A_1268 : i32
        %add3A_1270 = arith.constant 7 : i32
        %add3A_1271 = arith.addi %mul3A_1269, %add3A_1270 : i32
        %get3A_1272 = arith.index_cast %add3A_1271 : i32 to index
        %get3A_1273 = arith.constant 32 : index
        %get3A_1274 = tpu.vector_load %arg9[%get3A_1272, %get3A_1273] {strides = array<i32>} : memref<128x144xf32, #tpu.memory_space<vmem>>, vector<1x16xf32>,
        %get3A_1275 = vector.shape_cast %get3A_1274 : vector<1x16xf32> to vector<16xf32>
        %mul3A_1276 = arith.mulf %get3A_1275, %get3A_28 : vector<16xf32>
        %sub3A_1277 = arith.subf %mul3A_1276, %sub3A_142 : vector<16xf32>
        %add3A_1278 = arith.constant 32 : i32
        %add3A_1279 = arith.addi %add3A_1235, %add3A_1278 : i32
        %swap3A_1280 = arith.index_cast %add3A_1279 : i32 to index
        %swap3A_1281 = tpu.vector_load %arg15[%swap3A_1280] {strides = array<i32>} : memref<16784xf32, #tpu.memory_space<vmem>>, vector<16xf32>,
        %swap3A_1282 = vector.shape_cast %swap3A_1281 : vector<16xf32> to vector<16xf32>
        %swap3A_1283 = vector.shape_cast %sub3A_1277 : vector<16xf32> to vector<16xf32>
        tpu.vector_store %arg15[%swap3A_1280], %swap3A_1283 {strides = array<i32>} : memref<16784xf32, #tpu.memory_space<vmem>>, vector<16xf32>,
        %mul3A_1284 = arith.constant 16 : i32
        %mul3A_1285 = arith.muli %scan3A_115, %mul3A_1284 : i32
        %add3A_1286 = arith.constant 7 : i32
        %add3A_1287 = arith.addi %mul3A_1285, %add3A_1286 : i32
        %get3A_1288 = arith.index_cast %add3A_1287 : i32 to index
        %get3A_1289 = arith.constant 48 : index
        %get3A_1290 = tpu.vector_load %arg9[%get3A_1288, %get3A_1289] {strides = array<i32>} : memref<128x144xf32, #tpu.memory_space<vmem>>, vector<1x16xf32>,
        %get3A_1291 = vector.shape_cast %get3A_1290 : vector<1x16xf32> to vector<16xf32>
        %mul3A_1292 = arith.mulf %get3A_1291, %get3A_31 : vector<16xf32>
        %sub3A_1293 = arith.subf %mul3A_1292, %sub3A_151 : vector<16xf32>
        %add3A_1294 = arith.constant 48 : i32
        %add3A_1295 = arith.addi %add3A_1235, %add3A_1294 : i32
        %swap3A_1296 = arith.index_cast %add3A_1295 : i32 to index
        %swap3A_1297 = tpu.vector_load %arg15[%swap3A_1296] {strides = array<i32>} : memref<16784xf32, #tpu.memory_space<vmem>>, vector<16xf32>,
        %swap3A_1298 = vector.shape_cast %swap3A_1297 : vector<16xf32> to vector<16xf32>
        %swap3A_1299 = vector.shape_cast %sub3A_1293 : vector<16xf32> to vector<16xf32>
        tpu.vector_store %arg15[%swap3A_1296], %swap3A_1299 {strides = array<i32>} : memref<16784xf32, #tpu.memory_space<vmem>>, vector<16xf32>,
        %mul3A_1300 = arith.constant 16 : i32
        %mul3A_1301 = arith.muli %scan3A_115, %mul3A_1300 : i32
        %add3A_1302 = arith.constant 7 : i32
        %add3A_1303 = arith.addi %mul3A_1301, %add3A_1302 : i32
        %get3A_1304 = arith.index_cast %add3A_1303 : i32 to index
        %get3A_1305 = arith.constant 64 : index
        %get3A_1306 = tpu.vector_load %arg9[%get3A_1304, %get3A_1305] {strides = array<i32>} : memref<128x144xf32, #tpu.memory_space<vmem>>, vector<1x16xf32>,
        %get3A_1307 = vector.shape_cast %get3A_1306 : vector<1x16xf32> to vector<16xf32>
        %mul3A_1308 = arith.mulf %get3A_1307, %get3A_34 : vector<16xf32>
        %sub3A_1309 = arith.subf %mul3A_1308, %sub3A_160 : vector<16xf32>
        %add3A_1310 = arith.constant 64 : i32
        %add3A_1311 = arith.addi %add3A_1235, %add3A_1310 : i32
        %swap3A_1312 = arith.index_cast %add3A_1311 : i32 to index
        %swap3A_1313 = tpu.vector_load %arg15[%swap3A_1312] {strides = array<i32>} : memref<16784xf32, #tpu.memory_space<vmem>>, vector<16xf32>,
        %swap3A_1314 = vector.shape_cast %swap3A_1313 : vector<16xf32> to vector<16xf32>
        %swap3A_1315 = vector.shape_cast %sub3A_1309 : vector<16xf32> to vector<16xf32>
        tpu.vector_store %arg15[%swap3A_1312], %swap3A_1315 {strides = array<i32>} : memref<16784xf32, #tpu.memory_space<vmem>>, vector<16xf32>,
        %mul3A_1316 = arith.constant 16 : i32
        %mul3A_1317 = arith.muli %scan3A_115, %mul3A_1316 : i32
        %add3A_1318 = arith.constant 7 : i32
        %add3A_1319 = arith.addi %mul3A_1317, %add3A_1318 : i32
        %get3A_1320 = arith.index_cast %add3A_1319 : i32 to index
        %get3A_1321 = arith.constant 80 : index
        %get3A_1322 = tpu.vector_load %arg9[%get3A_1320, %get3A_1321] {strides = array<i32>} : memref<128x144xf32, #tpu.memory_space<vmem>>, vector<1x16xf32>,
        %get3A_1323 = vector.shape_cast %get3A_1322 : vector<1x16xf32> to vector<16xf32>
        %mul3A_1324 = arith.mulf %get3A_1323, %get3A_37 : vector<16xf32>
        %sub3A_1325 = arith.subf %mul3A_1324, %sub3A_169 : vector<16xf32>
        %add3A_1326 = arith.constant 80 : i32
        %add3A_1327 = arith.addi %add3A_1235, %add3A_1326 : i32
        %swap3A_1328 = arith.index_cast %add3A_1327 : i32 to index
        %swap3A_1329 = tpu.vector_load %arg15[%swap3A_1328] {strides = array<i32>} : memref<16784xf32, #tpu.memory_space<vmem>>, vector<16xf32>,
        %swap3A_1330 = vector.shape_cast %swap3A_1329 : vector<16xf32> to vector<16xf32>
        %swap3A_1331 = vector.shape_cast %sub3A_1325 : vector<16xf32> to vector<16xf32>
        tpu.vector_store %arg15[%swap3A_1328], %swap3A_1331 {strides = array<i32>} : memref<16784xf32, #tpu.memory_space<vmem>>, vector<16xf32>,
        %mul3A_1332 = arith.constant 16 : i32
        %mul3A_1333 = arith.muli %scan3A_115, %mul3A_1332 : i32
        %add3A_1334 = arith.constant 7 : i32
        %add3A_1335 = arith.addi %mul3A_1333, %add3A_1334 : i32
        %get3A_1336 = arith.index_cast %add3A_1335 : i32 to index
        %get3A_1337 = arith.constant 96 : index
        %get3A_1338 = tpu.vector_load %arg9[%get3A_1336, %get3A_1337] {strides = array<i32>} : memref<128x144xf32, #tpu.memory_space<vmem>>, vector<1x16xf32>,
        %get3A_1339 = vector.shape_cast %get3A_1338 : vector<1x16xf32> to vector<16xf32>
        %mul3A_1340 = arith.mulf %get3A_1339, %get3A_40 : vector<16xf32>
        %sub3A_1341 = arith.subf %mul3A_1340, %sub3A_178 : vector<16xf32>
        %add3A_1342 = arith.constant 96 : i32
        %add3A_1343 = arith.addi %add3A_1235, %add3A_1342 : i32
        %swap3A_1344 = arith.index_cast %add3A_1343 : i32 to index
        %swap3A_1345 = tpu.vector_load %arg15[%swap3A_1344] {strides = array<i32>} : memref<16784xf32, #tpu.memory_space<vmem>>, vector<16xf32>,
        %swap3A_1346 = vector.shape_cast %swap3A_1345 : vector<16xf32> to vector<16xf32>
        %swap3A_1347 = vector.shape_cast %sub3A_1341 : vector<16xf32> to vector<16xf32>
        tpu.vector_store %arg15[%swap3A_1344], %swap3A_1347 {strides = array<i32>} : memref<16784xf32, #tpu.memory_space<vmem>>, vector<16xf32>,
        %mul3A_1348 = arith.constant 16 : i32
        %mul3A_1349 = arith.muli %scan3A_115, %mul3A_1348 : i32
        %add3A_1350 = arith.constant 7 : i32
        %add3A_1351 = arith.addi %mul3A_1349, %add3A_1350 : i32
        %get3A_1352 = arith.index_cast %add3A_1351 : i32 to index
        %get3A_1353 = arith.constant 112 : index
        %get3A_1354 = tpu.vector_load %arg9[%get3A_1352, %get3A_1353] {strides = array<i32>} : memref<128x144xf32, #tpu.memory_space<vmem>>, vector<1x16xf32>,
        %get3A_1355 = vector.shape_cast %get3A_1354 : vector<1x16xf32> to vector<16xf32>
        %mul3A_1356 = arith.mulf %get3A_1355, %get3A_43 : vector<16xf32>
        %sub3A_1357 = arith.subf %mul3A_1356, %sub3A_187 : vector<16xf32>
        %add3A_1358 = arith.constant 112 : i32
        %add3A_1359 = arith.addi %add3A_1235, %add3A_1358 : i32
        %swap3A_1360 = arith.index_cast %add3A_1359 : i32 to index
        %swap3A_1361 = tpu.vector_load %arg15[%swap3A_1360] {strides = array<i32>} : memref<16784xf32, #tpu.memory_space<vmem>>, vector<16xf32>,
        %swap3A_1362 = vector.shape_cast %swap3A_1361 : vector<16xf32> to vector<16xf32>
        %swap3A_1363 = vector.shape_cast %sub3A_1357 : vector<16xf32> to vector<16xf32>
        tpu.vector_store %arg15[%swap3A_1360], %swap3A_1363 {strides = array<i32>} : memref<16784xf32, #tpu.memory_space<vmem>>, vector<16xf32>,
        %mul3A_1364 = arith.constant 16 : i32
        %mul3A_1365 = arith.muli %scan3A_115, %mul3A_1364 : i32
        %add3A_1366 = arith.constant 7 : i32
        %add3A_1367 = arith.addi %mul3A_1365, %add3A_1366 : i32
        %get3A_1368 = arith.index_cast %add3A_1367 : i32 to index
        %get3A_1369 = arith.constant 128 : index
        %get3A_1370 = tpu.vector_load %arg9[%get3A_1368, %get3A_1369] {strides = array<i32>} : memref<128x144xf32, #tpu.memory_space<vmem>>, vector<1x16xf32>,
        %get3A_1371 = vector.shape_cast %get3A_1370 : vector<1x16xf32> to vector<16xf32>
        %mul3A_1372 = arith.mulf %get3A_1371, %get3A_46 : vector<16xf32>
        %sub3A_1373 = arith.subf %mul3A_1372, %sub3A_196 : vector<16xf32>
        %add3A_1374 = arith.constant 128 : i32
        %add3A_1375 = arith.addi %add3A_1235, %add3A_1374 : i32
        %swap3A_1376 = arith.index_cast %add3A_1375 : i32 to index
        %swap3A_1377 = tpu.vector_load %arg15[%swap3A_1376] {strides = array<i32>} : memref<16784xf32, #tpu.memory_space<vmem>>, vector<16xf32>,
        %swap3A_1378 = vector.shape_cast %swap3A_1377 : vector<16xf32> to vector<16xf32>
        %swap3A_1379 = vector.shape_cast %sub3A_1373 : vector<16xf32> to vector<16xf32>
        tpu.vector_store %arg15[%swap3A_1376], %swap3A_1379 {strides = array<i32>} : memref<16784xf32, #tpu.memory_space<vmem>>, vector<16xf32>,
        %mul3A_1380 = arith.constant 2096 : i32
        %mul3A_1381 = arith.muli %scan3A_115, %mul3A_1380 : i32
        %add3A_1382 = arith.constant 1048 : i32
        %add3A_1383 = arith.addi %mul3A_1381, %add3A_1382 : i32
        %mul3A_1384 = arith.constant 16 : i32
        %mul3A_1385 = arith.muli %scan3A_115, %mul3A_1384 : i32
        %add3A_1386 = arith.constant 8 : i32
        %add3A_1387 = arith.addi %mul3A_1385, %add3A_1386 : i32
        %get3A_1388 = arith.index_cast %add3A_1387 : i32 to index
        %get3A_1389 = arith.constant 0 : index
        %get3A_1390 = tpu.vector_load %arg9[%get3A_1388, %get3A_1389] {strides = array<i32>} : memref<128x144xf32, #tpu.memory_space<vmem>>, vector<1x16xf32>,
        %get3A_1391 = vector.shape_cast %get3A_1390 : vector<1x16xf32> to vector<16xf32>
        %mul3A_1392 = arith.mulf %get3A_1391, %get3A_22 : vector<16xf32>
        %sub3A_1393 = arith.subf %mul3A_1392, %sub3A_124 : vector<16xf32>
        %add3A_1394 = arith.constant 0 : i32
        %add3A_1395 = arith.addi %add3A_1383, %add3A_1394 : i32
        %swap3A_1396 = arith.index_cast %add3A_1395 : i32 to index
        %swap3A_1397 = tpu.vector_load %arg15[%swap3A_1396] {strides = array<i32>} : memref<16784xf32, #tpu.memory_space<vmem>>, vector<16xf32>,
        %swap3A_1398 = vector.shape_cast %swap3A_1397 : vector<16xf32> to vector<16xf32>
        %swap3A_1399 = vector.shape_cast %sub3A_1393 : vector<16xf32> to vector<16xf32>
        tpu.vector_store %arg15[%swap3A_1396], %swap3A_1399 {strides = array<i32>} : memref<16784xf32, #tpu.memory_space<vmem>>, vector<16xf32>,
        %mul3A_1400 = arith.constant 16 : i32
        %mul3A_1401 = arith.muli %scan3A_115, %mul3A_1400 : i32
        %add3A_1402 = arith.constant 8 : i32
        %add3A_1403 = arith.addi %mul3A_1401, %add3A_1402 : i32
        %get3A_1404 = arith.index_cast %add3A_1403 : i32 to index
        %get3A_1405 = arith.constant 16 : index
        %get3A_1406 = tpu.vector_load %arg9[%get3A_1404, %get3A_1405] {strides = array<i32>} : memref<128x144xf32, #tpu.memory_space<vmem>>, vector<1x16xf32>,
        %get3A_1407 = vector.shape_cast %get3A_1406 : vector<1x16xf32> to vector<16xf32>
        %mul3A_1408 = arith.mulf %get3A_1407, %get3A_25 : vector<16xf32>
        %sub3A_1409 = arith.subf %mul3A_1408, %sub3A_133 : vector<16xf32>
        %add3A_1410 = arith.constant 16 : i32
        %add3A_1411 = arith.addi %add3A_1383, %add3A_1410 : i32
        %swap3A_1412 = arith.index_cast %add3A_1411 : i32 to index
        %swap3A_1413 = tpu.vector_load %arg15[%swap3A_1412] {strides = array<i32>} : memref<16784xf32, #tpu.memory_space<vmem>>, vector<16xf32>,
        %swap3A_1414 = vector.shape_cast %swap3A_1413 : vector<16xf32> to vector<16xf32>
        %swap3A_1415 = vector.shape_cast %sub3A_1409 : vector<16xf32> to vector<16xf32>
        tpu.vector_store %arg15[%swap3A_1412], %swap3A_1415 {strides = array<i32>} : memref<16784xf32, #tpu.memory_space<vmem>>, vector<16xf32>,
        %mul3A_1416 = arith.constant 16 : i32
        %mul3A_1417 = arith.muli %scan3A_115, %mul3A_1416 : i32
        %add3A_1418 = arith.constant 8 : i32
        %add3A_1419 = arith.addi %mul3A_1417, %add3A_1418 : i32
        %get3A_1420 = arith.index_cast %add3A_1419 : i32 to index
        %get3A_1421 = arith.constant 32 : index
        %get3A_1422 = tpu.vector_load %arg9[%get3A_1420, %get3A_1421] {strides = array<i32>} : memref<128x144xf32, #tpu.memory_space<vmem>>, vector<1x16xf32>,
        %get3A_1423 = vector.shape_cast %get3A_1422 : vector<1x16xf32> to vector<16xf32>
        %mul3A_1424 = arith.mulf %get3A_1423, %get3A_28 : vector<16xf32>
        %sub3A_1425 = arith.subf %mul3A_1424, %sub3A_142 : vector<16xf32>
        %add3A_1426 = arith.constant 32 : i32
        %add3A_1427 = arith.addi %add3A_1383, %add3A_1426 : i32
        %swap3A_1428 = arith.index_cast %add3A_1427 : i32 to index
        %swap3A_1429 = tpu.vector_load %arg15[%swap3A_1428] {strides = array<i32>} : memref<16784xf32, #tpu.memory_space<vmem>>, vector<16xf32>,
        %swap3A_1430 = vector.shape_cast %swap3A_1429 : vector<16xf32> to vector<16xf32>
        %swap3A_1431 = vector.shape_cast %sub3A_1425 : vector<16xf32> to vector<16xf32>
        tpu.vector_store %arg15[%swap3A_1428], %swap3A_1431 {strides = array<i32>} : memref<16784xf32, #tpu.memory_space<vmem>>, vector<16xf32>,
        %mul3A_1432 = arith.constant 16 : i32
        %mul3A_1433 = arith.muli %scan3A_115, %mul3A_1432 : i32
        %add3A_1434 = arith.constant 8 : i32
        %add3A_1435 = arith.addi %mul3A_1433, %add3A_1434 : i32
        %get3A_1436 = arith.index_cast %add3A_1435 : i32 to index
        %get3A_1437 = arith.constant 48 : index
        %get3A_1438 = tpu.vector_load %arg9[%get3A_1436, %get3A_1437] {strides = array<i32>} : memref<128x144xf32, #tpu.memory_space<vmem>>, vector<1x16xf32>,
        %get3A_1439 = vector.shape_cast %get3A_1438 : vector<1x16xf32> to vector<16xf32>
        %mul3A_1440 = arith.mulf %get3A_1439, %get3A_31 : vector<16xf32>
        %sub3A_1441 = arith.subf %mul3A_1440, %sub3A_151 : vector<16xf32>
        %add3A_1442 = arith.constant 48 : i32
        %add3A_1443 = arith.addi %add3A_1383, %add3A_1442 : i32
        %swap3A_1444 = arith.index_cast %add3A_1443 : i32 to index
        %swap3A_1445 = tpu.vector_load %arg15[%swap3A_1444] {strides = array<i32>} : memref<16784xf32, #tpu.memory_space<vmem>>, vector<16xf32>,
        %swap3A_1446 = vector.shape_cast %swap3A_1445 : vector<16xf32> to vector<16xf32>
        %swap3A_1447 = vector.shape_cast %sub3A_1441 : vector<16xf32> to vector<16xf32>
        tpu.vector_store %arg15[%swap3A_1444], %swap3A_1447 {strides = array<i32>} : memref<16784xf32, #tpu.memory_space<vmem>>, vector<16xf32>,
        %mul3A_1448 = arith.constant 16 : i32
        %mul3A_1449 = arith.muli %scan3A_115, %mul3A_1448 : i32
        %add3A_1450 = arith.constant 8 : i32
        %add3A_1451 = arith.addi %mul3A_1449, %add3A_1450 : i32
        %get3A_1452 = arith.index_cast %add3A_1451 : i32 to index
        %get3A_1453 = arith.constant 64 : index
        %get3A_1454 = tpu.vector_load %arg9[%get3A_1452, %get3A_1453] {strides = array<i32>} : memref<128x144xf32, #tpu.memory_space<vmem>>, vector<1x16xf32>,
        %get3A_1455 = vector.shape_cast %get3A_1454 : vector<1x16xf32> to vector<16xf32>
        %mul3A_1456 = arith.mulf %get3A_1455, %get3A_34 : vector<16xf32>
        %sub3A_1457 = arith.subf %mul3A_1456, %sub3A_160 : vector<16xf32>
        %add3A_1458 = arith.constant 64 : i32
        %add3A_1459 = arith.addi %add3A_1383, %add3A_1458 : i32
        %swap3A_1460 = arith.index_cast %add3A_1459 : i32 to index
        %swap3A_1461 = tpu.vector_load %arg15[%swap3A_1460] {strides = array<i32>} : memref<16784xf32, #tpu.memory_space<vmem>>, vector<16xf32>,
        %swap3A_1462 = vector.shape_cast %swap3A_1461 : vector<16xf32> to vector<16xf32>
        %swap3A_1463 = vector.shape_cast %sub3A_1457 : vector<16xf32> to vector<16xf32>
        tpu.vector_store %arg15[%swap3A_1460], %swap3A_1463 {strides = array<i32>} : memref<16784xf32, #tpu.memory_space<vmem>>, vector<16xf32>,
        %mul3A_1464 = arith.constant 16 : i32
        %mul3A_1465 = arith.muli %scan3A_115, %mul3A_1464 : i32
        %add3A_1466 = arith.constant 8 : i32
        %add3A_1467 = arith.addi %mul3A_1465, %add3A_1466 : i32
        %get3A_1468 = arith.index_cast %add3A_1467 : i32 to index
        %get3A_1469 = arith.constant 80 : index
        %get3A_1470 = tpu.vector_load %arg9[%get3A_1468, %get3A_1469] {strides = array<i32>} : memref<128x144xf32, #tpu.memory_space<vmem>>, vector<1x16xf32>,
        %get3A_1471 = vector.shape_cast %get3A_1470 : vector<1x16xf32> to vector<16xf32>
        %mul3A_1472 = arith.mulf %get3A_1471, %get3A_37 : vector<16xf32>
        %sub3A_1473 = arith.subf %mul3A_1472, %sub3A_169 : vector<16xf32>
        %add3A_1474 = arith.constant 80 : i32
        %add3A_1475 = arith.addi %add3A_1383, %add3A_1474 : i32
        %swap3A_1476 = arith.index_cast %add3A_1475 : i32 to index
        %swap3A_1477 = tpu.vector_load %arg15[%swap3A_1476] {strides = array<i32>} : memref<16784xf32, #tpu.memory_space<vmem>>, vector<16xf32>,
        %swap3A_1478 = vector.shape_cast %swap3A_1477 : vector<16xf32> to vector<16xf32>
        %swap3A_1479 = vector.shape_cast %sub3A_1473 : vector<16xf32> to vector<16xf32>
        tpu.vector_store %arg15[%swap3A_1476], %swap3A_1479 {strides = array<i32>} : memref<16784xf32, #tpu.memory_space<vmem>>, vector<16xf32>,
        %mul3A_1480 = arith.constant 16 : i32
        %mul3A_1481 = arith.muli %scan3A_115, %mul3A_1480 : i32
        %add3A_1482 = arith.constant 8 : i32
        %add3A_1483 = arith.addi %mul3A_1481, %add3A_1482 : i32
        %get3A_1484 = arith.index_cast %add3A_1483 : i32 to index
        %get3A_1485 = arith.constant 96 : index
        %get3A_1486 = tpu.vector_load %arg9[%get3A_1484, %get3A_1485] {strides = array<i32>} : memref<128x144xf32, #tpu.memory_space<vmem>>, vector<1x16xf32>,
        %get3A_1487 = vector.shape_cast %get3A_1486 : vector<1x16xf32> to vector<16xf32>
        %mul3A_1488 = arith.mulf %get3A_1487, %get3A_40 : vector<16xf32>
        %sub3A_1489 = arith.subf %mul3A_1488, %sub3A_178 : vector<16xf32>
        %add3A_1490 = arith.constant 96 : i32
        %add3A_1491 = arith.addi %add3A_1383, %add3A_1490 : i32
        %swap3A_1492 = arith.index_cast %add3A_1491 : i32 to index
        %swap3A_1493 = tpu.vector_load %arg15[%swap3A_1492] {strides = array<i32>} : memref<16784xf32, #tpu.memory_space<vmem>>, vector<16xf32>,
        %swap3A_1494 = vector.shape_cast %swap3A_1493 : vector<16xf32> to vector<16xf32>
        %swap3A_1495 = vector.shape_cast %sub3A_1489 : vector<16xf32> to vector<16xf32>
        tpu.vector_store %arg15[%swap3A_1492], %swap3A_1495 {strides = array<i32>} : memref<16784xf32, #tpu.memory_space<vmem>>, vector<16xf32>,
        %mul3A_1496 = arith.constant 16 : i32
        %mul3A_1497 = arith.muli %scan3A_115, %mul3A_1496 : i32
        %add3A_1498 = arith.constant 8 : i32
        %add3A_1499 = arith.addi %mul3A_1497, %add3A_1498 : i32
        %get3A_1500 = arith.index_cast %add3A_1499 : i32 to index
        %get3A_1501 = arith.constant 112 : index
        %get3A_1502 = tpu.vector_load %arg9[%get3A_1500, %get3A_1501] {strides = array<i32>} : memref<128x144xf32, #tpu.memory_space<vmem>>, vector<1x16xf32>,
        %get3A_1503 = vector.shape_cast %get3A_1502 : vector<1x16xf32> to vector<16xf32>
        %mul3A_1504 = arith.mulf %get3A_1503, %get3A_43 : vector<16xf32>
        %sub3A_1505 = arith.subf %mul3A_1504, %sub3A_187 : vector<16xf32>
        %add3A_1506 = arith.constant 112 : i32
        %add3A_1507 = arith.addi %add3A_1383, %add3A_1506 : i32
        %swap3A_1508 = arith.index_cast %add3A_1507 : i32 to index
        %swap3A_1509 = tpu.vector_load %arg15[%swap3A_1508] {strides = array<i32>} : memref<16784xf32, #tpu.memory_space<vmem>>, vector<16xf32>,
        %swap3A_1510 = vector.shape_cast %swap3A_1509 : vector<16xf32> to vector<16xf32>
        %swap3A_1511 = vector.shape_cast %sub3A_1505 : vector<16xf32> to vector<16xf32>
        tpu.vector_store %arg15[%swap3A_1508], %swap3A_1511 {strides = array<i32>} : memref<16784xf32, #tpu.memory_space<vmem>>, vector<16xf32>,
        %mul3A_1512 = arith.constant 16 : i32
        %mul3A_1513 = arith.muli %scan3A_115, %mul3A_1512 : i32
        %add3A_1514 = arith.constant 8 : i32
        %add3A_1515 = arith.addi %mul3A_1513, %add3A_1514 : i32
        %get3A_1516 = arith.index_cast %add3A_1515 : i32 to index
        %get3A_1517 = arith.constant 128 : index
        %get3A_1518 = tpu.vector_load %arg9[%get3A_1516, %get3A_1517] {strides = array<i32>} : memref<128x144xf32, #tpu.memory_space<vmem>>, vector<1x16xf32>,
        %get3A_1519 = vector.shape_cast %get3A_1518 : vector<1x16xf32> to vector<16xf32>
        %mul3A_1520 = arith.mulf %get3A_1519, %get3A_46 : vector<16xf32>
        %sub3A_1521 = arith.subf %mul3A_1520, %sub3A_196 : vector<16xf32>
        %add3A_1522 = arith.constant 128 : i32
        %add3A_1523 = arith.addi %add3A_1383, %add3A_1522 : i32
        %swap3A_1524 = arith.index_cast %add3A_1523 : i32 to index
        %swap3A_1525 = tpu.vector_load %arg15[%swap3A_1524] {strides = array<i32>} : memref<16784xf32, #tpu.memory_space<vmem>>, vector<16xf32>,
        %swap3A_1526 = vector.shape_cast %swap3A_1525 : vector<16xf32> to vector<16xf32>
        %swap3A_1527 = vector.shape_cast %sub3A_1521 : vector<16xf32> to vector<16xf32>
        tpu.vector_store %arg15[%swap3A_1524], %swap3A_1527 {strides = array<i32>} : memref<16784xf32, #tpu.memory_space<vmem>>, vector<16xf32>,
        %mul3A_1528 = arith.constant 2096 : i32
        %mul3A_1529 = arith.muli %scan3A_115, %mul3A_1528 : i32
        %add3A_1530 = arith.constant 1179 : i32
        %add3A_1531 = arith.addi %mul3A_1529, %add3A_1530 : i32
        %mul3A_1532 = arith.constant 16 : i32
        %mul3A_1533 = arith.muli %scan3A_115, %mul3A_1532 : i32
        %add3A_1534 = arith.constant 9 : i32
        %add3A_1535 = arith.addi %mul3A_1533, %add3A_1534 : i32
        %get3A_1536 = arith.index_cast %add3A_1535 : i32 to index
        %get3A_1537 = arith.constant 0 : index
        %get3A_1538 = tpu.vector_load %arg9[%get3A_1536, %get3A_1537] {strides = array<i32>} : memref<128x144xf32, #tpu.memory_space<vmem>>, vector<1x16xf32>,
        %get3A_1539 = vector.shape_cast %get3A_1538 : vector<1x16xf32> to vector<16xf32>
        %mul3A_1540 = arith.mulf %get3A_1539, %get3A_22 : vector<16xf32>
        %sub3A_1541 = arith.subf %mul3A_1540, %sub3A_124 : vector<16xf32>
        %add3A_1542 = arith.constant 0 : i32
        %add3A_1543 = arith.addi %add3A_1531, %add3A_1542 : i32
        %swap3A_1544 = arith.index_cast %add3A_1543 : i32 to index
        %swap3A_1545 = tpu.vector_load %arg15[%swap3A_1544] {strides = array<i32>} : memref<16784xf32, #tpu.memory_space<vmem>>, vector<16xf32>,
        %swap3A_1546 = vector.shape_cast %swap3A_1545 : vector<16xf32> to vector<16xf32>
        %swap3A_1547 = vector.shape_cast %sub3A_1541 : vector<16xf32> to vector<16xf32>
        tpu.vector_store %arg15[%swap3A_1544], %swap3A_1547 {strides = array<i32>} : memref<16784xf32, #tpu.memory_space<vmem>>, vector<16xf32>,
        %mul3A_1548 = arith.constant 16 : i32
        %mul3A_1549 = arith.muli %scan3A_115, %mul3A_1548 : i32
        %add3A_1550 = arith.constant 9 : i32
        %add3A_1551 = arith.addi %mul3A_1549, %add3A_1550 : i32
        %get3A_1552 = arith.index_cast %add3A_1551 : i32 to index
        %get3A_1553 = arith.constant 16 : index
        %get3A_1554 = tpu.vector_load %arg9[%get3A_1552, %get3A_1553] {strides = array<i32>} : memref<128x144xf32, #tpu.memory_space<vmem>>, vector<1x16xf32>,
        %get3A_1555 = vector.shape_cast %get3A_1554 : vector<1x16xf32> to vector<16xf32>
        %mul3A_1556 = arith.mulf %get3A_1555, %get3A_25 : vector<16xf32>
        %sub3A_1557 = arith.subf %mul3A_1556, %sub3A_133 : vector<16xf32>
        %add3A_1558 = arith.constant 16 : i32
        %add3A_1559 = arith.addi %add3A_1531, %add3A_1558 : i32
        %swap3A_1560 = arith.index_cast %add3A_1559 : i32 to index
        %swap3A_1561 = tpu.vector_load %arg15[%swap3A_1560] {strides = array<i32>} : memref<16784xf32, #tpu.memory_space<vmem>>, vector<16xf32>,
        %swap3A_1562 = vector.shape_cast %swap3A_1561 : vector<16xf32> to vector<16xf32>
        %swap3A_1563 = vector.shape_cast %sub3A_1557 : vector<16xf32> to vector<16xf32>
        tpu.vector_store %arg15[%swap3A_1560], %swap3A_1563 {strides = array<i32>} : memref<16784xf32, #tpu.memory_space<vmem>>, vector<16xf32>,
        %mul3A_1564 = arith.constant 16 : i32
        %mul3A_1565 = arith.muli %scan3A_115, %mul3A_1564 : i32
        %add3A_1566 = arith.constant 9 : i32
        %add3A_1567 = arith.addi %mul3A_1565, %add3A_1566 : i32
        %get3A_1568 = arith.index_cast %add3A_1567 : i32 to index
        %get3A_1569 = arith.constant 32 : index
        %get3A_1570 = tpu.vector_load %arg9[%get3A_1568, %get3A_1569] {strides = array<i32>} : memref<128x144xf32, #tpu.memory_space<vmem>>, vector<1x16xf32>,
        %get3A_1571 = vector.shape_cast %get3A_1570 : vector<1x16xf32> to vector<16xf32>
        %mul3A_1572 = arith.mulf %get3A_1571, %get3A_28 : vector<16xf32>
        %sub3A_1573 = arith.subf %mul3A_1572, %sub3A_142 : vector<16xf32>
        %add3A_1574 = arith.constant 32 : i32
        %add3A_1575 = arith.addi %add3A_1531, %add3A_1574 : i32
        %swap3A_1576 = arith.index_cast %add3A_1575 : i32 to index
        %swap3A_1577 = tpu.vector_load %arg15[%swap3A_1576] {strides = array<i32>} : memref<16784xf32, #tpu.memory_space<vmem>>, vector<16xf32>,
        %swap3A_1578 = vector.shape_cast %swap3A_1577 : vector<16xf32> to vector<16xf32>
        %swap3A_1579 = vector.shape_cast %sub3A_1573 : vector<16xf32> to vector<16xf32>
        tpu.vector_store %arg15[%swap3A_1576], %swap3A_1579 {strides = array<i32>} : memref<16784xf32, #tpu.memory_space<vmem>>, vector<16xf32>,
        %mul3A_1580 = arith.constant 16 : i32
        %mul3A_1581 = arith.muli %scan3A_115, %mul3A_1580 : i32
        %add3A_1582 = arith.constant 9 : i32
        %add3A_1583 = arith.addi %mul3A_1581, %add3A_1582 : i32
        %get3A_1584 = arith.index_cast %add3A_1583 : i32 to index
        %get3A_1585 = arith.constant 48 : index
        %get3A_1586 = tpu.vector_load %arg9[%get3A_1584, %get3A_1585] {strides = array<i32>} : memref<128x144xf32, #tpu.memory_space<vmem>>, vector<1x16xf32>,
        %get3A_1587 = vector.shape_cast %get3A_1586 : vector<1x16xf32> to vector<16xf32>
        %mul3A_1588 = arith.mulf %get3A_1587, %get3A_31 : vector<16xf32>
        %sub3A_1589 = arith.subf %mul3A_1588, %sub3A_151 : vector<16xf32>
        %add3A_1590 = arith.constant 48 : i32
        %add3A_1591 = arith.addi %add3A_1531, %add3A_1590 : i32
        %swap3A_1592 = arith.index_cast %add3A_1591 : i32 to index
        %swap3A_1593 = tpu.vector_load %arg15[%swap3A_1592] {strides = array<i32>} : memref<16784xf32, #tpu.memory_space<vmem>>, vector<16xf32>,
        %swap3A_1594 = vector.shape_cast %swap3A_1593 : vector<16xf32> to vector<16xf32>
        %swap3A_1595 = vector.shape_cast %sub3A_1589 : vector<16xf32> to vector<16xf32>
        tpu.vector_store %arg15[%swap3A_1592], %swap3A_1595 {strides = array<i32>} : memref<16784xf32, #tpu.memory_space<vmem>>, vector<16xf32>,
        %mul3A_1596 = arith.constant 16 : i32
        %mul3A_1597 = arith.muli %scan3A_115, %mul3A_1596 : i32
        %add3A_1598 = arith.constant 9 : i32
        %add3A_1599 = arith.addi %mul3A_1597, %add3A_1598 : i32
        %get3A_1600 = arith.index_cast %add3A_1599 : i32 to index
        %get3A_1601 = arith.constant 64 : index
        %get3A_1602 = tpu.vector_load %arg9[%get3A_1600, %get3A_1601] {strides = array<i32>} : memref<128x144xf32, #tpu.memory_space<vmem>>, vector<1x16xf32>,
        %get3A_1603 = vector.shape_cast %get3A_1602 : vector<1x16xf32> to vector<16xf32>
        %mul3A_1604 = arith.mulf %get3A_1603, %get3A_34 : vector<16xf32>
        %sub3A_1605 = arith.subf %mul3A_1604, %sub3A_160 : vector<16xf32>
        %add3A_1606 = arith.constant 64 : i32
        %add3A_1607 = arith.addi %add3A_1531, %add3A_1606 : i32
        %swap3A_1608 = arith.index_cast %add3A_1607 : i32 to index
        %swap3A_1609 = tpu.vector_load %arg15[%swap3A_1608] {strides = array<i32>} : memref<16784xf32, #tpu.memory_space<vmem>>, vector<16xf32>,
        %swap3A_1610 = vector.shape_cast %swap3A_1609 : vector<16xf32> to vector<16xf32>
        %swap3A_1611 = vector.shape_cast %sub3A_1605 : vector<16xf32> to vector<16xf32>
        tpu.vector_store %arg15[%swap3A_1608], %swap3A_1611 {strides = array<i32>} : memref<16784xf32, #tpu.memory_space<vmem>>, vector<16xf32>,
        %mul3A_1612 = arith.constant 16 : i32
        %mul3A_1613 = arith.muli %scan3A_115, %mul3A_1612 : i32
        %add3A_1614 = arith.constant 9 : i32
        %add3A_1615 = arith.addi %mul3A_1613, %add3A_1614 : i32
        %get3A_1616 = arith.index_cast %add3A_1615 : i32 to index
        %get3A_1617 = arith.constant 80 : index
        %get3A_1618 = tpu.vector_load %arg9[%get3A_1616, %get3A_1617] {strides = array<i32>} : memref<128x144xf32, #tpu.memory_space<vmem>>, vector<1x16xf32>,
        %get3A_1619 = vector.shape_cast %get3A_1618 : vector<1x16xf32> to vector<16xf32>
        %mul3A_1620 = arith.mulf %get3A_1619, %get3A_37 : vector<16xf32>
        %sub3A_1621 = arith.subf %mul3A_1620, %sub3A_169 : vector<16xf32>
        %add3A_1622 = arith.constant 80 : i32
        %add3A_1623 = arith.addi %add3A_1531, %add3A_1622 : i32
        %swap3A_1624 = arith.index_cast %add3A_1623 : i32 to index
        %swap3A_1625 = tpu.vector_load %arg15[%swap3A_1624] {strides = array<i32>} : memref<16784xf32, #tpu.memory_space<vmem>>, vector<16xf32>,
        %swap3A_1626 = vector.shape_cast %swap3A_1625 : vector<16xf32> to vector<16xf32>
        %swap3A_1627 = vector.shape_cast %sub3A_1621 : vector<16xf32> to vector<16xf32>
        tpu.vector_store %arg15[%swap3A_1624], %swap3A_1627 {strides = array<i32>} : memref<16784xf32, #tpu.memory_space<vmem>>, vector<16xf32>,
        %mul3A_1628 = arith.constant 16 : i32
        %mul3A_1629 = arith.muli %scan3A_115, %mul3A_1628 : i32
        %add3A_1630 = arith.constant 9 : i32
        %add3A_1631 = arith.addi %mul3A_1629, %add3A_1630 : i32
        %get3A_1632 = arith.index_cast %add3A_1631 : i32 to index
        %get3A_1633 = arith.constant 96 : index
        %get3A_1634 = tpu.vector_load %arg9[%get3A_1632, %get3A_1633] {strides = array<i32>} : memref<128x144xf32, #tpu.memory_space<vmem>>, vector<1x16xf32>,
        %get3A_1635 = vector.shape_cast %get3A_1634 : vector<1x16xf32> to vector<16xf32>
        %mul3A_1636 = arith.mulf %get3A_1635, %get3A_40 : vector<16xf32>
        %sub3A_1637 = arith.subf %mul3A_1636, %sub3A_178 : vector<16xf32>
        %add3A_1638 = arith.constant 96 : i32
        %add3A_1639 = arith.addi %add3A_1531, %add3A_1638 : i32
        %swap3A_1640 = arith.index_cast %add3A_1639 : i32 to index
        %swap3A_1641 = tpu.vector_load %arg15[%swap3A_1640] {strides = array<i32>} : memref<16784xf32, #tpu.memory_space<vmem>>, vector<16xf32>,
        %swap3A_1642 = vector.shape_cast %swap3A_1641 : vector<16xf32> to vector<16xf32>
        %swap3A_1643 = vector.shape_cast %sub3A_1637 : vector<16xf32> to vector<16xf32>
        tpu.vector_store %arg15[%swap3A_1640], %swap3A_1643 {strides = array<i32>} : memref<16784xf32, #tpu.memory_space<vmem>>, vector<16xf32>,
        %mul3A_1644 = arith.constant 16 : i32
        %mul3A_1645 = arith.muli %scan3A_115, %mul3A_1644 : i32
        %add3A_1646 = arith.constant 9 : i32
        %add3A_1647 = arith.addi %mul3A_1645, %add3A_1646 : i32
        %get3A_1648 = arith.index_cast %add3A_1647 : i32 to index
        %get3A_1649 = arith.constant 112 : index
        %get3A_1650 = tpu.vector_load %arg9[%get3A_1648, %get3A_1649] {strides = array<i32>} : memref<128x144xf32, #tpu.memory_space<vmem>>, vector<1x16xf32>,
        %get3A_1651 = vector.shape_cast %get3A_1650 : vector<1x16xf32> to vector<16xf32>
        %mul3A_1652 = arith.mulf %get3A_1651, %get3A_43 : vector<16xf32>
        %sub3A_1653 = arith.subf %mul3A_1652, %sub3A_187 : vector<16xf32>
        %add3A_1654 = arith.constant 112 : i32
        %add3A_1655 = arith.addi %add3A_1531, %add3A_1654 : i32
        %swap3A_1656 = arith.index_cast %add3A_1655 : i32 to index
        %swap3A_1657 = tpu.vector_load %arg15[%swap3A_1656] {strides = array<i32>} : memref<16784xf32, #tpu.memory_space<vmem>>, vector<16xf32>,
        %swap3A_1658 = vector.shape_cast %swap3A_1657 : vector<16xf32> to vector<16xf32>
        %swap3A_1659 = vector.shape_cast %sub3A_1653 : vector<16xf32> to vector<16xf32>
        tpu.vector_store %arg15[%swap3A_1656], %swap3A_1659 {strides = array<i32>} : memref<16784xf32, #tpu.memory_space<vmem>>, vector<16xf32>,
        %mul3A_1660 = arith.constant 16 : i32
        %mul3A_1661 = arith.muli %scan3A_115, %mul3A_1660 : i32
        %add3A_1662 = arith.constant 9 : i32
        %add3A_1663 = arith.addi %mul3A_1661, %add3A_1662 : i32
        %get3A_1664 = arith.index_cast %add3A_1663 : i32 to index
        %get3A_1665 = arith.constant 128 : index
        %get3A_1666 = tpu.vector_load %arg9[%get3A_1664, %get3A_1665] {strides = array<i32>} : memref<128x144xf32, #tpu.memory_space<vmem>>, vector<1x16xf32>,
        %get3A_1667 = vector.shape_cast %get3A_1666 : vector<1x16xf32> to vector<16xf32>
        %mul3A_1668 = arith.mulf %get3A_1667, %get3A_46 : vector<16xf32>
        %sub3A_1669 = arith.subf %mul3A_1668, %sub3A_196 : vector<16xf32>
        %add3A_1670 = arith.constant 128 : i32
        %add3A_1671 = arith.addi %add3A_1531, %add3A_1670 : i32
        %swap3A_1672 = arith.index_cast %add3A_1671 : i32 to index
        %swap3A_1673 = tpu.vector_load %arg15[%swap3A_1672] {strides = array<i32>} : memref<16784xf32, #tpu.memory_space<vmem>>, vector<16xf32>,
        %swap3A_1674 = vector.shape_cast %swap3A_1673 : vector<16xf32> to vector<16xf32>
        %swap3A_1675 = vector.shape_cast %sub3A_1669 : vector<16xf32> to vector<16xf32>
        tpu.vector_store %arg15[%swap3A_1672], %swap3A_1675 {strides = array<i32>} : memref<16784xf32, #tpu.memory_space<vmem>>, vector<16xf32>,
        %mul3A_1676 = arith.constant 2096 : i32
        %mul3A_1677 = arith.muli %scan3A_115, %mul3A_1676 : i32
        %add3A_1678 = arith.constant 1310 : i32
        %add3A_1679 = arith.addi %mul3A_1677, %add3A_1678 : i32
        %mul3A_1680 = arith.constant 16 : i32
        %mul3A_1681 = arith.muli %scan3A_115, %mul3A_1680 : i32
        %add3A_1682 = arith.constant 10 : i32
        %add3A_1683 = arith.addi %mul3A_1681, %add3A_1682 : i32
        %get3A_1684 = arith.index_cast %add3A_1683 : i32 to index
        %get3A_1685 = arith.constant 0 : index
        %get3A_1686 = tpu.vector_load %arg9[%get3A_1684, %get3A_1685] {strides = array<i32>} : memref<128x144xf32, #tpu.memory_space<vmem>>, vector<1x16xf32>,
        %get3A_1687 = vector.shape_cast %get3A_1686 : vector<1x16xf32> to vector<16xf32>
        %mul3A_1688 = arith.mulf %get3A_1687, %get3A_22 : vector<16xf32>
        %sub3A_1689 = arith.subf %mul3A_1688, %sub3A_124 : vector<16xf32>
        %add3A_1690 = arith.constant 0 : i32
        %add3A_1691 = arith.addi %add3A_1679, %add3A_1690 : i32
        %swap3A_1692 = arith.index_cast %add3A_1691 : i32 to index
        %swap3A_1693 = tpu.vector_load %arg15[%swap3A_1692] {strides = array<i32>} : memref<16784xf32, #tpu.memory_space<vmem>>, vector<16xf32>,
        %swap3A_1694 = vector.shape_cast %swap3A_1693 : vector<16xf32> to vector<16xf32>
        %swap3A_1695 = vector.shape_cast %sub3A_1689 : vector<16xf32> to vector<16xf32>
        tpu.vector_store %arg15[%swap3A_1692], %swap3A_1695 {strides = array<i32>} : memref<16784xf32, #tpu.memory_space<vmem>>, vector<16xf32>,
        %mul3A_1696 = arith.constant 16 : i32
        %mul3A_1697 = arith.muli %scan3A_115, %mul3A_1696 : i32
        %add3A_1698 = arith.constant 10 : i32
        %add3A_1699 = arith.addi %mul3A_1697, %add3A_1698 : i32
        %get3A_1700 = arith.index_cast %add3A_1699 : i32 to index
        %get3A_1701 = arith.constant 16 : index
        %get3A_1702 = tpu.vector_load %arg9[%get3A_1700, %get3A_1701] {strides = array<i32>} : memref<128x144xf32, #tpu.memory_space<vmem>>, vector<1x16xf32>,
        %get3A_1703 = vector.shape_cast %get3A_1702 : vector<1x16xf32> to vector<16xf32>
        %mul3A_1704 = arith.mulf %get3A_1703, %get3A_25 : vector<16xf32>
        %sub3A_1705 = arith.subf %mul3A_1704, %sub3A_133 : vector<16xf32>
        %add3A_1706 = arith.constant 16 : i32
        %add3A_1707 = arith.addi %add3A_1679, %add3A_1706 : i32
        %swap3A_1708 = arith.index_cast %add3A_1707 : i32 to index
        %swap3A_1709 = tpu.vector_load %arg15[%swap3A_1708] {strides = array<i32>} : memref<16784xf32, #tpu.memory_space<vmem>>, vector<16xf32>,
        %swap3A_1710 = vector.shape_cast %swap3A_1709 : vector<16xf32> to vector<16xf32>
        %swap3A_1711 = vector.shape_cast %sub3A_1705 : vector<16xf32> to vector<16xf32>
        tpu.vector_store %arg15[%swap3A_1708], %swap3A_1711 {strides = array<i32>} : memref<16784xf32, #tpu.memory_space<vmem>>, vector<16xf32>,
        %mul3A_1712 = arith.constant 16 : i32
        %mul3A_1713 = arith.muli %scan3A_115, %mul3A_1712 : i32
        %add3A_1714 = arith.constant 10 : i32
        %add3A_1715 = arith.addi %mul3A_1713, %add3A_1714 : i32
        %get3A_1716 = arith.index_cast %add3A_1715 : i32 to index
        %get3A_1717 = arith.constant 32 : index
        %get3A_1718 = tpu.vector_load %arg9[%get3A_1716, %get3A_1717] {strides = array<i32>} : memref<128x144xf32, #tpu.memory_space<vmem>>, vector<1x16xf32>,
        %get3A_1719 = vector.shape_cast %get3A_1718 : vector<1x16xf32> to vector<16xf32>
        %mul3A_1720 = arith.mulf %get3A_1719, %get3A_28 : vector<16xf32>
        %sub3A_1721 = arith.subf %mul3A_1720, %sub3A_142 : vector<16xf32>
        %add3A_1722 = arith.constant 32 : i32
        %add3A_1723 = arith.addi %add3A_1679, %add3A_1722 : i32
        %swap3A_1724 = arith.index_cast %add3A_1723 : i32 to index
        %swap3A_1725 = tpu.vector_load %arg15[%swap3A_1724] {strides = array<i32>} : memref<16784xf32, #tpu.memory_space<vmem>>, vector<16xf32>,
        %swap3A_1726 = vector.shape_cast %swap3A_1725 : vector<16xf32> to vector<16xf32>
        %swap3A_1727 = vector.shape_cast %sub3A_1721 : vector<16xf32> to vector<16xf32>
        tpu.vector_store %arg15[%swap3A_1724], %swap3A_1727 {strides = array<i32>} : memref<16784xf32, #tpu.memory_space<vmem>>, vector<16xf32>,
        %mul3A_1728 = arith.constant 16 : i32
        %mul3A_1729 = arith.muli %scan3A_115, %mul3A_1728 : i32
        %add3A_1730 = arith.constant 10 : i32
        %add3A_1731 = arith.addi %mul3A_1729, %add3A_1730 : i32
        %get3A_1732 = arith.index_cast %add3A_1731 : i32 to index
        %get3A_1733 = arith.constant 48 : index
        %get3A_1734 = tpu.vector_load %arg9[%get3A_1732, %get3A_1733] {strides = array<i32>} : memref<128x144xf32, #tpu.memory_space<vmem>>, vector<1x16xf32>,
        %get3A_1735 = vector.shape_cast %get3A_1734 : vector<1x16xf32> to vector<16xf32>
        %mul3A_1736 = arith.mulf %get3A_1735, %get3A_31 : vector<16xf32>
        %sub3A_1737 = arith.subf %mul3A_1736, %sub3A_151 : vector<16xf32>
        %add3A_1738 = arith.constant 48 : i32
        %add3A_1739 = arith.addi %add3A_1679, %add3A_1738 : i32
        %swap3A_1740 = arith.index_cast %add3A_1739 : i32 to index
        %swap3A_1741 = tpu.vector_load %arg15[%swap3A_1740] {strides = array<i32>} : memref<16784xf32, #tpu.memory_space<vmem>>, vector<16xf32>,
        %swap3A_1742 = vector.shape_cast %swap3A_1741 : vector<16xf32> to vector<16xf32>
        %swap3A_1743 = vector.shape_cast %sub3A_1737 : vector<16xf32> to vector<16xf32>
        tpu.vector_store %arg15[%swap3A_1740], %swap3A_1743 {strides = array<i32>} : memref<16784xf32, #tpu.memory_space<vmem>>, vector<16xf32>,
        %mul3A_1744 = arith.constant 16 : i32
        %mul3A_1745 = arith.muli %scan3A_115, %mul3A_1744 : i32
        %add3A_1746 = arith.constant 10 : i32
        %add3A_1747 = arith.addi %mul3A_1745, %add3A_1746 : i32
        %get3A_1748 = arith.index_cast %add3A_1747 : i32 to index
        %get3A_1749 = arith.constant 64 : index
        %get3A_1750 = tpu.vector_load %arg9[%get3A_1748, %get3A_1749] {strides = array<i32>} : memref<128x144xf32, #tpu.memory_space<vmem>>, vector<1x16xf32>,
        %get3A_1751 = vector.shape_cast %get3A_1750 : vector<1x16xf32> to vector<16xf32>
        %mul3A_1752 = arith.mulf %get3A_1751, %get3A_34 : vector<16xf32>
        %sub3A_1753 = arith.subf %mul3A_1752, %sub3A_160 : vector<16xf32>
        %add3A_1754 = arith.constant 64 : i32
        %add3A_1755 = arith.addi %add3A_1679, %add3A_1754 : i32
        %swap3A_1756 = arith.index_cast %add3A_1755 : i32 to index
        %swap3A_1757 = tpu.vector_load %arg15[%swap3A_1756] {strides = array<i32>} : memref<16784xf32, #tpu.memory_space<vmem>>, vector<16xf32>,
        %swap3A_1758 = vector.shape_cast %swap3A_1757 : vector<16xf32> to vector<16xf32>
        %swap3A_1759 = vector.shape_cast %sub3A_1753 : vector<16xf32> to vector<16xf32>
        tpu.vector_store %arg15[%swap3A_1756], %swap3A_1759 {strides = array<i32>} : memref<16784xf32, #tpu.memory_space<vmem>>, vector<16xf32>,
        %mul3A_1760 = arith.constant 16 : i32
        %mul3A_1761 = arith.muli %scan3A_115, %mul3A_1760 : i32
        %add3A_1762 = arith.constant 10 : i32
        %add3A_1763 = arith.addi %mul3A_1761, %add3A_1762 : i32
        %get3A_1764 = arith.index_cast %add3A_1763 : i32 to index
        %get3A_1765 = arith.constant 80 : index
        %get3A_1766 = tpu.vector_load %arg9[%get3A_1764, %get3A_1765] {strides = array<i32>} : memref<128x144xf32, #tpu.memory_space<vmem>>, vector<1x16xf32>,
        %get3A_1767 = vector.shape_cast %get3A_1766 : vector<1x16xf32> to vector<16xf32>
        %mul3A_1768 = arith.mulf %get3A_1767, %get3A_37 : vector<16xf32>
        %sub3A_1769 = arith.subf %mul3A_1768, %sub3A_169 : vector<16xf32>
        %add3A_1770 = arith.constant 80 : i32
        %add3A_1771 = arith.addi %add3A_1679, %add3A_1770 : i32
        %swap3A_1772 = arith.index_cast %add3A_1771 : i32 to index
        %swap3A_1773 = tpu.vector_load %arg15[%swap3A_1772] {strides = array<i32>} : memref<16784xf32, #tpu.memory_space<vmem>>, vector<16xf32>,
        %swap3A_1774 = vector.shape_cast %swap3A_1773 : vector<16xf32> to vector<16xf32>
        %swap3A_1775 = vector.shape_cast %sub3A_1769 : vector<16xf32> to vector<16xf32>
        tpu.vector_store %arg15[%swap3A_1772], %swap3A_1775 {strides = array<i32>} : memref<16784xf32, #tpu.memory_space<vmem>>, vector<16xf32>,
        %mul3A_1776 = arith.constant 16 : i32
        %mul3A_1777 = arith.muli %scan3A_115, %mul3A_1776 : i32
        %add3A_1778 = arith.constant 10 : i32
        %add3A_1779 = arith.addi %mul3A_1777, %add3A_1778 : i32
        %get3A_1780 = arith.index_cast %add3A_1779 : i32 to index
        %get3A_1781 = arith.constant 96 : index
        %get3A_1782 = tpu.vector_load %arg9[%get3A_1780, %get3A_1781] {strides = array<i32>} : memref<128x144xf32, #tpu.memory_space<vmem>>, vector<1x16xf32>,
        %get3A_1783 = vector.shape_cast %get3A_1782 : vector<1x16xf32> to vector<16xf32>
        %mul3A_1784 = arith.mulf %get3A_1783, %get3A_40 : vector<16xf32>
        %sub3A_1785 = arith.subf %mul3A_1784, %sub3A_178 : vector<16xf32>
        %add3A_1786 = arith.constant 96 : i32
        %add3A_1787 = arith.addi %add3A_1679, %add3A_1786 : i32
        %swap3A_1788 = arith.index_cast %add3A_1787 : i32 to index
        %swap3A_1789 = tpu.vector_load %arg15[%swap3A_1788] {strides = array<i32>} : memref<16784xf32, #tpu.memory_space<vmem>>, vector<16xf32>,
        %swap3A_1790 = vector.shape_cast %swap3A_1789 : vector<16xf32> to vector<16xf32>
        %swap3A_1791 = vector.shape_cast %sub3A_1785 : vector<16xf32> to vector<16xf32>
        tpu.vector_store %arg15[%swap3A_1788], %swap3A_1791 {strides = array<i32>} : memref<16784xf32, #tpu.memory_space<vmem>>, vector<16xf32>,
        %mul3A_1792 = arith.constant 16 : i32
        %mul3A_1793 = arith.muli %scan3A_115, %mul3A_1792 : i32
        %add3A_1794 = arith.constant 10 : i32
        %add3A_1795 = arith.addi %mul3A_1793, %add3A_1794 : i32
        %get3A_1796 = arith.index_cast %add3A_1795 : i32 to index
        %get3A_1797 = arith.constant 112 : index
        %get3A_1798 = tpu.vector_load %arg9[%get3A_1796, %get3A_1797] {strides = array<i32>} : memref<128x144xf32, #tpu.memory_space<vmem>>, vector<1x16xf32>,
        %get3A_1799 = vector.shape_cast %get3A_1798 : vector<1x16xf32> to vector<16xf32>
        %mul3A_1800 = arith.mulf %get3A_1799, %get3A_43 : vector<16xf32>
        %sub3A_1801 = arith.subf %mul3A_1800, %sub3A_187 : vector<16xf32>
        %add3A_1802 = arith.constant 112 : i32
        %add3A_1803 = arith.addi %add3A_1679, %add3A_1802 : i32
        %swap3A_1804 = arith.index_cast %add3A_1803 : i32 to index
        %swap3A_1805 = tpu.vector_load %arg15[%swap3A_1804] {strides = array<i32>} : memref<16784xf32, #tpu.memory_space<vmem>>, vector<16xf32>,
        %swap3A_1806 = vector.shape_cast %swap3A_1805 : vector<16xf32> to vector<16xf32>
        %swap3A_1807 = vector.shape_cast %sub3A_1801 : vector<16xf32> to vector<16xf32>
        tpu.vector_store %arg15[%swap3A_1804], %swap3A_1807 {strides = array<i32>} : memref<16784xf32, #tpu.memory_space<vmem>>, vector<16xf32>,
        %mul3A_1808 = arith.constant 16 : i32
        %mul3A_1809 = arith.muli %scan3A_115, %mul3A_1808 : i32
        %add3A_1810 = arith.constant 10 : i32
        %add3A_1811 = arith.addi %mul3A_1809, %add3A_1810 : i32
        %get3A_1812 = arith.index_cast %add3A_1811 : i32 to index
        %get3A_1813 = arith.constant 128 : index
        %get3A_1814 = tpu.vector_load %arg9[%get3A_1812, %get3A_1813] {strides = array<i32>} : memref<128x144xf32, #tpu.memory_space<vmem>>, vector<1x16xf32>,
        %get3A_1815 = vector.shape_cast %get3A_1814 : vector<1x16xf32> to vector<16xf32>
        %mul3A_1816 = arith.mulf %get3A_1815, %get3A_46 : vector<16xf32>
        %sub3A_1817 = arith.subf %mul3A_1816, %sub3A_196 : vector<16xf32>
        %add3A_1818 = arith.constant 128 : i32
        %add3A_1819 = arith.addi %add3A_1679, %add3A_1818 : i32
        %swap3A_1820 = arith.index_cast %add3A_1819 : i32 to index
        %swap3A_1821 = tpu.vector_load %arg15[%swap3A_1820] {strides = array<i32>} : memref<16784xf32, #tpu.memory_space<vmem>>, vector<16xf32>,
        %swap3A_1822 = vector.shape_cast %swap3A_1821 : vector<16xf32> to vector<16xf32>
        %swap3A_1823 = vector.shape_cast %sub3A_1817 : vector<16xf32> to vector<16xf32>
        tpu.vector_store %arg15[%swap3A_1820], %swap3A_1823 {strides = array<i32>} : memref<16784xf32, #tpu.memory_space<vmem>>, vector<16xf32>,
        %mul3A_1824 = arith.constant 2096 : i32
        %mul3A_1825 = arith.muli %scan3A_115, %mul3A_1824 : i32
        %add3A_1826 = arith.constant 1441 : i32
        %add3A_1827 = arith.addi %mul3A_1825, %add3A_1826 : i32
        %mul3A_1828 = arith.constant 16 : i32
        %mul3A_1829 = arith.muli %scan3A_115, %mul3A_1828 : i32
        %add3A_1830 = arith.constant 11 : i32
        %add3A_1831 = arith.addi %mul3A_1829, %add3A_1830 : i32
        %get3A_1832 = arith.index_cast %add3A_1831 : i32 to index
        %get3A_1833 = arith.constant 0 : index
        %get3A_1834 = tpu.vector_load %arg9[%get3A_1832, %get3A_1833] {strides = array<i32>} : memref<128x144xf32, #tpu.memory_space<vmem>>, vector<1x16xf32>,
        %get3A_1835 = vector.shape_cast %get3A_1834 : vector<1x16xf32> to vector<16xf32>
        %mul3A_1836 = arith.mulf %get3A_1835, %get3A_22 : vector<16xf32>
        %sub3A_1837 = arith.subf %mul3A_1836, %sub3A_124 : vector<16xf32>
        %add3A_1838 = arith.constant 0 : i32
        %add3A_1839 = arith.addi %add3A_1827, %add3A_1838 : i32
        %swap3A_1840 = arith.index_cast %add3A_1839 : i32 to index
        %swap3A_1841 = tpu.vector_load %arg15[%swap3A_1840] {strides = array<i32>} : memref<16784xf32, #tpu.memory_space<vmem>>, vector<16xf32>,
        %swap3A_1842 = vector.shape_cast %swap3A_1841 : vector<16xf32> to vector<16xf32>
        %swap3A_1843 = vector.shape_cast %sub3A_1837 : vector<16xf32> to vector<16xf32>
        tpu.vector_store %arg15[%swap3A_1840], %swap3A_1843 {strides = array<i32>} : memref<16784xf32, #tpu.memory_space<vmem>>, vector<16xf32>,
        %mul3A_1844 = arith.constant 16 : i32
        %mul3A_1845 = arith.muli %scan3A_115, %mul3A_1844 : i32
        %add3A_1846 = arith.constant 11 : i32
        %add3A_1847 = arith.addi %mul3A_1845, %add3A_1846 : i32
        %get3A_1848 = arith.index_cast %add3A_1847 : i32 to index
        %get3A_1849 = arith.constant 16 : index
        %get3A_1850 = tpu.vector_load %arg9[%get3A_1848, %get3A_1849] {strides = array<i32>} : memref<128x144xf32, #tpu.memory_space<vmem>>, vector<1x16xf32>,
        %get3A_1851 = vector.shape_cast %get3A_1850 : vector<1x16xf32> to vector<16xf32>
        %mul3A_1852 = arith.mulf %get3A_1851, %get3A_25 : vector<16xf32>
        %sub3A_1853 = arith.subf %mul3A_1852, %sub3A_133 : vector<16xf32>
        %add3A_1854 = arith.constant 16 : i32
        %add3A_1855 = arith.addi %add3A_1827, %add3A_1854 : i32
        %swap3A_1856 = arith.index_cast %add3A_1855 : i32 to index
        %swap3A_1857 = tpu.vector_load %arg15[%swap3A_1856] {strides = array<i32>} : memref<16784xf32, #tpu.memory_space<vmem>>, vector<16xf32>,
        %swap3A_1858 = vector.shape_cast %swap3A_1857 : vector<16xf32> to vector<16xf32>
        %swap3A_1859 = vector.shape_cast %sub3A_1853 : vector<16xf32> to vector<16xf32>
        tpu.vector_store %arg15[%swap3A_1856], %swap3A_1859 {strides = array<i32>} : memref<16784xf32, #tpu.memory_space<vmem>>, vector<16xf32>,
        %mul3A_1860 = arith.constant 16 : i32
        %mul3A_1861 = arith.muli %scan3A_115, %mul3A_1860 : i32
        %add3A_1862 = arith.constant 11 : i32
        %add3A_1863 = arith.addi %mul3A_1861, %add3A_1862 : i32
        %get3A_1864 = arith.index_cast %add3A_1863 : i32 to index
        %get3A_1865 = arith.constant 32 : index
        %get3A_1866 = tpu.vector_load %arg9[%get3A_1864, %get3A_1865] {strides = array<i32>} : memref<128x144xf32, #tpu.memory_space<vmem>>, vector<1x16xf32>,
        %get3A_1867 = vector.shape_cast %get3A_1866 : vector<1x16xf32> to vector<16xf32>
        %mul3A_1868 = arith.mulf %get3A_1867, %get3A_28 : vector<16xf32>
        %sub3A_1869 = arith.subf %mul3A_1868, %sub3A_142 : vector<16xf32>
        %add3A_1870 = arith.constant 32 : i32
        %add3A_1871 = arith.addi %add3A_1827, %add3A_1870 : i32
        %swap3A_1872 = arith.index_cast %add3A_1871 : i32 to index
        %swap3A_1873 = tpu.vector_load %arg15[%swap3A_1872] {strides = array<i32>} : memref<16784xf32, #tpu.memory_space<vmem>>, vector<16xf32>,
        %swap3A_1874 = vector.shape_cast %swap3A_1873 : vector<16xf32> to vector<16xf32>
        %swap3A_1875 = vector.shape_cast %sub3A_1869 : vector<16xf32> to vector<16xf32>
        tpu.vector_store %arg15[%swap3A_1872], %swap3A_1875 {strides = array<i32>} : memref<16784xf32, #tpu.memory_space<vmem>>, vector<16xf32>,
        %mul3A_1876 = arith.constant 16 : i32
        %mul3A_1877 = arith.muli %scan3A_115, %mul3A_1876 : i32
        %add3A_1878 = arith.constant 11 : i32
        %add3A_1879 = arith.addi %mul3A_1877, %add3A_1878 : i32
        %get3A_1880 = arith.index_cast %add3A_1879 : i32 to index
        %get3A_1881 = arith.constant 48 : index
        %get3A_1882 = tpu.vector_load %arg9[%get3A_1880, %get3A_1881] {strides = array<i32>} : memref<128x144xf32, #tpu.memory_space<vmem>>, vector<1x16xf32>,
        %get3A_1883 = vector.shape_cast %get3A_1882 : vector<1x16xf32> to vector<16xf32>
        %mul3A_1884 = arith.mulf %get3A_1883, %get3A_31 : vector<16xf32>
        %sub3A_1885 = arith.subf %mul3A_1884, %sub3A_151 : vector<16xf32>
        %add3A_1886 = arith.constant 48 : i32
        %add3A_1887 = arith.addi %add3A_1827, %add3A_1886 : i32
        %swap3A_1888 = arith.index_cast %add3A_1887 : i32 to index
        %swap3A_1889 = tpu.vector_load %arg15[%swap3A_1888] {strides = array<i32>} : memref<16784xf32, #tpu.memory_space<vmem>>, vector<16xf32>,
        %swap3A_1890 = vector.shape_cast %swap3A_1889 : vector<16xf32> to vector<16xf32>
        %swap3A_1891 = vector.shape_cast %sub3A_1885 : vector<16xf32> to vector<16xf32>
        tpu.vector_store %arg15[%swap3A_1888], %swap3A_1891 {strides = array<i32>} : memref<16784xf32, #tpu.memory_space<vmem>>, vector<16xf32>,
        %mul3A_1892 = arith.constant 16 : i32
        %mul3A_1893 = arith.muli %scan3A_115, %mul3A_1892 : i32
        %add3A_1894 = arith.constant 11 : i32
        %add3A_1895 = arith.addi %mul3A_1893, %add3A_1894 : i32
        %get3A_1896 = arith.index_cast %add3A_1895 : i32 to index
        %get3A_1897 = arith.constant 64 : index
        %get3A_1898 = tpu.vector_load %arg9[%get3A_1896, %get3A_1897] {strides = array<i32>} : memref<128x144xf32, #tpu.memory_space<vmem>>, vector<1x16xf32>,
        %get3A_1899 = vector.shape_cast %get3A_1898 : vector<1x16xf32> to vector<16xf32>
        %mul3A_1900 = arith.mulf %get3A_1899, %get3A_34 : vector<16xf32>
        %sub3A_1901 = arith.subf %mul3A_1900, %sub3A_160 : vector<16xf32>
        %add3A_1902 = arith.constant 64 : i32
        %add3A_1903 = arith.addi %add3A_1827, %add3A_1902 : i32
        %swap3A_1904 = arith.index_cast %add3A_1903 : i32 to index
        %swap3A_1905 = tpu.vector_load %arg15[%swap3A_1904] {strides = array<i32>} : memref<16784xf32, #tpu.memory_space<vmem>>, vector<16xf32>,
        %swap3A_1906 = vector.shape_cast %swap3A_1905 : vector<16xf32> to vector<16xf32>
        %swap3A_1907 = vector.shape_cast %sub3A_1901 : vector<16xf32> to vector<16xf32>
        tpu.vector_store %arg15[%swap3A_1904], %swap3A_1907 {strides = array<i32>} : memref<16784xf32, #tpu.memory_space<vmem>>, vector<16xf32>,
        %mul3A_1908 = arith.constant 16 : i32
        %mul3A_1909 = arith.muli %scan3A_115, %mul3A_1908 : i32
        %add3A_1910 = arith.constant 11 : i32
        %add3A_1911 = arith.addi %mul3A_1909, %add3A_1910 : i32
        %get3A_1912 = arith.index_cast %add3A_1911 : i32 to index
        %get3A_1913 = arith.constant 80 : index
        %get3A_1914 = tpu.vector_load %arg9[%get3A_1912, %get3A_1913] {strides = array<i32>} : memref<128x144xf32, #tpu.memory_space<vmem>>, vector<1x16xf32>,
        %get3A_1915 = vector.shape_cast %get3A_1914 : vector<1x16xf32> to vector<16xf32>
        %mul3A_1916 = arith.mulf %get3A_1915, %get3A_37 : vector<16xf32>
        %sub3A_1917 = arith.subf %mul3A_1916, %sub3A_169 : vector<16xf32>
        %add3A_1918 = arith.constant 80 : i32
        %add3A_1919 = arith.addi %add3A_1827, %add3A_1918 : i32
        %swap3A_1920 = arith.index_cast %add3A_1919 : i32 to index
        %swap3A_1921 = tpu.vector_load %arg15[%swap3A_1920] {strides = array<i32>} : memref<16784xf32, #tpu.memory_space<vmem>>, vector<16xf32>,
        %swap3A_1922 = vector.shape_cast %swap3A_1921 : vector<16xf32> to vector<16xf32>
        %swap3A_1923 = vector.shape_cast %sub3A_1917 : vector<16xf32> to vector<16xf32>
        tpu.vector_store %arg15[%swap3A_1920], %swap3A_1923 {strides = array<i32>} : memref<16784xf32, #tpu.memory_space<vmem>>, vector<16xf32>,
        %mul3A_1924 = arith.constant 16 : i32
        %mul3A_1925 = arith.muli %scan3A_115, %mul3A_1924 : i32
        %add3A_1926 = arith.constant 11 : i32
        %add3A_1927 = arith.addi %mul3A_1925, %add3A_1926 : i32
        %get3A_1928 = arith.index_cast %add3A_1927 : i32 to index
        %get3A_1929 = arith.constant 96 : index
        %get3A_1930 = tpu.vector_load %arg9[%get3A_1928, %get3A_1929] {strides = array<i32>} : memref<128x144xf32, #tpu.memory_space<vmem>>, vector<1x16xf32>,
        %get3A_1931 = vector.shape_cast %get3A_1930 : vector<1x16xf32> to vector<16xf32>
        %mul3A_1932 = arith.mulf %get3A_1931, %get3A_40 : vector<16xf32>
        %sub3A_1933 = arith.subf %mul3A_1932, %sub3A_178 : vector<16xf32>
        %add3A_1934 = arith.constant 96 : i32
        %add3A_1935 = arith.addi %add3A_1827, %add3A_1934 : i32
        %swap3A_1936 = arith.index_cast %add3A_1935 : i32 to index
        %swap3A_1937 = tpu.vector_load %arg15[%swap3A_1936] {strides = array<i32>} : memref<16784xf32, #tpu.memory_space<vmem>>, vector<16xf32>,
        %swap3A_1938 = vector.shape_cast %swap3A_1937 : vector<16xf32> to vector<16xf32>
        %swap3A_1939 = vector.shape_cast %sub3A_1933 : vector<16xf32> to vector<16xf32>
        tpu.vector_store %arg15[%swap3A_1936], %swap3A_1939 {strides = array<i32>} : memref<16784xf32, #tpu.memory_space<vmem>>, vector<16xf32>,
        %mul3A_1940 = arith.constant 16 : i32
        %mul3A_1941 = arith.muli %scan3A_115, %mul3A_1940 : i32
        %add3A_1942 = arith.constant 11 : i32
        %add3A_1943 = arith.addi %mul3A_1941, %add3A_1942 : i32
        %get3A_1944 = arith.index_cast %add3A_1943 : i32 to index
        %get3A_1945 = arith.constant 112 : index
        %get3A_1946 = tpu.vector_load %arg9[%get3A_1944, %get3A_1945] {strides = array<i32>} : memref<128x144xf32, #tpu.memory_space<vmem>>, vector<1x16xf32>,
        %get3A_1947 = vector.shape_cast %get3A_1946 : vector<1x16xf32> to vector<16xf32>
        %mul3A_1948 = arith.mulf %get3A_1947, %get3A_43 : vector<16xf32>
        %sub3A_1949 = arith.subf %mul3A_1948, %sub3A_187 : vector<16xf32>
        %add3A_1950 = arith.constant 112 : i32
        %add3A_1951 = arith.addi %add3A_1827, %add3A_1950 : i32
        %swap3A_1952 = arith.index_cast %add3A_1951 : i32 to index
        %swap3A_1953 = tpu.vector_load %arg15[%swap3A_1952] {strides = array<i32>} : memref<16784xf32, #tpu.memory_space<vmem>>, vector<16xf32>,
        %swap3A_1954 = vector.shape_cast %swap3A_1953 : vector<16xf32> to vector<16xf32>
        %swap3A_1955 = vector.shape_cast %sub3A_1949 : vector<16xf32> to vector<16xf32>
        tpu.vector_store %arg15[%swap3A_1952], %swap3A_1955 {strides = array<i32>} : memref<16784xf32, #tpu.memory_space<vmem>>, vector<16xf32>,
        %mul3A_1956 = arith.constant 16 : i32
        %mul3A_1957 = arith.muli %scan3A_115, %mul3A_1956 : i32
        %add3A_1958 = arith.constant 11 : i32
        %add3A_1959 = arith.addi %mul3A_1957, %add3A_1958 : i32
        %get3A_1960 = arith.index_cast %add3A_1959 : i32 to index
        %get3A_1961 = arith.constant 128 : index
        %get3A_1962 = tpu.vector_load %arg9[%get3A_1960, %get3A_1961] {strides = array<i32>} : memref<128x144xf32, #tpu.memory_space<vmem>>, vector<1x16xf32>,
        %get3A_1963 = vector.shape_cast %get3A_1962 : vector<1x16xf32> to vector<16xf32>
        %mul3A_1964 = arith.mulf %get3A_1963, %get3A_46 : vector<16xf32>
        %sub3A_1965 = arith.subf %mul3A_1964, %sub3A_196 : vector<16xf32>
        %add3A_1966 = arith.constant 128 : i32
        %add3A_1967 = arith.addi %add3A_1827, %add3A_1966 : i32
        %swap3A_1968 = arith.index_cast %add3A_1967 : i32 to index
        %swap3A_1969 = tpu.vector_load %arg15[%swap3A_1968] {strides = array<i32>} : memref<16784xf32, #tpu.memory_space<vmem>>, vector<16xf32>,
        %swap3A_1970 = vector.shape_cast %swap3A_1969 : vector<16xf32> to vector<16xf32>
        %swap3A_1971 = vector.shape_cast %sub3A_1965 : vector<16xf32> to vector<16xf32>
        tpu.vector_store %arg15[%swap3A_1968], %swap3A_1971 {strides = array<i32>} : memref<16784xf32, #tpu.memory_space<vmem>>, vector<16xf32>,
        %mul3A_1972 = arith.constant 2096 : i32
        %mul3A_1973 = arith.muli %scan3A_115, %mul3A_1972 : i32
        %add3A_1974 = arith.constant 1572 : i32
        %add3A_1975 = arith.addi %mul3A_1973, %add3A_1974 : i32
        %mul3A_1976 = arith.constant 16 : i32
        %mul3A_1977 = arith.muli %scan3A_115, %mul3A_1976 : i32
        %add3A_1978 = arith.constant 12 : i32
        %add3A_1979 = arith.addi %mul3A_1977, %add3A_1978 : i32
        %get3A_1980 = arith.index_cast %add3A_1979 : i32 to index
        %get3A_1981 = arith.constant 0 : index
        %get3A_1982 = tpu.vector_load %arg9[%get3A_1980, %get3A_1981] {strides = array<i32>} : memref<128x144xf32, #tpu.memory_space<vmem>>, vector<1x16xf32>,
        %get3A_1983 = vector.shape_cast %get3A_1982 : vector<1x16xf32> to vector<16xf32>
        %mul3A_1984 = arith.mulf %get3A_1983, %get3A_22 : vector<16xf32>
        %sub3A_1985 = arith.subf %mul3A_1984, %sub3A_124 : vector<16xf32>
        %add3A_1986 = arith.constant 0 : i32
        %add3A_1987 = arith.addi %add3A_1975, %add3A_1986 : i32
        %swap3A_1988 = arith.index_cast %add3A_1987 : i32 to index
        %swap3A_1989 = tpu.vector_load %arg15[%swap3A_1988] {strides = array<i32>} : memref<16784xf32, #tpu.memory_space<vmem>>, vector<16xf32>,
        %swap3A_1990 = vector.shape_cast %swap3A_1989 : vector<16xf32> to vector<16xf32>
        %swap3A_1991 = vector.shape_cast %sub3A_1985 : vector<16xf32> to vector<16xf32>
        tpu.vector_store %arg15[%swap3A_1988], %swap3A_1991 {strides = array<i32>} : memref<16784xf32, #tpu.memory_space<vmem>>, vector<16xf32>,
        %mul3A_1992 = arith.constant 16 : i32
        %mul3A_1993 = arith.muli %scan3A_115, %mul3A_1992 : i32
        %add3A_1994 = arith.constant 12 : i32
        %add3A_1995 = arith.addi %mul3A_1993, %add3A_1994 : i32
        %get3A_1996 = arith.index_cast %add3A_1995 : i32 to index
        %get3A_1997 = arith.constant 16 : index
        %get3A_1998 = tpu.vector_load %arg9[%get3A_1996, %get3A_1997] {strides = array<i32>} : memref<128x144xf32, #tpu.memory_space<vmem>>, vector<1x16xf32>,
        %get3A_1999 = vector.shape_cast %get3A_1998 : vector<1x16xf32> to vector<16xf32>
        %mul3A_2000 = arith.mulf %get3A_1999, %get3A_25 : vector<16xf32>
        %sub3A_2001 = arith.subf %mul3A_2000, %sub3A_133 : vector<16xf32>
        %add3A_2002 = arith.constant 16 : i32
        %add3A_2003 = arith.addi %add3A_1975, %add3A_2002 : i32
        %swap3A_2004 = arith.index_cast %add3A_2003 : i32 to index
        %swap3A_2005 = tpu.vector_load %arg15[%swap3A_2004] {strides = array<i32>} : memref<16784xf32, #tpu.memory_space<vmem>>, vector<16xf32>,
        %swap3A_2006 = vector.shape_cast %swap3A_2005 : vector<16xf32> to vector<16xf32>
        %swap3A_2007 = vector.shape_cast %sub3A_2001 : vector<16xf32> to vector<16xf32>
        tpu.vector_store %arg15[%swap3A_2004], %swap3A_2007 {strides = array<i32>} : memref<16784xf32, #tpu.memory_space<vmem>>, vector<16xf32>,
        %mul3A_2008 = arith.constant 16 : i32
        %mul3A_2009 = arith.muli %scan3A_115, %mul3A_2008 : i32
        %add3A_2010 = arith.constant 12 : i32
        %add3A_2011 = arith.addi %mul3A_2009, %add3A_2010 : i32
        %get3A_2012 = arith.index_cast %add3A_2011 : i32 to index
        %get3A_2013 = arith.constant 32 : index
        %get3A_2014 = tpu.vector_load %arg9[%get3A_2012, %get3A_2013] {strides = array<i32>} : memref<128x144xf32, #tpu.memory_space<vmem>>, vector<1x16xf32>,
        %get3A_2015 = vector.shape_cast %get3A_2014 : vector<1x16xf32> to vector<16xf32>
        %mul3A_2016 = arith.mulf %get3A_2015, %get3A_28 : vector<16xf32>
        %sub3A_2017 = arith.subf %mul3A_2016, %sub3A_142 : vector<16xf32>
        %add3A_2018 = arith.constant 32 : i32
        %add3A_2019 = arith.addi %add3A_1975, %add3A_2018 : i32
        %swap3A_2020 = arith.index_cast %add3A_2019 : i32 to index
        %swap3A_2021 = tpu.vector_load %arg15[%swap3A_2020] {strides = array<i32>} : memref<16784xf32, #tpu.memory_space<vmem>>, vector<16xf32>,
        %swap3A_2022 = vector.shape_cast %swap3A_2021 : vector<16xf32> to vector<16xf32>
        %swap3A_2023 = vector.shape_cast %sub3A_2017 : vector<16xf32> to vector<16xf32>
        tpu.vector_store %arg15[%swap3A_2020], %swap3A_2023 {strides = array<i32>} : memref<16784xf32, #tpu.memory_space<vmem>>, vector<16xf32>,
        %mul3A_2024 = arith.constant 16 : i32
        %mul3A_2025 = arith.muli %scan3A_115, %mul3A_2024 : i32
        %add3A_2026 = arith.constant 12 : i32
        %add3A_2027 = arith.addi %mul3A_2025, %add3A_2026 : i32
        %get3A_2028 = arith.index_cast %add3A_2027 : i32 to index
        %get3A_2029 = arith.constant 48 : index
        %get3A_2030 = tpu.vector_load %arg9[%get3A_2028, %get3A_2029] {strides = array<i32>} : memref<128x144xf32, #tpu.memory_space<vmem>>, vector<1x16xf32>,
        %get3A_2031 = vector.shape_cast %get3A_2030 : vector<1x16xf32> to vector<16xf32>
        %mul3A_2032 = arith.mulf %get3A_2031, %get3A_31 : vector<16xf32>
        %sub3A_2033 = arith.subf %mul3A_2032, %sub3A_151 : vector<16xf32>
        %add3A_2034 = arith.constant 48 : i32
        %add3A_2035 = arith.addi %add3A_1975, %add3A_2034 : i32
        %swap3A_2036 = arith.index_cast %add3A_2035 : i32 to index
        %swap3A_2037 = tpu.vector_load %arg15[%swap3A_2036] {strides = array<i32>} : memref<16784xf32, #tpu.memory_space<vmem>>, vector<16xf32>,
        %swap3A_2038 = vector.shape_cast %swap3A_2037 : vector<16xf32> to vector<16xf32>
        %swap3A_2039 = vector.shape_cast %sub3A_2033 : vector<16xf32> to vector<16xf32>
        tpu.vector_store %arg15[%swap3A_2036], %swap3A_2039 {strides = array<i32>} : memref<16784xf32, #tpu.memory_space<vmem>>, vector<16xf32>,
        %mul3A_2040 = arith.constant 16 : i32
        %mul3A_2041 = arith.muli %scan3A_115, %mul3A_2040 : i32
        %add3A_2042 = arith.constant 12 : i32
        %add3A_2043 = arith.addi %mul3A_2041, %add3A_2042 : i32
        %get3A_2044 = arith.index_cast %add3A_2043 : i32 to index
        %get3A_2045 = arith.constant 64 : index
        %get3A_2046 = tpu.vector_load %arg9[%get3A_2044, %get3A_2045] {strides = array<i32>} : memref<128x144xf32, #tpu.memory_space<vmem>>, vector<1x16xf32>,
        %get3A_2047 = vector.shape_cast %get3A_2046 : vector<1x16xf32> to vector<16xf32>
        %mul3A_2048 = arith.mulf %get3A_2047, %get3A_34 : vector<16xf32>
        %sub3A_2049 = arith.subf %mul3A_2048, %sub3A_160 : vector<16xf32>
        %add3A_2050 = arith.constant 64 : i32
        %add3A_2051 = arith.addi %add3A_1975, %add3A_2050 : i32
        %swap3A_2052 = arith.index_cast %add3A_2051 : i32 to index
        %swap3A_2053 = tpu.vector_load %arg15[%swap3A_2052] {strides = array<i32>} : memref<16784xf32, #tpu.memory_space<vmem>>, vector<16xf32>,
        %swap3A_2054 = vector.shape_cast %swap3A_2053 : vector<16xf32> to vector<16xf32>
        %swap3A_2055 = vector.shape_cast %sub3A_2049 : vector<16xf32> to vector<16xf32>
        tpu.vector_store %arg15[%swap3A_2052], %swap3A_2055 {strides = array<i32>} : memref<16784xf32, #tpu.memory_space<vmem>>, vector<16xf32>,
        %mul3A_2056 = arith.constant 16 : i32
        %mul3A_2057 = arith.muli %scan3A_115, %mul3A_2056 : i32
        %add3A_2058 = arith.constant 12 : i32
        %add3A_2059 = arith.addi %mul3A_2057, %add3A_2058 : i32
        %get3A_2060 = arith.index_cast %add3A_2059 : i32 to index
        %get3A_2061 = arith.constant 80 : index
        %get3A_2062 = tpu.vector_load %arg9[%get3A_2060, %get3A_2061] {strides = array<i32>} : memref<128x144xf32, #tpu.memory_space<vmem>>, vector<1x16xf32>,
        %get3A_2063 = vector.shape_cast %get3A_2062 : vector<1x16xf32> to vector<16xf32>
        %mul3A_2064 = arith.mulf %get3A_2063, %get3A_37 : vector<16xf32>
        %sub3A_2065 = arith.subf %mul3A_2064, %sub3A_169 : vector<16xf32>
        %add3A_2066 = arith.constant 80 : i32
        %add3A_2067 = arith.addi %add3A_1975, %add3A_2066 : i32
        %swap3A_2068 = arith.index_cast %add3A_2067 : i32 to index
        %swap3A_2069 = tpu.vector_load %arg15[%swap3A_2068] {strides = array<i32>} : memref<16784xf32, #tpu.memory_space<vmem>>, vector<16xf32>,
        %swap3A_2070 = vector.shape_cast %swap3A_2069 : vector<16xf32> to vector<16xf32>
        %swap3A_2071 = vector.shape_cast %sub3A_2065 : vector<16xf32> to vector<16xf32>
        tpu.vector_store %arg15[%swap3A_2068], %swap3A_2071 {strides = array<i32>} : memref<16784xf32, #tpu.memory_space<vmem>>, vector<16xf32>,
        %mul3A_2072 = arith.constant 16 : i32
        %mul3A_2073 = arith.muli %scan3A_115, %mul3A_2072 : i32
        %add3A_2074 = arith.constant 12 : i32
        %add3A_2075 = arith.addi %mul3A_2073, %add3A_2074 : i32
        %get3A_2076 = arith.index_cast %add3A_2075 : i32 to index
        %get3A_2077 = arith.constant 96 : index
        %get3A_2078 = tpu.vector_load %arg9[%get3A_2076, %get3A_2077] {strides = array<i32>} : memref<128x144xf32, #tpu.memory_space<vmem>>, vector<1x16xf32>,
        %get3A_2079 = vector.shape_cast %get3A_2078 : vector<1x16xf32> to vector<16xf32>
        %mul3A_2080 = arith.mulf %get3A_2079, %get3A_40 : vector<16xf32>
        %sub3A_2081 = arith.subf %mul3A_2080, %sub3A_178 : vector<16xf32>
        %add3A_2082 = arith.constant 96 : i32
        %add3A_2083 = arith.addi %add3A_1975, %add3A_2082 : i32
        %swap3A_2084 = arith.index_cast %add3A_2083 : i32 to index
        %swap3A_2085 = tpu.vector_load %arg15[%swap3A_2084] {strides = array<i32>} : memref<16784xf32, #tpu.memory_space<vmem>>, vector<16xf32>,
        %swap3A_2086 = vector.shape_cast %swap3A_2085 : vector<16xf32> to vector<16xf32>
        %swap3A_2087 = vector.shape_cast %sub3A_2081 : vector<16xf32> to vector<16xf32>
        tpu.vector_store %arg15[%swap3A_2084], %swap3A_2087 {strides = array<i32>} : memref<16784xf32, #tpu.memory_space<vmem>>, vector<16xf32>,
        %mul3A_2088 = arith.constant 16 : i32
        %mul3A_2089 = arith.muli %scan3A_115, %mul3A_2088 : i32
        %add3A_2090 = arith.constant 12 : i32
        %add3A_2091 = arith.addi %mul3A_2089, %add3A_2090 : i32
        %get3A_2092 = arith.index_cast %add3A_2091 : i32 to index
        %get3A_2093 = arith.constant 112 : index
        %get3A_2094 = tpu.vector_load %arg9[%get3A_2092, %get3A_2093] {strides = array<i32>} : memref<128x144xf32, #tpu.memory_space<vmem>>, vector<1x16xf32>,
        %get3A_2095 = vector.shape_cast %get3A_2094 : vector<1x16xf32> to vector<16xf32>
        %mul3A_2096 = arith.mulf %get3A_2095, %get3A_43 : vector<16xf32>
        %sub3A_2097 = arith.subf %mul3A_2096, %sub3A_187 : vector<16xf32>
        %add3A_2098 = arith.constant 112 : i32
        %add3A_2099 = arith.addi %add3A_1975, %add3A_2098 : i32
        %swap3A_2100 = arith.index_cast %add3A_2099 : i32 to index
        %swap3A_2101 = tpu.vector_load %arg15[%swap3A_2100] {strides = array<i32>} : memref<16784xf32, #tpu.memory_space<vmem>>, vector<16xf32>,
        %swap3A_2102 = vector.shape_cast %swap3A_2101 : vector<16xf32> to vector<16xf32>
        %swap3A_2103 = vector.shape_cast %sub3A_2097 : vector<16xf32> to vector<16xf32>
        tpu.vector_store %arg15[%swap3A_2100], %swap3A_2103 {strides = array<i32>} : memref<16784xf32, #tpu.memory_space<vmem>>, vector<16xf32>,
        %mul3A_2104 = arith.constant 16 : i32
        %mul3A_2105 = arith.muli %scan3A_115, %mul3A_2104 : i32
        %add3A_2106 = arith.constant 12 : i32
        %add3A_2107 = arith.addi %mul3A_2105, %add3A_2106 : i32
        %get3A_2108 = arith.index_cast %add3A_2107 : i32 to index
        %get3A_2109 = arith.constant 128 : index
        %get3A_2110 = tpu.vector_load %arg9[%get3A_2108, %get3A_2109] {strides = array<i32>} : memref<128x144xf32, #tpu.memory_space<vmem>>, vector<1x16xf32>,
        %get3A_2111 = vector.shape_cast %get3A_2110 : vector<1x16xf32> to vector<16xf32>
        %mul3A_2112 = arith.mulf %get3A_2111, %get3A_46 : vector<16xf32>
        %sub3A_2113 = arith.subf %mul3A_2112, %sub3A_196 : vector<16xf32>
        %add3A_2114 = arith.constant 128 : i32
        %add3A_2115 = arith.addi %add3A_1975, %add3A_2114 : i32
        %swap3A_2116 = arith.index_cast %add3A_2115 : i32 to index
        %swap3A_2117 = tpu.vector_load %arg15[%swap3A_2116] {strides = array<i32>} : memref<16784xf32, #tpu.memory_space<vmem>>, vector<16xf32>,
        %swap3A_2118 = vector.shape_cast %swap3A_2117 : vector<16xf32> to vector<16xf32>
        %swap3A_2119 = vector.shape_cast %sub3A_2113 : vector<16xf32> to vector<16xf32>
        tpu.vector_store %arg15[%swap3A_2116], %swap3A_2119 {strides = array<i32>} : memref<16784xf32, #tpu.memory_space<vmem>>, vector<16xf32>,
        %mul3A_2120 = arith.constant 2096 : i32
        %mul3A_2121 = arith.muli %scan3A_115, %mul3A_2120 : i32
        %add3A_2122 = arith.constant 1703 : i32
        %add3A_2123 = arith.addi %mul3A_2121, %add3A_2122 : i32
        %mul3A_2124 = arith.constant 16 : i32
        %mul3A_2125 = arith.muli %scan3A_115, %mul3A_2124 : i32
        %add3A_2126 = arith.constant 13 : i32
        %add3A_2127 = arith.addi %mul3A_2125, %add3A_2126 : i32
        %get3A_2128 = arith.index_cast %add3A_2127 : i32 to index
        %get3A_2129 = arith.constant 0 : index
        %get3A_2130 = tpu.vector_load %arg9[%get3A_2128, %get3A_2129] {strides = array<i32>} : memref<128x144xf32, #tpu.memory_space<vmem>>, vector<1x16xf32>,
        %get3A_2131 = vector.shape_cast %get3A_2130 : vector<1x16xf32> to vector<16xf32>
        %mul3A_2132 = arith.mulf %get3A_2131, %get3A_22 : vector<16xf32>
        %sub3A_2133 = arith.subf %mul3A_2132, %sub3A_124 : vector<16xf32>
        %add3A_2134 = arith.constant 0 : i32
        %add3A_2135 = arith.addi %add3A_2123, %add3A_2134 : i32
        %swap3A_2136 = arith.index_cast %add3A_2135 : i32 to index
        %swap3A_2137 = tpu.vector_load %arg15[%swap3A_2136] {strides = array<i32>} : memref<16784xf32, #tpu.memory_space<vmem>>, vector<16xf32>,
        %swap3A_2138 = vector.shape_cast %swap3A_2137 : vector<16xf32> to vector<16xf32>
        %swap3A_2139 = vector.shape_cast %sub3A_2133 : vector<16xf32> to vector<16xf32>
        tpu.vector_store %arg15[%swap3A_2136], %swap3A_2139 {strides = array<i32>} : memref<16784xf32, #tpu.memory_space<vmem>>, vector<16xf32>,
        %mul3A_2140 = arith.constant 16 : i32
        %mul3A_2141 = arith.muli %scan3A_115, %mul3A_2140 : i32
        %add3A_2142 = arith.constant 13 : i32
        %add3A_2143 = arith.addi %mul3A_2141, %add3A_2142 : i32
        %get3A_2144 = arith.index_cast %add3A_2143 : i32 to index
        %get3A_2145 = arith.constant 16 : index
        %get3A_2146 = tpu.vector_load %arg9[%get3A_2144, %get3A_2145] {strides = array<i32>} : memref<128x144xf32, #tpu.memory_space<vmem>>, vector<1x16xf32>,
        %get3A_2147 = vector.shape_cast %get3A_2146 : vector<1x16xf32> to vector<16xf32>
        %mul3A_2148 = arith.mulf %get3A_2147, %get3A_25 : vector<16xf32>
        %sub3A_2149 = arith.subf %mul3A_2148, %sub3A_133 : vector<16xf32>
        %add3A_2150 = arith.constant 16 : i32
        %add3A_2151 = arith.addi %add3A_2123, %add3A_2150 : i32
        %swap3A_2152 = arith.index_cast %add3A_2151 : i32 to index
        %swap3A_2153 = tpu.vector_load %arg15[%swap3A_2152] {strides = array<i32>} : memref<16784xf32, #tpu.memory_space<vmem>>, vector<16xf32>,
        %swap3A_2154 = vector.shape_cast %swap3A_2153 : vector<16xf32> to vector<16xf32>
        %swap3A_2155 = vector.shape_cast %sub3A_2149 : vector<16xf32> to vector<16xf32>
        tpu.vector_store %arg15[%swap3A_2152], %swap3A_2155 {strides = array<i32>} : memref<16784xf32, #tpu.memory_space<vmem>>, vector<16xf32>,
        %mul3A_2156 = arith.constant 16 : i32
        %mul3A_2157 = arith.muli %scan3A_115, %mul3A_2156 : i32
        %add3A_2158 = arith.constant 13 : i32
        %add3A_2159 = arith.addi %mul3A_2157, %add3A_2158 : i32
        %get3A_2160 = arith.index_cast %add3A_2159 : i32 to index
        %get3A_2161 = arith.constant 32 : index
        %get3A_2162 = tpu.vector_load %arg9[%get3A_2160, %get3A_2161] {strides = array<i32>} : memref<128x144xf32, #tpu.memory_space<vmem>>, vector<1x16xf32>,
        %get3A_2163 = vector.shape_cast %get3A_2162 : vector<1x16xf32> to vector<16xf32>
        %mul3A_2164 = arith.mulf %get3A_2163, %get3A_28 : vector<16xf32>
        %sub3A_2165 = arith.subf %mul3A_2164, %sub3A_142 : vector<16xf32>
        %add3A_2166 = arith.constant 32 : i32
        %add3A_2167 = arith.addi %add3A_2123, %add3A_2166 : i32
        %swap3A_2168 = arith.index_cast %add3A_2167 : i32 to index
        %swap3A_2169 = tpu.vector_load %arg15[%swap3A_2168] {strides = array<i32>} : memref<16784xf32, #tpu.memory_space<vmem>>, vector<16xf32>,
        %swap3A_2170 = vector.shape_cast %swap3A_2169 : vector<16xf32> to vector<16xf32>
        %swap3A_2171 = vector.shape_cast %sub3A_2165 : vector<16xf32> to vector<16xf32>
        tpu.vector_store %arg15[%swap3A_2168], %swap3A_2171 {strides = array<i32>} : memref<16784xf32, #tpu.memory_space<vmem>>, vector<16xf32>,
        %mul3A_2172 = arith.constant 16 : i32
        %mul3A_2173 = arith.muli %scan3A_115, %mul3A_2172 : i32
        %add3A_2174 = arith.constant 13 : i32
        %add3A_2175 = arith.addi %mul3A_2173, %add3A_2174 : i32
        %get3A_2176 = arith.index_cast %add3A_2175 : i32 to index
        %get3A_2177 = arith.constant 48 : index
        %get3A_2178 = tpu.vector_load %arg9[%get3A_2176, %get3A_2177] {strides = array<i32>} : memref<128x144xf32, #tpu.memory_space<vmem>>, vector<1x16xf32>,
        %get3A_2179 = vector.shape_cast %get3A_2178 : vector<1x16xf32> to vector<16xf32>
        %mul3A_2180 = arith.mulf %get3A_2179, %get3A_31 : vector<16xf32>
        %sub3A_2181 = arith.subf %mul3A_2180, %sub3A_151 : vector<16xf32>
        %add3A_2182 = arith.constant 48 : i32
        %add3A_2183 = arith.addi %add3A_2123, %add3A_2182 : i32
        %swap3A_2184 = arith.index_cast %add3A_2183 : i32 to index
        %swap3A_2185 = tpu.vector_load %arg15[%swap3A_2184] {strides = array<i32>} : memref<16784xf32, #tpu.memory_space<vmem>>, vector<16xf32>,
        %swap3A_2186 = vector.shape_cast %swap3A_2185 : vector<16xf32> to vector<16xf32>
        %swap3A_2187 = vector.shape_cast %sub3A_2181 : vector<16xf32> to vector<16xf32>
        tpu.vector_store %arg15[%swap3A_2184], %swap3A_2187 {strides = array<i32>} : memref<16784xf32, #tpu.memory_space<vmem>>, vector<16xf32>,
        %mul3A_2188 = arith.constant 16 : i32
        %mul3A_2189 = arith.muli %scan3A_115, %mul3A_2188 : i32
        %add3A_2190 = arith.constant 13 : i32
        %add3A_2191 = arith.addi %mul3A_2189, %add3A_2190 : i32
        %get3A_2192 = arith.index_cast %add3A_2191 : i32 to index
        %get3A_2193 = arith.constant 64 : index
        %get3A_2194 = tpu.vector_load %arg9[%get3A_2192, %get3A_2193] {strides = array<i32>} : memref<128x144xf32, #tpu.memory_space<vmem>>, vector<1x16xf32>,
        %get3A_2195 = vector.shape_cast %get3A_2194 : vector<1x16xf32> to vector<16xf32>
        %mul3A_2196 = arith.mulf %get3A_2195, %get3A_34 : vector<16xf32>
        %sub3A_2197 = arith.subf %mul3A_2196, %sub3A_160 : vector<16xf32>
        %add3A_2198 = arith.constant 64 : i32
        %add3A_2199 = arith.addi %add3A_2123, %add3A_2198 : i32
        %swap3A_2200 = arith.index_cast %add3A_2199 : i32 to index
        %swap3A_2201 = tpu.vector_load %arg15[%swap3A_2200] {strides = array<i32>} : memref<16784xf32, #tpu.memory_space<vmem>>, vector<16xf32>,
        %swap3A_2202 = vector.shape_cast %swap3A_2201 : vector<16xf32> to vector<16xf32>
        %swap3A_2203 = vector.shape_cast %sub3A_2197 : vector<16xf32> to vector<16xf32>
        tpu.vector_store %arg15[%swap3A_2200], %swap3A_2203 {strides = array<i32>} : memref<16784xf32, #tpu.memory_space<vmem>>, vector<16xf32>,
        %mul3A_2204 = arith.constant 16 : i32
        %mul3A_2205 = arith.muli %scan3A_115, %mul3A_2204 : i32
        %add3A_2206 = arith.constant 13 : i32
        %add3A_2207 = arith.addi %mul3A_2205, %add3A_2206 : i32
        %get3A_2208 = arith.index_cast %add3A_2207 : i32 to index
        %get3A_2209 = arith.constant 80 : index
        %get3A_2210 = tpu.vector_load %arg9[%get3A_2208, %get3A_2209] {strides = array<i32>} : memref<128x144xf32, #tpu.memory_space<vmem>>, vector<1x16xf32>,
        %get3A_2211 = vector.shape_cast %get3A_2210 : vector<1x16xf32> to vector<16xf32>
        %mul3A_2212 = arith.mulf %get3A_2211, %get3A_37 : vector<16xf32>
        %sub3A_2213 = arith.subf %mul3A_2212, %sub3A_169 : vector<16xf32>
        %add3A_2214 = arith.constant 80 : i32
        %add3A_2215 = arith.addi %add3A_2123, %add3A_2214 : i32
        %swap3A_2216 = arith.index_cast %add3A_2215 : i32 to index
        %swap3A_2217 = tpu.vector_load %arg15[%swap3A_2216] {strides = array<i32>} : memref<16784xf32, #tpu.memory_space<vmem>>, vector<16xf32>,
        %swap3A_2218 = vector.shape_cast %swap3A_2217 : vector<16xf32> to vector<16xf32>
        %swap3A_2219 = vector.shape_cast %sub3A_2213 : vector<16xf32> to vector<16xf32>
        tpu.vector_store %arg15[%swap3A_2216], %swap3A_2219 {strides = array<i32>} : memref<16784xf32, #tpu.memory_space<vmem>>, vector<16xf32>,
        %mul3A_2220 = arith.constant 16 : i32
        %mul3A_2221 = arith.muli %scan3A_115, %mul3A_2220 : i32
        %add3A_2222 = arith.constant 13 : i32
        %add3A_2223 = arith.addi %mul3A_2221, %add3A_2222 : i32
        %get3A_2224 = arith.index_cast %add3A_2223 : i32 to index
        %get3A_2225 = arith.constant 96 : index
        %get3A_2226 = tpu.vector_load %arg9[%get3A_2224, %get3A_2225] {strides = array<i32>} : memref<128x144xf32, #tpu.memory_space<vmem>>, vector<1x16xf32>,
        %get3A_2227 = vector.shape_cast %get3A_2226 : vector<1x16xf32> to vector<16xf32>
        %mul3A_2228 = arith.mulf %get3A_2227, %get3A_40 : vector<16xf32>
        %sub3A_2229 = arith.subf %mul3A_2228, %sub3A_178 : vector<16xf32>
        %add3A_2230 = arith.constant 96 : i32
        %add3A_2231 = arith.addi %add3A_2123, %add3A_2230 : i32
        %swap3A_2232 = arith.index_cast %add3A_2231 : i32 to index
        %swap3A_2233 = tpu.vector_load %arg15[%swap3A_2232] {strides = array<i32>} : memref<16784xf32, #tpu.memory_space<vmem>>, vector<16xf32>,
        %swap3A_2234 = vector.shape_cast %swap3A_2233 : vector<16xf32> to vector<16xf32>
        %swap3A_2235 = vector.shape_cast %sub3A_2229 : vector<16xf32> to vector<16xf32>
        tpu.vector_store %arg15[%swap3A_2232], %swap3A_2235 {strides = array<i32>} : memref<16784xf32, #tpu.memory_space<vmem>>, vector<16xf32>,
        %mul3A_2236 = arith.constant 16 : i32
        %mul3A_2237 = arith.muli %scan3A_115, %mul3A_2236 : i32
        %add3A_2238 = arith.constant 13 : i32
        %add3A_2239 = arith.addi %mul3A_2237, %add3A_2238 : i32
        %get3A_2240 = arith.index_cast %add3A_2239 : i32 to index
        %get3A_2241 = arith.constant 112 : index
        %get3A_2242 = tpu.vector_load %arg9[%get3A_2240, %get3A_2241] {strides = array<i32>} : memref<128x144xf32, #tpu.memory_space<vmem>>, vector<1x16xf32>,
        %get3A_2243 = vector.shape_cast %get3A_2242 : vector<1x16xf32> to vector<16xf32>
        %mul3A_2244 = arith.mulf %get3A_2243, %get3A_43 : vector<16xf32>
        %sub3A_2245 = arith.subf %mul3A_2244, %sub3A_187 : vector<16xf32>
        %add3A_2246 = arith.constant 112 : i32
        %add3A_2247 = arith.addi %add3A_2123, %add3A_2246 : i32
        %swap3A_2248 = arith.index_cast %add3A_2247 : i32 to index
        %swap3A_2249 = tpu.vector_load %arg15[%swap3A_2248] {strides = array<i32>} : memref<16784xf32, #tpu.memory_space<vmem>>, vector<16xf32>,
        %swap3A_2250 = vector.shape_cast %swap3A_2249 : vector<16xf32> to vector<16xf32>
        %swap3A_2251 = vector.shape_cast %sub3A_2245 : vector<16xf32> to vector<16xf32>
        tpu.vector_store %arg15[%swap3A_2248], %swap3A_2251 {strides = array<i32>} : memref<16784xf32, #tpu.memory_space<vmem>>, vector<16xf32>,
        %mul3A_2252 = arith.constant 16 : i32
        %mul3A_2253 = arith.muli %scan3A_115, %mul3A_2252 : i32
        %add3A_2254 = arith.constant 13 : i32
        %add3A_2255 = arith.addi %mul3A_2253, %add3A_2254 : i32
        %get3A_2256 = arith.index_cast %add3A_2255 : i32 to index
        %get3A_2257 = arith.constant 128 : index
        %get3A_2258 = tpu.vector_load %arg9[%get3A_2256, %get3A_2257] {strides = array<i32>} : memref<128x144xf32, #tpu.memory_space<vmem>>, vector<1x16xf32>,
        %get3A_2259 = vector.shape_cast %get3A_2258 : vector<1x16xf32> to vector<16xf32>
        %mul3A_2260 = arith.mulf %get3A_2259, %get3A_46 : vector<16xf32>
        %sub3A_2261 = arith.subf %mul3A_2260, %sub3A_196 : vector<16xf32>
        %add3A_2262 = arith.constant 128 : i32
        %add3A_2263 = arith.addi %add3A_2123, %add3A_2262 : i32
        %swap3A_2264 = arith.index_cast %add3A_2263 : i32 to index
        %swap3A_2265 = tpu.vector_load %arg15[%swap3A_2264] {strides = array<i32>} : memref<16784xf32, #tpu.memory_space<vmem>>, vector<16xf32>,
        %swap3A_2266 = vector.shape_cast %swap3A_2265 : vector<16xf32> to vector<16xf32>
        %swap3A_2267 = vector.shape_cast %sub3A_2261 : vector<16xf32> to vector<16xf32>
        tpu.vector_store %arg15[%swap3A_2264], %swap3A_2267 {strides = array<i32>} : memref<16784xf32, #tpu.memory_space<vmem>>, vector<16xf32>,
        %mul3A_2268 = arith.constant 2096 : i32
        %mul3A_2269 = arith.muli %scan3A_115, %mul3A_2268 : i32
        %add3A_2270 = arith.constant 1834 : i32
        %add3A_2271 = arith.addi %mul3A_2269, %add3A_2270 : i32
        %mul3A_2272 = arith.constant 16 : i32
        %mul3A_2273 = arith.muli %scan3A_115, %mul3A_2272 : i32
        %add3A_2274 = arith.constant 14 : i32
        %add3A_2275 = arith.addi %mul3A_2273, %add3A_2274 : i32
        %get3A_2276 = arith.index_cast %add3A_2275 : i32 to index
        %get3A_2277 = arith.constant 0 : index
        %get3A_2278 = tpu.vector_load %arg9[%get3A_2276, %get3A_2277] {strides = array<i32>} : memref<128x144xf32, #tpu.memory_space<vmem>>, vector<1x16xf32>,
        %get3A_2279 = vector.shape_cast %get3A_2278 : vector<1x16xf32> to vector<16xf32>
        %mul3A_2280 = arith.mulf %get3A_2279, %get3A_22 : vector<16xf32>
        %sub3A_2281 = arith.subf %mul3A_2280, %sub3A_124 : vector<16xf32>
        %add3A_2282 = arith.constant 0 : i32
        %add3A_2283 = arith.addi %add3A_2271, %add3A_2282 : i32
        %swap3A_2284 = arith.index_cast %add3A_2283 : i32 to index
        %swap3A_2285 = tpu.vector_load %arg15[%swap3A_2284] {strides = array<i32>} : memref<16784xf32, #tpu.memory_space<vmem>>, vector<16xf32>,
        %swap3A_2286 = vector.shape_cast %swap3A_2285 : vector<16xf32> to vector<16xf32>
        %swap3A_2287 = vector.shape_cast %sub3A_2281 : vector<16xf32> to vector<16xf32>
        tpu.vector_store %arg15[%swap3A_2284], %swap3A_2287 {strides = array<i32>} : memref<16784xf32, #tpu.memory_space<vmem>>, vector<16xf32>,
        %mul3A_2288 = arith.constant 16 : i32
        %mul3A_2289 = arith.muli %scan3A_115, %mul3A_2288 : i32
        %add3A_2290 = arith.constant 14 : i32
        %add3A_2291 = arith.addi %mul3A_2289, %add3A_2290 : i32
        %get3A_2292 = arith.index_cast %add3A_2291 : i32 to index
        %get3A_2293 = arith.constant 16 : index
        %get3A_2294 = tpu.vector_load %arg9[%get3A_2292, %get3A_2293] {strides = array<i32>} : memref<128x144xf32, #tpu.memory_space<vmem>>, vector<1x16xf32>,
        %get3A_2295 = vector.shape_cast %get3A_2294 : vector<1x16xf32> to vector<16xf32>
        %mul3A_2296 = arith.mulf %get3A_2295, %get3A_25 : vector<16xf32>
        %sub3A_2297 = arith.subf %mul3A_2296, %sub3A_133 : vector<16xf32>
        %add3A_2298 = arith.constant 16 : i32
        %add3A_2299 = arith.addi %add3A_2271, %add3A_2298 : i32
        %swap3A_2300 = arith.index_cast %add3A_2299 : i32 to index
        %swap3A_2301 = tpu.vector_load %arg15[%swap3A_2300] {strides = array<i32>} : memref<16784xf32, #tpu.memory_space<vmem>>, vector<16xf32>,
        %swap3A_2302 = vector.shape_cast %swap3A_2301 : vector<16xf32> to vector<16xf32>
        %swap3A_2303 = vector.shape_cast %sub3A_2297 : vector<16xf32> to vector<16xf32>
        tpu.vector_store %arg15[%swap3A_2300], %swap3A_2303 {strides = array<i32>} : memref<16784xf32, #tpu.memory_space<vmem>>, vector<16xf32>,
        %mul3A_2304 = arith.constant 16 : i32
        %mul3A_2305 = arith.muli %scan3A_115, %mul3A_2304 : i32
        %add3A_2306 = arith.constant 14 : i32
        %add3A_2307 = arith.addi %mul3A_2305, %add3A_2306 : i32
        %get3A_2308 = arith.index_cast %add3A_2307 : i32 to index
        %get3A_2309 = arith.constant 32 : index
        %get3A_2310 = tpu.vector_load %arg9[%get3A_2308, %get3A_2309] {strides = array<i32>} : memref<128x144xf32, #tpu.memory_space<vmem>>, vector<1x16xf32>,
        %get3A_2311 = vector.shape_cast %get3A_2310 : vector<1x16xf32> to vector<16xf32>
        %mul3A_2312 = arith.mulf %get3A_2311, %get3A_28 : vector<16xf32>
        %sub3A_2313 = arith.subf %mul3A_2312, %sub3A_142 : vector<16xf32>
        %add3A_2314 = arith.constant 32 : i32
        %add3A_2315 = arith.addi %add3A_2271, %add3A_2314 : i32
        %swap3A_2316 = arith.index_cast %add3A_2315 : i32 to index
        %swap3A_2317 = tpu.vector_load %arg15[%swap3A_2316] {strides = array<i32>} : memref<16784xf32, #tpu.memory_space<vmem>>, vector<16xf32>,
        %swap3A_2318 = vector.shape_cast %swap3A_2317 : vector<16xf32> to vector<16xf32>
        %swap3A_2319 = vector.shape_cast %sub3A_2313 : vector<16xf32> to vector<16xf32>
        tpu.vector_store %arg15[%swap3A_2316], %swap3A_2319 {strides = array<i32>} : memref<16784xf32, #tpu.memory_space<vmem>>, vector<16xf32>,
        %mul3A_2320 = arith.constant 16 : i32
        %mul3A_2321 = arith.muli %scan3A_115, %mul3A_2320 : i32
        %add3A_2322 = arith.constant 14 : i32
        %add3A_2323 = arith.addi %mul3A_2321, %add3A_2322 : i32
        %get3A_2324 = arith.index_cast %add3A_2323 : i32 to index
        %get3A_2325 = arith.constant 48 : index
        %get3A_2326 = tpu.vector_load %arg9[%get3A_2324, %get3A_2325] {strides = array<i32>} : memref<128x144xf32, #tpu.memory_space<vmem>>, vector<1x16xf32>,
        %get3A_2327 = vector.shape_cast %get3A_2326 : vector<1x16xf32> to vector<16xf32>
        %mul3A_2328 = arith.mulf %get3A_2327, %get3A_31 : vector<16xf32>
        %sub3A_2329 = arith.subf %mul3A_2328, %sub3A_151 : vector<16xf32>
        %add3A_2330 = arith.constant 48 : i32
        %add3A_2331 = arith.addi %add3A_2271, %add3A_2330 : i32
        %swap3A_2332 = arith.index_cast %add3A_2331 : i32 to index
        %swap3A_2333 = tpu.vector_load %arg15[%swap3A_2332] {strides = array<i32>} : memref<16784xf32, #tpu.memory_space<vmem>>, vector<16xf32>,
        %swap3A_2334 = vector.shape_cast %swap3A_2333 : vector<16xf32> to vector<16xf32>
        %swap3A_2335 = vector.shape_cast %sub3A_2329 : vector<16xf32> to vector<16xf32>
        tpu.vector_store %arg15[%swap3A_2332], %swap3A_2335 {strides = array<i32>} : memref<16784xf32, #tpu.memory_space<vmem>>, vector<16xf32>,
        %mul3A_2336 = arith.constant 16 : i32
        %mul3A_2337 = arith.muli %scan3A_115, %mul3A_2336 : i32
        %add3A_2338 = arith.constant 14 : i32
        %add3A_2339 = arith.addi %mul3A_2337, %add3A_2338 : i32
        %get3A_2340 = arith.index_cast %add3A_2339 : i32 to index
        %get3A_2341 = arith.constant 64 : index
        %get3A_2342 = tpu.vector_load %arg9[%get3A_2340, %get3A_2341] {strides = array<i32>} : memref<128x144xf32, #tpu.memory_space<vmem>>, vector<1x16xf32>,
        %get3A_2343 = vector.shape_cast %get3A_2342 : vector<1x16xf32> to vector<16xf32>
        %mul3A_2344 = arith.mulf %get3A_2343, %get3A_34 : vector<16xf32>
        %sub3A_2345 = arith.subf %mul3A_2344, %sub3A_160 : vector<16xf32>
        %add3A_2346 = arith.constant 64 : i32
        %add3A_2347 = arith.addi %add3A_2271, %add3A_2346 : i32
        %swap3A_2348 = arith.index_cast %add3A_2347 : i32 to index
        %swap3A_2349 = tpu.vector_load %arg15[%swap3A_2348] {strides = array<i32>} : memref<16784xf32, #tpu.memory_space<vmem>>, vector<16xf32>,
        %swap3A_2350 = vector.shape_cast %swap3A_2349 : vector<16xf32> to vector<16xf32>
        %swap3A_2351 = vector.shape_cast %sub3A_2345 : vector<16xf32> to vector<16xf32>
        tpu.vector_store %arg15[%swap3A_2348], %swap3A_2351 {strides = array<i32>} : memref<16784xf32, #tpu.memory_space<vmem>>, vector<16xf32>,
        %mul3A_2352 = arith.constant 16 : i32
        %mul3A_2353 = arith.muli %scan3A_115, %mul3A_2352 : i32
        %add3A_2354 = arith.constant 14 : i32
        %add3A_2355 = arith.addi %mul3A_2353, %add3A_2354 : i32
        %get3A_2356 = arith.index_cast %add3A_2355 : i32 to index
        %get3A_2357 = arith.constant 80 : index
        %get3A_2358 = tpu.vector_load %arg9[%get3A_2356, %get3A_2357] {strides = array<i32>} : memref<128x144xf32, #tpu.memory_space<vmem>>, vector<1x16xf32>,
        %get3A_2359 = vector.shape_cast %get3A_2358 : vector<1x16xf32> to vector<16xf32>
        %mul3A_2360 = arith.mulf %get3A_2359, %get3A_37 : vector<16xf32>
        %sub3A_2361 = arith.subf %mul3A_2360, %sub3A_169 : vector<16xf32>
        %add3A_2362 = arith.constant 80 : i32
        %add3A_2363 = arith.addi %add3A_2271, %add3A_2362 : i32
        %swap3A_2364 = arith.index_cast %add3A_2363 : i32 to index
        %swap3A_2365 = tpu.vector_load %arg15[%swap3A_2364] {strides = array<i32>} : memref<16784xf32, #tpu.memory_space<vmem>>, vector<16xf32>,
        %swap3A_2366 = vector.shape_cast %swap3A_2365 : vector<16xf32> to vector<16xf32>
        %swap3A_2367 = vector.shape_cast %sub3A_2361 : vector<16xf32> to vector<16xf32>
        tpu.vector_store %arg15[%swap3A_2364], %swap3A_2367 {strides = array<i32>} : memref<16784xf32, #tpu.memory_space<vmem>>, vector<16xf32>,
        %mul3A_2368 = arith.constant 16 : i32
        %mul3A_2369 = arith.muli %scan3A_115, %mul3A_2368 : i32
        %add3A_2370 = arith.constant 14 : i32
        %add3A_2371 = arith.addi %mul3A_2369, %add3A_2370 : i32
        %get3A_2372 = arith.index_cast %add3A_2371 : i32 to index
        %get3A_2373 = arith.constant 96 : index
        %get3A_2374 = tpu.vector_load %arg9[%get3A_2372, %get3A_2373] {strides = array<i32>} : memref<128x144xf32, #tpu.memory_space<vmem>>, vector<1x16xf32>,
        %get3A_2375 = vector.shape_cast %get3A_2374 : vector<1x16xf32> to vector<16xf32>
        %mul3A_2376 = arith.mulf %get3A_2375, %get3A_40 : vector<16xf32>
        %sub3A_2377 = arith.subf %mul3A_2376, %sub3A_178 : vector<16xf32>
        %add3A_2378 = arith.constant 96 : i32
        %add3A_2379 = arith.addi %add3A_2271, %add3A_2378 : i32
        %swap3A_2380 = arith.index_cast %add3A_2379 : i32 to index
        %swap3A_2381 = tpu.vector_load %arg15[%swap3A_2380] {strides = array<i32>} : memref<16784xf32, #tpu.memory_space<vmem>>, vector<16xf32>,
        %swap3A_2382 = vector.shape_cast %swap3A_2381 : vector<16xf32> to vector<16xf32>
        %swap3A_2383 = vector.shape_cast %sub3A_2377 : vector<16xf32> to vector<16xf32>
        tpu.vector_store %arg15[%swap3A_2380], %swap3A_2383 {strides = array<i32>} : memref<16784xf32, #tpu.memory_space<vmem>>, vector<16xf32>,
        %mul3A_2384 = arith.constant 16 : i32
        %mul3A_2385 = arith.muli %scan3A_115, %mul3A_2384 : i32
        %add3A_2386 = arith.constant 14 : i32
        %add3A_2387 = arith.addi %mul3A_2385, %add3A_2386 : i32
        %get3A_2388 = arith.index_cast %add3A_2387 : i32 to index
        %get3A_2389 = arith.constant 112 : index
        %get3A_2390 = tpu.vector_load %arg9[%get3A_2388, %get3A_2389] {strides = array<i32>} : memref<128x144xf32, #tpu.memory_space<vmem>>, vector<1x16xf32>,
        %get3A_2391 = vector.shape_cast %get3A_2390 : vector<1x16xf32> to vector<16xf32>
        %mul3A_2392 = arith.mulf %get3A_2391, %get3A_43 : vector<16xf32>
        %sub3A_2393 = arith.subf %mul3A_2392, %sub3A_187 : vector<16xf32>
        %add3A_2394 = arith.constant 112 : i32
        %add3A_2395 = arith.addi %add3A_2271, %add3A_2394 : i32
        %swap3A_2396 = arith.index_cast %add3A_2395 : i32 to index
        %swap3A_2397 = tpu.vector_load %arg15[%swap3A_2396] {strides = array<i32>} : memref<16784xf32, #tpu.memory_space<vmem>>, vector<16xf32>,
        %swap3A_2398 = vector.shape_cast %swap3A_2397 : vector<16xf32> to vector<16xf32>
        %swap3A_2399 = vector.shape_cast %sub3A_2393 : vector<16xf32> to vector<16xf32>
        tpu.vector_store %arg15[%swap3A_2396], %swap3A_2399 {strides = array<i32>} : memref<16784xf32, #tpu.memory_space<vmem>>, vector<16xf32>,
        %mul3A_2400 = arith.constant 16 : i32
        %mul3A_2401 = arith.muli %scan3A_115, %mul3A_2400 : i32
        %add3A_2402 = arith.constant 14 : i32
        %add3A_2403 = arith.addi %mul3A_2401, %add3A_2402 : i32
        %get3A_2404 = arith.index_cast %add3A_2403 : i32 to index
        %get3A_2405 = arith.constant 128 : index
        %get3A_2406 = tpu.vector_load %arg9[%get3A_2404, %get3A_2405] {strides = array<i32>} : memref<128x144xf32, #tpu.memory_space<vmem>>, vector<1x16xf32>,
        %get3A_2407 = vector.shape_cast %get3A_2406 : vector<1x16xf32> to vector<16xf32>
        %mul3A_2408 = arith.mulf %get3A_2407, %get3A_46 : vector<16xf32>
        %sub3A_2409 = arith.subf %mul3A_2408, %sub3A_196 : vector<16xf32>
        %add3A_2410 = arith.constant 128 : i32
        %add3A_2411 = arith.addi %add3A_2271, %add3A_2410 : i32
        %swap3A_2412 = arith.index_cast %add3A_2411 : i32 to index
        %swap3A_2413 = tpu.vector_load %arg15[%swap3A_2412] {strides = array<i32>} : memref<16784xf32, #tpu.memory_space<vmem>>, vector<16xf32>,
        %swap3A_2414 = vector.shape_cast %swap3A_2413 : vector<16xf32> to vector<16xf32>
        %swap3A_2415 = vector.shape_cast %sub3A_2409 : vector<16xf32> to vector<16xf32>
        tpu.vector_store %arg15[%swap3A_2412], %swap3A_2415 {strides = array<i32>} : memref<16784xf32, #tpu.memory_space<vmem>>, vector<16xf32>,
        %mul3A_2416 = arith.constant 2096 : i32
        %mul3A_2417 = arith.muli %scan3A_115, %mul3A_2416 : i32
        %add3A_2418 = arith.constant 1965 : i32
        %add3A_2419 = arith.addi %mul3A_2417, %add3A_2418 : i32
        %mul3A_2420 = arith.constant 16 : i32
        %mul3A_2421 = arith.muli %scan3A_115, %mul3A_2420 : i32
        %add3A_2422 = arith.constant 15 : i32
        %add3A_2423 = arith.addi %mul3A_2421, %add3A_2422 : i32
        %get3A_2424 = arith.index_cast %add3A_2423 : i32 to index
        %get3A_2425 = arith.constant 0 : index
        %get3A_2426 = tpu.vector_load %arg9[%get3A_2424, %get3A_2425] {strides = array<i32>} : memref<128x144xf32, #tpu.memory_space<vmem>>, vector<1x16xf32>,
        %get3A_2427 = vector.shape_cast %get3A_2426 : vector<1x16xf32> to vector<16xf32>
        %mul3A_2428 = arith.mulf %get3A_2427, %get3A_22 : vector<16xf32>
        %sub3A_2429 = arith.subf %mul3A_2428, %sub3A_124 : vector<16xf32>
        %add3A_2430 = arith.constant 0 : i32
        %add3A_2431 = arith.addi %add3A_2419, %add3A_2430 : i32
        %swap3A_2432 = arith.index_cast %add3A_2431 : i32 to index
        %swap3A_2433 = tpu.vector_load %arg15[%swap3A_2432] {strides = array<i32>} : memref<16784xf32, #tpu.memory_space<vmem>>, vector<16xf32>,
        %swap3A_2434 = vector.shape_cast %swap3A_2433 : vector<16xf32> to vector<16xf32>
        %swap3A_2435 = vector.shape_cast %sub3A_2429 : vector<16xf32> to vector<16xf32>
        tpu.vector_store %arg15[%swap3A_2432], %swap3A_2435 {strides = array<i32>} : memref<16784xf32, #tpu.memory_space<vmem>>, vector<16xf32>,
        %mul3A_2436 = arith.constant 16 : i32
        %mul3A_2437 = arith.muli %scan3A_115, %mul3A_2436 : i32
        %add3A_2438 = arith.constant 15 : i32
        %add3A_2439 = arith.addi %mul3A_2437, %add3A_2438 : i32
        %get3A_2440 = arith.index_cast %add3A_2439 : i32 to index
        %get3A_2441 = arith.constant 16 : index
        %get3A_2442 = tpu.vector_load %arg9[%get3A_2440, %get3A_2441] {strides = array<i32>} : memref<128x144xf32, #tpu.memory_space<vmem>>, vector<1x16xf32>,
        %get3A_2443 = vector.shape_cast %get3A_2442 : vector<1x16xf32> to vector<16xf32>
        %mul3A_2444 = arith.mulf %get3A_2443, %get3A_25 : vector<16xf32>
        %sub3A_2445 = arith.subf %mul3A_2444, %sub3A_133 : vector<16xf32>
        %add3A_2446 = arith.constant 16 : i32
        %add3A_2447 = arith.addi %add3A_2419, %add3A_2446 : i32
        %swap3A_2448 = arith.index_cast %add3A_2447 : i32 to index
        %swap3A_2449 = tpu.vector_load %arg15[%swap3A_2448] {strides = array<i32>} : memref<16784xf32, #tpu.memory_space<vmem>>, vector<16xf32>,
        %swap3A_2450 = vector.shape_cast %swap3A_2449 : vector<16xf32> to vector<16xf32>
        %swap3A_2451 = vector.shape_cast %sub3A_2445 : vector<16xf32> to vector<16xf32>
        tpu.vector_store %arg15[%swap3A_2448], %swap3A_2451 {strides = array<i32>} : memref<16784xf32, #tpu.memory_space<vmem>>, vector<16xf32>,
        %mul3A_2452 = arith.constant 16 : i32
        %mul3A_2453 = arith.muli %scan3A_115, %mul3A_2452 : i32
        %add3A_2454 = arith.constant 15 : i32
        %add3A_2455 = arith.addi %mul3A_2453, %add3A_2454 : i32
        %get3A_2456 = arith.index_cast %add3A_2455 : i32 to index
        %get3A_2457 = arith.constant 32 : index
        %get3A_2458 = tpu.vector_load %arg9[%get3A_2456, %get3A_2457] {strides = array<i32>} : memref<128x144xf32, #tpu.memory_space<vmem>>, vector<1x16xf32>,
        %get3A_2459 = vector.shape_cast %get3A_2458 : vector<1x16xf32> to vector<16xf32>
        %mul3A_2460 = arith.mulf %get3A_2459, %get3A_28 : vector<16xf32>
        %sub3A_2461 = arith.subf %mul3A_2460, %sub3A_142 : vector<16xf32>
        %add3A_2462 = arith.constant 32 : i32
        %add3A_2463 = arith.addi %add3A_2419, %add3A_2462 : i32
        %swap3A_2464 = arith.index_cast %add3A_2463 : i32 to index
        %swap3A_2465 = tpu.vector_load %arg15[%swap3A_2464] {strides = array<i32>} : memref<16784xf32, #tpu.memory_space<vmem>>, vector<16xf32>,
        %swap3A_2466 = vector.shape_cast %swap3A_2465 : vector<16xf32> to vector<16xf32>
        %swap3A_2467 = vector.shape_cast %sub3A_2461 : vector<16xf32> to vector<16xf32>
        tpu.vector_store %arg15[%swap3A_2464], %swap3A_2467 {strides = array<i32>} : memref<16784xf32, #tpu.memory_space<vmem>>, vector<16xf32>,
        %mul3A_2468 = arith.constant 16 : i32
        %mul3A_2469 = arith.muli %scan3A_115, %mul3A_2468 : i32
        %add3A_2470 = arith.constant 15 : i32
        %add3A_2471 = arith.addi %mul3A_2469, %add3A_2470 : i32
        %get3A_2472 = arith.index_cast %add3A_2471 : i32 to index
        %get3A_2473 = arith.constant 48 : index
        %get3A_2474 = tpu.vector_load %arg9[%get3A_2472, %get3A_2473] {strides = array<i32>} : memref<128x144xf32, #tpu.memory_space<vmem>>, vector<1x16xf32>,
        %get3A_2475 = vector.shape_cast %get3A_2474 : vector<1x16xf32> to vector<16xf32>
        %mul3A_2476 = arith.mulf %get3A_2475, %get3A_31 : vector<16xf32>
        %sub3A_2477 = arith.subf %mul3A_2476, %sub3A_151 : vector<16xf32>
        %add3A_2478 = arith.constant 48 : i32
        %add3A_2479 = arith.addi %add3A_2419, %add3A_2478 : i32
        %swap3A_2480 = arith.index_cast %add3A_2479 : i32 to index
        %swap3A_2481 = tpu.vector_load %arg15[%swap3A_2480] {strides = array<i32>} : memref<16784xf32, #tpu.memory_space<vmem>>, vector<16xf32>,
        %swap3A_2482 = vector.shape_cast %swap3A_2481 : vector<16xf32> to vector<16xf32>
        %swap3A_2483 = vector.shape_cast %sub3A_2477 : vector<16xf32> to vector<16xf32>
        tpu.vector_store %arg15[%swap3A_2480], %swap3A_2483 {strides = array<i32>} : memref<16784xf32, #tpu.memory_space<vmem>>, vector<16xf32>,
        %mul3A_2484 = arith.constant 16 : i32
        %mul3A_2485 = arith.muli %scan3A_115, %mul3A_2484 : i32
        %add3A_2486 = arith.constant 15 : i32
        %add3A_2487 = arith.addi %mul3A_2485, %add3A_2486 : i32
        %get3A_2488 = arith.index_cast %add3A_2487 : i32 to index
        %get3A_2489 = arith.constant 64 : index
        %get3A_2490 = tpu.vector_load %arg9[%get3A_2488, %get3A_2489] {strides = array<i32>} : memref<128x144xf32, #tpu.memory_space<vmem>>, vector<1x16xf32>,
        %get3A_2491 = vector.shape_cast %get3A_2490 : vector<1x16xf32> to vector<16xf32>
        %mul3A_2492 = arith.mulf %get3A_2491, %get3A_34 : vector<16xf32>
        %sub3A_2493 = arith.subf %mul3A_2492, %sub3A_160 : vector<16xf32>
        %add3A_2494 = arith.constant 64 : i32
        %add3A_2495 = arith.addi %add3A_2419, %add3A_2494 : i32
        %swap3A_2496 = arith.index_cast %add3A_2495 : i32 to index
        %swap3A_2497 = tpu.vector_load %arg15[%swap3A_2496] {strides = array<i32>} : memref<16784xf32, #tpu.memory_space<vmem>>, vector<16xf32>,
        %swap3A_2498 = vector.shape_cast %swap3A_2497 : vector<16xf32> to vector<16xf32>
        %swap3A_2499 = vector.shape_cast %sub3A_2493 : vector<16xf32> to vector<16xf32>
        tpu.vector_store %arg15[%swap3A_2496], %swap3A_2499 {strides = array<i32>} : memref<16784xf32, #tpu.memory_space<vmem>>, vector<16xf32>,
        %mul3A_2500 = arith.constant 16 : i32
        %mul3A_2501 = arith.muli %scan3A_115, %mul3A_2500 : i32
        %add3A_2502 = arith.constant 15 : i32
        %add3A_2503 = arith.addi %mul3A_2501, %add3A_2502 : i32
        %get3A_2504 = arith.index_cast %add3A_2503 : i32 to index
        %get3A_2505 = arith.constant 80 : index
        %get3A_2506 = tpu.vector_load %arg9[%get3A_2504, %get3A_2505] {strides = array<i32>} : memref<128x144xf32, #tpu.memory_space<vmem>>, vector<1x16xf32>,
        %get3A_2507 = vector.shape_cast %get3A_2506 : vector<1x16xf32> to vector<16xf32>
        %mul3A_2508 = arith.mulf %get3A_2507, %get3A_37 : vector<16xf32>
        %sub3A_2509 = arith.subf %mul3A_2508, %sub3A_169 : vector<16xf32>
        %add3A_2510 = arith.constant 80 : i32
        %add3A_2511 = arith.addi %add3A_2419, %add3A_2510 : i32
        %swap3A_2512 = arith.index_cast %add3A_2511 : i32 to index
        %swap3A_2513 = tpu.vector_load %arg15[%swap3A_2512] {strides = array<i32>} : memref<16784xf32, #tpu.memory_space<vmem>>, vector<16xf32>,
        %swap3A_2514 = vector.shape_cast %swap3A_2513 : vector<16xf32> to vector<16xf32>
        %swap3A_2515 = vector.shape_cast %sub3A_2509 : vector<16xf32> to vector<16xf32>
        tpu.vector_store %arg15[%swap3A_2512], %swap3A_2515 {strides = array<i32>} : memref<16784xf32, #tpu.memory_space<vmem>>, vector<16xf32>,
        %mul3A_2516 = arith.constant 16 : i32
        %mul3A_2517 = arith.muli %scan3A_115, %mul3A_2516 : i32
        %add3A_2518 = arith.constant 15 : i32
        %add3A_2519 = arith.addi %mul3A_2517, %add3A_2518 : i32
        %get3A_2520 = arith.index_cast %add3A_2519 : i32 to index
        %get3A_2521 = arith.constant 96 : index
        %get3A_2522 = tpu.vector_load %arg9[%get3A_2520, %get3A_2521] {strides = array<i32>} : memref<128x144xf32, #tpu.memory_space<vmem>>, vector<1x16xf32>,
        %get3A_2523 = vector.shape_cast %get3A_2522 : vector<1x16xf32> to vector<16xf32>
        %mul3A_2524 = arith.mulf %get3A_2523, %get3A_40 : vector<16xf32>
        %sub3A_2525 = arith.subf %mul3A_2524, %sub3A_178 : vector<16xf32>
        %add3A_2526 = arith.constant 96 : i32
        %add3A_2527 = arith.addi %add3A_2419, %add3A_2526 : i32
        %swap3A_2528 = arith.index_cast %add3A_2527 : i32 to index
        %swap3A_2529 = tpu.vector_load %arg15[%swap3A_2528] {strides = array<i32>} : memref<16784xf32, #tpu.memory_space<vmem>>, vector<16xf32>,
        %swap3A_2530 = vector.shape_cast %swap3A_2529 : vector<16xf32> to vector<16xf32>
        %swap3A_2531 = vector.shape_cast %sub3A_2525 : vector<16xf32> to vector<16xf32>
        tpu.vector_store %arg15[%swap3A_2528], %swap3A_2531 {strides = array<i32>} : memref<16784xf32, #tpu.memory_space<vmem>>, vector<16xf32>,
        %mul3A_2532 = arith.constant 16 : i32
        %mul3A_2533 = arith.muli %scan3A_115, %mul3A_2532 : i32
        %add3A_2534 = arith.constant 15 : i32
        %add3A_2535 = arith.addi %mul3A_2533, %add3A_2534 : i32
        %get3A_2536 = arith.index_cast %add3A_2535 : i32 to index
        %get3A_2537 = arith.constant 112 : index
        %get3A_2538 = tpu.vector_load %arg9[%get3A_2536, %get3A_2537] {strides = array<i32>} : memref<128x144xf32, #tpu.memory_space<vmem>>, vector<1x16xf32>,
        %get3A_2539 = vector.shape_cast %get3A_2538 : vector<1x16xf32> to vector<16xf32>
        %mul3A_2540 = arith.mulf %get3A_2539, %get3A_43 : vector<16xf32>
        %sub3A_2541 = arith.subf %mul3A_2540, %sub3A_187 : vector<16xf32>
        %add3A_2542 = arith.constant 112 : i32
        %add3A_2543 = arith.addi %add3A_2419, %add3A_2542 : i32
        %swap3A_2544 = arith.index_cast %add3A_2543 : i32 to index
        %swap3A_2545 = tpu.vector_load %arg15[%swap3A_2544] {strides = array<i32>} : memref<16784xf32, #tpu.memory_space<vmem>>, vector<16xf32>,
        %swap3A_2546 = vector.shape_cast %swap3A_2545 : vector<16xf32> to vector<16xf32>
        %swap3A_2547 = vector.shape_cast %sub3A_2541 : vector<16xf32> to vector<16xf32>
        tpu.vector_store %arg15[%swap3A_2544], %swap3A_2547 {strides = array<i32>} : memref<16784xf32, #tpu.memory_space<vmem>>, vector<16xf32>,
        %mul3A_2548 = arith.constant 16 : i32
        %mul3A_2549 = arith.muli %scan3A_115, %mul3A_2548 : i32
        %add3A_2550 = arith.constant 15 : i32
        %add3A_2551 = arith.addi %mul3A_2549, %add3A_2550 : i32
        %get3A_2552 = arith.index_cast %add3A_2551 : i32 to index
        %get3A_2553 = arith.constant 128 : index
        %get3A_2554 = tpu.vector_load %arg9[%get3A_2552, %get3A_2553] {strides = array<i32>} : memref<128x144xf32, #tpu.memory_space<vmem>>, vector<1x16xf32>,
        %get3A_2555 = vector.shape_cast %get3A_2554 : vector<1x16xf32> to vector<16xf32>
        %mul3A_2556 = arith.mulf %get3A_2555, %get3A_46 : vector<16xf32>
        %sub3A_2557 = arith.subf %mul3A_2556, %sub3A_196 : vector<16xf32>
        %add3A_2558 = arith.constant 128 : i32
        %add3A_2559 = arith.addi %add3A_2419, %add3A_2558 : i32
        %swap3A_2560 = arith.index_cast %add3A_2559 : i32 to index
        %swap3A_2561 = tpu.vector_load %arg15[%swap3A_2560] {strides = array<i32>} : memref<16784xf32, #tpu.memory_space<vmem>>, vector<16xf32>,
        %swap3A_2562 = vector.shape_cast %swap3A_2561 : vector<16xf32> to vector<16xf32>
        %swap3A_2563 = vector.shape_cast %sub3A_2557 : vector<16xf32> to vector<16xf32>
        tpu.vector_store %arg15[%swap3A_2560], %swap3A_2563 {strides = array<i32>} : memref<16784xf32, #tpu.memory_space<vmem>>, vector<16xf32>,
      }
      %scan3A_96 = arith.constant 8 : i32
      %mul3A_97 = arith.constant 8 : i32
      %mul3A_98 = arith.muli %scan3A_79, %mul3A_97 : i32
      %add3A_99 = arith.addi %mul3A_2, %mul3A_98 : i32
      %mul3A_100 = arith.constant 2096 : i32
      %mul3A_101 = arith.muli %add3A_99, %mul3A_100 : i32
      %dma_start3A = arith.constant 0 : i32
      %dma_start3A_102 = tpu.memref_slice %arg15[%dma_start3A] : memref<16784xf32, #tpu.memory_space<vmem>> -> memref<16768xf32, #tpu.memory_space<vmem>>
      %dma_start3A_103 = tpu.memref_slice %arg7[%mul3A_101] : memref<17170432xf32, #tpu.memory_space<hbm>> -> memref<16768xf32, #tpu.memory_space<hbm>>
      %dma_start3A_104 = tpu.memref_slice %arg7[%mul3A_101] : memref<17170432xf32, #tpu.memory_space<hbm>> -> memref<16768xf32, #tpu.memory_space<hbm>>
      %dma_start3A_105 = arith.constant 0 : i32
      %dma_start3A_106 = tpu.memref_slice %arg15[%dma_start3A_105] : memref<16784xf32, #tpu.memory_space<vmem>> -> memref<16768xf32, #tpu.memory_space<vmem>>
      tpu.enqueue_dma source(%dma_start3A_106 : memref<16768xf32, #tpu.memory_space<vmem>>) target(%dma_start3A_104 : memref<16768xf32, #tpu.memory_space<hbm>>) target_semaphore(%arg21 : memref<!tpu.dma_semaphore, #tpu.memory_space<semaphore_mem>>)
      %dma_wait3A_107 = arith.constant 0 : i32
      %dma_wait3A_108 = tpu.memref_slice %arg15[%dma_wait3A_107] : memref<16784xf32, #tpu.memory_space<vmem>> -> memref<16768xf32, #tpu.memory_space<vmem>>
      %dma_wait3A_109 = arith.constant 0 : i32
      %dma_wait3A_110 = tpu.memref_slice %arg7[%dma_wait3A_109] : memref<17170432xf32, #tpu.memory_space<hbm>> -> memref<16768xf32, #tpu.memory_space<hbm>>
      %dma_wait3A_111 = arith.constant 0 : i32
      %dma_wait3A_112 = tpu.memref_slice %arg15[%dma_wait3A_111] : memref<16784xf32, #tpu.memory_space<vmem>> -> memref<16768xf32, #tpu.memory_space<vmem>>
      %dma_wait3A_113 = arith.constant 0 : i32
      %dma_wait3A_114 = tpu.memref_slice %arg7[%dma_wait3A_113] : memref<17170432xf32, #tpu.memory_space<hbm>> -> memref<16768xf32, #tpu.memory_space<hbm>>
      tpu.wait_dma2 semaphore(%arg21 : memref<!tpu.dma_semaphore, #tpu.memory_space<semaphore_mem>>) src(%dma_wait3A_114 : memref<16768xf32, #tpu.memory_space<hbm>>) dst(%dma_wait3A_112 : memref<16768xf32, #tpu.memory_space<vmem>>)
    }
    %scan3A_78 = arith.constant 32 : i32
    return
  }
}

module attributes {stable_mosaic.version = 14 : i64} {
  func.func @_tc_body(%arg0: i32, %arg1: i32, %arg2: memref<1x256x3xf32, #tpu.memory_space<vmem>>, %arg3: memref<1x3x2048xf32, #tpu.memory_space<vmem>>, %arg4: memref<1x2048x144xf32, #tpu.memory_space<vmem>>, %arg5: memref<1x256x16xi32, #tpu.memory_space<vmem>>, %arg6: memref<1x256x144xf32, #tpu.memory_space<vmem>>, %arg7: memref<1x8x128xf32, #tpu.memory_space<vmem>>) attributes {dimension_semantics = [#tpu.dimension_semantics<arbitrary>, #tpu.dimension_semantics<arbitrary>], iteration_bounds = array<i64: 4, 8>, scalar_prefetch = 0 : i64, scratch_operands = 0 : i64, tpu.core_type = #tpu.core_type<tc>, window_params = [{transform_indices = @transform_0, window_bounds = array<i64: 1, 256, 3>}, {transform_indices = @transform_1, window_bounds = array<i64: 1, 3, 2048>}, {transform_indices = @transform_2, window_bounds = array<i64: 1, 2048, 144>}, {transform_indices = @transform_3, window_bounds = array<i64: 1, 256, 16>}, {transform_indices = @transform_4, window_bounds = array<i64: 1, 256, 144>}, {transform_indices = @transform_5, window_bounds = array<i64: 1, 8, 128>}]} {
    %get3A = arith.constant 0 : index
    %get3A_0 = arith.constant 0 : index
    %get3A_1 = arith.constant 0 : index
    %get3A_2 = vector.load %arg2[%get3A, %get3A_0, %get3A_1] : memref<1x256x3xf32, #tpu.memory_space<vmem>>, vector<1x256x3xf32>
    %get3A_3 = vector.shape_cast %get3A_2 : vector<1x256x3xf32> to vector<256x3xf32>
    %get3A_4 = arith.constant 0 : index
    %get3A_5 = arith.constant 0 : index
    %get3A_6 = arith.constant 0 : index
    %get3A_7 = vector.load %arg3[%get3A_4, %get3A_5, %get3A_6] : memref<1x3x2048xf32, #tpu.memory_space<vmem>>, vector<1x3x2048xf32>
    %get3A_8 = vector.shape_cast %get3A_7 : vector<1x3x2048xf32> to vector<3x2048xf32>
    %slice3A = vector.extract_strided_slice %get3A_3 {offsets = [0, 0], sizes = [256, 1], strides = [1, 1]} : vector<256x3xf32> to vector<256x1xf32>
    %slice3A_9 = vector.extract_strided_slice %get3A_8 {offsets = [0, 0], sizes = [1, 2048], strides = [1, 1]} : vector<3x2048xf32> to vector<1x2048xf32>
    %sub3A = vector.broadcast %slice3A : vector<256x1xf32> to vector<256x2048xf32>
    %sub3A_10 = vector.broadcast %slice3A_9 : vector<1x2048xf32> to vector<256x2048xf32>
    %sub3A_11 = arith.subf %sub3A, %sub3A_10 : vector<256x2048xf32>
    %integer_pow3A = arith.mulf %sub3A_11, %sub3A_11 : vector<256x2048xf32>
    %slice3A_12 = vector.extract_strided_slice %get3A_3 {offsets = [0, 1], sizes = [256, 1], strides = [1, 1]} : vector<256x3xf32> to vector<256x1xf32>
    %slice3A_13 = vector.extract_strided_slice %get3A_8 {offsets = [1, 0], sizes = [1, 2048], strides = [1, 1]} : vector<3x2048xf32> to vector<1x2048xf32>
    %sub3A_14 = vector.broadcast %slice3A_12 : vector<256x1xf32> to vector<256x2048xf32>
    %sub3A_15 = vector.broadcast %slice3A_13 : vector<1x2048xf32> to vector<256x2048xf32>
    %sub3A_16 = arith.subf %sub3A_14, %sub3A_15 : vector<256x2048xf32>
    %integer_pow3A_17 = arith.mulf %sub3A_16, %sub3A_16 : vector<256x2048xf32>
    %add3A = arith.addf %integer_pow3A, %integer_pow3A_17 : vector<256x2048xf32>
    %slice3A_18 = vector.extract_strided_slice %get3A_3 {offsets = [0, 2], sizes = [256, 1], strides = [1, 1]} : vector<256x3xf32> to vector<256x1xf32>
    %slice3A_19 = vector.extract_strided_slice %get3A_8 {offsets = [2, 0], sizes = [1, 2048], strides = [1, 1]} : vector<3x2048xf32> to vector<1x2048xf32>
    %sub3A_20 = vector.broadcast %slice3A_18 : vector<256x1xf32> to vector<256x2048xf32>
    %sub3A_21 = vector.broadcast %slice3A_19 : vector<1x2048xf32> to vector<256x2048xf32>
    %sub3A_22 = arith.subf %sub3A_20, %sub3A_21 : vector<256x2048xf32>
    %integer_pow3A_23 = arith.mulf %sub3A_22, %sub3A_22 : vector<256x2048xf32>
    %add3A_24 = arith.addf %add3A, %integer_pow3A_23 : vector<256x2048xf32>
    %iota3A = tpu.iota {dimensions = array<i32: 1>} : vector<256x2048xi32>
    %iota3A_25 = tpu.iota {dimensions = array<i32: 1>} : vector<256x16xi32>
    %broadcast_in_dim3A = arith.constant 0.000000e+00 : f32
    %broadcast_in_dim3A_26 = vector.broadcast %broadcast_in_dim3A : f32 to vector<256x2048xf32>
    %broadcast_in_dim3A_27 = arith.constant 0 : i32
    %broadcast_in_dim3A_28 = vector.broadcast %broadcast_in_dim3A_27 : i32 to vector<256x16xi32>
    %reduce_min3A = arith.constant dense<0x7F800000> : vector<256xf32>
    %reduce_min3A_29 = vector.multi_reduction <minimumf>, %add3A_24, %reduce_min3A [1] : vector<256x2048xf32> to vector<256xf32>
    %broadcast_in_dim3A_30 = vector.shape_cast %reduce_min3A_29 : vector<256xf32> to vector<256x1xf32>
    %eq3A = vector.broadcast %broadcast_in_dim3A_30 : vector<256x1xf32> to vector<256x2048xf32>
    %eq3A_31 = arith.cmpf oeq, %add3A_24, %eq3A : vector<256x2048xf32>
    %jit3A = arith.constant 2048 : i32
    %broadcast_in_dim3A_32 = vector.broadcast %jit3A : i32 to vector<256x2048xi32>
    %select_n3A = arith.select %eq3A_31, %iota3A, %broadcast_in_dim3A_32 : vector<256x2048xi1>, vector<256x2048xi32>
    %reduce_min3A_33 = arith.constant dense<2147483647> : vector<256xi32>
    %reduce_min3A_34 = vector.multi_reduction <minsi>, %select_n3A, %reduce_min3A_33 [1] : vector<256x2048xi32> to vector<256xi32>
    %broadcast_in_dim3A_35 = vector.shape_cast %reduce_min3A_34 : vector<256xi32> to vector<256x1xi32>
    %eq3A_36 = vector.broadcast %broadcast_in_dim3A_35 : vector<256x1xi32> to vector<256x2048xi32>
    %eq3A_37 = arith.cmpi eq, %iota3A, %eq3A_36 : vector<256x2048xi32>
    %convert_element_type3A = arith.extui %eq3A_37 : vector<256x2048xi1> to vector<256x2048xi32>
    %convert_element_type3A_38 = arith.sitofp %convert_element_type3A : vector<256x2048xi32> to vector<256x2048xf32>
    %add3A_39 = arith.addf %broadcast_in_dim3A_26, %convert_element_type3A_38 : vector<256x2048xf32>
    %eq3A_40 = arith.constant 0 : i32
    %eq3A_41 = vector.broadcast %eq3A_40 : i32 to vector<256x16xi32>
    %eq3A_42 = arith.cmpi eq, %iota3A_25, %eq3A_41 : vector<256x16xi32>
    %jit3A_43 = arith.constant 0 : i32
    %broadcast_in_dim3A_44 = vector.shape_cast %broadcast_in_dim3A_35 : vector<256x1xi32> to vector<256x1xi32>
    %broadcast_in_dim3A_45 = vector.broadcast %broadcast_in_dim3A_44 : vector<256x1xi32> to vector<256x16xi32>
    %broadcast_in_dim3A_46 = vector.broadcast %jit3A_43 : i32 to vector<256x16xi32>
    %select_n3A_47 = arith.select %eq3A_42, %broadcast_in_dim3A_45, %broadcast_in_dim3A_46 : vector<256x16xi1>, vector<256x16xi32>
    %add3A_48 = arith.addi %broadcast_in_dim3A_28, %select_n3A_47 : vector<256x16xi32>
    %jit3A_49 = arith.constant 0x7F800000 : f32
    %broadcast_in_dim3A_50 = vector.broadcast %jit3A_49 : f32 to vector<256x2048xf32>
    %select_n3A_51 = arith.select %eq3A_37, %broadcast_in_dim3A_50, %add3A_24 : vector<256x2048xi1>, vector<256x2048xf32>
    %reduce_min3A_52 = arith.constant dense<0x7F800000> : vector<256xf32>
    %reduce_min3A_53 = vector.multi_reduction <minimumf>, %select_n3A_51, %reduce_min3A_52 [1] : vector<256x2048xf32> to vector<256xf32>
    %broadcast_in_dim3A_54 = vector.shape_cast %reduce_min3A_53 : vector<256xf32> to vector<256x1xf32>
    %eq3A_55 = vector.broadcast %broadcast_in_dim3A_54 : vector<256x1xf32> to vector<256x2048xf32>
    %eq3A_56 = arith.cmpf oeq, %select_n3A_51, %eq3A_55 : vector<256x2048xf32>
    %jit3A_57 = arith.constant 2048 : i32
    %broadcast_in_dim3A_58 = vector.broadcast %jit3A_57 : i32 to vector<256x2048xi32>
    %select_n3A_59 = arith.select %eq3A_56, %iota3A, %broadcast_in_dim3A_58 : vector<256x2048xi1>, vector<256x2048xi32>
    %reduce_min3A_60 = arith.constant dense<2147483647> : vector<256xi32>
    %reduce_min3A_61 = vector.multi_reduction <minsi>, %select_n3A_59, %reduce_min3A_60 [1] : vector<256x2048xi32> to vector<256xi32>
    %broadcast_in_dim3A_62 = vector.shape_cast %reduce_min3A_61 : vector<256xi32> to vector<256x1xi32>
    %eq3A_63 = vector.broadcast %broadcast_in_dim3A_62 : vector<256x1xi32> to vector<256x2048xi32>
    %eq3A_64 = arith.cmpi eq, %iota3A, %eq3A_63 : vector<256x2048xi32>
    %convert_element_type3A_65 = arith.extui %eq3A_64 : vector<256x2048xi1> to vector<256x2048xi32>
    %convert_element_type3A_66 = arith.sitofp %convert_element_type3A_65 : vector<256x2048xi32> to vector<256x2048xf32>
    %add3A_67 = arith.addf %add3A_39, %convert_element_type3A_66 : vector<256x2048xf32>
    %eq3A_68 = arith.constant 1 : i32
    %eq3A_69 = vector.broadcast %eq3A_68 : i32 to vector<256x16xi32>
    %eq3A_70 = arith.cmpi eq, %iota3A_25, %eq3A_69 : vector<256x16xi32>
    %jit3A_71 = arith.constant 0 : i32
    %broadcast_in_dim3A_72 = vector.shape_cast %broadcast_in_dim3A_62 : vector<256x1xi32> to vector<256x1xi32>
    %broadcast_in_dim3A_73 = vector.broadcast %broadcast_in_dim3A_72 : vector<256x1xi32> to vector<256x16xi32>
    %broadcast_in_dim3A_74 = vector.broadcast %jit3A_71 : i32 to vector<256x16xi32>
    %select_n3A_75 = arith.select %eq3A_70, %broadcast_in_dim3A_73, %broadcast_in_dim3A_74 : vector<256x16xi1>, vector<256x16xi32>
    %add3A_76 = arith.addi %add3A_48, %select_n3A_75 : vector<256x16xi32>
    %jit3A_77 = arith.constant 0x7F800000 : f32
    %broadcast_in_dim3A_78 = vector.broadcast %jit3A_77 : f32 to vector<256x2048xf32>
    %select_n3A_79 = arith.select %eq3A_64, %broadcast_in_dim3A_78, %select_n3A_51 : vector<256x2048xi1>, vector<256x2048xf32>
    %reduce_min3A_80 = arith.constant dense<0x7F800000> : vector<256xf32>
    %reduce_min3A_81 = vector.multi_reduction <minimumf>, %select_n3A_79, %reduce_min3A_80 [1] : vector<256x2048xf32> to vector<256xf32>
    %broadcast_in_dim3A_82 = vector.shape_cast %reduce_min3A_81 : vector<256xf32> to vector<256x1xf32>
    %eq3A_83 = vector.broadcast %broadcast_in_dim3A_82 : vector<256x1xf32> to vector<256x2048xf32>
    %eq3A_84 = arith.cmpf oeq, %select_n3A_79, %eq3A_83 : vector<256x2048xf32>
    %jit3A_85 = arith.constant 2048 : i32
    %broadcast_in_dim3A_86 = vector.broadcast %jit3A_85 : i32 to vector<256x2048xi32>
    %select_n3A_87 = arith.select %eq3A_84, %iota3A, %broadcast_in_dim3A_86 : vector<256x2048xi1>, vector<256x2048xi32>
    %reduce_min3A_88 = arith.constant dense<2147483647> : vector<256xi32>
    %reduce_min3A_89 = vector.multi_reduction <minsi>, %select_n3A_87, %reduce_min3A_88 [1] : vector<256x2048xi32> to vector<256xi32>
    %broadcast_in_dim3A_90 = vector.shape_cast %reduce_min3A_89 : vector<256xi32> to vector<256x1xi32>
    %eq3A_91 = vector.broadcast %broadcast_in_dim3A_90 : vector<256x1xi32> to vector<256x2048xi32>
    %eq3A_92 = arith.cmpi eq, %iota3A, %eq3A_91 : vector<256x2048xi32>
    %convert_element_type3A_93 = arith.extui %eq3A_92 : vector<256x2048xi1> to vector<256x2048xi32>
    %convert_element_type3A_94 = arith.sitofp %convert_element_type3A_93 : vector<256x2048xi32> to vector<256x2048xf32>
    %add3A_95 = arith.addf %add3A_67, %convert_element_type3A_94 : vector<256x2048xf32>
    %eq3A_96 = arith.constant 2 : i32
    %eq3A_97 = vector.broadcast %eq3A_96 : i32 to vector<256x16xi32>
    %eq3A_98 = arith.cmpi eq, %iota3A_25, %eq3A_97 : vector<256x16xi32>
    %jit3A_99 = arith.constant 0 : i32
    %broadcast_in_dim3A_100 = vector.shape_cast %broadcast_in_dim3A_90 : vector<256x1xi32> to vector<256x1xi32>
    %broadcast_in_dim3A_101 = vector.broadcast %broadcast_in_dim3A_100 : vector<256x1xi32> to vector<256x16xi32>
    %broadcast_in_dim3A_102 = vector.broadcast %jit3A_99 : i32 to vector<256x16xi32>
    %select_n3A_103 = arith.select %eq3A_98, %broadcast_in_dim3A_101, %broadcast_in_dim3A_102 : vector<256x16xi1>, vector<256x16xi32>
    %add3A_104 = arith.addi %add3A_76, %select_n3A_103 : vector<256x16xi32>
    %jit3A_105 = arith.constant 0x7F800000 : f32
    %broadcast_in_dim3A_106 = vector.broadcast %jit3A_105 : f32 to vector<256x2048xf32>
    %select_n3A_107 = arith.select %eq3A_92, %broadcast_in_dim3A_106, %select_n3A_79 : vector<256x2048xi1>, vector<256x2048xf32>
    %reduce_min3A_108 = arith.constant dense<0x7F800000> : vector<256xf32>
    %reduce_min3A_109 = vector.multi_reduction <minimumf>, %select_n3A_107, %reduce_min3A_108 [1] : vector<256x2048xf32> to vector<256xf32>
    %broadcast_in_dim3A_110 = vector.shape_cast %reduce_min3A_109 : vector<256xf32> to vector<256x1xf32>
    %eq3A_111 = vector.broadcast %broadcast_in_dim3A_110 : vector<256x1xf32> to vector<256x2048xf32>
    %eq3A_112 = arith.cmpf oeq, %select_n3A_107, %eq3A_111 : vector<256x2048xf32>
    %jit3A_113 = arith.constant 2048 : i32
    %broadcast_in_dim3A_114 = vector.broadcast %jit3A_113 : i32 to vector<256x2048xi32>
    %select_n3A_115 = arith.select %eq3A_112, %iota3A, %broadcast_in_dim3A_114 : vector<256x2048xi1>, vector<256x2048xi32>
    %reduce_min3A_116 = arith.constant dense<2147483647> : vector<256xi32>
    %reduce_min3A_117 = vector.multi_reduction <minsi>, %select_n3A_115, %reduce_min3A_116 [1] : vector<256x2048xi32> to vector<256xi32>
    %broadcast_in_dim3A_118 = vector.shape_cast %reduce_min3A_117 : vector<256xi32> to vector<256x1xi32>
    %eq3A_119 = vector.broadcast %broadcast_in_dim3A_118 : vector<256x1xi32> to vector<256x2048xi32>
    %eq3A_120 = arith.cmpi eq, %iota3A, %eq3A_119 : vector<256x2048xi32>
    %convert_element_type3A_121 = arith.extui %eq3A_120 : vector<256x2048xi1> to vector<256x2048xi32>
    %convert_element_type3A_122 = arith.sitofp %convert_element_type3A_121 : vector<256x2048xi32> to vector<256x2048xf32>
    %add3A_123 = arith.addf %add3A_95, %convert_element_type3A_122 : vector<256x2048xf32>
    %eq3A_124 = arith.constant 3 : i32
    %eq3A_125 = vector.broadcast %eq3A_124 : i32 to vector<256x16xi32>
    %eq3A_126 = arith.cmpi eq, %iota3A_25, %eq3A_125 : vector<256x16xi32>
    %jit3A_127 = arith.constant 0 : i32
    %broadcast_in_dim3A_128 = vector.shape_cast %broadcast_in_dim3A_118 : vector<256x1xi32> to vector<256x1xi32>
    %broadcast_in_dim3A_129 = vector.broadcast %broadcast_in_dim3A_128 : vector<256x1xi32> to vector<256x16xi32>
    %broadcast_in_dim3A_130 = vector.broadcast %jit3A_127 : i32 to vector<256x16xi32>
    %select_n3A_131 = arith.select %eq3A_126, %broadcast_in_dim3A_129, %broadcast_in_dim3A_130 : vector<256x16xi1>, vector<256x16xi32>
    %add3A_132 = arith.addi %add3A_104, %select_n3A_131 : vector<256x16xi32>
    %jit3A_133 = arith.constant 0x7F800000 : f32
    %broadcast_in_dim3A_134 = vector.broadcast %jit3A_133 : f32 to vector<256x2048xf32>
    %select_n3A_135 = arith.select %eq3A_120, %broadcast_in_dim3A_134, %select_n3A_107 : vector<256x2048xi1>, vector<256x2048xf32>
    %reduce_min3A_136 = arith.constant dense<0x7F800000> : vector<256xf32>
    %reduce_min3A_137 = vector.multi_reduction <minimumf>, %select_n3A_135, %reduce_min3A_136 [1] : vector<256x2048xf32> to vector<256xf32>
    %broadcast_in_dim3A_138 = vector.shape_cast %reduce_min3A_137 : vector<256xf32> to vector<256x1xf32>
    %eq3A_139 = vector.broadcast %broadcast_in_dim3A_138 : vector<256x1xf32> to vector<256x2048xf32>
    %eq3A_140 = arith.cmpf oeq, %select_n3A_135, %eq3A_139 : vector<256x2048xf32>
    %jit3A_141 = arith.constant 2048 : i32
    %broadcast_in_dim3A_142 = vector.broadcast %jit3A_141 : i32 to vector<256x2048xi32>
    %select_n3A_143 = arith.select %eq3A_140, %iota3A, %broadcast_in_dim3A_142 : vector<256x2048xi1>, vector<256x2048xi32>
    %reduce_min3A_144 = arith.constant dense<2147483647> : vector<256xi32>
    %reduce_min3A_145 = vector.multi_reduction <minsi>, %select_n3A_143, %reduce_min3A_144 [1] : vector<256x2048xi32> to vector<256xi32>
    %broadcast_in_dim3A_146 = vector.shape_cast %reduce_min3A_145 : vector<256xi32> to vector<256x1xi32>
    %eq3A_147 = vector.broadcast %broadcast_in_dim3A_146 : vector<256x1xi32> to vector<256x2048xi32>
    %eq3A_148 = arith.cmpi eq, %iota3A, %eq3A_147 : vector<256x2048xi32>
    %convert_element_type3A_149 = arith.extui %eq3A_148 : vector<256x2048xi1> to vector<256x2048xi32>
    %convert_element_type3A_150 = arith.sitofp %convert_element_type3A_149 : vector<256x2048xi32> to vector<256x2048xf32>
    %add3A_151 = arith.addf %add3A_123, %convert_element_type3A_150 : vector<256x2048xf32>
    %eq3A_152 = arith.constant 4 : i32
    %eq3A_153 = vector.broadcast %eq3A_152 : i32 to vector<256x16xi32>
    %eq3A_154 = arith.cmpi eq, %iota3A_25, %eq3A_153 : vector<256x16xi32>
    %jit3A_155 = arith.constant 0 : i32
    %broadcast_in_dim3A_156 = vector.shape_cast %broadcast_in_dim3A_146 : vector<256x1xi32> to vector<256x1xi32>
    %broadcast_in_dim3A_157 = vector.broadcast %broadcast_in_dim3A_156 : vector<256x1xi32> to vector<256x16xi32>
    %broadcast_in_dim3A_158 = vector.broadcast %jit3A_155 : i32 to vector<256x16xi32>
    %select_n3A_159 = arith.select %eq3A_154, %broadcast_in_dim3A_157, %broadcast_in_dim3A_158 : vector<256x16xi1>, vector<256x16xi32>
    %add3A_160 = arith.addi %add3A_132, %select_n3A_159 : vector<256x16xi32>
    %jit3A_161 = arith.constant 0x7F800000 : f32
    %broadcast_in_dim3A_162 = vector.broadcast %jit3A_161 : f32 to vector<256x2048xf32>
    %select_n3A_163 = arith.select %eq3A_148, %broadcast_in_dim3A_162, %select_n3A_135 : vector<256x2048xi1>, vector<256x2048xf32>
    %reduce_min3A_164 = arith.constant dense<0x7F800000> : vector<256xf32>
    %reduce_min3A_165 = vector.multi_reduction <minimumf>, %select_n3A_163, %reduce_min3A_164 [1] : vector<256x2048xf32> to vector<256xf32>
    %broadcast_in_dim3A_166 = vector.shape_cast %reduce_min3A_165 : vector<256xf32> to vector<256x1xf32>
    %eq3A_167 = vector.broadcast %broadcast_in_dim3A_166 : vector<256x1xf32> to vector<256x2048xf32>
    %eq3A_168 = arith.cmpf oeq, %select_n3A_163, %eq3A_167 : vector<256x2048xf32>
    %jit3A_169 = arith.constant 2048 : i32
    %broadcast_in_dim3A_170 = vector.broadcast %jit3A_169 : i32 to vector<256x2048xi32>
    %select_n3A_171 = arith.select %eq3A_168, %iota3A, %broadcast_in_dim3A_170 : vector<256x2048xi1>, vector<256x2048xi32>
    %reduce_min3A_172 = arith.constant dense<2147483647> : vector<256xi32>
    %reduce_min3A_173 = vector.multi_reduction <minsi>, %select_n3A_171, %reduce_min3A_172 [1] : vector<256x2048xi32> to vector<256xi32>
    %broadcast_in_dim3A_174 = vector.shape_cast %reduce_min3A_173 : vector<256xi32> to vector<256x1xi32>
    %eq3A_175 = vector.broadcast %broadcast_in_dim3A_174 : vector<256x1xi32> to vector<256x2048xi32>
    %eq3A_176 = arith.cmpi eq, %iota3A, %eq3A_175 : vector<256x2048xi32>
    %convert_element_type3A_177 = arith.extui %eq3A_176 : vector<256x2048xi1> to vector<256x2048xi32>
    %convert_element_type3A_178 = arith.sitofp %convert_element_type3A_177 : vector<256x2048xi32> to vector<256x2048xf32>
    %add3A_179 = arith.addf %add3A_151, %convert_element_type3A_178 : vector<256x2048xf32>
    %eq3A_180 = arith.constant 5 : i32
    %eq3A_181 = vector.broadcast %eq3A_180 : i32 to vector<256x16xi32>
    %eq3A_182 = arith.cmpi eq, %iota3A_25, %eq3A_181 : vector<256x16xi32>
    %jit3A_183 = arith.constant 0 : i32
    %broadcast_in_dim3A_184 = vector.shape_cast %broadcast_in_dim3A_174 : vector<256x1xi32> to vector<256x1xi32>
    %broadcast_in_dim3A_185 = vector.broadcast %broadcast_in_dim3A_184 : vector<256x1xi32> to vector<256x16xi32>
    %broadcast_in_dim3A_186 = vector.broadcast %jit3A_183 : i32 to vector<256x16xi32>
    %select_n3A_187 = arith.select %eq3A_182, %broadcast_in_dim3A_185, %broadcast_in_dim3A_186 : vector<256x16xi1>, vector<256x16xi32>
    %add3A_188 = arith.addi %add3A_160, %select_n3A_187 : vector<256x16xi32>
    %jit3A_189 = arith.constant 0x7F800000 : f32
    %broadcast_in_dim3A_190 = vector.broadcast %jit3A_189 : f32 to vector<256x2048xf32>
    %select_n3A_191 = arith.select %eq3A_176, %broadcast_in_dim3A_190, %select_n3A_163 : vector<256x2048xi1>, vector<256x2048xf32>
    %reduce_min3A_192 = arith.constant dense<0x7F800000> : vector<256xf32>
    %reduce_min3A_193 = vector.multi_reduction <minimumf>, %select_n3A_191, %reduce_min3A_192 [1] : vector<256x2048xf32> to vector<256xf32>
    %broadcast_in_dim3A_194 = vector.shape_cast %reduce_min3A_193 : vector<256xf32> to vector<256x1xf32>
    %eq3A_195 = vector.broadcast %broadcast_in_dim3A_194 : vector<256x1xf32> to vector<256x2048xf32>
    %eq3A_196 = arith.cmpf oeq, %select_n3A_191, %eq3A_195 : vector<256x2048xf32>
    %jit3A_197 = arith.constant 2048 : i32
    %broadcast_in_dim3A_198 = vector.broadcast %jit3A_197 : i32 to vector<256x2048xi32>
    %select_n3A_199 = arith.select %eq3A_196, %iota3A, %broadcast_in_dim3A_198 : vector<256x2048xi1>, vector<256x2048xi32>
    %reduce_min3A_200 = arith.constant dense<2147483647> : vector<256xi32>
    %reduce_min3A_201 = vector.multi_reduction <minsi>, %select_n3A_199, %reduce_min3A_200 [1] : vector<256x2048xi32> to vector<256xi32>
    %broadcast_in_dim3A_202 = vector.shape_cast %reduce_min3A_201 : vector<256xi32> to vector<256x1xi32>
    %eq3A_203 = vector.broadcast %broadcast_in_dim3A_202 : vector<256x1xi32> to vector<256x2048xi32>
    %eq3A_204 = arith.cmpi eq, %iota3A, %eq3A_203 : vector<256x2048xi32>
    %convert_element_type3A_205 = arith.extui %eq3A_204 : vector<256x2048xi1> to vector<256x2048xi32>
    %convert_element_type3A_206 = arith.sitofp %convert_element_type3A_205 : vector<256x2048xi32> to vector<256x2048xf32>
    %add3A_207 = arith.addf %add3A_179, %convert_element_type3A_206 : vector<256x2048xf32>
    %eq3A_208 = arith.constant 6 : i32
    %eq3A_209 = vector.broadcast %eq3A_208 : i32 to vector<256x16xi32>
    %eq3A_210 = arith.cmpi eq, %iota3A_25, %eq3A_209 : vector<256x16xi32>
    %jit3A_211 = arith.constant 0 : i32
    %broadcast_in_dim3A_212 = vector.shape_cast %broadcast_in_dim3A_202 : vector<256x1xi32> to vector<256x1xi32>
    %broadcast_in_dim3A_213 = vector.broadcast %broadcast_in_dim3A_212 : vector<256x1xi32> to vector<256x16xi32>
    %broadcast_in_dim3A_214 = vector.broadcast %jit3A_211 : i32 to vector<256x16xi32>
    %select_n3A_215 = arith.select %eq3A_210, %broadcast_in_dim3A_213, %broadcast_in_dim3A_214 : vector<256x16xi1>, vector<256x16xi32>
    %add3A_216 = arith.addi %add3A_188, %select_n3A_215 : vector<256x16xi32>
    %jit3A_217 = arith.constant 0x7F800000 : f32
    %broadcast_in_dim3A_218 = vector.broadcast %jit3A_217 : f32 to vector<256x2048xf32>
    %select_n3A_219 = arith.select %eq3A_204, %broadcast_in_dim3A_218, %select_n3A_191 : vector<256x2048xi1>, vector<256x2048xf32>
    %reduce_min3A_220 = arith.constant dense<0x7F800000> : vector<256xf32>
    %reduce_min3A_221 = vector.multi_reduction <minimumf>, %select_n3A_219, %reduce_min3A_220 [1] : vector<256x2048xf32> to vector<256xf32>
    %broadcast_in_dim3A_222 = vector.shape_cast %reduce_min3A_221 : vector<256xf32> to vector<256x1xf32>
    %eq3A_223 = vector.broadcast %broadcast_in_dim3A_222 : vector<256x1xf32> to vector<256x2048xf32>
    %eq3A_224 = arith.cmpf oeq, %select_n3A_219, %eq3A_223 : vector<256x2048xf32>
    %jit3A_225 = arith.constant 2048 : i32
    %broadcast_in_dim3A_226 = vector.broadcast %jit3A_225 : i32 to vector<256x2048xi32>
    %select_n3A_227 = arith.select %eq3A_224, %iota3A, %broadcast_in_dim3A_226 : vector<256x2048xi1>, vector<256x2048xi32>
    %reduce_min3A_228 = arith.constant dense<2147483647> : vector<256xi32>
    %reduce_min3A_229 = vector.multi_reduction <minsi>, %select_n3A_227, %reduce_min3A_228 [1] : vector<256x2048xi32> to vector<256xi32>
    %broadcast_in_dim3A_230 = vector.shape_cast %reduce_min3A_229 : vector<256xi32> to vector<256x1xi32>
    %eq3A_231 = vector.broadcast %broadcast_in_dim3A_230 : vector<256x1xi32> to vector<256x2048xi32>
    %eq3A_232 = arith.cmpi eq, %iota3A, %eq3A_231 : vector<256x2048xi32>
    %convert_element_type3A_233 = arith.extui %eq3A_232 : vector<256x2048xi1> to vector<256x2048xi32>
    %convert_element_type3A_234 = arith.sitofp %convert_element_type3A_233 : vector<256x2048xi32> to vector<256x2048xf32>
    %add3A_235 = arith.addf %add3A_207, %convert_element_type3A_234 : vector<256x2048xf32>
    %eq3A_236 = arith.constant 7 : i32
    %eq3A_237 = vector.broadcast %eq3A_236 : i32 to vector<256x16xi32>
    %eq3A_238 = arith.cmpi eq, %iota3A_25, %eq3A_237 : vector<256x16xi32>
    %jit3A_239 = arith.constant 0 : i32
    %broadcast_in_dim3A_240 = vector.shape_cast %broadcast_in_dim3A_230 : vector<256x1xi32> to vector<256x1xi32>
    %broadcast_in_dim3A_241 = vector.broadcast %broadcast_in_dim3A_240 : vector<256x1xi32> to vector<256x16xi32>
    %broadcast_in_dim3A_242 = vector.broadcast %jit3A_239 : i32 to vector<256x16xi32>
    %select_n3A_243 = arith.select %eq3A_238, %broadcast_in_dim3A_241, %broadcast_in_dim3A_242 : vector<256x16xi1>, vector<256x16xi32>
    %add3A_244 = arith.addi %add3A_216, %select_n3A_243 : vector<256x16xi32>
    %jit3A_245 = arith.constant 0x7F800000 : f32
    %broadcast_in_dim3A_246 = vector.broadcast %jit3A_245 : f32 to vector<256x2048xf32>
    %select_n3A_247 = arith.select %eq3A_232, %broadcast_in_dim3A_246, %select_n3A_219 : vector<256x2048xi1>, vector<256x2048xf32>
    %reduce_min3A_248 = arith.constant dense<0x7F800000> : vector<256xf32>
    %reduce_min3A_249 = vector.multi_reduction <minimumf>, %select_n3A_247, %reduce_min3A_248 [1] : vector<256x2048xf32> to vector<256xf32>
    %broadcast_in_dim3A_250 = vector.shape_cast %reduce_min3A_249 : vector<256xf32> to vector<256x1xf32>
    %eq3A_251 = vector.broadcast %broadcast_in_dim3A_250 : vector<256x1xf32> to vector<256x2048xf32>
    %eq3A_252 = arith.cmpf oeq, %select_n3A_247, %eq3A_251 : vector<256x2048xf32>
    %jit3A_253 = arith.constant 2048 : i32
    %broadcast_in_dim3A_254 = vector.broadcast %jit3A_253 : i32 to vector<256x2048xi32>
    %select_n3A_255 = arith.select %eq3A_252, %iota3A, %broadcast_in_dim3A_254 : vector<256x2048xi1>, vector<256x2048xi32>
    %reduce_min3A_256 = arith.constant dense<2147483647> : vector<256xi32>
    %reduce_min3A_257 = vector.multi_reduction <minsi>, %select_n3A_255, %reduce_min3A_256 [1] : vector<256x2048xi32> to vector<256xi32>
    %broadcast_in_dim3A_258 = vector.shape_cast %reduce_min3A_257 : vector<256xi32> to vector<256x1xi32>
    %eq3A_259 = vector.broadcast %broadcast_in_dim3A_258 : vector<256x1xi32> to vector<256x2048xi32>
    %eq3A_260 = arith.cmpi eq, %iota3A, %eq3A_259 : vector<256x2048xi32>
    %convert_element_type3A_261 = arith.extui %eq3A_260 : vector<256x2048xi1> to vector<256x2048xi32>
    %convert_element_type3A_262 = arith.sitofp %convert_element_type3A_261 : vector<256x2048xi32> to vector<256x2048xf32>
    %add3A_263 = arith.addf %add3A_235, %convert_element_type3A_262 : vector<256x2048xf32>
    %eq3A_264 = arith.constant 8 : i32
    %eq3A_265 = vector.broadcast %eq3A_264 : i32 to vector<256x16xi32>
    %eq3A_266 = arith.cmpi eq, %iota3A_25, %eq3A_265 : vector<256x16xi32>
    %jit3A_267 = arith.constant 0 : i32
    %broadcast_in_dim3A_268 = vector.shape_cast %broadcast_in_dim3A_258 : vector<256x1xi32> to vector<256x1xi32>
    %broadcast_in_dim3A_269 = vector.broadcast %broadcast_in_dim3A_268 : vector<256x1xi32> to vector<256x16xi32>
    %broadcast_in_dim3A_270 = vector.broadcast %jit3A_267 : i32 to vector<256x16xi32>
    %select_n3A_271 = arith.select %eq3A_266, %broadcast_in_dim3A_269, %broadcast_in_dim3A_270 : vector<256x16xi1>, vector<256x16xi32>
    %add3A_272 = arith.addi %add3A_244, %select_n3A_271 : vector<256x16xi32>
    %jit3A_273 = arith.constant 0x7F800000 : f32
    %broadcast_in_dim3A_274 = vector.broadcast %jit3A_273 : f32 to vector<256x2048xf32>
    %select_n3A_275 = arith.select %eq3A_260, %broadcast_in_dim3A_274, %select_n3A_247 : vector<256x2048xi1>, vector<256x2048xf32>
    %reduce_min3A_276 = arith.constant dense<0x7F800000> : vector<256xf32>
    %reduce_min3A_277 = vector.multi_reduction <minimumf>, %select_n3A_275, %reduce_min3A_276 [1] : vector<256x2048xf32> to vector<256xf32>
    %broadcast_in_dim3A_278 = vector.shape_cast %reduce_min3A_277 : vector<256xf32> to vector<256x1xf32>
    %eq3A_279 = vector.broadcast %broadcast_in_dim3A_278 : vector<256x1xf32> to vector<256x2048xf32>
    %eq3A_280 = arith.cmpf oeq, %select_n3A_275, %eq3A_279 : vector<256x2048xf32>
    %jit3A_281 = arith.constant 2048 : i32
    %broadcast_in_dim3A_282 = vector.broadcast %jit3A_281 : i32 to vector<256x2048xi32>
    %select_n3A_283 = arith.select %eq3A_280, %iota3A, %broadcast_in_dim3A_282 : vector<256x2048xi1>, vector<256x2048xi32>
    %reduce_min3A_284 = arith.constant dense<2147483647> : vector<256xi32>
    %reduce_min3A_285 = vector.multi_reduction <minsi>, %select_n3A_283, %reduce_min3A_284 [1] : vector<256x2048xi32> to vector<256xi32>
    %broadcast_in_dim3A_286 = vector.shape_cast %reduce_min3A_285 : vector<256xi32> to vector<256x1xi32>
    %eq3A_287 = vector.broadcast %broadcast_in_dim3A_286 : vector<256x1xi32> to vector<256x2048xi32>
    %eq3A_288 = arith.cmpi eq, %iota3A, %eq3A_287 : vector<256x2048xi32>
    %convert_element_type3A_289 = arith.extui %eq3A_288 : vector<256x2048xi1> to vector<256x2048xi32>
    %convert_element_type3A_290 = arith.sitofp %convert_element_type3A_289 : vector<256x2048xi32> to vector<256x2048xf32>
    %add3A_291 = arith.addf %add3A_263, %convert_element_type3A_290 : vector<256x2048xf32>
    %eq3A_292 = arith.constant 9 : i32
    %eq3A_293 = vector.broadcast %eq3A_292 : i32 to vector<256x16xi32>
    %eq3A_294 = arith.cmpi eq, %iota3A_25, %eq3A_293 : vector<256x16xi32>
    %jit3A_295 = arith.constant 0 : i32
    %broadcast_in_dim3A_296 = vector.shape_cast %broadcast_in_dim3A_286 : vector<256x1xi32> to vector<256x1xi32>
    %broadcast_in_dim3A_297 = vector.broadcast %broadcast_in_dim3A_296 : vector<256x1xi32> to vector<256x16xi32>
    %broadcast_in_dim3A_298 = vector.broadcast %jit3A_295 : i32 to vector<256x16xi32>
    %select_n3A_299 = arith.select %eq3A_294, %broadcast_in_dim3A_297, %broadcast_in_dim3A_298 : vector<256x16xi1>, vector<256x16xi32>
    %add3A_300 = arith.addi %add3A_272, %select_n3A_299 : vector<256x16xi32>
    %jit3A_301 = arith.constant 0x7F800000 : f32
    %broadcast_in_dim3A_302 = vector.broadcast %jit3A_301 : f32 to vector<256x2048xf32>
    %select_n3A_303 = arith.select %eq3A_288, %broadcast_in_dim3A_302, %select_n3A_275 : vector<256x2048xi1>, vector<256x2048xf32>
    %reduce_min3A_304 = arith.constant dense<0x7F800000> : vector<256xf32>
    %reduce_min3A_305 = vector.multi_reduction <minimumf>, %select_n3A_303, %reduce_min3A_304 [1] : vector<256x2048xf32> to vector<256xf32>
    %broadcast_in_dim3A_306 = vector.shape_cast %reduce_min3A_305 : vector<256xf32> to vector<256x1xf32>
    %eq3A_307 = vector.broadcast %broadcast_in_dim3A_306 : vector<256x1xf32> to vector<256x2048xf32>
    %eq3A_308 = arith.cmpf oeq, %select_n3A_303, %eq3A_307 : vector<256x2048xf32>
    %jit3A_309 = arith.constant 2048 : i32
    %broadcast_in_dim3A_310 = vector.broadcast %jit3A_309 : i32 to vector<256x2048xi32>
    %select_n3A_311 = arith.select %eq3A_308, %iota3A, %broadcast_in_dim3A_310 : vector<256x2048xi1>, vector<256x2048xi32>
    %reduce_min3A_312 = arith.constant dense<2147483647> : vector<256xi32>
    %reduce_min3A_313 = vector.multi_reduction <minsi>, %select_n3A_311, %reduce_min3A_312 [1] : vector<256x2048xi32> to vector<256xi32>
    %broadcast_in_dim3A_314 = vector.shape_cast %reduce_min3A_313 : vector<256xi32> to vector<256x1xi32>
    %eq3A_315 = vector.broadcast %broadcast_in_dim3A_314 : vector<256x1xi32> to vector<256x2048xi32>
    %eq3A_316 = arith.cmpi eq, %iota3A, %eq3A_315 : vector<256x2048xi32>
    %convert_element_type3A_317 = arith.extui %eq3A_316 : vector<256x2048xi1> to vector<256x2048xi32>
    %convert_element_type3A_318 = arith.sitofp %convert_element_type3A_317 : vector<256x2048xi32> to vector<256x2048xf32>
    %add3A_319 = arith.addf %add3A_291, %convert_element_type3A_318 : vector<256x2048xf32>
    %eq3A_320 = arith.constant 10 : i32
    %eq3A_321 = vector.broadcast %eq3A_320 : i32 to vector<256x16xi32>
    %eq3A_322 = arith.cmpi eq, %iota3A_25, %eq3A_321 : vector<256x16xi32>
    %jit3A_323 = arith.constant 0 : i32
    %broadcast_in_dim3A_324 = vector.shape_cast %broadcast_in_dim3A_314 : vector<256x1xi32> to vector<256x1xi32>
    %broadcast_in_dim3A_325 = vector.broadcast %broadcast_in_dim3A_324 : vector<256x1xi32> to vector<256x16xi32>
    %broadcast_in_dim3A_326 = vector.broadcast %jit3A_323 : i32 to vector<256x16xi32>
    %select_n3A_327 = arith.select %eq3A_322, %broadcast_in_dim3A_325, %broadcast_in_dim3A_326 : vector<256x16xi1>, vector<256x16xi32>
    %add3A_328 = arith.addi %add3A_300, %select_n3A_327 : vector<256x16xi32>
    %jit3A_329 = arith.constant 0x7F800000 : f32
    %broadcast_in_dim3A_330 = vector.broadcast %jit3A_329 : f32 to vector<256x2048xf32>
    %select_n3A_331 = arith.select %eq3A_316, %broadcast_in_dim3A_330, %select_n3A_303 : vector<256x2048xi1>, vector<256x2048xf32>
    %reduce_min3A_332 = arith.constant dense<0x7F800000> : vector<256xf32>
    %reduce_min3A_333 = vector.multi_reduction <minimumf>, %select_n3A_331, %reduce_min3A_332 [1] : vector<256x2048xf32> to vector<256xf32>
    %broadcast_in_dim3A_334 = vector.shape_cast %reduce_min3A_333 : vector<256xf32> to vector<256x1xf32>
    %eq3A_335 = vector.broadcast %broadcast_in_dim3A_334 : vector<256x1xf32> to vector<256x2048xf32>
    %eq3A_336 = arith.cmpf oeq, %select_n3A_331, %eq3A_335 : vector<256x2048xf32>
    %jit3A_337 = arith.constant 2048 : i32
    %broadcast_in_dim3A_338 = vector.broadcast %jit3A_337 : i32 to vector<256x2048xi32>
    %select_n3A_339 = arith.select %eq3A_336, %iota3A, %broadcast_in_dim3A_338 : vector<256x2048xi1>, vector<256x2048xi32>
    %reduce_min3A_340 = arith.constant dense<2147483647> : vector<256xi32>
    %reduce_min3A_341 = vector.multi_reduction <minsi>, %select_n3A_339, %reduce_min3A_340 [1] : vector<256x2048xi32> to vector<256xi32>
    %broadcast_in_dim3A_342 = vector.shape_cast %reduce_min3A_341 : vector<256xi32> to vector<256x1xi32>
    %eq3A_343 = vector.broadcast %broadcast_in_dim3A_342 : vector<256x1xi32> to vector<256x2048xi32>
    %eq3A_344 = arith.cmpi eq, %iota3A, %eq3A_343 : vector<256x2048xi32>
    %convert_element_type3A_345 = arith.extui %eq3A_344 : vector<256x2048xi1> to vector<256x2048xi32>
    %convert_element_type3A_346 = arith.sitofp %convert_element_type3A_345 : vector<256x2048xi32> to vector<256x2048xf32>
    %add3A_347 = arith.addf %add3A_319, %convert_element_type3A_346 : vector<256x2048xf32>
    %eq3A_348 = arith.constant 11 : i32
    %eq3A_349 = vector.broadcast %eq3A_348 : i32 to vector<256x16xi32>
    %eq3A_350 = arith.cmpi eq, %iota3A_25, %eq3A_349 : vector<256x16xi32>
    %jit3A_351 = arith.constant 0 : i32
    %broadcast_in_dim3A_352 = vector.shape_cast %broadcast_in_dim3A_342 : vector<256x1xi32> to vector<256x1xi32>
    %broadcast_in_dim3A_353 = vector.broadcast %broadcast_in_dim3A_352 : vector<256x1xi32> to vector<256x16xi32>
    %broadcast_in_dim3A_354 = vector.broadcast %jit3A_351 : i32 to vector<256x16xi32>
    %select_n3A_355 = arith.select %eq3A_350, %broadcast_in_dim3A_353, %broadcast_in_dim3A_354 : vector<256x16xi1>, vector<256x16xi32>
    %add3A_356 = arith.addi %add3A_328, %select_n3A_355 : vector<256x16xi32>
    %jit3A_357 = arith.constant 0x7F800000 : f32
    %broadcast_in_dim3A_358 = vector.broadcast %jit3A_357 : f32 to vector<256x2048xf32>
    %select_n3A_359 = arith.select %eq3A_344, %broadcast_in_dim3A_358, %select_n3A_331 : vector<256x2048xi1>, vector<256x2048xf32>
    %reduce_min3A_360 = arith.constant dense<0x7F800000> : vector<256xf32>
    %reduce_min3A_361 = vector.multi_reduction <minimumf>, %select_n3A_359, %reduce_min3A_360 [1] : vector<256x2048xf32> to vector<256xf32>
    %broadcast_in_dim3A_362 = vector.shape_cast %reduce_min3A_361 : vector<256xf32> to vector<256x1xf32>
    %eq3A_363 = vector.broadcast %broadcast_in_dim3A_362 : vector<256x1xf32> to vector<256x2048xf32>
    %eq3A_364 = arith.cmpf oeq, %select_n3A_359, %eq3A_363 : vector<256x2048xf32>
    %jit3A_365 = arith.constant 2048 : i32
    %broadcast_in_dim3A_366 = vector.broadcast %jit3A_365 : i32 to vector<256x2048xi32>
    %select_n3A_367 = arith.select %eq3A_364, %iota3A, %broadcast_in_dim3A_366 : vector<256x2048xi1>, vector<256x2048xi32>
    %reduce_min3A_368 = arith.constant dense<2147483647> : vector<256xi32>
    %reduce_min3A_369 = vector.multi_reduction <minsi>, %select_n3A_367, %reduce_min3A_368 [1] : vector<256x2048xi32> to vector<256xi32>
    %broadcast_in_dim3A_370 = vector.shape_cast %reduce_min3A_369 : vector<256xi32> to vector<256x1xi32>
    %eq3A_371 = vector.broadcast %broadcast_in_dim3A_370 : vector<256x1xi32> to vector<256x2048xi32>
    %eq3A_372 = arith.cmpi eq, %iota3A, %eq3A_371 : vector<256x2048xi32>
    %convert_element_type3A_373 = arith.extui %eq3A_372 : vector<256x2048xi1> to vector<256x2048xi32>
    %convert_element_type3A_374 = arith.sitofp %convert_element_type3A_373 : vector<256x2048xi32> to vector<256x2048xf32>
    %add3A_375 = arith.addf %add3A_347, %convert_element_type3A_374 : vector<256x2048xf32>
    %eq3A_376 = arith.constant 12 : i32
    %eq3A_377 = vector.broadcast %eq3A_376 : i32 to vector<256x16xi32>
    %eq3A_378 = arith.cmpi eq, %iota3A_25, %eq3A_377 : vector<256x16xi32>
    %jit3A_379 = arith.constant 0 : i32
    %broadcast_in_dim3A_380 = vector.shape_cast %broadcast_in_dim3A_370 : vector<256x1xi32> to vector<256x1xi32>
    %broadcast_in_dim3A_381 = vector.broadcast %broadcast_in_dim3A_380 : vector<256x1xi32> to vector<256x16xi32>
    %broadcast_in_dim3A_382 = vector.broadcast %jit3A_379 : i32 to vector<256x16xi32>
    %select_n3A_383 = arith.select %eq3A_378, %broadcast_in_dim3A_381, %broadcast_in_dim3A_382 : vector<256x16xi1>, vector<256x16xi32>
    %add3A_384 = arith.addi %add3A_356, %select_n3A_383 : vector<256x16xi32>
    %jit3A_385 = arith.constant 0x7F800000 : f32
    %broadcast_in_dim3A_386 = vector.broadcast %jit3A_385 : f32 to vector<256x2048xf32>
    %select_n3A_387 = arith.select %eq3A_372, %broadcast_in_dim3A_386, %select_n3A_359 : vector<256x2048xi1>, vector<256x2048xf32>
    %reduce_min3A_388 = arith.constant dense<0x7F800000> : vector<256xf32>
    %reduce_min3A_389 = vector.multi_reduction <minimumf>, %select_n3A_387, %reduce_min3A_388 [1] : vector<256x2048xf32> to vector<256xf32>
    %broadcast_in_dim3A_390 = vector.shape_cast %reduce_min3A_389 : vector<256xf32> to vector<256x1xf32>
    %eq3A_391 = vector.broadcast %broadcast_in_dim3A_390 : vector<256x1xf32> to vector<256x2048xf32>
    %eq3A_392 = arith.cmpf oeq, %select_n3A_387, %eq3A_391 : vector<256x2048xf32>
    %jit3A_393 = arith.constant 2048 : i32
    %broadcast_in_dim3A_394 = vector.broadcast %jit3A_393 : i32 to vector<256x2048xi32>
    %select_n3A_395 = arith.select %eq3A_392, %iota3A, %broadcast_in_dim3A_394 : vector<256x2048xi1>, vector<256x2048xi32>
    %reduce_min3A_396 = arith.constant dense<2147483647> : vector<256xi32>
    %reduce_min3A_397 = vector.multi_reduction <minsi>, %select_n3A_395, %reduce_min3A_396 [1] : vector<256x2048xi32> to vector<256xi32>
    %broadcast_in_dim3A_398 = vector.shape_cast %reduce_min3A_397 : vector<256xi32> to vector<256x1xi32>
    %eq3A_399 = vector.broadcast %broadcast_in_dim3A_398 : vector<256x1xi32> to vector<256x2048xi32>
    %eq3A_400 = arith.cmpi eq, %iota3A, %eq3A_399 : vector<256x2048xi32>
    %convert_element_type3A_401 = arith.extui %eq3A_400 : vector<256x2048xi1> to vector<256x2048xi32>
    %convert_element_type3A_402 = arith.sitofp %convert_element_type3A_401 : vector<256x2048xi32> to vector<256x2048xf32>
    %add3A_403 = arith.addf %add3A_375, %convert_element_type3A_402 : vector<256x2048xf32>
    %eq3A_404 = arith.constant 13 : i32
    %eq3A_405 = vector.broadcast %eq3A_404 : i32 to vector<256x16xi32>
    %eq3A_406 = arith.cmpi eq, %iota3A_25, %eq3A_405 : vector<256x16xi32>
    %jit3A_407 = arith.constant 0 : i32
    %broadcast_in_dim3A_408 = vector.shape_cast %broadcast_in_dim3A_398 : vector<256x1xi32> to vector<256x1xi32>
    %broadcast_in_dim3A_409 = vector.broadcast %broadcast_in_dim3A_408 : vector<256x1xi32> to vector<256x16xi32>
    %broadcast_in_dim3A_410 = vector.broadcast %jit3A_407 : i32 to vector<256x16xi32>
    %select_n3A_411 = arith.select %eq3A_406, %broadcast_in_dim3A_409, %broadcast_in_dim3A_410 : vector<256x16xi1>, vector<256x16xi32>
    %add3A_412 = arith.addi %add3A_384, %select_n3A_411 : vector<256x16xi32>
    %jit3A_413 = arith.constant 0x7F800000 : f32
    %broadcast_in_dim3A_414 = vector.broadcast %jit3A_413 : f32 to vector<256x2048xf32>
    %select_n3A_415 = arith.select %eq3A_400, %broadcast_in_dim3A_414, %select_n3A_387 : vector<256x2048xi1>, vector<256x2048xf32>
    %reduce_min3A_416 = arith.constant dense<0x7F800000> : vector<256xf32>
    %reduce_min3A_417 = vector.multi_reduction <minimumf>, %select_n3A_415, %reduce_min3A_416 [1] : vector<256x2048xf32> to vector<256xf32>
    %broadcast_in_dim3A_418 = vector.shape_cast %reduce_min3A_417 : vector<256xf32> to vector<256x1xf32>
    %eq3A_419 = vector.broadcast %broadcast_in_dim3A_418 : vector<256x1xf32> to vector<256x2048xf32>
    %eq3A_420 = arith.cmpf oeq, %select_n3A_415, %eq3A_419 : vector<256x2048xf32>
    %jit3A_421 = arith.constant 2048 : i32
    %broadcast_in_dim3A_422 = vector.broadcast %jit3A_421 : i32 to vector<256x2048xi32>
    %select_n3A_423 = arith.select %eq3A_420, %iota3A, %broadcast_in_dim3A_422 : vector<256x2048xi1>, vector<256x2048xi32>
    %reduce_min3A_424 = arith.constant dense<2147483647> : vector<256xi32>
    %reduce_min3A_425 = vector.multi_reduction <minsi>, %select_n3A_423, %reduce_min3A_424 [1] : vector<256x2048xi32> to vector<256xi32>
    %broadcast_in_dim3A_426 = vector.shape_cast %reduce_min3A_425 : vector<256xi32> to vector<256x1xi32>
    %eq3A_427 = vector.broadcast %broadcast_in_dim3A_426 : vector<256x1xi32> to vector<256x2048xi32>
    %eq3A_428 = arith.cmpi eq, %iota3A, %eq3A_427 : vector<256x2048xi32>
    %convert_element_type3A_429 = arith.extui %eq3A_428 : vector<256x2048xi1> to vector<256x2048xi32>
    %convert_element_type3A_430 = arith.sitofp %convert_element_type3A_429 : vector<256x2048xi32> to vector<256x2048xf32>
    %add3A_431 = arith.addf %add3A_403, %convert_element_type3A_430 : vector<256x2048xf32>
    %eq3A_432 = arith.constant 14 : i32
    %eq3A_433 = vector.broadcast %eq3A_432 : i32 to vector<256x16xi32>
    %eq3A_434 = arith.cmpi eq, %iota3A_25, %eq3A_433 : vector<256x16xi32>
    %jit3A_435 = arith.constant 0 : i32
    %broadcast_in_dim3A_436 = vector.shape_cast %broadcast_in_dim3A_426 : vector<256x1xi32> to vector<256x1xi32>
    %broadcast_in_dim3A_437 = vector.broadcast %broadcast_in_dim3A_436 : vector<256x1xi32> to vector<256x16xi32>
    %broadcast_in_dim3A_438 = vector.broadcast %jit3A_435 : i32 to vector<256x16xi32>
    %select_n3A_439 = arith.select %eq3A_434, %broadcast_in_dim3A_437, %broadcast_in_dim3A_438 : vector<256x16xi1>, vector<256x16xi32>
    %add3A_440 = arith.addi %add3A_412, %select_n3A_439 : vector<256x16xi32>
    %jit3A_441 = arith.constant 0x7F800000 : f32
    %broadcast_in_dim3A_442 = vector.broadcast %jit3A_441 : f32 to vector<256x2048xf32>
    %select_n3A_443 = arith.select %eq3A_428, %broadcast_in_dim3A_442, %select_n3A_415 : vector<256x2048xi1>, vector<256x2048xf32>
    %reduce_min3A_444 = arith.constant dense<0x7F800000> : vector<256xf32>
    %reduce_min3A_445 = vector.multi_reduction <minimumf>, %select_n3A_443, %reduce_min3A_444 [1] : vector<256x2048xf32> to vector<256xf32>
    %broadcast_in_dim3A_446 = vector.shape_cast %reduce_min3A_445 : vector<256xf32> to vector<256x1xf32>
    %eq3A_447 = vector.broadcast %broadcast_in_dim3A_446 : vector<256x1xf32> to vector<256x2048xf32>
    %eq3A_448 = arith.cmpf oeq, %select_n3A_443, %eq3A_447 : vector<256x2048xf32>
    %jit3A_449 = arith.constant 2048 : i32
    %broadcast_in_dim3A_450 = vector.broadcast %jit3A_449 : i32 to vector<256x2048xi32>
    %select_n3A_451 = arith.select %eq3A_448, %iota3A, %broadcast_in_dim3A_450 : vector<256x2048xi1>, vector<256x2048xi32>
    %reduce_min3A_452 = arith.constant dense<2147483647> : vector<256xi32>
    %reduce_min3A_453 = vector.multi_reduction <minsi>, %select_n3A_451, %reduce_min3A_452 [1] : vector<256x2048xi32> to vector<256xi32>
    %broadcast_in_dim3A_454 = vector.shape_cast %reduce_min3A_453 : vector<256xi32> to vector<256x1xi32>
    %eq3A_455 = vector.broadcast %broadcast_in_dim3A_454 : vector<256x1xi32> to vector<256x2048xi32>
    %eq3A_456 = arith.cmpi eq, %iota3A, %eq3A_455 : vector<256x2048xi32>
    %convert_element_type3A_457 = arith.extui %eq3A_456 : vector<256x2048xi1> to vector<256x2048xi32>
    %convert_element_type3A_458 = arith.sitofp %convert_element_type3A_457 : vector<256x2048xi32> to vector<256x2048xf32>
    %add3A_459 = arith.addf %add3A_431, %convert_element_type3A_458 : vector<256x2048xf32>
    %eq3A_460 = arith.constant 15 : i32
    %eq3A_461 = vector.broadcast %eq3A_460 : i32 to vector<256x16xi32>
    %eq3A_462 = arith.cmpi eq, %iota3A_25, %eq3A_461 : vector<256x16xi32>
    %jit3A_463 = arith.constant 0 : i32
    %broadcast_in_dim3A_464 = vector.shape_cast %broadcast_in_dim3A_454 : vector<256x1xi32> to vector<256x1xi32>
    %broadcast_in_dim3A_465 = vector.broadcast %broadcast_in_dim3A_464 : vector<256x1xi32> to vector<256x16xi32>
    %broadcast_in_dim3A_466 = vector.broadcast %jit3A_463 : i32 to vector<256x16xi32>
    %select_n3A_467 = arith.select %eq3A_462, %broadcast_in_dim3A_465, %broadcast_in_dim3A_466 : vector<256x16xi1>, vector<256x16xi32>
    %add3A_468 = arith.addi %add3A_440, %select_n3A_467 : vector<256x16xi32>
    %mul3A = arith.constant 2048 : i32
    %mul3A_469 = arith.muli %arg0, %mul3A : i32
    %add3A_470 = vector.broadcast %mul3A_469 : i32 to vector<256x16xi32>
    %add3A_471 = arith.addi %add3A_468, %add3A_470 : vector<256x16xi32>
    %swap3A = arith.constant 0 : index
    %swap3A_472 = arith.constant 0 : index
    %swap3A_473 = arith.constant 0 : index
    %swap3A_474 = vector.load %arg5[%swap3A, %swap3A_472, %swap3A_473] : memref<1x256x16xi32, #tpu.memory_space<vmem>>, vector<1x256x16xi32>
    %swap3A_475 = vector.shape_cast %swap3A_474 : vector<1x256x16xi32> to vector<256x16xi32>
    %swap3A_476 = vector.shape_cast %add3A_471 : vector<256x16xi32> to vector<1x256x16xi32>
    tpu.vector_store %arg5[%swap3A, %swap3A_472, %swap3A_473], %swap3A_476 {strides = array<i32>} : memref<1x256x16xi32, #tpu.memory_space<vmem>>, vector<1x256x16xi32>,
    %get3A_477 = arith.constant 0 : index
    %get3A_478 = arith.constant 0 : index
    %get3A_479 = arith.constant 0 : index
    %get3A_480 = vector.load %arg4[%get3A_477, %get3A_478, %get3A_479] : memref<1x2048x144xf32, #tpu.memory_space<vmem>>, vector<1x2048x144xf32>
    %get3A_481 = vector.shape_cast %get3A_480 : vector<1x2048x144xf32> to vector<2048x144xf32>
    %dot_general3A = arith.constant dense<0.000000e+00> : vector<256x144xf32>
    %dot_general3A_482 = tpu.matmul %add3A_459, %get3A_481, %dot_general3A {dimension_numbers = #tpu.dot_dimension_numbers<[1], [0], [0], [1], [0, 0, 1, 1], [], []>, transpose_lhs_hint = false} : vector<256x2048xf32>, vector<2048x144xf32>, vector<256x144xf32> -> vector<256x144xf32>
    %mul3A_483 = arith.constant 6.250000e-02 : f32
    %mul3A_484 = vector.broadcast %mul3A_483 : f32 to vector<256x144xf32>
    %mul3A_485 = arith.mulf %dot_general3A_482, %mul3A_484 : vector<256x144xf32>
    %swap3A_486 = arith.constant 0 : index
    %swap3A_487 = arith.constant 0 : index
    %swap3A_488 = arith.constant 0 : index
    %swap3A_489 = vector.load %arg6[%swap3A_486, %swap3A_487, %swap3A_488] : memref<1x256x144xf32, #tpu.memory_space<vmem>>, vector<1x256x144xf32>
    %swap3A_490 = vector.shape_cast %swap3A_489 : vector<1x256x144xf32> to vector<256x144xf32>
    %swap3A_491 = vector.shape_cast %mul3A_485 : vector<256x144xf32> to vector<1x256x144xf32>
    tpu.vector_store %arg6[%swap3A_486, %swap3A_487, %swap3A_488], %swap3A_491 {strides = array<i32>} : memref<1x256x144xf32, #tpu.memory_space<vmem>>, vector<1x256x144xf32>,
    %mul3A_492 = arith.mulf %get3A_481, %get3A_481 : vector<2048x144xf32>
    %dot_general3A_493 = arith.constant dense<0.000000e+00> : vector<256x144xf32>
    %dot_general3A_494 = tpu.matmul %add3A_459, %mul3A_492, %dot_general3A_493 {dimension_numbers = #tpu.dot_dimension_numbers<[1], [0], [0], [1], [0, 0, 1, 1], [], []>, transpose_lhs_hint = false} : vector<256x2048xf32>, vector<2048x144xf32>, vector<256x144xf32> -> vector<256x144xf32>
    %reduce_sum3A = vector.shape_cast %dot_general3A_494 : vector<256x144xf32> to vector<1x256x144xf32>
    %reduce_sum3A_495 = arith.constant dense<0.000000e+00> : vector<1xf32>
    %reduce_sum3A_496 = vector.multi_reduction <add>, %reduce_sum3A, %reduce_sum3A_495 [1, 2] : vector<1x256x144xf32> to vector<1xf32>
    %reduce_sum3A_497 = vector.shape_cast %reduce_sum3A_496 : vector<1xf32> to vector<1x1x1xf32>
    %reduce_sum3A_498 = vector.extract %reduce_sum3A_497[0, 0, 0] : f32 from vector<1x1x1xf32>
    %mul3A_499 = arith.mulf %mul3A_485, %mul3A_485 : vector<256x144xf32>
    %reduce_sum3A_500 = vector.shape_cast %mul3A_499 : vector<256x144xf32> to vector<1x256x144xf32>
    %reduce_sum3A_501 = arith.constant dense<0.000000e+00> : vector<1xf32>
    %reduce_sum3A_502 = vector.multi_reduction <add>, %reduce_sum3A_500, %reduce_sum3A_501 [1, 2] : vector<1x256x144xf32> to vector<1xf32>
    %reduce_sum3A_503 = vector.shape_cast %reduce_sum3A_502 : vector<1xf32> to vector<1x1x1xf32>
    %reduce_sum3A_504 = vector.extract %reduce_sum3A_503[0, 0, 0] : f32 from vector<1x1x1xf32>
    %mul3A_505 = arith.constant 1.600000e+01 : f32
    %mul3A_506 = arith.mulf %mul3A_505, %reduce_sum3A_504 : f32
    %sub3A_507 = arith.subf %reduce_sum3A_498, %mul3A_506 : f32
    %broadcast_in_dim3A_508 = vector.broadcast %sub3A_507 : f32 to vector<8x128xf32>
    %swap3A_509 = arith.constant 0 : index
    %swap3A_510 = arith.constant 0 : index
    %swap3A_511 = arith.constant 0 : index
    %swap3A_512 = vector.load %arg7[%swap3A_509, %swap3A_510, %swap3A_511] : memref<1x8x128xf32, #tpu.memory_space<vmem>>, vector<1x8x128xf32>
    %swap3A_513 = vector.shape_cast %swap3A_512 : vector<1x8x128xf32> to vector<8x128xf32>
    %swap3A_514 = vector.shape_cast %broadcast_in_dim3A_508 : vector<8x128xf32> to vector<1x8x128xf32>
    tpu.vector_store %arg7[%swap3A_509, %swap3A_510, %swap3A_511], %swap3A_514 {strides = array<i32>} : memref<1x8x128xf32, #tpu.memory_space<vmem>>, vector<1x8x128xf32>,
    return
  }
  func.func @transform_0(%arg0: i32, %arg1: i32) -> (i32, i32, i32) {
    %c0_i32 = arith.constant 0 : i32
    %c0_i32_0 = arith.constant 0 : i32
    return %arg0, %arg1, %c0_i32 : i32, i32, i32
  }
  func.func @transform_1(%arg0: i32, %arg1: i32) -> (i32, i32, i32) {
    %c0_i32 = arith.constant 0 : i32
    %c0_i32_0 = arith.constant 0 : i32
    %c0_i32_1 = arith.constant 0 : i32
    return %arg0, %c0_i32, %c0_i32_0 : i32, i32, i32
  }
  func.func @transform_2(%arg0: i32, %arg1: i32) -> (i32, i32, i32) {
    %c0_i32 = arith.constant 0 : i32
    %c0_i32_0 = arith.constant 0 : i32
    %c0_i32_1 = arith.constant 0 : i32
    return %arg0, %c0_i32, %c0_i32_0 : i32, i32, i32
  }
  func.func @transform_3(%arg0: i32, %arg1: i32) -> (i32, i32, i32) {
    %c0_i32 = arith.constant 0 : i32
    %c0_i32_0 = arith.constant 0 : i32
    return %arg0, %arg1, %c0_i32 : i32, i32, i32
  }
  func.func @transform_4(%arg0: i32, %arg1: i32) -> (i32, i32, i32) {
    %c0_i32 = arith.constant 0 : i32
    %c0_i32_0 = arith.constant 0 : i32
    return %arg0, %arg1, %c0_i32 : i32, i32, i32
  }
  func.func @transform_5(%arg0: i32, %arg1: i32) -> (i32, i32, i32) {
    %mul3A = arith.constant 8 : i32
    %mul3A_0 = arith.muli %arg0, %mul3A : i32
    %add3A = arith.addi %mul3A_0, %arg1 : i32
    %c0_i32 = arith.constant 0 : i32
    %c0_i32_1 = arith.constant 0 : i32
    %c0_i32_2 = arith.constant 0 : i32
    return %add3A, %c0_i32, %c0_i32_1 : i32, i32, i32
  }
}

</mosaic_0001>

<sc_bundles>
// kernel: kernel.4.cloned.1.call-start
scs
__scs_entry_jumppad:
0x0: {  	(pc) =	sbr.rel $0x88, $3  }
0x1: {  	(tag) =	ssettag $0x0;
	lr =	simm.s32 $0x1  }
0x2: {  	[smem:$0x3F9C] =	sst lr;
	_ =	strace $0xD0000000  }
0x3: {  	_ = 	snop  }
0x4: {  	_ = 	snop  }
0x5: {  	_ = 	snop  }
0x6: {  	_ = 	snop  }
0x7: {  	_ = 	snop  }
__scs_overlays_trampoline_lowered:
0x8: {  	[smem:$0x3FAB] =	sst s0  }
0x9: {  	[smem:$0x3FAC] =	sst s1  }
0xa: {  	[smem:$0x3FAD] =	sst s2  }
0xb: {  	[smem:$0x3FAE] =	sst s3  }
0xc: {  	[smem:$0x3FAF] =	sst s4  }
0xd: {  	[smem:$0x3FB0] =	sst s5  }
0xe: {  	[smem:$0x3FB1] =	sst s6  }
0xf: {  	[smem:$0x3FB2] =	sst s7  }
0x10: {  	[smem:$0x3FB3] =	sst s8  }
0x11: {  	[smem:$0x3FB4] =	sst s9;
	s0 =	simm.s32 @!p0 $0x0  }
0x12: {  	s1 =	sld [smem:$0x3F9A];
	s0 =	simm.s32 @p0 $0x1  }
0x13: {  	[smem:$0x3FB5] =	sst s0;
	s0 =	simm.s32 @!p1 $0x0  }
0x14: {  	s2 =	sld [smem:$0x3F99];
	s0 =	simm.s32 @p1 $0x1  }
0x15: {  	[smem:$0x3FB6] =	sst s0;
	s0 =	simm.s32 @!p2 $0x0  }
0x16: {  	s3 =	sld [smem:$0x3FDB];
	s0 =	simm.s32 @p2 $0x1  }
0x17: {  	s4 =	simm.s32 $0x1BF5;
	[smem:$0x3FB8] =	sst s0  }
0x18: {  	s0 =	sld [smem:$0x3F9B];
	_ =	swait.ge [sflag:s4], $0x0  }
0x19: {  	s7 =	sld [smem:$0x3F9C]  }
0x1a: {  	s8 =	sadd.s32 $0xFFFFE003, lr  }
0x1b: {  	s9 =	sadd.s32 $0xFFFFFEF7, lr;
	s5 =	simm.s32 $0xFFFFFFFF;
	p2 =	slt.u32 s8, $0xFFFFF086  }
0x1c: {  	p1 =	slt.u32 s9, $0xF7A;
	s5 =	simm.s32 @!p2 $0x0  }
0x1d: {  	s5 =	simm.s32 @p1 $0x1;
	p0 =	seq.s32 s7, s2  }
0x1e: {  	s7 =	smul.u32 @!p0 $0xF7A, s2;
	p2 =	seq.s32 @!p0 s5, $0x0  }
0x1f: {  	s9 =	smul.u32 $0xF7A, s1;
	s8 =	simm.s32 @!p0 $0x1BF5;
	p2 =	por !p2, p0  }
0x20: {  	[sflag:s8] =	ssyncset.s32 @!p0 $0xFFFFF086;
	s6 =	sadd.s32 @!p0 s3, s7;
	s7 =	simm.s32 @!p0 $0x108  }
0x21: {  	s3 =	sadd.s32 s3, s9;
	s6 =	sadd.s32 @!p0 $0x88, s6;
	s7 =	simm.s32 @p2 $0x1082  }
0x22: {  	[simem:s7], [sflag:s8] =	dma.local @!p0 [hbm:s6], $0xF7A  }
0x23: {  	s9 =	sor.u32 $0xD0000000, s2;
	s6 =	simm.s32 $0x108;
	_ =	swait.ge @!p0 [sflag:s8], $0x0  }
0x24: {  	s3 =	sadd.s32 $0x88, s3;
	s6 =	simm.s32 @!p1 $0x1082;
	[sflag:s4] =	ssyncset.s32 $0xFFFFF086  }
0x25: {  	[simem:s6], [sflag:s4] =	dma.local [hbm:s3], $0xF7A  }
0x26: {  	[smem:$0x3F9C] =	sst s1;
	(tag) =	ssettag s2;
	_ =	strace s9  }
0x27: {  	s1 =	sld [smem:$0x3FAC]  }
0x28: {  	s2 =	sld [smem:$0x3FAD]  }
0x29: {  	s4 =	sld [smem:$0x3FAF]  }
0x2a: {  	p0 =	seq.s32 s5, $0x0;
	s5 =	sld [smem:$0x3FB0]  }
0x2b: {  	s6 =	sld [smem:$0x3FB1]  }
0x2c: {  	s7 =	sld [smem:$0x3FB2]  }
0x2d: {  	s3 =	simm.s32 $0x108;
	s8 =	sld [smem:$0x3FB3]  }
0x2e: {  	s3 =	simm.s32 @!p0 $0x1082;
	s9 =	sld [smem:$0x3FB4]  }
0x2f: {  	lr =	sadd.s32 s0, s3;
	s0 =	sld [smem:$0x3FAB]  }
0x30: {  	s3 =	sld [smem:$0x3FAE]  }
0x31: {  	[smem:$0x3FB7] =	sst s10  }
0x32: {  	s10 =	sld [smem:$0x3FB5];
	_ =	sdelay $0x3  }
0x33: {  	p0 =	seq.s32 s10, $0x1;
	s10 =	sld [smem:$0x3FB7];
	_ =	sdelay $0x3  }
0x34: {  	[smem:$0x3FB7] =	sst s10  }
0x35: {  	s10 =	sld [smem:$0x3FB6];
	_ =	sdelay $0x3  }
0x36: {  	p1 =	seq.s32 s10, $0x1;
	s10 =	sld [smem:$0x3FB7];
	_ =	sdelay $0x3  }
0x37: {  	[smem:$0x3FB7] =	sst s10  }
0x38: {  	s10 =	sld [smem:$0x3FB8]  }
0x39: {  	_ = 	snop;
	(pc) =	sbr.ind lr, $3  }
0x3a: {  	_ = 	snop  }
0x3b: {  	_ = 	snop  }
0x3c: {  	p2 =	seq.s32 s10, $0x1;
	s10 =	sld [smem:$0x3FB7]  }
0x3d: {  	_ =	shalt  }
0x3e: {  	_ =	shalt  }
0x3f: {  	_ =	shalt  }
0x40: {  	_ =	shalt  }
0x41: {  	_ =	shalt  }
0x42: {  	_ =	shalt  }
0x43: {  	_ =	shalt  }
0x44: {  	_ =	shalt  }
0x45: {  	_ =	shalt  }
0x46: {  	_ =	shalt  }
0x47: {  	_ =	shalt  }
0x48: {  	_ =	shalt  }
0x49: {  	_ =	shalt  }
0x4a: {  	_ =	shalt  }
0x4b: {  	_ =	shalt  }
0x4c: {  	_ =	shalt  }
0x4d: {  	_ =	shalt  }
0x4e: {  	_ =	shalt  }
0x4f: {  	_ =	shalt  }
0x50: {  	_ =	shalt  }
0x51: {  	_ =	shalt  }
0x52: {  	_ =	shalt  }
0x53: {  	_ =	shalt  }
0x54: {  	_ =	shalt  }
0x55: {  	_ =	shalt  }
0x56: {  	_ =	shalt  }
0x57: {  	_ =	shalt  }
0x58: {  	_ =	shalt  }
0x59: {  	_ =	shalt  }
0x5a: {  	_ =	shalt  }
0x5b: {  	_ =	shalt  }
0x5c: {  	_ =	shalt  }
0x5d: {  	_ =	shalt  }
0x5e: {  	_ =	shalt  }
0x5f: {  	_ =	shalt  }
0x60: {  	_ =	shalt  }
0x61: {  	_ =	shalt  }
0x62: {  	_ =	shalt  }
0x63: {  	_ =	shalt  }
0x64: {  	_ =	shalt  }
0x65: {  	_ =	shalt  }
0x66: {  	_ =	shalt  }
0x67: {  	_ =	shalt  }
0x68: {  	_ =	shalt  }
0x69: {  	_ =	shalt  }
0x6a: {  	_ =	shalt  }
0x6b: {  	_ =	shalt  }
0x6c: {  	_ =	shalt  }
0x6d: {  	_ =	shalt  }
0x6e: {  	_ =	shalt  }
0x6f: {  	_ =	shalt  }
0x70: {  	_ =	shalt  }
0x71: {  	_ =	shalt  }
0x72: {  	_ =	shalt  }
0x73: {  	_ =	shalt  }
0x74: {  	_ =	shalt  }
0x75: {  	_ =	shalt  }
0x76: {  	_ =	shalt  }
0x77: {  	_ =	shalt  }
0x78: {  	_ =	shalt  }
0x79: {  	_ =	shalt  }
0x7a: {  	_ =	shalt  }
0x7b: {  	_ =	shalt  }
0x7c: {  	_ =	shalt  }
0x7d: {  	_ =	shalt  }
0x7e: {  	_ =	shalt  }
0x7f: {  	_ =	shalt  }
0x80: {  	_ =	shalt  }
0x81: {  	_ =	shalt  }
0x82: {  	_ =	shalt  }
0x83: {  	_ =	shalt  }
0x84: {  	_ =	shalt  }
0x85: {  	_ =	shalt  }
0x86: {  	_ =	shalt  }
0x87: {  	_ =	shalt  }
.Lfunc_end0:
.L_simem_size_0:
called_computation.1_lowered:
.L_overlay_start_0:
0x88: {  	s2 =	sld [smem:$0x3FD9]  }
0x89: {  	s3 =	sld [smem:$0x3FFE];
	_ =	sdelay $0x1  }
0x8a: {  	s1 =	srdreg.scid  }
0x8b: {  	s0 =	sand.u32 $0x1, s1  }
0x8c: {  	s14 =	sshll.u32 s0, $0xA;
	s2 =	sadd.s32 s3, s2  }
0x8d: {  	s2 =	sadd.s32 s2, s14  }
0x8e: {  	[smem:$0x3FC3] =	sst s2  }
0x8f: {  	_ = 	snop  }
0x90: {  	s2 =	sld [smem:$0x3FD0];
	_ =	sdelay $0x2  }
0x91: {  	s15 =	simm.s32 $0xA;
	s4 =	simm.s32 $0x10  }
0x92: {  	[smem:s4], [sflag:s15] =	dma.local [hbm:s2], $0x1  }
0x93: {  	_ =	swait.eq [sflag:s15], $0x1  }
0x94: {  	s16 =	sld [smem:$0x10];
	[sflag:s15] =	ssyncset.done $0x0  }
0x95: {  	s17 =	sld [smem:$0x11];
	[sflag:s15] =	ssyncadd.s32 $0xFFFFFFFF  }
0x96: {  	s18 =	sld [smem:$0x12];
	(tm) =	ssettm $0x1  }
0x97: {  	s5 =	sld [smem:$0x3FFB];
	_ =	sdelay $0x3  }
0x98: {  	_ =	strace s5  }
0x99: {  	s5 =	sld [smem:$0x3FFC];
	_ =	sdelay $0x3  }
0x9a: {  	_ =	strace s5  }
0x9b: {  	s5 =	sld [smem:$0x3FFD];
	_ =	sdelay $0x3  }
0x9c: {  	_ =	strace s5  }
0x9d: {  	_ =	strace $0x8FFFFFFF  }
0x9e: {  	s19 =	sld [smem:$0x3FDB];
	_ =	sdelay $0x1  }
0x9f: {  	s6 =	simm.s32 $_scs_section_size  }
0xa0: {  	s7 =	simm.s32 $_size__tile_overlayer_lowered;
	s8 =	simm.s32 $_tile_overlayer_lowered  }
0xa1: {  	s22 =	simm.s32 $0x1BFF;
	s21 =	sshll.u32 s8, $0x1;
	s5 =	sadd.s32 s6, s19  }
0xa2: {  	s9 =	simm.s32 $0x0;
	s20 =	sshll.u32 s7, $0x1;
	s7 =	sadd.s32 s21, s5  }
0xa3: {  	[timem:s9], [sflag:s22] =	dma.local [hbm:s7], s20  }
0xa4: {  	_ =	swait.ge [sflag:s22], s20  }
0xa5: {  	s6 =	ssub.s32 $0x0, s20;
	[sflag:s22] =	ssyncset.done $0x0  }
0xa6: {  	[sflag:s22] =	ssyncadd.s32 s6;
	_ =	sdelay $0x1  }
0xa7: {  	s23 =	simm.s32 $0x1B8B  }
0xa8: {  	_ =	swait.ge [sflag:s23], $0x1  }
0xa9: {  	[sflag:s23] =	ssyncset.done $0x0  }
0xaa: {  	s25 =	simm.s32 $0x1B8E;
	s24 =	sld [smem:$0x3FFE];
	[sflag:s23] =	ssyncadd.s32 $0xFFFFFFFF  }
0xab: {  	s26 =	simm.s32 $execute0_lowered;
	[smem:$0x3FD2] =	sst s25  }
0xac: {  	s7 =	sshll.u32 s26, $0x1;
	_ =	strace $0x80000046;
	[dreg:$0x1] =	wrdreg $0xFFFFFFFF  }
0xad: {  	s28 =	simm.s32 $_size_execute0_lowered;
	s5 =	sadd.s32 s5, s7;
	[dreg:$0x0] =	wrdreg $0x0  }
0xae: {  	s7 =	sshll.u32 s28, $0x1;
	[dreg:$0x2] =	wrdreg s5  }
0xaf: {  	[dreg:$0x3] =	wrdreg s7  }
0xb0: {  	[dreg:$0x4] =	wrdreg $0xC0  }
0xb1: {  	_ =	task [dreg:s9], $0x5FFFF  }
0xb2: {  	[dreg:$0x1] =	wrdreg $0xFFFFFFFF  }
0xb3: {  	[dreg:$0x0] =	wrdreg $0x60  }
0xb4: {  	[dreg:$0x2] =	wrdreg s17  }
0xb5: {  	[dreg:$0x3] =	wrdreg s18  }
0xb6: {  	[dreg:$0x4] =	wrdreg s24  }
0xb7: {  	[dreg:$0x5] =	wrdreg s16  }
0xb8: {  	[dreg:$0x6] =	wrdreg $0x9  }
0xb9: {  	_ =	task.clear_ibuf [dreg:s9], $0x7FFFF;
	_ =	strace $0x90000046  }
0xba: {  	s29 =	simm.s32 $0x9;
	_ =	strace $0x80000048  }
0xbb: {  	_ =	swait.ge [sflag:s29], $0x1  }
0xbc: {  	[sflag:s29] =	ssyncadd.s32 $0xFFFFFFFF  }
0xbd: {  	_ =	strace $0x90000048  }
0xbe: {  	_ =	sfence  }
0xbf: {  	s30 =	sld [smem:$0x0];
	_ =	sdelay $0x2  }
0xc0: {  	s31 =	sshll.u32 s1, $0xD;
	s1 =	sshrl.u32 s1, $0x2  }
0xc1: {  	s3 =	sand.u32 $0x4000, s31;
	s1 =	sadd.s32 s1, s30  }
0xc2: {  	s0 =	sor.u32 s3, s0;
	s1 =	sshll.u32 s1, $0x11  }
0xc3: {  	s0 =	sor.u32 s1, s0  }
0xc4: {  	s0 =	sadd.s32 $0x8F2B, s0  }
0xc5: {  	[sflag:s0] =	ssyncadd.remote.s32 $0x1  }
0xc6: {  	_ =	sfence.sel $0xFFFF  }
0xc7: {  	[dreg:$0x0] =	wrdreg $0xFFFFFFFF;
	(pc) =	sbr.abs _section_cstart, $3  }
0xc8: {  	[dreg:$0x1] =	wrdreg $0xFFFFFFFF  }
0xc9: {  	_ =	task.clear_ibuf [dreg:s9], $0x2FFFF;
	_ =	strace $0x9FFFFFFF  }
0xca: {  	(tm) =	ssettm $0x7FFFFFFF  }
0xcb: {  	_ =	shalt  }
tec
execute0_lowered:
.L_overlay_start_1:
0x0: {  	(tag) =	ssettag $0x1  }
0x1: {  	s1 =	rddreg [dreg:$0x0]  }
0x2: {  	s2 =	rddreg [dreg:$0x1]  }
0x3: {  	s7 =	rddreg [dreg:$0x2]  }
0x4: {  	s9 =	rddreg [dreg:$0x3]  }
0x5: {  	s0 =	rddreg [dreg:$0x4];
	s3 =	simm.s32 $0x0;
	s4 =	srdreg.scid  }
0x6: {  	s14 =	simm.s32 $0x80;
	s15 =	simm.s32 $0x4880;
	s16 =	simm.s32 $0x1  }
0x7: {  	s17 =	simm.s32 $0x2;
	s18 =	simm.s32 $0x4E20;
	s19 =	simm.s32 $0x3  }
0x8: {  	s20 =	simm.s32 $0x0;
	[smem:$0x7FF] =	sst s3;
	s8 =	sand.u32 $0x1, s4  }
0x9: {  	s5 =	sadd.s32 $0x1200, s7;
	s4 =	stileid.u32;
	s6 =	sadd.s32 $0x25200, s7  }
0xa: {  	s7 =	sadd.s32 $0x25400, s7;
	_ =	strace $0x80000047;
	s10 =	ssub.s32 $0x2, s8  }
0xb: {  	s12 =	sshrl.u32 s4, $0x2;
	s13 =	sshll.u32 s4, $0x9;
	s8 =	sshll.u32 s8, $0x8  }
0xc: {  	s11 =	sshrl.u32 s10, $0x1;
	s12 =	smul.u32 $0x12, s12;
	s8 =	sor.u32 s8, s13  }
0xd: {  	s13 =	simm.s32 $0x4D90;
	s10 =	ssub.s32 s10, s11;
	s11 =	simm.s32 $0x4D00  }
0xe: {  	s9 =	sadd.s32 s9, s12;
	s10 =	smax.u32 s10, $0x1;
	s12 =	simm.s32 $0x4  }
.LBB2_1:
0xf: {  	[tilespmem:s11], [sflag:$0x4] =	stream.linear.gather [hbm4b:s9+s3], $0x90, $0x38;
	[tilespmem:$0x8FB0] =	vst v63  }
0x10: {  	_ =	swait.ge [sflag:s12], $0x90  }
0x11: {  	[sflag:s12] =	ssyncset.done $0x0  }
0x12: {  	[sflag:s12] =	ssyncadd.s32 $0xFFFFFF70  }
0x13: {  	[tilespmem:s13], [sflag:$0x4] =	stream.linear.gather [hbm4b:s6+s3], $0x90, $0x38;
	[tilespmem:$0x8FB0] =	vst v63  }
0x14: {  	_ =	swait.ge [sflag:s12], $0x90  }
0x15: {  	[sflag:s12] =	ssyncset.done $0x0  }
0x16: {  	[sflag:s12] =	ssyncadd.s32 $0xFFFFFF70  }
0x17: {  	v0 =	vld [tilespmem:$0x4D00]  }
0x18: {  	v1 =	vld [tilespmem:$0x4D10]  }
0x19: {  	v2 =	vld [tilespmem:$0x4D20]  }
0x1a: {  	v3 =	vld [tilespmem:$0x4D30]  }
0x1b: {  	v4 =	vld [tilespmem:$0x4D40]  }
0x1c: {  	v5 =	vld [tilespmem:$0x4D50]  }
0x1d: {  	v6 =	vld [tilespmem:$0x4D60]  }
0x1e: {  	v7 =	vld [tilespmem:$0x4D70]  }
0x1f: {  	v8 =	vld [tilespmem:$0x4D80]  }
0x20: {  	v9 =	vld [tilespmem:$0x4D90]  }
0x21: {  	v10 =	vld [tilespmem:$0x4DA0]  }
0x22: {  	v11 =	vld [tilespmem:$0x4DB0]  }
0x23: {  	v12 =	vld [tilespmem:$0x4DC0]  }
0x24: {  	v13 =	vld [tilespmem:$0x4DD0]  }
0x25: {  	v14 =	vld [tilespmem:$0x4DE0]  }
0x26: {  	v15 =	vld [tilespmem:$0x4DF0]  }
0x27: {  	v16 =	vld [tilespmem:$0x4E00]  }
0x28: {  	s21 =	simm.s32 $0x0;
	v17 =	vld [tilespmem:$0x4E10]  }
.LBB2_2:
0x29: {  	s22 =	sshll.u32 s21, $0x3  }
0x2a: {  	s22 =	sadd.s32 s8, s22  }
0x2b: {  	s23 =	sshll.u32 s22, $0x1  }
0x2c: {  	s24 =	sadd.s32 s2, s23;
	s23 =	simm.s32 $0x0  }
0x2d: {  	[tilespmem:s23], [sflag:$0x4] =	stream.linear.gather [hbm4b:s24+s23], $0x80, $0x38;
	[tilespmem:$0x8FB0] =	vst v63  }
0x2e: {  	_ =	swait.ge [sflag:s12], $0x80  }
0x2f: {  	[sflag:s12] =	ssyncset.done $0x0  }
0x30: {  	s31 =	smul.u32 $0x12, s22;
	[sflag:s12] =	ssyncadd.s32 $0xFFFFFF80  }
0x31: {  	[tilespmem:s14], [sflag:$0x1] =	stream.indirect.gather [hbm4b:s1+s14], $0x90, s23, s14, $0xb8;
	[tilespmem:$0x8FB0] =	vst v63  }
0x32: {  	s24 =	sadd.s32 s5, s31  }
0x33: {  	[tilespmem:s15], [sflag:$0x2] =	stream.linear.gather [hbm4b:s24+s23], $0x480, $0x38;
	[tilespmem:$0x8FB0] =	vst v63  }
0x34: {  	_ =	swait.ge [sflag:s16], $0x4800  }
0x35: {  	[sflag:s16] =	ssyncset.done $0x0  }
0x36: {  	[sflag:s16] =	ssyncadd.s32 $0xFFFFB800  }
0x37: {  	_ =	swait.ge [sflag:s17], $0x480  }
0x38: {  	[sflag:s17] =	ssyncset.done $0x0  }
0x39: {  	[sflag:s17] =	ssyncadd.s32 $0xFFFFFB80  }
.LBB2_3:
0x3a: {  	s24 =	smul.u32 $0x240, s23;
	_ =	sdelay $0x1  }
0x3b: {  	s30 =	smul.u32 $0x2400, s23;
	s25 =	sshra.s32 s24, $0x2  }
0x3c: {  	v18 =	vld [tilespmem:s25+$0x4880]  }
0x3d: {  	s24 =	sshra.s32 s30, $0x2  }
0x3e: {  	v19 =	vld [tilespmem:s24+$0x80];
	_ =	sdelay $0x1  }
0x3f: {  	v20 =	vld [tilespmem:s25+$0x4890]  }
0x40: {  	v21 =	vld [tilespmem:s25+$0x48A0];
	v18 =	vmul.f32 v18, v0  }
0x41: {  	v22 =	vld [tilespmem:s25+$0x48B0]  }
0x42: {  	v23 =	vld [tilespmem:s25+$0x48C0];
	v19 =	vmul.f32 v19, v0;
	v18 =	vsub.f32 v18, v9  }
0x43: {  	s26 =	smul.u32 $0x20C0, s23;
	v24 =	vld [tilespmem:s25+$0x48D0]  }
0x44: {  	v25 =	vld [tilespmem:s25+$0x48E0];
	v19 =	vsub.f32 v19, v18  }
0x45: {  	s31 =	sshra.s32 s26, $0x2;
	v26 =	vld [tilespmem:s25+$0x48F0]  }
0x46: {  	v27 =	vld [tilespmem:s25+$0x4900];
	[tilespmem:s31+$0x4E20] =	vst v19  }
0x47: {  	v28 =	vld [tilespmem:s24+$0x90];
	_ =	sdelay $0x2  }
0x48: {  	v19 =	vmul.f32 v20, v1;
	_ =	sdelay $0x1  }
0x49: {  	v19 =	vsub.f32 v19, v10;
	v42 =	vmul.f32 v28, v1;
	_ =	sdelay $0x1  }
0x4a: {  	v20 =	vsub.f32 v42, v19;
	_ =	sdelay $0x1  }
0x4b: {  	[tilespmem:s31+$0x4E30] =	vst v20  }
0x4c: {  	v43 =	vld [tilespmem:s24+$0xA0];
	_ =	sdelay $0x2  }
0x4d: {  	v44 =	vmul.f32 v21, v2;
	_ =	sdelay $0x1  }
0x4e: {  	v20 =	vsub.f32 v44, v11;
	v45 =	vmul.f32 v43, v2;
	_ =	sdelay $0x1  }
0x4f: {  	v21 =	vsub.f32 v45, v20;
	_ =	sdelay $0x1  }
0x50: {  	[tilespmem:s31+$0x4E40] =	vst v21  }
0x51: {  	v46 =	vld [tilespmem:s24+$0xB0];
	_ =	sdelay $0x2  }
0x52: {  	v47 =	vmul.f32 v22, v3;
	_ =	sdelay $0x1  }
0x53: {  	v21 =	vsub.f32 v47, v12;
	v48 =	vmul.f32 v46, v3;
	_ =	sdelay $0x1  }
0x54: {  	v22 =	vsub.f32 v48, v21;
	_ =	sdelay $0x1  }
0x55: {  	[tilespmem:s31+$0x4E50] =	vst v22  }
0x56: {  	v49 =	vld [tilespmem:s24+$0xC0];
	_ =	sdelay $0x2  }
0x57: {  	v50 =	vmul.f32 v23, v4;
	_ =	sdelay $0x1  }
0x58: {  	v22 =	vsub.f32 v50, v13;
	v51 =	vmul.f32 v49, v4;
	_ =	sdelay $0x1  }
0x59: {  	v23 =	vsub.f32 v51, v22;
	_ =	sdelay $0x1  }
0x5a: {  	[tilespmem:s31+$0x4E60] =	vst v23  }
0x5b: {  	v52 =	vld [tilespmem:s24+$0xD0];
	_ =	sdelay $0x2  }
0x5c: {  	v53 =	vmul.f32 v24, v5;
	_ =	sdelay $0x1  }
0x5d: {  	v23 =	vsub.f32 v53, v14;
	v54 =	vmul.f32 v52, v5;
	_ =	sdelay $0x1  }
0x5e: {  	v24 =	vsub.f32 v54, v23;
	_ =	sdelay $0x1  }
0x5f: {  	[tilespmem:s31+$0x4E70] =	vst v24  }
0x60: {  	v55 =	vld [tilespmem:s24+$0xE0];
	_ =	sdelay $0x2  }
0x61: {  	v56 =	vmul.f32 v25, v6;
	_ =	sdelay $0x1  }
0x62: {  	v24 =	vsub.f32 v56, v15;
	v57 =	vmul.f32 v55, v6;
	_ =	sdelay $0x1  }
0x63: {  	v25 =	vsub.f32 v57, v24;
	_ =	sdelay $0x1  }
0x64: {  	[tilespmem:s31+$0x4E80] =	vst v25  }
0x65: {  	v58 =	vld [tilespmem:s24+$0xF0];
	_ =	sdelay $0x2  }
0x66: {  	v59 =	vmul.f32 v26, v7;
	_ =	sdelay $0x1  }
0x67: {  	v25 =	vsub.f32 v59, v16;
	v60 =	vmul.f32 v58, v7;
	_ =	sdelay $0x1  }
0x68: {  	v26 =	vsub.f32 v60, v25;
	_ =	sdelay $0x1  }
0x69: {  	[tilespmem:s31+$0x4E90] =	vst v26  }
0x6a: {  	v61 =	vld [tilespmem:s24+$0x100];
	_ =	sdelay $0x2  }
0x6b: {  	v62 =	vmul.f32 v27, v8;
	_ =	sdelay $0x1  }
0x6c: {  	v26 =	vsub.f32 v62, v17;
	v63 =	vmul.f32 v61, v8;
	_ =	sdelay $0x1  }
0x6d: {  	v27 =	vsub.f32 v63, v26;
	_ =	sdelay $0x1  }
0x6e: {  	[tilespmem:s31+$0x4EA0] =	vst v27  }
0x6f: {  	v27 =	vld [tilespmem:s24+$0x110];
	_ =	sdelay $0x4  }
0x70: {  	v27 =	vmul.f32 v27, v0;
	_ =	sdelay $0x1  }
0x71: {  	v27 =	vsub.f32 v27, v18;
	_ =	sdelay $0x1  }
0x72: {  	[tilespmem:s31+$0x4EA3] =	vst v27  }
0x73: {  	v27 =	vld [tilespmem:s24+$0x120];
	_ =	sdelay $0x4  }
0x74: {  	v27 =	vmul.f32 v27, v1;
	_ =	sdelay $0x1  }
0x75: {  	v27 =	vsub.f32 v27, v19;
	_ =	sdelay $0x1  }
0x76: {  	[tilespmem:s31+$0x4EB3] =	vst v27  }
0x77: {  	v27 =	vld [tilespmem:s24+$0x130];
	_ =	sdelay $0x4  }
0x78: {  	v27 =	vmul.f32 v27, v2;
	_ =	sdelay $0x1  }
0x79: {  	v27 =	vsub.f32 v27, v20;
	_ =	sdelay $0x1  }
0x7a: {  	[tilespmem:s31+$0x4EC3] =	vst v27  }
0x7b: {  	v27 =	vld [tilespmem:s24+$0x140];
	_ =	sdelay $0x4  }
0x7c: {  	v27 =	vmul.f32 v27, v3;
	_ =	sdelay $0x1  }
0x7d: {  	v27 =	vsub.f32 v27, v21;
	_ =	sdelay $0x1  }
0x7e: {  	[tilespmem:s31+$0x4ED3] =	vst v27  }
0x7f: {  	v27 =	vld [tilespmem:s24+$0x150];
	_ =	sdelay $0x4  }
0x80: {  	v27 =	vmul.f32 v27, v4;
	_ =	sdelay $0x1  }
0x81: {  	v27 =	vsub.f32 v27, v22;
	_ =	sdelay $0x1  }
0x82: {  	[tilespmem:s31+$0x4EE3] =	vst v27  }
0x83: {  	v27 =	vld [tilespmem:s24+$0x160];
	_ =	sdelay $0x4  }
0x84: {  	v27 =	vmul.f32 v27, v5;
	_ =	sdelay $0x1  }
0x85: {  	v27 =	vsub.f32 v27, v23;
	_ =	sdelay $0x1  }
0x86: {  	[tilespmem:s31+$0x4EF3] =	vst v27  }
0x87: {  	v27 =	vld [tilespmem:s24+$0x170];
	_ =	sdelay $0x4  }
0x88: {  	v27 =	vmul.f32 v27, v6;
	_ =	sdelay $0x1  }
0x89: {  	v27 =	vsub.f32 v27, v24;
	_ =	sdelay $0x1  }
0x8a: {  	[tilespmem:s31+$0x4F03] =	vst v27  }
0x8b: {  	v27 =	vld [tilespmem:s24+$0x180];
	_ =	sdelay $0x4  }
0x8c: {  	v27 =	vmul.f32 v27, v7;
	_ =	sdelay $0x1  }
0x8d: {  	v27 =	vsub.f32 v27, v25;
	_ =	sdelay $0x1  }
0x8e: {  	[tilespmem:s31+$0x4F13] =	vst v27  }
0x8f: {  	v27 =	vld [tilespmem:s24+$0x190];
	_ =	sdelay $0x4  }
0x90: {  	v27 =	vmul.f32 v27, v8;
	_ =	sdelay $0x1  }
0x91: {  	v27 =	vsub.f32 v27, v26;
	_ =	sdelay $0x1  }
0x92: {  	[tilespmem:s31+$0x4F23] =	vst v27  }
0x93: {  	v27 =	vld [tilespmem:s24+$0x1A0];
	_ =	sdelay $0x4  }
0x94: {  	v27 =	vmul.f32 v27, v0;
	_ =	sdelay $0x1  }
0x95: {  	v27 =	vsub.f32 v27, v18;
	_ =	sdelay $0x1  }
0x96: {  	[tilespmem:s31+$0x4F26] =	vst v27  }
0x97: {  	v27 =	vld [tilespmem:s24+$0x1B0];
	_ =	sdelay $0x4  }
0x98: {  	v27 =	vmul.f32 v27, v1;
	_ =	sdelay $0x1  }
0x99: {  	v27 =	vsub.f32 v27, v19;
	_ =	sdelay $0x1  }
0x9a: {  	[tilespmem:s31+$0x4F36] =	vst v27  }
0x9b: {  	v27 =	vld [tilespmem:s24+$0x1C0];
	_ =	sdelay $0x4  }
0x9c: {  	v27 =	vmul.f32 v27, v2;
	_ =	sdelay $0x1  }
0x9d: {  	v27 =	vsub.f32 v27, v20;
	_ =	sdelay $0x1  }
0x9e: {  	[tilespmem:s31+$0x4F46] =	vst v27  }
0x9f: {  	v27 =	vld [tilespmem:s24+$0x1D0];
	_ =	sdelay $0x4  }
0xa0: {  	v27 =	vmul.f32 v27, v3;
	_ =	sdelay $0x1  }
0xa1: {  	v27 =	vsub.f32 v27, v21;
	_ =	sdelay $0x1  }
0xa2: {  	[tilespmem:s31+$0x4F56] =	vst v27  }
0xa3: {  	v27 =	vld [tilespmem:s24+$0x1E0];
	_ =	sdelay $0x4  }
0xa4: {  	v27 =	vmul.f32 v27, v4;
	_ =	sdelay $0x1  }
0xa5: {  	v27 =	vsub.f32 v27, v22;
	_ =	sdelay $0x1  }
0xa6: {  	[tilespmem:s31+$0x4F66] =	vst v27  }
0xa7: {  	v27 =	vld [tilespmem:s24+$0x1F0];
	_ =	sdelay $0x4  }
0xa8: {  	v27 =	vmul.f32 v27, v5;
	_ =	sdelay $0x1  }
0xa9: {  	v27 =	vsub.f32 v27, v23;
	_ =	sdelay $0x1  }
0xaa: {  	[tilespmem:s31+$0x4F76] =	vst v27  }
0xab: {  	v27 =	vld [tilespmem:s24+$0x200];
	_ =	sdelay $0x4  }
0xac: {  	v27 =	vmul.f32 v27, v6;
	_ =	sdelay $0x1  }
0xad: {  	v27 =	vsub.f32 v27, v24;
	_ =	sdelay $0x1  }
0xae: {  	[tilespmem:s31+$0x4F86] =	vst v27  }
0xaf: {  	v27 =	vld [tilespmem:s24+$0x210];
	_ =	sdelay $0x4  }
0xb0: {  	v27 =	vmul.f32 v27, v7;
	_ =	sdelay $0x1  }
0xb1: {  	v27 =	vsub.f32 v27, v25;
	_ =	sdelay $0x1  }
0xb2: {  	[tilespmem:s31+$0x4F96] =	vst v27  }
0xb3: {  	v27 =	vld [tilespmem:s24+$0x220];
	_ =	sdelay $0x4  }
0xb4: {  	v27 =	vmul.f32 v27, v8;
	_ =	sdelay $0x1  }
0xb5: {  	v27 =	vsub.f32 v27, v26;
	_ =	sdelay $0x1  }
0xb6: {  	[tilespmem:s31+$0x4FA6] =	vst v27  }
0xb7: {  	v27 =	vld [tilespmem:s24+$0x230];
	_ =	sdelay $0x4  }
0xb8: {  	v27 =	vmul.f32 v27, v0;
	_ =	sdelay $0x1  }
0xb9: {  	v27 =	vsub.f32 v27, v18;
	_ =	sdelay $0x1  }
0xba: {  	[tilespmem:s31+$0x4FA9] =	vst v27  }
0xbb: {  	v27 =	vld [tilespmem:s24+$0x240];
	_ =	sdelay $0x4  }
0xbc: {  	v27 =	vmul.f32 v27, v1;
	_ =	sdelay $0x1  }
0xbd: {  	v27 =	vsub.f32 v27, v19;
	_ =	sdelay $0x1  }
0xbe: {  	[tilespmem:s31+$0x4FB9] =	vst v27  }
0xbf: {  	v27 =	vld [tilespmem:s24+$0x250];
	_ =	sdelay $0x4  }
0xc0: {  	v27 =	vmul.f32 v27, v2;
	_ =	sdelay $0x1  }
0xc1: {  	v27 =	vsub.f32 v27, v20;
	_ =	sdelay $0x1  }
0xc2: {  	[tilespmem:s31+$0x4FC9] =	vst v27  }
0xc3: {  	v27 =	vld [tilespmem:s24+$0x260];
	_ =	sdelay $0x4  }
0xc4: {  	v27 =	vmul.f32 v27, v3;
	_ =	sdelay $0x1  }
0xc5: {  	v27 =	vsub.f32 v27, v21;
	_ =	sdelay $0x1  }
0xc6: {  	[tilespmem:s31+$0x4FD9] =	vst v27  }
0xc7: {  	v27 =	vld [tilespmem:s24+$0x270];
	_ =	sdelay $0x4  }
0xc8: {  	v27 =	vmul.f32 v27, v4;
	_ =	sdelay $0x1  }
0xc9: {  	v27 =	vsub.f32 v27, v22;
	_ =	sdelay $0x1  }
0xca: {  	[tilespmem:s31+$0x4FE9] =	vst v27  }
0xcb: {  	v27 =	vld [tilespmem:s24+$0x280];
	_ =	sdelay $0x4  }
0xcc: {  	v27 =	vmul.f32 v27, v5;
	_ =	sdelay $0x1  }
0xcd: {  	v27 =	vsub.f32 v27, v23;
	_ =	sdelay $0x1  }
0xce: {  	[tilespmem:s31+$0x4FF9] =	vst v27  }
0xcf: {  	v27 =	vld [tilespmem:s24+$0x290];
	_ =	sdelay $0x4  }
0xd0: {  	v27 =	vmul.f32 v27, v6;
	_ =	sdelay $0x1  }
0xd1: {  	v27 =	vsub.f32 v27, v24;
	_ =	sdelay $0x1  }
0xd2: {  	[tilespmem:s31+$0x5009] =	vst v27  }
0xd3: {  	v27 =	vld [tilespmem:s24+$0x2A0];
	_ =	sdelay $0x4  }
0xd4: {  	v27 =	vmul.f32 v27, v7;
	_ =	sdelay $0x1  }
0xd5: {  	v27 =	vsub.f32 v27, v25;
	_ =	sdelay $0x1  }
0xd6: {  	[tilespmem:s31+$0x5019] =	vst v27  }
0xd7: {  	v27 =	vld [tilespmem:s24+$0x2B0];
	_ =	sdelay $0x4  }
0xd8: {  	v27 =	vmul.f32 v27, v8;
	_ =	sdelay $0x1  }
0xd9: {  	v27 =	vsub.f32 v27, v26;
	_ =	sdelay $0x1  }
0xda: {  	[tilespmem:s31+$0x5029] =	vst v27  }
0xdb: {  	v27 =	vld [tilespmem:s24+$0x2C0];
	_ =	sdelay $0x4  }
0xdc: {  	v27 =	vmul.f32 v27, v0;
	_ =	sdelay $0x1  }
0xdd: {  	v27 =	vsub.f32 v27, v18;
	_ =	sdelay $0x1  }
0xde: {  	[tilespmem:s31+$0x502C] =	vst v27  }
0xdf: {  	v27 =	vld [tilespmem:s24+$0x2D0];
	_ =	sdelay $0x4  }
0xe0: {  	v27 =	vmul.f32 v27, v1;
	_ =	sdelay $0x1  }
0xe1: {  	v27 =	vsub.f32 v27, v19;
	_ =	sdelay $0x1  }
0xe2: {  	[tilespmem:s31+$0x503C] =	vst v27  }
0xe3: {  	v27 =	vld [tilespmem:s24+$0x2E0];
	_ =	sdelay $0x4  }
0xe4: {  	v27 =	vmul.f32 v27, v2;
	_ =	sdelay $0x1  }
0xe5: {  	v27 =	vsub.f32 v27, v20;
	_ =	sdelay $0x1  }
0xe6: {  	[tilespmem:s31+$0x504C] =	vst v27  }
0xe7: {  	v27 =	vld [tilespmem:s24+$0x2F0];
	_ =	sdelay $0x4  }
0xe8: {  	v27 =	vmul.f32 v27, v3;
	_ =	sdelay $0x1  }
0xe9: {  	v27 =	vsub.f32 v27, v21;
	_ =	sdelay $0x1  }
0xea: {  	[tilespmem:s31+$0x505C] =	vst v27  }
0xeb: {  	v27 =	vld [tilespmem:s24+$0x300];
	_ =	sdelay $0x4  }
0xec: {  	v27 =	vmul.f32 v27, v4;
	_ =	sdelay $0x1  }
0xed: {  	v27 =	vsub.f32 v27, v22;
	_ =	sdelay $0x1  }
0xee: {  	[tilespmem:s31+$0x506C] =	vst v27  }
0xef: {  	v27 =	vld [tilespmem:s24+$0x310];
	_ =	sdelay $0x4  }
0xf0: {  	v27 =	vmul.f32 v27, v5;
	_ =	sdelay $0x1  }
0xf1: {  	v27 =	vsub.f32 v27, v23;
	_ =	sdelay $0x1  }
0xf2: {  	[tilespmem:s31+$0x507C] =	vst v27  }
0xf3: {  	v27 =	vld [tilespmem:s24+$0x320];
	_ =	sdelay $0x4  }
0xf4: {  	v27 =	vmul.f32 v27, v6;
	_ =	sdelay $0x1  }
0xf5: {  	v27 =	vsub.f32 v27, v24;
	_ =	sdelay $0x1  }
0xf6: {  	[tilespmem:s31+$0x508C] =	vst v27  }
0xf7: {  	v27 =	vld [tilespmem:s24+$0x330];
	_ =	sdelay $0x4  }
0xf8: {  	v27 =	vmul.f32 v27, v7;
	_ =	sdelay $0x1  }
0xf9: {  	v27 =	vsub.f32 v27, v25;
	_ =	sdelay $0x1  }
0xfa: {  	[tilespmem:s31+$0x509C] =	vst v27  }
0xfb: {  	v27 =	vld [tilespmem:s24+$0x340];
	_ =	sdelay $0x4  }
0xfc: {  	v27 =	vmul.f32 v27, v8;
	_ =	sdelay $0x1  }
0xfd: {  	v27 =	vsub.f32 v27, v26;
	_ =	sdelay $0x1  }
0xfe: {  	[tilespmem:s31+$0x50AC] =	vst v27  }
0xff: {  	v27 =	vld [tilespmem:s24+$0x350];
	_ =	sdelay $0x4  }
0x100: {  	v27 =	vmul.f32 v27, v0;
	_ =	sdelay $0x1  }
0x101: {  	v27 =	vsub.f32 v27, v18;
	_ =	sdelay $0x1  }
0x102: {  	[tilespmem:s31+$0x50AF] =	vst v27  }
0x103: {  	v27 =	vld [tilespmem:s24+$0x360];
	_ =	sdelay $0x4  }
0x104: {  	v27 =	vmul.f32 v27, v1;
	_ =	sdelay $0x1  }
0x105: {  	v27 =	vsub.f32 v27, v19;
	_ =	sdelay $0x1  }
0x106: {  	[tilespmem:s31+$0x50BF] =	vst v27  }
0x107: {  	v27 =	vld [tilespmem:s24+$0x370];
	_ =	sdelay $0x4  }
0x108: {  	v27 =	vmul.f32 v27, v2;
	_ =	sdelay $0x1  }
0x109: {  	v27 =	vsub.f32 v27, v20;
	_ =	sdelay $0x1  }
0x10a: {  	[tilespmem:s31+$0x50CF] =	vst v27  }
0x10b: {  	v27 =	vld [tilespmem:s24+$0x380];
	_ =	sdelay $0x4  }
0x10c: {  	v27 =	vmul.f32 v27, v3;
	_ =	sdelay $0x1  }
0x10d: {  	v27 =	vsub.f32 v27, v21;
	_ =	sdelay $0x1  }
0x10e: {  	[tilespmem:s31+$0x50DF] =	vst v27  }
0x10f: {  	v27 =	vld [tilespmem:s24+$0x390];
	_ =	sdelay $0x4  }
0x110: {  	v27 =	vmul.f32 v27, v4;
	_ =	sdelay $0x1  }
0x111: {  	v27 =	vsub.f32 v27, v22;
	_ =	sdelay $0x1  }
0x112: {  	[tilespmem:s31+$0x50EF] =	vst v27  }
0x113: {  	v27 =	vld [tilespmem:s24+$0x3A0];
	_ =	sdelay $0x4  }
0x114: {  	v27 =	vmul.f32 v27, v5;
	_ =	sdelay $0x1  }
0x115: {  	v27 =	vsub.f32 v27, v23;
	_ =	sdelay $0x1  }
0x116: {  	[tilespmem:s31+$0x50FF] =	vst v27  }
0x117: {  	v27 =	vld [tilespmem:s24+$0x3B0];
	_ =	sdelay $0x4  }
0x118: {  	v27 =	vmul.f32 v27, v6;
	_ =	sdelay $0x1  }
0x119: {  	v27 =	vsub.f32 v27, v24;
	_ =	sdelay $0x1  }
0x11a: {  	[tilespmem:s31+$0x510F] =	vst v27  }
0x11b: {  	v27 =	vld [tilespmem:s24+$0x3C0];
	_ =	sdelay $0x4  }
0x11c: {  	v27 =	vmul.f32 v27, v7;
	_ =	sdelay $0x1  }
0x11d: {  	v27 =	vsub.f32 v27, v25;
	_ =	sdelay $0x1  }
0x11e: {  	[tilespmem:s31+$0x511F] =	vst v27  }
0x11f: {  	v27 =	vld [tilespmem:s24+$0x3D0];
	_ =	sdelay $0x4  }
0x120: {  	v27 =	vmul.f32 v27, v8;
	_ =	sdelay $0x1  }
0x121: {  	v27 =	vsub.f32 v27, v26;
	_ =	sdelay $0x1  }
0x122: {  	[tilespmem:s31+$0x512F] =	vst v27  }
0x123: {  	v27 =	vld [tilespmem:s24+$0x3E0];
	_ =	sdelay $0x4  }
0x124: {  	v27 =	vmul.f32 v27, v0;
	_ =	sdelay $0x1  }
0x125: {  	v27 =	vsub.f32 v27, v18;
	_ =	sdelay $0x1  }
0x126: {  	[tilespmem:s31+$0x5132] =	vst v27  }
0x127: {  	v27 =	vld [tilespmem:s24+$0x3F0];
	_ =	sdelay $0x4  }
0x128: {  	v27 =	vmul.f32 v27, v1;
	_ =	sdelay $0x1  }
0x129: {  	v27 =	vsub.f32 v27, v19;
	_ =	sdelay $0x1  }
0x12a: {  	[tilespmem:s31+$0x5142] =	vst v27  }
0x12b: {  	v27 =	vld [tilespmem:s24+$0x400];
	_ =	sdelay $0x4  }
0x12c: {  	v27 =	vmul.f32 v27, v2;
	_ =	sdelay $0x1  }
0x12d: {  	v27 =	vsub.f32 v27, v20;
	_ =	sdelay $0x1  }
0x12e: {  	[tilespmem:s31+$0x5152] =	vst v27  }
0x12f: {  	v27 =	vld [tilespmem:s24+$0x410];
	_ =	sdelay $0x4  }
0x130: {  	v27 =	vmul.f32 v27, v3;
	_ =	sdelay $0x1  }
0x131: {  	v27 =	vsub.f32 v27, v21;
	_ =	sdelay $0x1  }
0x132: {  	[tilespmem:s31+$0x5162] =	vst v27  }
0x133: {  	v27 =	vld [tilespmem:s24+$0x420];
	_ =	sdelay $0x4  }
0x134: {  	v27 =	vmul.f32 v27, v4;
	_ =	sdelay $0x1  }
0x135: {  	v27 =	vsub.f32 v27, v22;
	_ =	sdelay $0x1  }
0x136: {  	[tilespmem:s31+$0x5172] =	vst v27  }
0x137: {  	v27 =	vld [tilespmem:s24+$0x430];
	_ =	sdelay $0x4  }
0x138: {  	v27 =	vmul.f32 v27, v5;
	_ =	sdelay $0x1  }
0x139: {  	v27 =	vsub.f32 v27, v23;
	_ =	sdelay $0x1  }
0x13a: {  	[tilespmem:s31+$0x5182] =	vst v27  }
0x13b: {  	v27 =	vld [tilespmem:s24+$0x440];
	_ =	sdelay $0x4  }
0x13c: {  	v27 =	vmul.f32 v27, v6;
	_ =	sdelay $0x1  }
0x13d: {  	v27 =	vsub.f32 v27, v24;
	_ =	sdelay $0x1  }
0x13e: {  	[tilespmem:s31+$0x5192] =	vst v27  }
0x13f: {  	v27 =	vld [tilespmem:s24+$0x450];
	_ =	sdelay $0x4  }
0x140: {  	v27 =	vmul.f32 v27, v7;
	_ =	sdelay $0x1  }
0x141: {  	v27 =	vsub.f32 v27, v25;
	_ =	sdelay $0x1  }
0x142: {  	[tilespmem:s31+$0x51A2] =	vst v27  }
0x143: {  	v27 =	vld [tilespmem:s24+$0x460];
	_ =	sdelay $0x4  }
0x144: {  	v27 =	vmul.f32 v27, v8;
	_ =	sdelay $0x1  }
0x145: {  	v27 =	vsub.f32 v27, v26;
	_ =	sdelay $0x1  }
0x146: {  	[tilespmem:s31+$0x51B2] =	vst v27  }
0x147: {  	v27 =	vld [tilespmem:s24+$0x470];
	_ =	sdelay $0x4  }
0x148: {  	v27 =	vmul.f32 v27, v0;
	_ =	sdelay $0x1  }
0x149: {  	v27 =	vsub.f32 v27, v18;
	_ =	sdelay $0x1  }
0x14a: {  	[tilespmem:s31+$0x51B5] =	vst v27  }
0x14b: {  	v27 =	vld [tilespmem:s24+$0x480];
	_ =	sdelay $0x4  }
0x14c: {  	v27 =	vmul.f32 v27, v1;
	_ =	sdelay $0x1  }
0x14d: {  	v27 =	vsub.f32 v27, v19;
	_ =	sdelay $0x1  }
0x14e: {  	[tilespmem:s31+$0x51C5] =	vst v27  }
0x14f: {  	v27 =	vld [tilespmem:s24+$0x490];
	_ =	sdelay $0x4  }
0x150: {  	v27 =	vmul.f32 v27, v2;
	_ =	sdelay $0x1  }
0x151: {  	v27 =	vsub.f32 v27, v20;
	_ =	sdelay $0x1  }
0x152: {  	[tilespmem:s31+$0x51D5] =	vst v27  }
0x153: {  	v27 =	vld [tilespmem:s24+$0x4A0];
	_ =	sdelay $0x4  }
0x154: {  	v27 =	vmul.f32 v27, v3;
	_ =	sdelay $0x1  }
0x155: {  	v27 =	vsub.f32 v27, v21;
	_ =	sdelay $0x1  }
0x156: {  	[tilespmem:s31+$0x51E5] =	vst v27  }
0x157: {  	v27 =	vld [tilespmem:s24+$0x4B0];
	_ =	sdelay $0x4  }
0x158: {  	v27 =	vmul.f32 v27, v4;
	_ =	sdelay $0x1  }
0x159: {  	v27 =	vsub.f32 v27, v22;
	_ =	sdelay $0x1  }
0x15a: {  	[tilespmem:s31+$0x51F5] =	vst v27  }
0x15b: {  	v27 =	vld [tilespmem:s24+$0x4C0];
	_ =	sdelay $0x4  }
0x15c: {  	v27 =	vmul.f32 v27, v5;
	_ =	sdelay $0x1  }
0x15d: {  	v27 =	vsub.f32 v27, v23;
	_ =	sdelay $0x1  }
0x15e: {  	[tilespmem:s31+$0x5205] =	vst v27  }
0x15f: {  	v27 =	vld [tilespmem:s24+$0x4D0];
	_ =	sdelay $0x4  }
0x160: {  	v27 =	vmul.f32 v27, v6;
	_ =	sdelay $0x1  }
0x161: {  	v27 =	vsub.f32 v27, v24;
	_ =	sdelay $0x1  }
0x162: {  	[tilespmem:s31+$0x5215] =	vst v27  }
0x163: {  	v27 =	vld [tilespmem:s24+$0x4E0];
	_ =	sdelay $0x4  }
0x164: {  	v27 =	vmul.f32 v27, v7;
	_ =	sdelay $0x1  }
0x165: {  	v27 =	vsub.f32 v27, v25;
	_ =	sdelay $0x1  }
0x166: {  	[tilespmem:s31+$0x5225] =	vst v27  }
0x167: {  	v27 =	vld [tilespmem:s24+$0x4F0];
	_ =	sdelay $0x4  }
0x168: {  	v27 =	vmul.f32 v27, v8;
	_ =	sdelay $0x1  }
0x169: {  	v27 =	vsub.f32 v27, v26;
	_ =	sdelay $0x1  }
0x16a: {  	[tilespmem:s31+$0x5235] =	vst v27  }
0x16b: {  	v27 =	vld [tilespmem:s24+$0x500];
	_ =	sdelay $0x4  }
0x16c: {  	v27 =	vmul.f32 v27, v0;
	_ =	sdelay $0x1  }
0x16d: {  	v27 =	vsub.f32 v27, v18;
	_ =	sdelay $0x1  }
0x16e: {  	[tilespmem:s31+$0x5238] =	vst v27  }
0x16f: {  	v27 =	vld [tilespmem:s24+$0x510];
	_ =	sdelay $0x4  }
0x170: {  	v27 =	vmul.f32 v27, v1;
	_ =	sdelay $0x1  }
0x171: {  	v27 =	vsub.f32 v27, v19;
	_ =	sdelay $0x1  }
0x172: {  	[tilespmem:s31+$0x5248] =	vst v27  }
0x173: {  	v27 =	vld [tilespmem:s24+$0x520];
	_ =	sdelay $0x4  }
0x174: {  	v27 =	vmul.f32 v27, v2;
	_ =	sdelay $0x1  }
0x175: {  	v27 =	vsub.f32 v27, v20;
	_ =	sdelay $0x1  }
0x176: {  	[tilespmem:s31+$0x5258] =	vst v27  }
0x177: {  	v27 =	vld [tilespmem:s24+$0x530];
	_ =	sdelay $0x4  }
0x178: {  	v27 =	vmul.f32 v27, v3;
	_ =	sdelay $0x1  }
0x179: {  	v27 =	vsub.f32 v27, v21;
	_ =	sdelay $0x1  }
0x17a: {  	[tilespmem:s31+$0x5268] =	vst v27  }
0x17b: {  	v27 =	vld [tilespmem:s24+$0x540];
	_ =	sdelay $0x4  }
0x17c: {  	v27 =	vmul.f32 v27, v4;
	_ =	sdelay $0x1  }
0x17d: {  	v27 =	vsub.f32 v27, v22;
	_ =	sdelay $0x1  }
0x17e: {  	[tilespmem:s31+$0x5278] =	vst v27  }
0x17f: {  	v27 =	vld [tilespmem:s24+$0x550];
	_ =	sdelay $0x4  }
0x180: {  	v27 =	vmul.f32 v27, v5;
	_ =	sdelay $0x1  }
0x181: {  	v27 =	vsub.f32 v27, v23;
	_ =	sdelay $0x1  }
0x182: {  	[tilespmem:s31+$0x5288] =	vst v27  }
0x183: {  	v27 =	vld [tilespmem:s24+$0x560];
	_ =	sdelay $0x4  }
0x184: {  	v27 =	vmul.f32 v27, v6;
	_ =	sdelay $0x1  }
0x185: {  	v27 =	vsub.f32 v27, v24;
	_ =	sdelay $0x1  }
0x186: {  	[tilespmem:s31+$0x5298] =	vst v27  }
0x187: {  	v27 =	vld [tilespmem:s24+$0x570];
	_ =	sdelay $0x4  }
0x188: {  	v27 =	vmul.f32 v27, v7;
	_ =	sdelay $0x1  }
0x189: {  	v27 =	vsub.f32 v27, v25;
	_ =	sdelay $0x1  }
0x18a: {  	[tilespmem:s31+$0x52A8] =	vst v27  }
0x18b: {  	v27 =	vld [tilespmem:s24+$0x580];
	_ =	sdelay $0x4  }
0x18c: {  	v27 =	vmul.f32 v27, v8;
	_ =	sdelay $0x1  }
0x18d: {  	v27 =	vsub.f32 v27, v26;
	_ =	sdelay $0x1  }
0x18e: {  	[tilespmem:s31+$0x52B8] =	vst v27  }
0x18f: {  	v27 =	vld [tilespmem:s24+$0x590];
	_ =	sdelay $0x4  }
0x190: {  	v27 =	vmul.f32 v27, v0;
	_ =	sdelay $0x1  }
0x191: {  	v27 =	vsub.f32 v27, v18;
	_ =	sdelay $0x1  }
0x192: {  	[tilespmem:s31+$0x52BB] =	vst v27  }
0x193: {  	v27 =	vld [tilespmem:s24+$0x5A0];
	_ =	sdelay $0x4  }
0x194: {  	v27 =	vmul.f32 v27, v1;
	_ =	sdelay $0x1  }
0x195: {  	v27 =	vsub.f32 v27, v19;
	_ =	sdelay $0x1  }
0x196: {  	[tilespmem:s31+$0x52CB] =	vst v27  }
0x197: {  	v27 =	vld [tilespmem:s24+$0x5B0];
	_ =	sdelay $0x4  }
0x198: {  	v27 =	vmul.f32 v27, v2;
	_ =	sdelay $0x1  }
0x199: {  	v27 =	vsub.f32 v27, v20;
	_ =	sdelay $0x1  }
0x19a: {  	[tilespmem:s31+$0x52DB] =	vst v27  }
0x19b: {  	v27 =	vld [tilespmem:s24+$0x5C0];
	_ =	sdelay $0x4  }
0x19c: {  	v27 =	vmul.f32 v27, v3;
	_ =	sdelay $0x1  }
0x19d: {  	v27 =	vsub.f32 v27, v21;
	_ =	sdelay $0x1  }
0x19e: {  	[tilespmem:s31+$0x52EB] =	vst v27  }
0x19f: {  	v27 =	vld [tilespmem:s24+$0x5D0];
	_ =	sdelay $0x4  }
0x1a0: {  	v27 =	vmul.f32 v27, v4;
	_ =	sdelay $0x1  }
0x1a1: {  	v27 =	vsub.f32 v27, v22;
	_ =	sdelay $0x1  }
0x1a2: {  	[tilespmem:s31+$0x52FB] =	vst v27  }
0x1a3: {  	v27 =	vld [tilespmem:s24+$0x5E0];
	_ =	sdelay $0x4  }
0x1a4: {  	v27 =	vmul.f32 v27, v5;
	_ =	sdelay $0x1  }
0x1a5: {  	v27 =	vsub.f32 v27, v23;
	_ =	sdelay $0x1  }
0x1a6: {  	[tilespmem:s31+$0x530B] =	vst v27  }
0x1a7: {  	v27 =	vld [tilespmem:s24+$0x5F0];
	_ =	sdelay $0x4  }
0x1a8: {  	v27 =	vmul.f32 v27, v6;
	_ =	sdelay $0x1  }
0x1a9: {  	v27 =	vsub.f32 v27, v24;
	_ =	sdelay $0x1  }
0x1aa: {  	[tilespmem:s31+$0x531B] =	vst v27  }
0x1ab: {  	v27 =	vld [tilespmem:s24+$0x600];
	_ =	sdelay $0x4  }
0x1ac: {  	v27 =	vmul.f32 v27, v7;
	_ =	sdelay $0x1  }
0x1ad: {  	v27 =	vsub.f32 v27, v25;
	_ =	sdelay $0x1  }
0x1ae: {  	[tilespmem:s31+$0x532B] =	vst v27  }
0x1af: {  	v27 =	vld [tilespmem:s24+$0x610];
	_ =	sdelay $0x4  }
0x1b0: {  	v27 =	vmul.f32 v27, v8;
	_ =	sdelay $0x1  }
0x1b1: {  	v27 =	vsub.f32 v27, v26;
	_ =	sdelay $0x1  }
0x1b2: {  	[tilespmem:s31+$0x533B] =	vst v27  }
0x1b3: {  	v27 =	vld [tilespmem:s24+$0x620];
	_ =	sdelay $0x4  }
0x1b4: {  	v27 =	vmul.f32 v27, v0;
	_ =	sdelay $0x1  }
0x1b5: {  	v27 =	vsub.f32 v27, v18;
	_ =	sdelay $0x1  }
0x1b6: {  	[tilespmem:s31+$0x533E] =	vst v27  }
0x1b7: {  	v27 =	vld [tilespmem:s24+$0x630];
	_ =	sdelay $0x4  }
0x1b8: {  	v27 =	vmul.f32 v27, v1;
	_ =	sdelay $0x1  }
0x1b9: {  	v27 =	vsub.f32 v27, v19;
	_ =	sdelay $0x1  }
0x1ba: {  	[tilespmem:s31+$0x534E] =	vst v27  }
0x1bb: {  	v27 =	vld [tilespmem:s24+$0x640];
	_ =	sdelay $0x4  }
0x1bc: {  	v27 =	vmul.f32 v27, v2;
	_ =	sdelay $0x1  }
0x1bd: {  	v27 =	vsub.f32 v27, v20;
	_ =	sdelay $0x1  }
0x1be: {  	[tilespmem:s31+$0x535E] =	vst v27  }
0x1bf: {  	v27 =	vld [tilespmem:s24+$0x650];
	_ =	sdelay $0x4  }
0x1c0: {  	v27 =	vmul.f32 v27, v3;
	_ =	sdelay $0x1  }
0x1c1: {  	v27 =	vsub.f32 v27, v21;
	_ =	sdelay $0x1  }
0x1c2: {  	[tilespmem:s31+$0x536E] =	vst v27  }
0x1c3: {  	v27 =	vld [tilespmem:s24+$0x660];
	_ =	sdelay $0x4  }
0x1c4: {  	v27 =	vmul.f32 v27, v4;
	_ =	sdelay $0x1  }
0x1c5: {  	v27 =	vsub.f32 v27, v22;
	_ =	sdelay $0x1  }
0x1c6: {  	[tilespmem:s31+$0x537E] =	vst v27  }
0x1c7: {  	v27 =	vld [tilespmem:s24+$0x670];
	_ =	sdelay $0x4  }
0x1c8: {  	v27 =	vmul.f32 v27, v5;
	_ =	sdelay $0x1  }
0x1c9: {  	v27 =	vsub.f32 v27, v23;
	_ =	sdelay $0x1  }
0x1ca: {  	[tilespmem:s31+$0x538E] =	vst v27  }
0x1cb: {  	v27 =	vld [tilespmem:s24+$0x680];
	_ =	sdelay $0x4  }
0x1cc: {  	v27 =	vmul.f32 v27, v6;
	_ =	sdelay $0x1  }
0x1cd: {  	v27 =	vsub.f32 v27, v24;
	_ =	sdelay $0x1  }
0x1ce: {  	[tilespmem:s31+$0x539E] =	vst v27  }
0x1cf: {  	v27 =	vld [tilespmem:s24+$0x690];
	_ =	sdelay $0x4  }
0x1d0: {  	v27 =	vmul.f32 v27, v7;
	_ =	sdelay $0x1  }
0x1d1: {  	v27 =	vsub.f32 v27, v25;
	_ =	sdelay $0x1  }
0x1d2: {  	[tilespmem:s31+$0x53AE] =	vst v27  }
0x1d3: {  	v27 =	vld [tilespmem:s24+$0x6A0];
	_ =	sdelay $0x4  }
0x1d4: {  	v27 =	vmul.f32 v27, v8;
	_ =	sdelay $0x1  }
0x1d5: {  	v27 =	vsub.f32 v27, v26;
	_ =	sdelay $0x1  }
0x1d6: {  	[tilespmem:s31+$0x53BE] =	vst v27  }
0x1d7: {  	v27 =	vld [tilespmem:s24+$0x6B0];
	_ =	sdelay $0x4  }
0x1d8: {  	v27 =	vmul.f32 v27, v0;
	_ =	sdelay $0x1  }
0x1d9: {  	v27 =	vsub.f32 v27, v18;
	_ =	sdelay $0x1  }
0x1da: {  	[tilespmem:s31+$0x53C1] =	vst v27  }
0x1db: {  	v27 =	vld [tilespmem:s24+$0x6C0];
	_ =	sdelay $0x4  }
0x1dc: {  	v27 =	vmul.f32 v27, v1;
	_ =	sdelay $0x1  }
0x1dd: {  	v27 =	vsub.f32 v27, v19;
	_ =	sdelay $0x1  }
0x1de: {  	[tilespmem:s31+$0x53D1] =	vst v27  }
0x1df: {  	v27 =	vld [tilespmem:s24+$0x6D0];
	_ =	sdelay $0x4  }
0x1e0: {  	v27 =	vmul.f32 v27, v2;
	_ =	sdelay $0x1  }
0x1e1: {  	v27 =	vsub.f32 v27, v20;
	_ =	sdelay $0x1  }
0x1e2: {  	[tilespmem:s31+$0x53E1] =	vst v27  }
0x1e3: {  	v27 =	vld [tilespmem:s24+$0x6E0];
	_ =	sdelay $0x4  }
0x1e4: {  	v27 =	vmul.f32 v27, v3;
	_ =	sdelay $0x1  }
0x1e5: {  	v27 =	vsub.f32 v27, v21;
	_ =	sdelay $0x1  }
0x1e6: {  	[tilespmem:s31+$0x53F1] =	vst v27  }
0x1e7: {  	v27 =	vld [tilespmem:s24+$0x6F0];
	_ =	sdelay $0x4  }
0x1e8: {  	v27 =	vmul.f32 v27, v4;
	_ =	sdelay $0x1  }
0x1e9: {  	v27 =	vsub.f32 v27, v22;
	_ =	sdelay $0x1  }
0x1ea: {  	[tilespmem:s31+$0x5401] =	vst v27  }
0x1eb: {  	v27 =	vld [tilespmem:s24+$0x700];
	_ =	sdelay $0x4  }
0x1ec: {  	v27 =	vmul.f32 v27, v5;
	_ =	sdelay $0x1  }
0x1ed: {  	v27 =	vsub.f32 v27, v23;
	_ =	sdelay $0x1  }
0x1ee: {  	[tilespmem:s31+$0x5411] =	vst v27  }
0x1ef: {  	v27 =	vld [tilespmem:s24+$0x710];
	_ =	sdelay $0x4  }
0x1f0: {  	v27 =	vmul.f32 v27, v6;
	_ =	sdelay $0x1  }
0x1f1: {  	v27 =	vsub.f32 v27, v24;
	_ =	sdelay $0x1  }
0x1f2: {  	[tilespmem:s31+$0x5421] =	vst v27  }
0x1f3: {  	v27 =	vld [tilespmem:s24+$0x720];
	_ =	sdelay $0x4  }
0x1f4: {  	v27 =	vmul.f32 v27, v7;
	_ =	sdelay $0x1  }
0x1f5: {  	v27 =	vsub.f32 v27, v25;
	_ =	sdelay $0x1  }
0x1f6: {  	[tilespmem:s31+$0x5431] =	vst v27  }
0x1f7: {  	v27 =	vld [tilespmem:s24+$0x730];
	_ =	sdelay $0x4  }
0x1f8: {  	v27 =	vmul.f32 v27, v8;
	_ =	sdelay $0x1  }
0x1f9: {  	v27 =	vsub.f32 v27, v26;
	_ =	sdelay $0x1  }
0x1fa: {  	[tilespmem:s31+$0x5441] =	vst v27  }
0x1fb: {  	v27 =	vld [tilespmem:s24+$0x740];
	_ =	sdelay $0x4  }
0x1fc: {  	v27 =	vmul.f32 v27, v0;
	_ =	sdelay $0x1  }
0x1fd: {  	v27 =	vsub.f32 v27, v18;
	_ =	sdelay $0x1  }
0x1fe: {  	[tilespmem:s31+$0x5444] =	vst v27  }
0x1ff: {  	v27 =	vld [tilespmem:s24+$0x750];
	_ =	sdelay $0x4  }
0x200: {  	v27 =	vmul.f32 v27, v1;
	_ =	sdelay $0x1  }
0x201: {  	v27 =	vsub.f32 v27, v19;
	_ =	sdelay $0x1  }
0x202: {  	[tilespmem:s31+$0x5454] =	vst v27  }
0x203: {  	v27 =	vld [tilespmem:s24+$0x760];
	_ =	sdelay $0x4  }
0x204: {  	v27 =	vmul.f32 v27, v2;
	_ =	sdelay $0x1  }
0x205: {  	v27 =	vsub.f32 v27, v20;
	_ =	sdelay $0x1  }
0x206: {  	[tilespmem:s31+$0x5464] =	vst v27  }
0x207: {  	v27 =	vld [tilespmem:s24+$0x770];
	_ =	sdelay $0x4  }
0x208: {  	v27 =	vmul.f32 v27, v3;
	_ =	sdelay $0x1  }
0x209: {  	v27 =	vsub.f32 v27, v21;
	_ =	sdelay $0x1  }
0x20a: {  	[tilespmem:s31+$0x5474] =	vst v27  }
0x20b: {  	v27 =	vld [tilespmem:s24+$0x780];
	_ =	sdelay $0x4  }
0x20c: {  	v27 =	vmul.f32 v27, v4;
	_ =	sdelay $0x1  }
0x20d: {  	v27 =	vsub.f32 v27, v22;
	_ =	sdelay $0x1  }
0x20e: {  	[tilespmem:s31+$0x5484] =	vst v27  }
0x20f: {  	v27 =	vld [tilespmem:s24+$0x790];
	_ =	sdelay $0x4  }
0x210: {  	v27 =	vmul.f32 v27, v5;
	_ =	sdelay $0x1  }
0x211: {  	v27 =	vsub.f32 v27, v23;
	_ =	sdelay $0x1  }
0x212: {  	[tilespmem:s31+$0x5494] =	vst v27  }
0x213: {  	v27 =	vld [tilespmem:s24+$0x7A0];
	_ =	sdelay $0x4  }
0x214: {  	v27 =	vmul.f32 v27, v6;
	_ =	sdelay $0x1  }
0x215: {  	v27 =	vsub.f32 v27, v24;
	_ =	sdelay $0x1  }
0x216: {  	[tilespmem:s31+$0x54A4] =	vst v27  }
0x217: {  	v27 =	vld [tilespmem:s24+$0x7B0];
	_ =	sdelay $0x4  }
0x218: {  	v27 =	vmul.f32 v27, v7;
	_ =	sdelay $0x1  }
0x219: {  	v27 =	vsub.f32 v27, v25;
	_ =	sdelay $0x1  }
0x21a: {  	[tilespmem:s31+$0x54B4] =	vst v27  }
0x21b: {  	v27 =	vld [tilespmem:s24+$0x7C0];
	_ =	sdelay $0x4  }
0x21c: {  	v27 =	vmul.f32 v27, v8;
	_ =	sdelay $0x1  }
0x21d: {  	v27 =	vsub.f32 v27, v26;
	_ =	sdelay $0x1  }
0x21e: {  	[tilespmem:s31+$0x54C4] =	vst v27  }
0x21f: {  	v27 =	vld [tilespmem:s24+$0x7D0];
	_ =	sdelay $0x4  }
0x220: {  	v27 =	vmul.f32 v27, v0;
	_ =	sdelay $0x1  }
0x221: {  	v27 =	vsub.f32 v27, v18;
	_ =	sdelay $0x1  }
0x222: {  	[tilespmem:s31+$0x54C7] =	vst v27  }
0x223: {  	v27 =	vld [tilespmem:s24+$0x7E0];
	_ =	sdelay $0x4  }
0x224: {  	v27 =	vmul.f32 v27, v1;
	_ =	sdelay $0x1  }
0x225: {  	v27 =	vsub.f32 v27, v19;
	_ =	sdelay $0x1  }
0x226: {  	[tilespmem:s31+$0x54D7] =	vst v27  }
0x227: {  	v27 =	vld [tilespmem:s24+$0x7F0];
	_ =	sdelay $0x4  }
0x228: {  	v27 =	vmul.f32 v27, v2;
	_ =	sdelay $0x1  }
0x229: {  	v27 =	vsub.f32 v27, v20;
	_ =	sdelay $0x1  }
0x22a: {  	[tilespmem:s31+$0x54E7] =	vst v27  }
0x22b: {  	v27 =	vld [tilespmem:s24+$0x800];
	_ =	sdelay $0x4  }
0x22c: {  	v27 =	vmul.f32 v27, v3;
	_ =	sdelay $0x1  }
0x22d: {  	v27 =	vsub.f32 v27, v21;
	_ =	sdelay $0x1  }
0x22e: {  	[tilespmem:s31+$0x54F7] =	vst v27  }
0x22f: {  	v27 =	vld [tilespmem:s24+$0x810];
	_ =	sdelay $0x4  }
0x230: {  	v27 =	vmul.f32 v27, v4;
	_ =	sdelay $0x1  }
0x231: {  	v27 =	vsub.f32 v27, v22;
	_ =	sdelay $0x1  }
0x232: {  	[tilespmem:s31+$0x5507] =	vst v27  }
0x233: {  	v27 =	vld [tilespmem:s24+$0x820];
	_ =	sdelay $0x4  }
0x234: {  	v27 =	vmul.f32 v27, v5;
	_ =	sdelay $0x1  }
0x235: {  	v27 =	vsub.f32 v27, v23;
	_ =	sdelay $0x1  }
0x236: {  	[tilespmem:s31+$0x5517] =	vst v27  }
0x237: {  	v27 =	vld [tilespmem:s24+$0x830];
	_ =	sdelay $0x4  }
0x238: {  	v27 =	vmul.f32 v27, v6;
	_ =	sdelay $0x1  }
0x239: {  	v27 =	vsub.f32 v27, v24;
	_ =	sdelay $0x1  }
0x23a: {  	[tilespmem:s31+$0x5527] =	vst v27  }
0x23b: {  	v27 =	vld [tilespmem:s24+$0x840];
	_ =	sdelay $0x4  }
0x23c: {  	v27 =	vmul.f32 v27, v7;
	_ =	sdelay $0x1  }
0x23d: {  	v27 =	vsub.f32 v27, v25;
	_ =	sdelay $0x1  }
0x23e: {  	[tilespmem:s31+$0x5537] =	vst v27  }
0x23f: {  	v27 =	vld [tilespmem:s24+$0x850];
	_ =	sdelay $0x4  }
0x240: {  	v27 =	vmul.f32 v27, v8;
	_ =	sdelay $0x1  }
0x241: {  	v27 =	vsub.f32 v27, v26;
	_ =	sdelay $0x1  }
0x242: {  	[tilespmem:s31+$0x5547] =	vst v27  }
0x243: {  	v27 =	vld [tilespmem:s24+$0x860];
	_ =	sdelay $0x4  }
0x244: {  	v27 =	vmul.f32 v27, v0;
	_ =	sdelay $0x1  }
0x245: {  	v27 =	vsub.f32 v27, v18;
	_ =	sdelay $0x1  }
0x246: {  	[tilespmem:s31+$0x554A] =	vst v27  }
0x247: {  	v27 =	vld [tilespmem:s24+$0x870];
	_ =	sdelay $0x4  }
0x248: {  	v27 =	vmul.f32 v27, v1;
	_ =	sdelay $0x1  }
0x249: {  	v27 =	vsub.f32 v27, v19;
	_ =	sdelay $0x1  }
0x24a: {  	[tilespmem:s31+$0x555A] =	vst v27  }
0x24b: {  	v27 =	vld [tilespmem:s24+$0x880];
	_ =	sdelay $0x4  }
0x24c: {  	v27 =	vmul.f32 v27, v2;
	_ =	sdelay $0x1  }
0x24d: {  	v27 =	vsub.f32 v27, v20;
	_ =	sdelay $0x1  }
0x24e: {  	[tilespmem:s31+$0x556A] =	vst v27  }
0x24f: {  	v27 =	vld [tilespmem:s24+$0x890];
	_ =	sdelay $0x4  }
0x250: {  	v27 =	vmul.f32 v27, v3;
	_ =	sdelay $0x1  }
0x251: {  	v27 =	vsub.f32 v27, v21;
	_ =	sdelay $0x1  }
0x252: {  	[tilespmem:s31+$0x557A] =	vst v27  }
0x253: {  	v27 =	vld [tilespmem:s24+$0x8A0];
	_ =	sdelay $0x4  }
0x254: {  	v27 =	vmul.f32 v27, v4;
	_ =	sdelay $0x1  }
0x255: {  	v27 =	vsub.f32 v27, v22;
	_ =	sdelay $0x1  }
0x256: {  	[tilespmem:s31+$0x558A] =	vst v27  }
0x257: {  	v27 =	vld [tilespmem:s24+$0x8B0];
	_ =	sdelay $0x4  }
0x258: {  	v27 =	vmul.f32 v27, v5;
	_ =	sdelay $0x1  }
0x259: {  	v27 =	vsub.f32 v27, v23;
	_ =	sdelay $0x1  }
0x25a: {  	[tilespmem:s31+$0x559A] =	vst v27  }
0x25b: {  	v27 =	vld [tilespmem:s24+$0x8C0];
	_ =	sdelay $0x4  }
0x25c: {  	v27 =	vmul.f32 v27, v6;
	_ =	sdelay $0x1  }
0x25d: {  	v27 =	vsub.f32 v27, v24;
	_ =	sdelay $0x1  }
0x25e: {  	[tilespmem:s31+$0x55AA] =	vst v27  }
0x25f: {  	v27 =	vld [tilespmem:s24+$0x8D0];
	_ =	sdelay $0x4  }
0x260: {  	v27 =	vmul.f32 v27, v7;
	_ =	sdelay $0x1  }
0x261: {  	v27 =	vsub.f32 v27, v25;
	_ =	sdelay $0x1  }
0x262: {  	[tilespmem:s31+$0x55BA] =	vst v27  }
0x263: {  	v27 =	vld [tilespmem:s24+$0x8E0];
	_ =	sdelay $0x4  }
0x264: {  	v27 =	vmul.f32 v27, v8;
	_ =	sdelay $0x1  }
0x265: {  	v27 =	vsub.f32 v27, v26;
	_ =	sdelay $0x1  }
0x266: {  	[tilespmem:s31+$0x55CA] =	vst v27  }
0x267: {  	v27 =	vld [tilespmem:s24+$0x8F0];
	_ =	sdelay $0x4  }
0x268: {  	v27 =	vmul.f32 v27, v0;
	_ =	sdelay $0x1  }
0x269: {  	v18 =	vsub.f32 v27, v18;
	_ =	sdelay $0x1  }
0x26a: {  	[tilespmem:s31+$0x55CD] =	vst v18  }
0x26b: {  	v18 =	vld [tilespmem:s24+$0x900];
	_ =	sdelay $0x4  }
0x26c: {  	v18 =	vmul.f32 v18, v1;
	_ =	sdelay $0x1  }
0x26d: {  	v18 =	vsub.f32 v18, v19;
	_ =	sdelay $0x1  }
0x26e: {  	[tilespmem:s31+$0x55DD] =	vst v18  }
0x26f: {  	v18 =	vld [tilespmem:s24+$0x910];
	_ =	sdelay $0x4  }
0x270: {  	v18 =	vmul.f32 v18, v2;
	_ =	sdelay $0x1  }
0x271: {  	v18 =	vsub.f32 v18, v20;
	_ =	sdelay $0x1  }
0x272: {  	[tilespmem:s31+$0x55ED] =	vst v18  }
0x273: {  	v18 =	vld [tilespmem:s24+$0x920];
	_ =	sdelay $0x4  }
0x274: {  	v18 =	vmul.f32 v18, v3;
	_ =	sdelay $0x1  }
0x275: {  	v18 =	vsub.f32 v18, v21;
	_ =	sdelay $0x1  }
0x276: {  	[tilespmem:s31+$0x55FD] =	vst v18  }
0x277: {  	v18 =	vld [tilespmem:s24+$0x930];
	_ =	sdelay $0x4  }
0x278: {  	v18 =	vmul.f32 v18, v4;
	_ =	sdelay $0x1  }
0x279: {  	v18 =	vsub.f32 v18, v22;
	_ =	sdelay $0x1  }
0x27a: {  	[tilespmem:s31+$0x560D] =	vst v18  }
0x27b: {  	v18 =	vld [tilespmem:s24+$0x940];
	_ =	sdelay $0x4  }
0x27c: {  	v18 =	vmul.f32 v18, v5;
	_ =	sdelay $0x1  }
0x27d: {  	v18 =	vsub.f32 v18, v23;
	_ =	sdelay $0x1  }
0x27e: {  	[tilespmem:s31+$0x561D] =	vst v18  }
0x27f: {  	v18 =	vld [tilespmem:s24+$0x950];
	_ =	sdelay $0x4  }
0x280: {  	v18 =	vmul.f32 v18, v6;
	_ =	sdelay $0x1  }
0x281: {  	v18 =	vsub.f32 v18, v24;
	_ =	sdelay $0x1  }
0x282: {  	[tilespmem:s31+$0x562D] =	vst v18  }
0x283: {  	v18 =	vld [tilespmem:s24+$0x960];
	_ =	sdelay $0x4  }
0x284: {  	v18 =	vmul.f32 v18, v7;
	_ =	sdelay $0x1  }
0x285: {  	v18 =	vsub.f32 v18, v25;
	_ =	sdelay $0x1  }
0x286: {  	[tilespmem:s31+$0x563D] =	vst v18  }
0x287: {  	v18 =	vld [tilespmem:s24+$0x970];
	_ =	sdelay $0x3  }
0x288: {  	p0 =	sne.s32 s23, $0x7  }
.Ltmp0:
0x289: {  	v18 =	vmul.f32 v18, v8;
	(pc) =	sbr.rel @p0 .LBB2_3-.Ltmp0, $3  }
0x28a: {  	_ = 	snop  }
0x28b: {  	v18 =	vsub.f32 v18, v26;
	_ =	sdelay $0x1  }
0x28c: {  	s23 =	sadd.s32 $0x1, s23;
	[tilespmem:s31+$0x564D] =	vst v18  }
0x28d: {  	s22 =	smul.u32 $0x106, s22;
	s21 =	sadd.s32 $0x1, s21  }
0x28e: {  	p0 =	sne.s32 s21, $0x20  }
.Ltmp1:
0x28f: {  	s22 =	sadd.s32 s7, s22;
	(pc) =	sbr.rel @p0 .LBB2_2-.Ltmp1, $4  }
0x290: {  	[hbm4b:s22+s3] =	stream.linear.scatter [tilespmem:s18], [sflag:$0x3], $0x4180, $0x38;
	[tilespmem:$0x8FB0] =	vst v63  }
0x291: {  	_ =	swait.ge [sflag:s19], $0x4180  }
0x292: {  	[sflag:s19] =	ssyncset.done $0x0  }
0x293: {  	[sflag:s19] =	ssyncadd.s32 $0xFFFFBE80  }
0x294: {  	s20 =	sadd.s32 $0x1, s20  }
0x295: {  	p0 =	sne.s32 s20, s10  }
.Ltmp2:
0x296: {  	_ = 	snop;
	(pc) =	sbr.rel @p0 .LBB2_1-.Ltmp2, $1  }
0x297: {  	_ =	sdelay $0x3  }
0x298: {  	_ =	sfence.sel $0x180000  }
0x299: {  	[bflag:$0x0] =	sbarrier.arrive $0xFFFF  }
0x29a: {  	p0 =	sne.s32 s4, $0x0;
	_ =	strace $0x90000047  }
0x29b: {  	s0 =	sadd.s32 @!p0 $0x100000, s0;
	[bflag:$0x2] =	sbarrier.arrive $0xFFFF  }
0x29c: {  	[sflag:s0] =	ssyncadd.tile.s32 @!p0 $0x1;
	_ =	shalt  }
.Lfunc_end2:
_tile_overlayer_lowered:
.L_overlay_start_2:
0x29d: {  	(tag) =	ssettag $0x2  }
0x29e: {  	s0 =	rddreg [dreg:$0x0];
	s2 =	stileid.u32  }
0x29f: {  	s1 =	rddreg [dreg:$0x1];
	p0 =	sne.s32 s2, $0x0  }
0x2a0: {  	s3 =	rddreg [dreg:$0x2];
	[bflag:$0x3] =	sbarrier.arrive $0xFFFF;
	s2 =	simm.s32 @!p0 $0x1C04  }
0x2a1: {  	[timem:s3], [sflag:s2] =	dma.local @!p0 [hbm:s0], s1  }
0x2a2: {  	s0 =	simm.s32 @!p0 $0x4  }
0x2a3: {  	_ =	swait.ge @!p0 [sflag:s0], s1  }
0x2a4: {  	s1 =	ssub.s32 @!p0 $0x0, s1;
	[sflag:s0] =	ssyncset.done @!p0 $0x0  }
0x2a5: {  	[sflag:s0] =	ssyncadd.s32 @!p0 s1  }
0x2a6: {  	[bflag:$0x3] =	sbarrier.arrive $0xFFFF  }
0x2a7: {  	_ =	shalt  }

// kernel: sparse-core-data-format-call.cloned.1.call-start
scs
called_computation_lowered:
.L_overlay_start_0:
0x0: {  	s2 =	sld [smem:$0x3FD9]  }
0x1: {  	s3 =	sld [smem:$0x3FFE];
	_ =	sdelay $0x1  }
0x2: {  	s1 =	srdreg.scid  }
0x3: {  	s0 =	sand.u32 $0x1, s1  }
0x4: {  	s15 =	sshll.u32 s0, $0xA;
	s2 =	sadd.s32 s3, s2  }
0x5: {  	s2 =	sadd.s32 s2, s15  }
0x6: {  	[smem:$0x3FC3] =	sst s2  }
0x7: {  	_ = 	snop  }
0x8: {  	s2 =	sld [smem:$0x3FD0];
	_ =	sdelay $0x2  }
0x9: {  	s16 =	simm.s32 $0xA;
	s4 =	simm.s32 $0x10  }
0xa: {  	[smem:s4], [sflag:s16] =	dma.local [hbm:s2], $0x1  }
0xb: {  	_ =	swait.eq [sflag:s16], $0x1  }
0xc: {  	[sflag:s16] =	ssyncset.done $0x0  }
0xd: {  	[sflag:s16] =	ssyncadd.s32 $0xFFFFFFFF  }
0xe: {  	s17 =	sld [smem:$0x11];
	(tm) =	ssettm $0x1  }
0xf: {  	s18 =	sld [smem:$0x3FFB];
	_ =	sdelay $0x3  }
0x10: {  	_ =	strace s18  }
0x11: {  	s3 =	sld [smem:$0x3FFC];
	_ =	sdelay $0x3  }
0x12: {  	_ =	strace s3  }
0x13: {  	s3 =	sld [smem:$0x3FFD];
	_ =	sdelay $0x3  }
0x14: {  	_ =	strace s3  }
0x15: {  	_ =	strace $0x8FFFFFFF  }
0x16: {  	s19 =	sld [smem:$0x3FDB];
	_ =	sdelay $0x1  }
0x17: {  	s20 =	simm.s32 $_scs_section_size  }
0x18: {  	s5 =	simm.s32 $_size__tile_overlayer_lowered;
	s6 =	simm.s32 $_tile_overlayer_lowered  }
0x19: {  	s23 =	simm.s32 $0x1BFF;
	s22 =	sshll.u32 s6, $0x1;
	s3 =	sadd.s32 s20, s19  }
0x1a: {  	s7 =	simm.s32 $0x0;
	s21 =	sshll.u32 s5, $0x1;
	s5 =	sadd.s32 s22, s3  }
0x1b: {  	[timem:s7], [sflag:s23] =	dma.local [hbm:s5], s21  }
0x1c: {  	_ =	swait.ge [sflag:s23], s21  }
0x1d: {  	s4 =	ssub.s32 $0x0, s21;
	[sflag:s23] =	ssyncset.done $0x0  }
0x1e: {  	[sflag:s23] =	ssyncadd.s32 s4;
	_ =	sdelay $0x1  }
0x1f: {  	s24 =	simm.s32 $0x1B8B  }
0x20: {  	_ =	swait.ge [sflag:s24], $0x1  }
0x21: {  	[sflag:s24] =	ssyncset.done $0x0  }
0x22: {  	s26 =	simm.s32 $0x1B8E;
	s25 =	sld [smem:$0x3FFE];
	[sflag:s24] =	ssyncadd.s32 $0xFFFFFFFF  }
0x23: {  	s27 =	simm.s32 $execute0_lowered;
	[smem:$0x3FD2] =	sst s26  }
0x24: {  	s5 =	sshll.u32 s27, $0x1;
	_ =	strace $0x80000049;
	[dreg:$0x1] =	wrdreg $0xFFFFFFFF  }
0x25: {  	s28 =	simm.s32 $_size_execute0_lowered;
	s3 =	sadd.s32 s3, s5;
	[dreg:$0x0] =	wrdreg $0x0  }
0x26: {  	s5 =	sshll.u32 s28, $0x1;
	[dreg:$0x2] =	wrdreg s3  }
0x27: {  	[dreg:$0x3] =	wrdreg s5  }
0x28: {  	[dreg:$0x4] =	wrdreg $0xC0  }
0x29: {  	_ =	task [dreg:s7], $0x5FFFF  }
0x2a: {  	[dreg:$0x1] =	wrdreg $0xFFFFFFFF  }
0x2b: {  	[dreg:$0x0] =	wrdreg $0x60  }
0x2c: {  	[dreg:$0x2] =	wrdreg s25  }
0x2d: {  	[dreg:$0x3] =	wrdreg s17  }
0x2e: {  	[dreg:$0x4] =	wrdreg $0x9  }
0x2f: {  	_ =	task.clear_ibuf [dreg:s7], $0x5FFFF;
	_ =	strace $0x90000049  }
0x30: {  	s29 =	simm.s32 $0x9;
	_ =	strace $0x8000004B  }
0x31: {  	_ =	swait.ge [sflag:s29], $0x1  }
0x32: {  	[sflag:s29] =	ssyncadd.s32 $0xFFFFFFFF  }
0x33: {  	_ =	strace $0x9000004B  }
0x34: {  	_ =	sfence  }
0x35: {  	s30 =	sld [smem:$0x0];
	_ =	sdelay $0x2  }
0x36: {  	s31 =	sshll.u32 s1, $0xD;
	s1 =	sshrl.u32 s1, $0x2  }
0x37: {  	s3 =	sand.u32 $0x4000, s31;
	s1 =	sadd.s32 s1, s30  }
0x38: {  	s0 =	sor.u32 s3, s0;
	s1 =	sshll.u32 s1, $0x11  }
0x39: {  	s0 =	sor.u32 s1, s0  }
0x3a: {  	s0 =	sadd.s32 $0x8F2B, s0  }
0x3b: {  	[sflag:s0] =	ssyncadd.remote.s32 $0x1  }
0x3c: {  	_ =	sfence.sel $0xFFFF  }
0x3d: {  	[dreg:$0x0] =	wrdreg $0xFFFFFFFF;
	(pc) =	sbr.abs _section_cstart, $3  }
0x3e: {  	[dreg:$0x1] =	wrdreg $0xFFFFFFFF  }
0x3f: {  	_ =	task.clear_ibuf [dreg:s7], $0x2FFFF;
	_ =	strace $0x9FFFFFFF  }
0x40: {  	(tm) =	ssettm $0x7FFFFFFF  }
0x41: {  	_ =	shalt  }
tec
execute0_lowered:
.L_overlay_start_1:
0x0: {  	(tag) =	ssettag $0x1  }
0x1: {  	s0 =	stileid.u32;
	s5 =	rddreg [dreg:$0x0]  }
0x2: {  	s1 =	srdreg.scid;
	s3 =	rddreg [dreg:$0x1]  }
0x3: {  	s6 =	simm.s32 $0x1;
	_ =	strace $0x8000004A;
	s8 =	simm.s32 $0x2  }
0x4: {  	s19 =	simm.s32 $0x0;
	s2 =	sshll.u32 s0, $0x5;
	s1 =	sshll.u32 s1, $0x9  }
0x5: {  	s9 =	simm.s32 $0x8000;
	s21 =	simm.s32 $0x0;
	s1 =	sor.u32 s2, s1  }
0x6: {  	s20 =	simm.s32 $0x0;
	s22 =	simm.s32 $0x0;
	s2 =	sand.u32 $0x380, s1  }
0x7: {  	s10 =	simm.s32 $0x0;
	s11 =	simm.s32 $0x0;
	s4 =	ssub.s32 $0x800, s2  }
0x8: {  	s12 =	simm.s32 $0x0;
	s13 =	simm.s32 $0x0;
	s31 =	sand.u32 $0x380, s4  }
0x9: {  	s14 =	simm.s32 $0x0;
	s15 =	simm.s32 $0x0;
	p0 =	sne.s32 s31, $0x0  }
.Ltmp0:
0xa: {  	s4 =	sshrl.u32 s4, $0xA;
	s6 =	simm.s32 @!p0 $0x0;
	(pc) =	sbr.rel .LBB1_1-.Ltmp0, $4  }
0xb: {  	s18 =	simm.s32 $0x0;
	s7 =	sand.u32 $0x3, s0;
	s6 =	sadd.s32 s6, s4  }
0xc: {  	s4 =	sadd.s32 $0x201200, s5;
	s5 =	simm.s32 $0x1;
	s6 =	smul.u32 $0x30, s6  }
0xd: {  	s17 =	smov.u32 s7;
	s16 =	smov.u32 s2;
	[sflag:s5] =	ssyncpa.u1 $0x0  }
0xe: {  	p0 =	por $0x0, $0x0;
	[sflag:s8] =	ssyncpa.u1 $0x0;
	s8 =	sor.u32 $0x1, s6  }
.LBB1_4:
0xf: {  	p1 =	sgt.s32 s13, $0x3;
	s28 =	smov.u32 s13;
	s29 =	sshra.s32 s13, $0x1F;
	[tilespmem:s25+$0x2040 ss:$0x81] =	vst.msk $0xffff, v4  }
0x10: {  	s27 =	sshra.s32 s27, $0x2;
	[tilespmem:s25+$0x2850 ss:$0x81] =	vst.msk $0xffff, v3;
	s28 =	simm.s32 @!p1 $0x3;
	s29 =	sand.u32 s29, s13  }
0x11: {  	s30 =	smov.u32 s12;
	s31 =	sshra.s32 s12, $0x1F;
	[tilespmem:s25+$0x3060 ss:$0x81] =	vst.msk $0xffff, v2;
	s28 =	ssub.s32 s28, s29  }
0x12: {  	s1 =	sshra.s32 s11, $0x1F;
	[tilespmem:s25+$0x0 ss:$0x81] =	vst.msk $0xffff, v0;
	s25 =	sshll.u32 s12, $0x3;
	s29 =	sadd.s32 $0xFFFFFFFD, s28  }
0x13: {  	s26 =	sadd.s32 s27, s26;
	s28 =	ssub.s32 $0x4, s28;
	p1 =	sgt.s32 s29, $0x0  }
0x14: {  	s29 =	smov.u32 s10;
	s28 =	simm.s32 @p1 $0x0;
	p1 =	sgt.s32 s10, $0x83  }
0x15: {  	s27 =	sand.u32 s31, s12;
	s29 =	simm.s32 @!p1 $0x83;
	p1 =	sgt.s32 s12, $0x780  }
0x16: {  	s31 =	smov.u32 s11;
	s30 =	simm.s32 @!p1 $0x780;
	p1 =	sgt.s32 s11, $0xF  }
0x17: {  	s1 =	sand.u32 s1, s11;
	s27 =	ssub.s32 s30, s27;
	s31 =	simm.s32 @!p1 $0xF  }
0x18: {  	s30 =	sadd.s32 $0xFFFFF880, s27;
	s1 =	ssub.s32 s31, s1;
	s31 =	sshra.s32 s10, $0x1F  }
0x19: {  	s27 =	ssub.s32 $0x800, s27;
	p1 =	sgt.s32 s30, $0x7F;
	s31 =	sand.u32 s31, s10  }
0x1a: {  	v5 =	vld [tilespmem:s24+$0xFFFFFFD0];
	s30 =	sshll.u32 s11, $0xB;
	s29 =	ssub.s32 s29, s31;
	s31 =	sadd.s32 $0xFFFFFFF1, s1  }
0x1b: {  	v58 =	vld [tilespmem:s24+$0xFFFFFFE0];
	s27 =	simm.s32 @p1 $0x0;
	s30 =	sand.u32 $0x4000, s30;
	s1 =	ssub.s32 $0x10, s1  }
0x1c: {  	v59 =	vld [tilespmem:s24+$0xFFFFFFF0];
	p1 =	sgt.s32 s31, $0x0;
	s31 =	sand.u32 $0x78, s12;
	s27 =	smul.u32 s28, s27  }
0x1d: {  	v60 =	vld [tilespmem:s24+$0x0];
	s28 =	sadd.s32 $0xFFFFFF7D, s29;
	s29 =	ssub.s32 $0x103, s29;
	s1 =	simm.s32 @p1 $0x0  }
0x1e: {  	v61 =	vld [tilespmem:s24+$0x10];
	[tilespmem:s26+$0x3870 ss:$0x81] =	vst.msk $0xffff, v1;
	p1 =	sgt.s32 s28, $0x7F;
	s28 =	sand.u32 $0x7C00, s25;
	s25 =	sand.u32 $0x400, s25  }
0x1f: {  	v62 =	vld [tilespmem:s24+$0x20];
	[tilespmem:s26+$0x810 ss:$0x81] =	vst.msk $0xffff, v5;
	s1 =	smul.u32 s1, s27;
	s27 =	sshll.u32 s11, $0x7;
	s25 =	sor.u32 s31, s25  }
0x20: {  	v63 =	vld [tilespmem:s24+$0xFFFFFFC0];
	[tilespmem:s26+$0x1020 ss:$0x81] =	vst.msk $0xffff, v58;
	s31 =	smul.u32 $0x103000, s13;
	s28 =	sadd.s32 s28, s30;
	s27 =	sand.u32 $0x380, s27  }
0x21: {  	[tilespmem:s26+$0x1830 ss:$0x81] =	vst.msk $0xffff, v59;
	s29 =	simm.s32 @p1 $0x0;
	s28 =	sshrl.u32 s28, $0x3;
	s24 =	sor.u32 s27, s25  }
0x22: {  	[tilespmem:s26+$0x2040 ss:$0x81] =	vst.msk $0xffff, v60;
	s1 =	smul.u32 s29, s1;
	s29 =	sshll.u32 s10, $0xC;
	s25 =	sadd.s32 s3, s31  }
0x23: {  	[tilespmem:s26+$0x2850 ss:$0x81] =	vst.msk $0xffff, v61;
	s30 =	sand.u32 $0x7, s12;
	s28 =	sand.u32 $0xF00, s28;
	s25 =	sadd.s32 s29, s25  }
0x24: {  	[tilespmem:s26+$0x3060 ss:$0x81] =	vst.msk $0xffff, v62;
	s27 =	sshll.u32 s30, $0x12;
	s24 =	sshrl.u32 s24, $0x3;
	s25 =	sadd.s32 s28, s25  }
0x25: {  	[tilespmem:s26+$0x0 ss:$0x81] =	vst.msk $0xffff, v63;
	s31 =	sor.u32 $0x80, s27;
	s1 =	sand.u32 $0x3FFFFFFF, s1;
	s24 =	sadd.s32 s24, s25  }
0x26: {  	[hbm4b:s24+s31] =	stream.strided.scatter [tilespmem:s23], [sflag:$0x2], s1, s9, s31, $0x20;
	[tilespmem:$0x10100] =	vst v63  }
.LBB1_5:
0x27: {  	p1 =	slt.u32 s18, $0x2  }
0x28: {  	s1 =	smov.u32 s22;
	p2 =	sgt.s32 @!p1 s22, $0x3  }
0x29: {  	s24 =	sadd.s32 $0x80, s14;
	s23 =	sshra.s32 @!p1 s22, $0x1F;
	p2 =	por !p2, p1  }
0x2a: {  	s25 =	smov.u32 s16;
	s22 =	sand.u32 @!p1 s23, s22;
	s1 =	simm.s32 @p2 $0x3  }
0x2b: {  	s26 =	smov.u32 s17;
	p0 =	por !p0, !p0;
	s1 =	ssub.s32 @!p1 s1, s22  }
0x2c: {  	p3 =	sgt.s32 @!p1 s21, $0xF;
	s23 =	sshra.s32 @!p1 s21, $0x1F;
	s22 =	sadd.s32 @!p1 $0xFFFFFFFD, s1  }
0x2d: {  	s1 =	ssub.s32 @!p1 $0x4, s1;
	p2 =	sgt.s32 @!p1 s22, $0x0;
	s22 =	smov.u32 s21  }
0x2e: {  	s21 =	sand.u32 @!p1 s23, s21;
	s23 =	sshra.s32 @!p1 s19, $0x1F;
	p2 =	por !p2, p1  }
0x2f: {  	s23 =	sand.u32 @!p1 s23, s19;
	s1 =	simm.s32 @!p2 $0x0;
	p2 =	por !p3, p1  }
0x30: {  	p3 =	sgt.s32 @!p1 s19, $0x83;
	s22 =	simm.s32 @p2 $0xF;
	p2 =	sgt.s32 @!p1 s20, $0x780  }
0x31: {  	s21 =	ssub.s32 @!p1 s22, s21;
	s22 =	sshra.s32 @!p1 s20, $0x1F;
	p2 =	por !p2, p1  }
0x32: {  	p3 =	por !p3, p1;
	s22 =	sand.u32 @!p1 s22, s20;
	s20 =	simm.s32 @p2 $0x780  }
0x33: {  	s19 =	simm.s32 @p3 $0x83;
	s20 =	ssub.s32 @!p1 s20, s22;
	s22 =	sadd.s32 @!p1 $0xFFFFFFF1, s21  }
0x34: {  	s19 =	ssub.s32 @!p1 s19, s23;
	p2 =	sgt.s32 @!p1 s22, $0x0;
	s22 =	sadd.s32 @!p1 $0xFFFFF880, s20  }
0x35: {  	s23 =	sadd.s32 @!p1 $0xFFFFFF7D, s19;
	s21 =	ssub.s32 @!p1 $0x10, s21;
	p3 =	sgt.s32 @!p1 s22, $0x7F  }
0x36: {  	s20 =	ssub.s32 @!p1 $0x800, s20;
	p2 =	por !p2, p1;
	p3 =	por !p3, p1  }
0x37: {  	s21 =	simm.s32 @!p2 $0x0;
	p2 =	sgt.s32 s24, $0x102;
	s20 =	simm.s32 @!p3 $0x0  }
0x38: {  	p3 =	sgt.s32 @!p1 s23, $0x7F;
	s1 =	smul.u32 @!p1 s1, s20;
	s20 =	simm.s32 $0x1  }
0x39: {  	s19 =	ssub.s32 @!p1 $0x103, s19;
	p3 =	por !p3, p1;
	s20 =	simm.s32 @!p2 $0x0  }
0x3a: {  	s27 =	simm.s32 @!p1 $0x2;
	s19 =	simm.s32 @!p3 $0x0;
	s23 =	sadd.s32 s20, s15  }
0x3b: {  	s1 =	smul.u32 @!p1 s21, s1;
	s20 =	sadd.s32 $0x400, s16;
	p3 =	sgt.s32 s23, $0xF  }
0x3c: {  	s22 =	smov.u32 s13;
	s24 =	simm.s32 @p2 $0x0;
	s25 =	smov.u32 @p3 s20  }
0x3d: {  	s1 =	smul.u32 @!p1 s19, s1;
	s19 =	sadd.s32 $0x4, s17;
	p2 =	sgt.s32 s25, $0x7FF  }
0x3e: {  	s13 =	smov.u32 s17;
	s21 =	smov.u32 s11;
	s26 =	smov.u32 @p2 s19  }
0x3f: {  	s11 =	smov.u32 s15;
	s25 =	smov.u32 @p2 s2;
	p2 =	sgt.s32 s26, $0x3  }
0x40: {  	s23 =	simm.s32 @p3 $0x0;
	s26 =	smov.u32 @p2 s7;
	p2 =	sne.s32 s18, s8  }
.Ltmp1:
0x41: {  	s20 =	smov.u32 s12;
	s12 =	smov.u32 s16;
	(pc) =	sbr.rel @!p2 .LBB1_6-.Ltmp1, $4  }
0x42: {  	s15 =	smov.u32 s23;
	s1 =	sand.u32 @!p1 $0x3FFFFFFF, s1;
	s19 =	smov.u32 s10  }
0x43: {  	s10 =	smov.u32 s14;
	s14 =	smov.u32 s24;
	_ =	swait.ge @!p1 [sflag:s27], s1  }
0x44: {  	s1 =	ssub.s32 @!p1 $0x0, s1;
	s16 =	smov.u32 s25;
	[sflag:s27] =	ssyncset.done @!p1 $0x0  }
0x45: {  	s18 =	sadd.s32 $0x1, s18;
	[sflag:s27] =	ssyncadd.s32 @!p1 s1;
	s17 =	smov.u32 s26  }
.LBB1_1:
0x46: {  	p1 =	sge.u32 s18, s6  }
0x47: {  	s23 =	sshrl.u32 @!p1 s15, $0x3  }
0x48: {  	s24 =	sshll.u32 @!p1 s14, $0x3;
	s23 =	smul.u32 @!p1 $0xC00, s23  }
0x49: {  	s25 =	sshll.u32 @!p1 s15, $0x7;
	s24 =	sand.u32 @!p1 $0xFFFFFC00, s24  }
0x4a: {  	s23 =	sadd.s32 @!p1 s23, s24;
	s24 =	sand.u32 @!p1 $0x380, s25  }
0x4b: {  	s25 =	sand.u32 @!p1 $0x7F, s14;
	s23 =	sor.u32 @!p1 s24, s23  }
0x4c: {  	s24 =	sor.u32 @!p1 s25, s23  }
0x4d: {  	s25 =	smulhi.u32 @!p1 $0xAAAAAAAB, s24  }
0x4e: {  	s23 =	smulhi.u32 @!p1 $0xAAAAAAAB, s23  }
0x4f: {  	s31 =	sadd.s32 $0xFFFFFFFF, s18;
	s27 =	smul.u32 @!p1 $0x180000, s17;
	s25 =	sshrl.u32 @!p1 s25, $0x8  }
0x50: {  	s26 =	sxor.u32 @!p1 $0xFFFFFFFF, s18;
	s23 =	sshrl.u32 @!p1 s23, $0x8;
	s25 =	smul.u32 @!p1 $0x180, s25  }
0x51: {  	s28 =	smul.u32 @!p1 $0x300, s16;
	s26 =	sshll.u32 @!p1 s26, $0xE;
	s23 =	sand.u32 @!p1 $0xF, s23  }
0x52: {  	s23 =	smul.u32 @!p1 $0x30, s23;
	s24 =	ssub.s32 @!p1 s24, s25;
	s25 =	sadd.s32 @!p1 s4, s27  }
0x53: {  	s26 =	sand.u32 @!p1 $0x4000, s26;
	s25 =	sadd.s32 @!p1 s28, s25;
	s27 =	sand.u32 @!p1 $0x7, s24  }
0x54: {  	s24 =	sshrl.u32 @!p1 s24, $0x3;
	s23 =	sadd.s32 @!p1 s23, s25;
	s25 =	sshll.u32 @!p1 s27, $0x12  }
0x55: {  	s23 =	sadd.s32 @!p1 s24, s23;
	s24 =	sor.u32 @!p1 $0x80, s25;
	s25 =	simm.s32 @!p1 $0x1800  }
0x56: {  	[tilespmem:s26], [sflag:$0x1] =	stream.strided.gather @!p1 [hbm4b:s23+s24], $0x4000, s25, s24, $0x38;
	[tilespmem:$0x10100] =	vst v63  }
0x57: {  	p1 =	sge.u32 s31, s6  }
.Ltmp2:
0x58: {  	_ = 	snop;
	(pc) =	sbr.rel @p1 .LBB1_5-.Ltmp2, $1  }
0x59: {  	_ =	sdelay $0x3  }
0x5a: {  	s23 =	simm.s32 $0x1  }
0x5b: {  	_ =	swait.ge [sflag:s5], $0x4000;
	s23 =	simm.s32 @!p0 $0x0  }
0x5c: {  	[sflag:s5] =	ssyncset.done $0x0;
	s24 =	sshll.u32 s23, $0xE  }
0x5d: {  	[sflag:s5] =	ssyncadd.s32 $0xFFFFC000;
	s24 =	sor.u32 $0x40, s24  }
0x5e: {  	s23 =	smul.u32 $0x10200, s23;
	v0 =	vld [tilespmem:s24+$0x30]  }
0x5f: {  	v1 =	vld [tilespmem:s24+$0xFFFFFFD0]  }
0x60: {  	s23 =	sshrl.u32 s23, $0x2;
	v5 =	vld [tilespmem:s24+$0xFFFFFFE0]  }
0x61: {  	v6 =	vld [tilespmem:s24+$0xFFFFFFF0];
	s26 =	sor.u32 $0x8000, s23  }
0x62: {  	s31 =	sand.u32 $0x1, s18;
	v4 =	vld [tilespmem:s24+$0x0];
	s25 =	sadd.s32 $0x0, s26  }
0x63: {  	v3 =	vld [tilespmem:s24+$0x10];
	s23 =	smul.u32 $0x10200, s31;
	[tilespmem:s25+$0x3870 ss:$0x81] =	vst.msk $0xffff, v0  }
0x64: {  	v2 =	vld [tilespmem:s24+$0x20];
	[tilespmem:s25+$0x810 ss:$0x81] =	vst.msk $0xffff, v1  }
0x65: {  	s23 =	sshrl.u32 s23, $0x2;
	v0 =	vld [tilespmem:s24+$0xFFFFFFC0];
	[tilespmem:s25+$0x1020 ss:$0x81] =	vst.msk $0xffff, v5;
	s24 =	sadd.s32 $0x80, s24  }
0x66: {  	s27 =	simm.s32 $0x4;
	s28 =	simm.s32 $0x8;
	s23 =	sor.u32 $0x8000, s23;
	[tilespmem:s25+$0x1830 ss:$0x81] =	vst.msk $0xffff, v6;
	v1 =	vld [tilespmem:s24+$0x30]  }
.LBB1_3:
0x67: {  	p1 =	sne.s32 s28, $0x1FC;
	v5 =	vld [tilespmem:s24+$0xFFFFFFD0];
	[tilespmem:s25+$0x2040 ss:$0x81] =	vst.msk $0xffff, v4  }
0x68: {  	v6 =	vld [tilespmem:s24+$0xFFFFFFE0];
	[tilespmem:s25+$0x2850 ss:$0x81] =	vst.msk $0xffff, v3  }
0x69: {  	s29 =	sshra.s32 s27, $0x2;
	s27 =	smov.u32 s28;
	v7 =	vld [tilespmem:s24+$0xFFFFFFF0];
	[tilespmem:s25+$0x3060 ss:$0x81] =	vst.msk $0xffff, v2  }
.Ltmp3:
0x6a: {  	v4 =	vld [tilespmem:s24+$0x0];
	[tilespmem:s25+$0x0 ss:$0x81] =	vst.msk $0xffff, v0;
	s25 =	sadd.s32 s29, s26;
	(pc) =	sbr.rel @p1 .LBB1_3-.Ltmp3, $4  }
0x6b: {  	v3 =	vld [tilespmem:s24+$0x10];
	[tilespmem:s25+$0x3870 ss:$0x81] =	vst.msk $0xffff, v1  }
0x6c: {  	[tilespmem:s25+$0x810 ss:$0x81] =	vst.msk $0xffff, v5;
	v2 =	vld [tilespmem:s24+$0x20]  }
0x6d: {  	v0 =	vld [tilespmem:s24+$0xFFFFFFC0];
	[tilespmem:s25+$0x1020 ss:$0x81] =	vst.msk $0xffff, v6;
	s24 =	sadd.s32 $0x80, s24  }
0x6e: {  	s28 =	sadd.s32 $0x4, s28;
	v1 =	vld [tilespmem:s24+$0x30];
	[tilespmem:s25+$0x1830 ss:$0x81] =	vst.msk $0xffff, v7  }
.Ltmp4:
0x6f: {  	_ = 	snop;
	(pc) =	sbr.rel .LBB1_4-.Ltmp4, $1  }
0x70: {  	_ =	sdelay $0x3  }
.LBB1_6:
0x71: {  	_ =	sfence.sel $0x180000  }
0x72: {  	s1 =	simm.s32 $0x1;
	[bflag:$0x0] =	sbarrier.arrive $0xFFFF  }
0x73: {  	s31 =	simm.s32 $0x2;
	[sflag:s1] =	ssyncpa.u1 $0x1  }
0x74: {  	[sflag:s31] =	ssyncpa.u1 $0x1  }
0x75: {  	_ =	strace $0x9000004A  }
0x76: {  	[bflag:$0x2] =	sbarrier.arrive $0xFFFF  }
0x77: {  	p0 =	sne.s32 s0, $0x0;
	s0 =	rddreg [dreg:$0x2]  }
0x78: {  	s0 =	sadd.s32 @!p0 $0x100000, s0  }
0x79: {  	[sflag:s0] =	ssyncadd.tile.s32 @!p0 $0x1;
	_ =	shalt  }
.Lfunc_end1:
_tile_overlayer_lowered:
.L_overlay_start_2:
0x7a: {  	(tag) =	ssettag $0x2  }
0x7b: {  	s0 =	rddreg [dreg:$0x0];
	s2 =	stileid.u32  }
0x7c: {  	s1 =	rddreg [dreg:$0x1];
	p0 =	sne.s32 s2, $0x0  }
0x7d: {  	s3 =	rddreg [dreg:$0x2];
	[bflag:$0x3] =	sbarrier.arrive $0xFFFF;
	s2 =	simm.s32 @!p0 $0x1C01  }
0x7e: {  	[timem:s3], [sflag:s2] =	dma.local @!p0 [hbm:s0], s1  }
0x7f: {  	s0 =	simm.s32 @!p0 $0x1  }
0x80: {  	_ =	swait.ge @!p0 [sflag:s0], s1  }
0x81: {  	s1 =	ssub.s32 @!p0 $0x0, s1;
	[sflag:s0] =	ssyncset.done @!p0 $0x0  }
0x82: {  	[sflag:s0] =	ssyncadd.s32 @!p0 s1  }
0x83: {  	[bflag:$0x3] =	sbarrier.arrive $0xFFFF  }
0x84: {  	_ =	shalt  }

</sc_bundles>
